<compile_context>
chip_gen: v7x
topology: tpu7x:2x2x1
jax: 0.10.2.dev20260603
libtpu: 0.0.44.dev20260713+nightly
codegen_flags: <defaults>
</compile_context>

<pallas_src>
import functools

import jax
import jax.numpy as jnp
from jax import lax
from jax.experimental import pallas as pl
from jax.experimental.pallas import tpu as pltpu
from jax.experimental.pallas import tpu_sc as plsc

_NTAB = 9
_HID = 768
_VOCAB = 100000
_B = 4096
_NHEAD = 5
_EMB = 64

_NC, _NS = 2, 16
_NW = _NC * _NS
_BPW = _B // _NW
_GB = 4
_NCHUNK = _BPW // _GB
_ROWS = _NTAB * _GB
_RPAD = 40
_NV = _HID // 16


def _sc_pool(tables_flat, idx9, w48):
    mesh = plsc.VectorSubcoreMesh(core_axis_name="c", subcore_axis_name="s")

    @functools.partial(
        pl.kernel,
        mesh=mesh,
        out_type=jax.ShapeDtypeStruct((_B, _NHEAD * _HID), jnp.float32),
        scratch_types=[
            pltpu.VMEM((_NCHUNK, _RPAD), jnp.int32),
            pltpu.VMEM((_RPAD, _HID), jnp.float32),
            pltpu.VMEM((_RPAD, _HID), jnp.float32),
            pltpu.VMEM((_GB, _NHEAD * _HID), jnp.float32),
            pltpu.VMEM((48, 16), jnp.float32),
            pltpu.SemaphoreType.DMA,
            pltpu.SemaphoreType.DMA,
        ],
    )
    def k(tab_hbm, idx_hbm, w_hbm, out_hbm, idx_v, rows0, rows1, out_v,
          w_s, g0, g1):
        wid = lax.axis_index("s") * _NC + lax.axis_index("c")
        base = wid * _BPW
        pltpu.sync_copy(idx_hbm.at[wid], idx_v)
        pltpu.sync_copy(w_hbm, w_s)
        w = [[w_s[h * _NTAB + i, :] for i in range(_NTAB)]
             for h in range(_NHEAD)]
        rows = (rows0, rows1)
        gsem = (g0, g1)

        def pool_chunk(rb):
            def v_body(v, c3):
                sl = pl.ds(v * 16, 16)
                for e in range(_GB):
                    g = [rb[i * _GB + e, sl] for i in range(_NTAB)]
                    for h in range(_NHEAD):
                        acc = g[0] * w[h][0]
                        for i in range(1, _NTAB):
                            acc = acc + g[i] * w[h][i]
                        out_v[e, pl.ds(h * _HID + v * 16, 16)] = acc
                return c3

            lax.fori_loop(0, _NV, v_body, 0)

        pltpu.async_copy(tab_hbm.at[idx_v.at[0]], rows0, g0).wait()

        def step(c, b, prefetch):
            if prefetch:
                cp = pltpu.async_copy(
                    tab_hbm.at[idx_v.at[c + 1]], rows[1 - b], gsem[1 - b])
            pool_chunk(rows[b])
            if prefetch:
                cp.wait()
            pltpu.sync_copy(out_v, out_hbm.at[pl.ds(base + c * _GB, _GB)])

        def pair_body(cc, carry):
            for b in range(2):
                step(2 * cc + b, b, True)
            return carry

        lax.fori_loop(0, _NCHUNK // 2 - 1, pair_body, 0)
        step(_NCHUNK - 2, 0, True)
        step(_NCHUNK - 1, 1, False)

    return k(tables_flat, idx9, w48)


def _mm_body(x_ref, w_ref, b_ref, o_ref):
    x = x_ref[...]
    w = w_ref[...]
    b = b_ref[...]
    for h in range(_NHEAD):
        o_ref[:, h * _EMB:(h + 1) * _EMB] = (
            jnp.dot(x[:, h * _HID:(h + 1) * _HID],
                    w[h * _HID:(h + 1) * _HID, :],
                    preferred_element_type=jnp.float32)
            + b[:, h * _EMB:(h + 1) * _EMB])


def _head_body(x_ref, ce_ref, o_ref):
    x = x_ref[...]
    ce = ce_ref[...]
    norm = jnp.sqrt(jnp.sum(x * x))
    cn = jnp.sqrt(jnp.sum(ce * ce, axis=1))
    cos = lax.dot_general(x, ce, (((1,), (1,)), ((), ())),
                          preferred_element_type=jnp.float32)
    cos = cos / norm / cn[None, :]
    m = jnp.max(cos, axis=1, keepdims=True)
    e = jnp.exp(cos - m)
    o_ref[...] = e / jnp.sum(e, axis=1, keepdims=True)


def kernel(idx, nlp_tables, attention, attention2, fc_W, fc_b, fc2_W, fc2_b,
           cat_embedding):
    tables_flat = nlp_tables.reshape(_NTAB * _VOCAB, _HID)
    offs = jnp.arange(_NTAB, dtype=jnp.int32) * _VOCAB
    idx9 = offs[:, None] + idx.astype(jnp.int32)[None, :]
    idx9 = (idx9.reshape(_NTAB, _NW, _NCHUNK, _GB)
            .transpose(1, 2, 0, 3)
            .reshape(_NW, _NCHUNK, _ROWS))
    idx9 = jnp.concatenate([idx9, idx9[:, :, :_RPAD - _ROWS]], axis=2)
    a5 = jnp.concatenate([attention, attention2[None, :]], axis=0)
    w48 = jnp.broadcast_to(
        jnp.pad(a5.reshape(-1), (0, 48 - _NHEAD * _NTAB))[:, None], (48, 16))

    pooled = _sc_pool(tables_flat, idx9, w48)

    w_all = jnp.concatenate([fc_W, fc2_W[None]], axis=0).reshape(
        _NHEAD * _HID, _EMB)
    b_all = jnp.concatenate([fc_b, fc2_b[None]], axis=0).reshape(
        1, _NHEAD * _EMB)

    feats = pl.pallas_call(
        _mm_body,
        grid=(8,),
        in_specs=[
            pl.BlockSpec((_B // 8, _NHEAD * _HID), lambda i: (i, 0)),
            pl.BlockSpec((_NHEAD * _HID, _EMB), lambda i: (0, 0)),
            pl.BlockSpec((1, _NHEAD * _EMB), lambda i: (0, 0)),
        ],
        out_specs=pl.BlockSpec((_B // 8, _NHEAD * _EMB), lambda i: (i, 0)),
        out_shape=jax.ShapeDtypeStruct((_B, _NHEAD * _EMB), jnp.float32),
    )(pooled, w_all, b_all)

    category = pl.pallas_call(
        _head_body,
        in_specs=[
            pl.BlockSpec((_B, _EMB), lambda: (0, 0)),
            pl.BlockSpec((4, _EMB), lambda: (0, 0)),
        ],
        out_specs=pl.BlockSpec((_B, 4), lambda: (0, 0)),
        out_shape=jax.ShapeDtypeStruct((_B, 4), jnp.float32),
    )(feats[:, 4 * _EMB:], cat_embedding)

    return (feats[:, 0:_EMB], feats[:, _EMB:2 * _EMB],
            feats[:, 2 * _EMB:3 * _EMB], feats[:, 3 * _EMB:4 * _EMB],
            category)

# --- scband reference (transcript-rebuilt; emitter-appended) ---
"""Pipeline reference for scband-nlpmodel-disentangle-54477365182708 (READ-ONLY COPY).

The authoritative reference and input builder live on the scoring server;
editing this copy changes nothing except your own understanding.
"""

import jax, jax.numpy as jnp
import numpy as np

NUM_CAT = 4
HID = 768
EMB = 256 // NUM_CAT  # 64
COLUM_LIST = [0, 1, 2, 3, 4, 5, 6, 7, 8]
NUM_INFOR = len(COLUM_LIST)
VOCAB = 100000
BATCH = 4096


def setup_inputs(seed: int = 0) -> dict:
    key = jax.random.key(seed)
    ks = jax.random.split(key, 8)
    idx = jax.random.randint(ks[0], (BATCH,), 0, VOCAB, dtype=jnp.int64 if jax.config.jax_enable_x64 else jnp.int32)
    # 9 frozen pretrained NLP embedding tables, stacked: [9, VOCAB, HID]
    nlp_tables = jax.random.normal(ks[1], (9, VOCAB, HID), dtype=jnp.float32) * 0.02
    # per-category attention over columns, init to ones (as in torch)
    attention = jnp.ones((NUM_CAT, NUM_INFOR), dtype=jnp.float32)
    attention2 = jnp.ones((NUM_INFOR,), dtype=jnp.float32)
    # fc: ModuleList of Linear(HID, EMB) -> weights [NUM_CAT, HID, EMB]
    fc_W = jax.random.normal(ks[2], (NUM_CAT, HID, EMB), dtype=jnp.float32) * (HID ** -0.5)
    fc_b = jnp.zeros((NUM_CAT, EMB), dtype=jnp.float32)
    fc2_W = jax.random.normal(ks[3], (HID, EMB), dtype=jnp.float32) * (HID ** -0.5)
    fc2_b = jnp.zeros((EMB,), dtype=jnp.float32)
    cat_embedding = jax.random.normal(ks[4], (NUM_CAT, EMB), dtype=jnp.float32)
    return {
        'idx': idx,
        'nlp_tables': nlp_tables,
        'attention': attention,
        'attention2': attention2,
        'fc_W': fc_W,
        'fc_b': fc_b,
        'fc2_W': fc2_W,
        'fc2_b': fc2_b,
        'cat_embedding': cat_embedding,
    }


def reference(idx, nlp_tables, attention, attention2, fc_W, fc_b, fc2_W, fc2_b, cat_embedding):
    cols = jnp.asarray(COLUM_LIST)
    # gathered[i] = nlp_embedding_list[colum_list[i]](idx)  -> [NUM_INFOR, B, HID]
    gathered = jnp.take(nlp_tables[cols], idx, axis=1)
    # pooled_list_cat[:, i, :] = gathered[i] * attention2[i]; then sum over i
    pooled_cat = jnp.sum(gathered * attention2[:, None, None], axis=0)  # [B, HID]
    cat_emb = pooled_cat @ fc2_W + fc2_b  # [B, EMB]
    cat_emb_norm = jnp.linalg.norm(cat_emb)  # frobenius norm, scalar (matches torch.norm)
    outs = []
    cat_cols = []
    for i_cat in range(NUM_CAT):
        pooled = jnp.sum(gathered * attention[i_cat][:, None, None], axis=0)  # [B, HID]
        feature_emb = pooled @ fc_W[i_cat] + fc_b[i_cat]  # [B, EMB]
        outs.append(feature_emb)
        cat_em = cat_embedding[i_cat]  # [EMB]
        cat_norm = jnp.linalg.norm(cat_em)
        cat_cols.append(jnp.sum(cat_emb * cat_em, axis=1) / cat_emb_norm / cat_norm)  # [B]
    category = jax.nn.softmax(jnp.stack(cat_cols, axis=1), axis=1)  # [B, NUM_CAT]
    return (*outs, category)

if __name__ == "__main__":
    import jax
    _d = setup_inputs()
    print(jax.jit(kernel)(*tuple(_d.values())))

</pallas_src>

<mosaic_0001>
#map = affine_map<(d0, d1) -> (0, 0)>
#map1 = affine_map<(d0, d1) -> (0, 0, 0)>
module attributes {stable_mosaic.version = 14 : i64} {
  func.func @k(%arg0: i32, %arg1: i32, %arg2: memref<900000x768xf32, #tpu.memory_space<hbm>>, %arg3: memref<32x32x40xi32, #tpu.memory_space<hbm>>, %arg4: memref<48x16xf32, #tpu.memory_space<hbm>>, %arg5: memref<4096x3840xf32, #tpu.memory_space<hbm>>, %arg6: memref<32x40xi32, #tpu.memory_space<vmem>>, %arg7: memref<40x768xf32, #tpu.memory_space<vmem>>, %arg8: memref<40x768xf32, #tpu.memory_space<vmem>>, %arg9: memref<4x3840xf32, #tpu.memory_space<vmem>>, %arg10: memref<48x16xf32, #tpu.memory_space<vmem>>, %arg11: memref<!tpu.dma_semaphore, #tpu.memory_space<semaphore_mem>>, %arg12: memref<!tpu.dma_semaphore, #tpu.memory_space<semaphore_mem>>) attributes {dimension_semantics = [#tpu.dimension_semantics<core_parallel>, #tpu.dimension_semantics<subcore_parallel>], iteration_bounds = array<i64: 2, 16>, scalar_prefetch = 0 : i64, scratch_operands = 7 : i64, tpu.core_type = #tpu.core_type<sc_vector_subcore>, window_params = [{transform_indices = #map}, {transform_indices = #map1}, {transform_indices = #map}, {transform_indices = #map}]} {
    %mul3A = arith.constant 2 : i32
    %mul3A_0 = arith.muli %arg1, %mul3A : i32
    %add3A = arith.addi %mul3A_0, %arg0 : i32
    %mul3A_1 = arith.constant 128 : i32
    %mul3A_2 = arith.muli %add3A, %mul3A_1 : i32
    "tpu.region"() ({
      %run_scoped3A = tpu.sem_alloc : memref<!tpu.dma_semaphore, #tpu.memory_space<semaphore_mem>>
      %dma_start3A_274 = arith.constant 0 : i32
      %dma_start3A_275 = arith.constant 0 : i32
      %dma_start3A_276 = tpu.memref_slice %arg3[%add3A, %dma_start3A_274, %dma_start3A_275] : memref<32x32x40xi32, #tpu.memory_space<hbm>> -> memref<1x32x40xi32, #tpu.memory_space<hbm>>
      %dma_start3A_277 = tpu.memref_squeeze %dma_start3A_276 : memref<1x32x40xi32, #tpu.memory_space<hbm>> -> memref<32x40xi32, #tpu.memory_space<hbm>>
      %dma_start3A_278 = arith.constant 0 : i32
      %dma_start3A_279 = arith.constant 0 : i32
      %dma_start3A_280 = tpu.memref_slice %arg3[%add3A, %dma_start3A_278, %dma_start3A_279] : memref<32x32x40xi32, #tpu.memory_space<hbm>> -> memref<1x32x40xi32, #tpu.memory_space<hbm>>
      %dma_start3A_281 = tpu.memref_squeeze %dma_start3A_280 : memref<1x32x40xi32, #tpu.memory_space<hbm>> -> memref<32x40xi32, #tpu.memory_space<hbm>>
      tpu.enqueue_dma source(%dma_start3A_281 : memref<32x40xi32, #tpu.memory_space<hbm>>) target(%arg6 : memref<32x40xi32, #tpu.memory_space<vmem>>) target_semaphore(%run_scoped3A : memref<!tpu.dma_semaphore, #tpu.memory_space<semaphore_mem>>)
      %dma_wait3A_282 = arith.constant 0 : i32
      %dma_wait3A_283 = arith.constant 0 : i32
      %dma_wait3A_284 = tpu.memref_slice %arg3[%add3A, %dma_wait3A_282, %dma_wait3A_283] : memref<32x32x40xi32, #tpu.memory_space<hbm>> -> memref<1x32x40xi32, #tpu.memory_space<hbm>>
      %dma_wait3A_285 = tpu.memref_squeeze %dma_wait3A_284 : memref<1x32x40xi32, #tpu.memory_space<hbm>> -> memref<32x40xi32, #tpu.memory_space<hbm>>
      %dma_wait3A_286 = arith.constant 0 : i32
      %dma_wait3A_287 = arith.constant 0 : i32
      %dma_wait3A_288 = tpu.memref_slice %arg3[%add3A, %dma_wait3A_286, %dma_wait3A_287] : memref<32x32x40xi32, #tpu.memory_space<hbm>> -> memref<1x32x40xi32, #tpu.memory_space<hbm>>
      %dma_wait3A_289 = tpu.memref_squeeze %dma_wait3A_288 : memref<1x32x40xi32, #tpu.memory_space<hbm>> -> memref<32x40xi32, #tpu.memory_space<hbm>>
      tpu.wait_dma2 semaphore(%run_scoped3A : memref<!tpu.dma_semaphore, #tpu.memory_space<semaphore_mem>>) src(%dma_wait3A_289 : memref<32x40xi32, #tpu.memory_space<hbm>>) dst(%arg6 : memref<32x40xi32, #tpu.memory_space<vmem>>)
      tpu.yield
    }) : () -> ()
    "tpu.region"() ({
      %run_scoped3A = tpu.sem_alloc : memref<!tpu.dma_semaphore, #tpu.memory_space<semaphore_mem>>
      tpu.enqueue_dma source(%arg4 : memref<48x16xf32, #tpu.memory_space<hbm>>) target(%arg10 : memref<48x16xf32, #tpu.memory_space<vmem>>) target_semaphore(%run_scoped3A : memref<!tpu.dma_semaphore, #tpu.memory_space<semaphore_mem>>)
      tpu.wait_dma2 semaphore(%run_scoped3A : memref<!tpu.dma_semaphore, #tpu.memory_space<semaphore_mem>>) src(%arg4 : memref<48x16xf32, #tpu.memory_space<hbm>>) dst(%arg10 : memref<48x16xf32, #tpu.memory_space<vmem>>)
      tpu.yield
    }) : () -> ()
    %get3A = arith.constant 0 : i32
    %get3A_3 = arith.index_cast %get3A : i32 to index
    %get3A_4 = arith.constant 0 : index
    %get3A_5 = tpu.vector_load %arg10[%get3A_3, %get3A_4] {strides = array<i32>} : memref<48x16xf32, #tpu.memory_space<vmem>>, vector<1x16xf32>,
    %get3A_6 = vector.shape_cast %get3A_5 : vector<1x16xf32> to vector<16xf32>
    %get3A_7 = arith.constant 1 : i32
    %get3A_8 = arith.index_cast %get3A_7 : i32 to index
    %get3A_9 = arith.constant 0 : index
    %get3A_10 = tpu.vector_load %arg10[%get3A_8, %get3A_9] {strides = array<i32>} : memref<48x16xf32, #tpu.memory_space<vmem>>, vector<1x16xf32>,
    %get3A_11 = vector.shape_cast %get3A_10 : vector<1x16xf32> to vector<16xf32>
    %get3A_12 = arith.constant 2 : i32
    %get3A_13 = arith.index_cast %get3A_12 : i32 to index
    %get3A_14 = arith.constant 0 : index
    %get3A_15 = tpu.vector_load %arg10[%get3A_13, %get3A_14] {strides = array<i32>} : memref<48x16xf32, #tpu.memory_space<vmem>>, vector<1x16xf32>,
    %get3A_16 = vector.shape_cast %get3A_15 : vector<1x16xf32> to vector<16xf32>
    %get3A_17 = arith.constant 3 : i32
    %get3A_18 = arith.index_cast %get3A_17 : i32 to index
    %get3A_19 = arith.constant 0 : index
    %get3A_20 = tpu.vector_load %arg10[%get3A_18, %get3A_19] {strides = array<i32>} : memref<48x16xf32, #tpu.memory_space<vmem>>, vector<1x16xf32>,
    %get3A_21 = vector.shape_cast %get3A_20 : vector<1x16xf32> to vector<16xf32>
    %get3A_22 = arith.constant 4 : i32
    %get3A_23 = arith.index_cast %get3A_22 : i32 to index
    %get3A_24 = arith.constant 0 : index
    %get3A_25 = tpu.vector_load %arg10[%get3A_23, %get3A_24] {strides = array<i32>} : memref<48x16xf32, #tpu.memory_space<vmem>>, vector<1x16xf32>,
    %get3A_26 = vector.shape_cast %get3A_25 : vector<1x16xf32> to vector<16xf32>
    %get3A_27 = arith.constant 5 : i32
    %get3A_28 = arith.index_cast %get3A_27 : i32 to index
    %get3A_29 = arith.constant 0 : index
    %get3A_30 = tpu.vector_load %arg10[%get3A_28, %get3A_29] {strides = array<i32>} : memref<48x16xf32, #tpu.memory_space<vmem>>, vector<1x16xf32>,
    %get3A_31 = vector.shape_cast %get3A_30 : vector<1x16xf32> to vector<16xf32>
    %get3A_32 = arith.constant 6 : i32
    %get3A_33 = arith.index_cast %get3A_32 : i32 to index
    %get3A_34 = arith.constant 0 : index
    %get3A_35 = tpu.vector_load %arg10[%get3A_33, %get3A_34] {strides = array<i32>} : memref<48x16xf32, #tpu.memory_space<vmem>>, vector<1x16xf32>,
    %get3A_36 = vector.shape_cast %get3A_35 : vector<1x16xf32> to vector<16xf32>
    %get3A_37 = arith.constant 7 : i32
    %get3A_38 = arith.index_cast %get3A_37 : i32 to index
    %get3A_39 = arith.constant 0 : index
    %get3A_40 = tpu.vector_load %arg10[%get3A_38, %get3A_39] {strides = array<i32>} : memref<48x16xf32, #tpu.memory_space<vmem>>, vector<1x16xf32>,
    %get3A_41 = vector.shape_cast %get3A_40 : vector<1x16xf32> to vector<16xf32>
    %get3A_42 = arith.constant 8 : i32
    %get3A_43 = arith.index_cast %get3A_42 : i32 to index
    %get3A_44 = arith.constant 0 : index
    %get3A_45 = tpu.vector_load %arg10[%get3A_43, %get3A_44] {strides = array<i32>} : memref<48x16xf32, #tpu.memory_space<vmem>>, vector<1x16xf32>,
    %get3A_46 = vector.shape_cast %get3A_45 : vector<1x16xf32> to vector<16xf32>
    %get3A_47 = arith.constant 9 : i32
    %get3A_48 = arith.index_cast %get3A_47 : i32 to index
    %get3A_49 = arith.constant 0 : index
    %get3A_50 = tpu.vector_load %arg10[%get3A_48, %get3A_49] {strides = array<i32>} : memref<48x16xf32, #tpu.memory_space<vmem>>, vector<1x16xf32>,
    %get3A_51 = vector.shape_cast %get3A_50 : vector<1x16xf32> to vector<16xf32>
    %get3A_52 = arith.constant 10 : i32
    %get3A_53 = arith.index_cast %get3A_52 : i32 to index
    %get3A_54 = arith.constant 0 : index
    %get3A_55 = tpu.vector_load %arg10[%get3A_53, %get3A_54] {strides = array<i32>} : memref<48x16xf32, #tpu.memory_space<vmem>>, vector<1x16xf32>,
    %get3A_56 = vector.shape_cast %get3A_55 : vector<1x16xf32> to vector<16xf32>
    %get3A_57 = arith.constant 11 : i32
    %get3A_58 = arith.index_cast %get3A_57 : i32 to index
    %get3A_59 = arith.constant 0 : index
    %get3A_60 = tpu.vector_load %arg10[%get3A_58, %get3A_59] {strides = array<i32>} : memref<48x16xf32, #tpu.memory_space<vmem>>, vector<1x16xf32>,
    %get3A_61 = vector.shape_cast %get3A_60 : vector<1x16xf32> to vector<16xf32>
    %get3A_62 = arith.constant 12 : i32
    %get3A_63 = arith.index_cast %get3A_62 : i32 to index
    %get3A_64 = arith.constant 0 : index
    %get3A_65 = tpu.vector_load %arg10[%get3A_63, %get3A_64] {strides = array<i32>} : memref<48x16xf32, #tpu.memory_space<vmem>>, vector<1x16xf32>,
    %get3A_66 = vector.shape_cast %get3A_65 : vector<1x16xf32> to vector<16xf32>
    %get3A_67 = arith.constant 13 : i32
    %get3A_68 = arith.index_cast %get3A_67 : i32 to index
    %get3A_69 = arith.constant 0 : index
    %get3A_70 = tpu.vector_load %arg10[%get3A_68, %get3A_69] {strides = array<i32>} : memref<48x16xf32, #tpu.memory_space<vmem>>, vector<1x16xf32>,
    %get3A_71 = vector.shape_cast %get3A_70 : vector<1x16xf32> to vector<16xf32>
    %get3A_72 = arith.constant 14 : i32
    %get3A_73 = arith.index_cast %get3A_72 : i32 to index
    %get3A_74 = arith.constant 0 : index
    %get3A_75 = tpu.vector_load %arg10[%get3A_73, %get3A_74] {strides = array<i32>} : memref<48x16xf32, #tpu.memory_space<vmem>>, vector<1x16xf32>,
    %get3A_76 = vector.shape_cast %get3A_75 : vector<1x16xf32> to vector<16xf32>
    %get3A_77 = arith.constant 15 : i32
    %get3A_78 = arith.index_cast %get3A_77 : i32 to index
    %get3A_79 = arith.constant 0 : index
    %get3A_80 = tpu.vector_load %arg10[%get3A_78, %get3A_79] {strides = array<i32>} : memref<48x16xf32, #tpu.memory_space<vmem>>, vector<1x16xf32>,
    %get3A_81 = vector.shape_cast %get3A_80 : vector<1x16xf32> to vector<16xf32>
    %get3A_82 = arith.constant 16 : i32
    %get3A_83 = arith.index_cast %get3A_82 : i32 to index
    %get3A_84 = arith.constant 0 : index
    %get3A_85 = tpu.vector_load %arg10[%get3A_83, %get3A_84] {strides = array<i32>} : memref<48x16xf32, #tpu.memory_space<vmem>>, vector<1x16xf32>,
    %get3A_86 = vector.shape_cast %get3A_85 : vector<1x16xf32> to vector<16xf32>
    %get3A_87 = arith.constant 17 : i32
    %get3A_88 = arith.index_cast %get3A_87 : i32 to index
    %get3A_89 = arith.constant 0 : index
    %get3A_90 = tpu.vector_load %arg10[%get3A_88, %get3A_89] {strides = array<i32>} : memref<48x16xf32, #tpu.memory_space<vmem>>, vector<1x16xf32>,
    %get3A_91 = vector.shape_cast %get3A_90 : vector<1x16xf32> to vector<16xf32>
    %get3A_92 = arith.constant 18 : i32
    %get3A_93 = arith.index_cast %get3A_92 : i32 to index
    %get3A_94 = arith.constant 0 : index
    %get3A_95 = tpu.vector_load %arg10[%get3A_93, %get3A_94] {strides = array<i32>} : memref<48x16xf32, #tpu.memory_space<vmem>>, vector<1x16xf32>,
    %get3A_96 = vector.shape_cast %get3A_95 : vector<1x16xf32> to vector<16xf32>
    %get3A_97 = arith.constant 19 : i32
    %get3A_98 = arith.index_cast %get3A_97 : i32 to index
    %get3A_99 = arith.constant 0 : index
    %get3A_100 = tpu.vector_load %arg10[%get3A_98, %get3A_99] {strides = array<i32>} : memref<48x16xf32, #tpu.memory_space<vmem>>, vector<1x16xf32>,
    %get3A_101 = vector.shape_cast %get3A_100 : vector<1x16xf32> to vector<16xf32>
    %get3A_102 = arith.constant 20 : i32
    %get3A_103 = arith.index_cast %get3A_102 : i32 to index
    %get3A_104 = arith.constant 0 : index
    %get3A_105 = tpu.vector_load %arg10[%get3A_103, %get3A_104] {strides = array<i32>} : memref<48x16xf32, #tpu.memory_space<vmem>>, vector<1x16xf32>,
    %get3A_106 = vector.shape_cast %get3A_105 : vector<1x16xf32> to vector<16xf32>
    %get3A_107 = arith.constant 21 : i32
    %get3A_108 = arith.index_cast %get3A_107 : i32 to index
    %get3A_109 = arith.constant 0 : index
    %get3A_110 = tpu.vector_load %arg10[%get3A_108, %get3A_109] {strides = array<i32>} : memref<48x16xf32, #tpu.memory_space<vmem>>, vector<1x16xf32>,
    %get3A_111 = vector.shape_cast %get3A_110 : vector<1x16xf32> to vector<16xf32>
    %get3A_112 = arith.constant 22 : i32
    %get3A_113 = arith.index_cast %get3A_112 : i32 to index
    %get3A_114 = arith.constant 0 : index
    %get3A_115 = tpu.vector_load %arg10[%get3A_113, %get3A_114] {strides = array<i32>} : memref<48x16xf32, #tpu.memory_space<vmem>>, vector<1x16xf32>,
    %get3A_116 = vector.shape_cast %get3A_115 : vector<1x16xf32> to vector<16xf32>
    %get3A_117 = arith.constant 23 : i32
    %get3A_118 = arith.index_cast %get3A_117 : i32 to index
    %get3A_119 = arith.constant 0 : index
    %get3A_120 = tpu.vector_load %arg10[%get3A_118, %get3A_119] {strides = array<i32>} : memref<48x16xf32, #tpu.memory_space<vmem>>, vector<1x16xf32>,
    %get3A_121 = vector.shape_cast %get3A_120 : vector<1x16xf32> to vector<16xf32>
    %get3A_122 = arith.constant 24 : i32
    %get3A_123 = arith.index_cast %get3A_122 : i32 to index
    %get3A_124 = arith.constant 0 : index
    %get3A_125 = tpu.vector_load %arg10[%get3A_123, %get3A_124] {strides = array<i32>} : memref<48x16xf32, #tpu.memory_space<vmem>>, vector<1x16xf32>,
    %get3A_126 = vector.shape_cast %get3A_125 : vector<1x16xf32> to vector<16xf32>
    %get3A_127 = arith.constant 25 : i32
    %get3A_128 = arith.index_cast %get3A_127 : i32 to index
    %get3A_129 = arith.constant 0 : index
    %get3A_130 = tpu.vector_load %arg10[%get3A_128, %get3A_129] {strides = array<i32>} : memref<48x16xf32, #tpu.memory_space<vmem>>, vector<1x16xf32>,
    %get3A_131 = vector.shape_cast %get3A_130 : vector<1x16xf32> to vector<16xf32>
    %get3A_132 = arith.constant 26 : i32
    %get3A_133 = arith.index_cast %get3A_132 : i32 to index
    %get3A_134 = arith.constant 0 : index
    %get3A_135 = tpu.vector_load %arg10[%get3A_133, %get3A_134] {strides = array<i32>} : memref<48x16xf32, #tpu.memory_space<vmem>>, vector<1x16xf32>,
    %get3A_136 = vector.shape_cast %get3A_135 : vector<1x16xf32> to vector<16xf32>
    %get3A_137 = arith.constant 27 : i32
    %get3A_138 = arith.index_cast %get3A_137 : i32 to index
    %get3A_139 = arith.constant 0 : index
    %get3A_140 = tpu.vector_load %arg10[%get3A_138, %get3A_139] {strides = array<i32>} : memref<48x16xf32, #tpu.memory_space<vmem>>, vector<1x16xf32>,
    %get3A_141 = vector.shape_cast %get3A_140 : vector<1x16xf32> to vector<16xf32>
    %get3A_142 = arith.constant 28 : i32
    %get3A_143 = arith.index_cast %get3A_142 : i32 to index
    %get3A_144 = arith.constant 0 : index
    %get3A_145 = tpu.vector_load %arg10[%get3A_143, %get3A_144] {strides = array<i32>} : memref<48x16xf32, #tpu.memory_space<vmem>>, vector<1x16xf32>,
    %get3A_146 = vector.shape_cast %get3A_145 : vector<1x16xf32> to vector<16xf32>
    %get3A_147 = arith.constant 29 : i32
    %get3A_148 = arith.index_cast %get3A_147 : i32 to index
    %get3A_149 = arith.constant 0 : index
    %get3A_150 = tpu.vector_load %arg10[%get3A_148, %get3A_149] {strides = array<i32>} : memref<48x16xf32, #tpu.memory_space<vmem>>, vector<1x16xf32>,
    %get3A_151 = vector.shape_cast %get3A_150 : vector<1x16xf32> to vector<16xf32>
    %get3A_152 = arith.constant 30 : i32
    %get3A_153 = arith.index_cast %get3A_152 : i32 to index
    %get3A_154 = arith.constant 0 : index
    %get3A_155 = tpu.vector_load %arg10[%get3A_153, %get3A_154] {strides = array<i32>} : memref<48x16xf32, #tpu.memory_space<vmem>>, vector<1x16xf32>,
    %get3A_156 = vector.shape_cast %get3A_155 : vector<1x16xf32> to vector<16xf32>
    %get3A_157 = arith.constant 31 : i32
    %get3A_158 = arith.index_cast %get3A_157 : i32 to index
    %get3A_159 = arith.constant 0 : index
    %get3A_160 = tpu.vector_load %arg10[%get3A_158, %get3A_159] {strides = array<i32>} : memref<48x16xf32, #tpu.memory_space<vmem>>, vector<1x16xf32>,
    %get3A_161 = vector.shape_cast %get3A_160 : vector<1x16xf32> to vector<16xf32>
    %get3A_162 = arith.constant 32 : i32
    %get3A_163 = arith.index_cast %get3A_162 : i32 to index
    %get3A_164 = arith.constant 0 : index
    %get3A_165 = tpu.vector_load %arg10[%get3A_163, %get3A_164] {strides = array<i32>} : memref<48x16xf32, #tpu.memory_space<vmem>>, vector<1x16xf32>,
    %get3A_166 = vector.shape_cast %get3A_165 : vector<1x16xf32> to vector<16xf32>
    %get3A_167 = arith.constant 33 : i32
    %get3A_168 = arith.index_cast %get3A_167 : i32 to index
    %get3A_169 = arith.constant 0 : index
    %get3A_170 = tpu.vector_load %arg10[%get3A_168, %get3A_169] {strides = array<i32>} : memref<48x16xf32, #tpu.memory_space<vmem>>, vector<1x16xf32>,
    %get3A_171 = vector.shape_cast %get3A_170 : vector<1x16xf32> to vector<16xf32>
    %get3A_172 = arith.constant 34 : i32
    %get3A_173 = arith.index_cast %get3A_172 : i32 to index
    %get3A_174 = arith.constant 0 : index
    %get3A_175 = tpu.vector_load %arg10[%get3A_173, %get3A_174] {strides = array<i32>} : memref<48x16xf32, #tpu.memory_space<vmem>>, vector<1x16xf32>,
    %get3A_176 = vector.shape_cast %get3A_175 : vector<1x16xf32> to vector<16xf32>
    %get3A_177 = arith.constant 35 : i32
    %get3A_178 = arith.index_cast %get3A_177 : i32 to index
    %get3A_179 = arith.constant 0 : index
    %get3A_180 = tpu.vector_load %arg10[%get3A_178, %get3A_179] {strides = array<i32>} : memref<48x16xf32, #tpu.memory_space<vmem>>, vector<1x16xf32>,
    %get3A_181 = vector.shape_cast %get3A_180 : vector<1x16xf32> to vector<16xf32>
    %get3A_182 = arith.constant 36 : i32
    %get3A_183 = arith.index_cast %get3A_182 : i32 to index
    %get3A_184 = arith.constant 0 : index
    %get3A_185 = tpu.vector_load %arg10[%get3A_183, %get3A_184] {strides = array<i32>} : memref<48x16xf32, #tpu.memory_space<vmem>>, vector<1x16xf32>,
    %get3A_186 = vector.shape_cast %get3A_185 : vector<1x16xf32> to vector<16xf32>
    %get3A_187 = arith.constant 37 : i32
    %get3A_188 = arith.index_cast %get3A_187 : i32 to index
    %get3A_189 = arith.constant 0 : index
    %get3A_190 = tpu.vector_load %arg10[%get3A_188, %get3A_189] {strides = array<i32>} : memref<48x16xf32, #tpu.memory_space<vmem>>, vector<1x16xf32>,
    %get3A_191 = vector.shape_cast %get3A_190 : vector<1x16xf32> to vector<16xf32>
    %get3A_192 = arith.constant 38 : i32
    %get3A_193 = arith.index_cast %get3A_192 : i32 to index
    %get3A_194 = arith.constant 0 : index
    %get3A_195 = tpu.vector_load %arg10[%get3A_193, %get3A_194] {strides = array<i32>} : memref<48x16xf32, #tpu.memory_space<vmem>>, vector<1x16xf32>,
    %get3A_196 = vector.shape_cast %get3A_195 : vector<1x16xf32> to vector<16xf32>
    %get3A_197 = arith.constant 39 : i32
    %get3A_198 = arith.index_cast %get3A_197 : i32 to index
    %get3A_199 = arith.constant 0 : index
    %get3A_200 = tpu.vector_load %arg10[%get3A_198, %get3A_199] {strides = array<i32>} : memref<48x16xf32, #tpu.memory_space<vmem>>, vector<1x16xf32>,
    %get3A_201 = vector.shape_cast %get3A_200 : vector<1x16xf32> to vector<16xf32>
    %get3A_202 = arith.constant 40 : i32
    %get3A_203 = arith.index_cast %get3A_202 : i32 to index
    %get3A_204 = arith.constant 0 : index
    %get3A_205 = tpu.vector_load %arg10[%get3A_203, %get3A_204] {strides = array<i32>} : memref<48x16xf32, #tpu.memory_space<vmem>>, vector<1x16xf32>,
    %get3A_206 = vector.shape_cast %get3A_205 : vector<1x16xf32> to vector<16xf32>
    %get3A_207 = arith.constant 41 : i32
    %get3A_208 = arith.index_cast %get3A_207 : i32 to index
    %get3A_209 = arith.constant 0 : index
    %get3A_210 = tpu.vector_load %arg10[%get3A_208, %get3A_209] {strides = array<i32>} : memref<48x16xf32, #tpu.memory_space<vmem>>, vector<1x16xf32>,
    %get3A_211 = vector.shape_cast %get3A_210 : vector<1x16xf32> to vector<16xf32>
    %get3A_212 = arith.constant 42 : i32
    %get3A_213 = arith.index_cast %get3A_212 : i32 to index
    %get3A_214 = arith.constant 0 : index
    %get3A_215 = tpu.vector_load %arg10[%get3A_213, %get3A_214] {strides = array<i32>} : memref<48x16xf32, #tpu.memory_space<vmem>>, vector<1x16xf32>,
    %get3A_216 = vector.shape_cast %get3A_215 : vector<1x16xf32> to vector<16xf32>
    %get3A_217 = arith.constant 43 : i32
    %get3A_218 = arith.index_cast %get3A_217 : i32 to index
    %get3A_219 = arith.constant 0 : index
    %get3A_220 = tpu.vector_load %arg10[%get3A_218, %get3A_219] {strides = array<i32>} : memref<48x16xf32, #tpu.memory_space<vmem>>, vector<1x16xf32>,
    %get3A_221 = vector.shape_cast %get3A_220 : vector<1x16xf32> to vector<16xf32>
    %get3A_222 = arith.constant 44 : i32
    %get3A_223 = arith.index_cast %get3A_222 : i32 to index
    %get3A_224 = arith.constant 0 : index
    %get3A_225 = tpu.vector_load %arg10[%get3A_223, %get3A_224] {strides = array<i32>} : memref<48x16xf32, #tpu.memory_space<vmem>>, vector<1x16xf32>,
    %get3A_226 = vector.shape_cast %get3A_225 : vector<1x16xf32> to vector<16xf32>
    %dma_start3A = arith.constant 0 : i32
    %dma_start3A_227 = arith.constant 0 : i32
    %dma_start3A_228 = tpu.memref_slice %arg6[%dma_start3A, %dma_start3A_227] : memref<32x40xi32, #tpu.memory_space<vmem>> -> memref<1x40xi32, #tpu.memory_space<vmem>>
    %dma_start3A_229 = tpu.memref_squeeze %dma_start3A_228 : memref<1x40xi32, #tpu.memory_space<vmem>> -> memref<40xi32, #tpu.memory_space<vmem>>
    %dma_start3A_230 = arith.constant 0 : i32
    %dma_start3A_231 = arith.constant 0 : i32
    %dma_start3A_232 = tpu.memref_slice %arg2[%dma_start3A_230, %dma_start3A_231] : memref<900000x768xf32, #tpu.memory_space<hbm>> -> memref<900000x768xf32, #tpu.memory_space<hbm>>
    tpu.enqueue_indirect_dma source(%dma_start3A_232 : memref<900000x768xf32, #tpu.memory_space<hbm>>) target(%arg7 : memref<40x768xf32, #tpu.memory_space<vmem>>) offsets(%dma_start3A_229 : memref<40xi32, #tpu.memory_space<vmem>>) semaphore(%arg11 : memref<!tpu.dma_semaphore, #tpu.memory_space<semaphore_mem>>)
    %dma_wait3A = arith.constant 0 : i32
    %dma_wait3A_233 = arith.constant 0 : i32
    %dma_wait3A_234 = tpu.memref_slice %arg6[%dma_wait3A, %dma_wait3A_233] : memref<32x40xi32, #tpu.memory_space<vmem>> -> memref<1x40xi32, #tpu.memory_space<vmem>>
    %dma_wait3A_235 = tpu.memref_squeeze %dma_wait3A_234 : memref<1x40xi32, #tpu.memory_space<vmem>> -> memref<40xi32, #tpu.memory_space<vmem>>
    %dma_wait3A_236 = arith.constant 0 : i32
    %dma_wait3A_237 = arith.constant 0 : i32
    %dma_wait3A_238 = tpu.memref_slice %arg2[%dma_wait3A_236, %dma_wait3A_237] : memref<900000x768xf32, #tpu.memory_space<hbm>> -> memref<900000x768xf32, #tpu.memory_space<hbm>>
    tpu.wait_indirect_dma semaphore(%arg11 : memref<!tpu.dma_semaphore, #tpu.memory_space<semaphore_mem>>) src(%dma_wait3A_238 : memref<900000x768xf32, #tpu.memory_space<hbm>>) dst(%arg7 : memref<40x768xf32, #tpu.memory_space<vmem>>)
    %scan3A = arith.constant 0 : i32
    %scan3A_239 = arith.constant 0 : i32
    %scan3A_240 = arith.constant 15 : i32
    %scan3A_241 = arith.addi %scan3A_239, %scan3A_240 : i32
    %scan3A_242 = arith.constant 1 : i32
    scf.for %scan3A_274 = %scan3A_239 to %scan3A_241 step %scan3A_242  : i32 {
      %mul3A_275 = arith.constant 2 : i32
      %mul3A_276 = arith.muli %mul3A_275, %scan3A_274 : i32
      %add3A_277 = arith.constant 0 : i32
      %add3A_278 = arith.addi %mul3A_276, %add3A_277 : i32
      %add3A_279 = arith.constant 1 : i32
      %add3A_280 = arith.addi %add3A_278, %add3A_279 : i32
      %dma_start3A_281 = arith.constant 0 : i32
      %dma_start3A_282 = tpu.memref_slice %arg6[%add3A_280, %dma_start3A_281] : memref<32x40xi32, #tpu.memory_space<vmem>> -> memref<1x40xi32, #tpu.memory_space<vmem>>
      %dma_start3A_283 = tpu.memref_squeeze %dma_start3A_282 : memref<1x40xi32, #tpu.memory_space<vmem>> -> memref<40xi32, #tpu.memory_space<vmem>>
      %dma_start3A_284 = arith.constant 0 : i32
      %dma_start3A_285 = arith.constant 0 : i32
      %dma_start3A_286 = tpu.memref_slice %arg2[%dma_start3A_284, %dma_start3A_285] : memref<900000x768xf32, #tpu.memory_space<hbm>> -> memref<900000x768xf32, #tpu.memory_space<hbm>>
      tpu.enqueue_indirect_dma source(%dma_start3A_286 : memref<900000x768xf32, #tpu.memory_space<hbm>>) target(%arg8 : memref<40x768xf32, #tpu.memory_space<vmem>>) offsets(%dma_start3A_283 : memref<40xi32, #tpu.memory_space<vmem>>) semaphore(%arg12 : memref<!tpu.dma_semaphore, #tpu.memory_space<semaphore_mem>>)
      %scan3A_287 = arith.constant 0 : i32
      %scan3A_288 = arith.constant 0 : i32
      %scan3A_289 = arith.constant 48 : i32
      %scan3A_290 = arith.addi %scan3A_288, %scan3A_289 : i32
      %scan3A_291 = arith.constant 1 : i32
      scf.for %scan3A_329 = %scan3A_288 to %scan3A_290 step %scan3A_291  : i32 {
        %mul3A_330 = arith.constant 16 : i32
        %mul3A_331 = arith.muli %scan3A_329, %mul3A_330 : i32
        %get3A_332 = arith.constant 0 : i32
        %get3A_333 = arith.index_cast %get3A_332 : i32 to index
        %get3A_334 = arith.index_cast %mul3A_331 : i32 to index
        %get3A_335 = tpu.vector_load %arg7[%get3A_333, %get3A_334] {strides = array<i32>} : memref<40x768xf32, #tpu.memory_space<vmem>>, vector<1x16xf32>,
        %get3A_336 = vector.shape_cast %get3A_335 : vector<1x16xf32> to vector<16xf32>
        %get3A_337 = arith.constant 4 : i32
        %get3A_338 = arith.index_cast %get3A_337 : i32 to index
        %get3A_339 = arith.index_cast %mul3A_331 : i32 to index
        %get3A_340 = tpu.vector_load %arg7[%get3A_338, %get3A_339] {strides = array<i32>} : memref<40x768xf32, #tpu.memory_space<vmem>>, vector<1x16xf32>,
        %get3A_341 = vector.shape_cast %get3A_340 : vector<1x16xf32> to vector<16xf32>
        %get3A_342 = arith.constant 8 : i32
        %get3A_343 = arith.index_cast %get3A_342 : i32 to index
        %get3A_344 = arith.index_cast %mul3A_331 : i32 to index
        %get3A_345 = tpu.vector_load %arg7[%get3A_343, %get3A_344] {strides = array<i32>} : memref<40x768xf32, #tpu.memory_space<vmem>>, vector<1x16xf32>,
        %get3A_346 = vector.shape_cast %get3A_345 : vector<1x16xf32> to vector<16xf32>
        %get3A_347 = arith.constant 12 : i32
        %get3A_348 = arith.index_cast %get3A_347 : i32 to index
        %get3A_349 = arith.index_cast %mul3A_331 : i32 to index
        %get3A_350 = tpu.vector_load %arg7[%get3A_348, %get3A_349] {strides = array<i32>} : memref<40x768xf32, #tpu.memory_space<vmem>>, vector<1x16xf32>,
        %get3A_351 = vector.shape_cast %get3A_350 : vector<1x16xf32> to vector<16xf32>
        %get3A_352 = arith.constant 16 : i32
        %get3A_353 = arith.index_cast %get3A_352 : i32 to index
        %get3A_354 = arith.index_cast %mul3A_331 : i32 to index
        %get3A_355 = tpu.vector_load %arg7[%get3A_353, %get3A_354] {strides = array<i32>} : memref<40x768xf32, #tpu.memory_space<vmem>>, vector<1x16xf32>,
        %get3A_356 = vector.shape_cast %get3A_355 : vector<1x16xf32> to vector<16xf32>
        %get3A_357 = arith.constant 20 : i32
        %get3A_358 = arith.index_cast %get3A_357 : i32 to index
        %get3A_359 = arith.index_cast %mul3A_331 : i32 to index
        %get3A_360 = tpu.vector_load %arg7[%get3A_358, %get3A_359] {strides = array<i32>} : memref<40x768xf32, #tpu.memory_space<vmem>>, vector<1x16xf32>,
        %get3A_361 = vector.shape_cast %get3A_360 : vector<1x16xf32> to vector<16xf32>
        %get3A_362 = arith.constant 24 : i32
        %get3A_363 = arith.index_cast %get3A_362 : i32 to index
        %get3A_364 = arith.index_cast %mul3A_331 : i32 to index
        %get3A_365 = tpu.vector_load %arg7[%get3A_363, %get3A_364] {strides = array<i32>} : memref<40x768xf32, #tpu.memory_space<vmem>>, vector<1x16xf32>,
        %get3A_366 = vector.shape_cast %get3A_365 : vector<1x16xf32> to vector<16xf32>
        %get3A_367 = arith.constant 28 : i32
        %get3A_368 = arith.index_cast %get3A_367 : i32 to index
        %get3A_369 = arith.index_cast %mul3A_331 : i32 to index
        %get3A_370 = tpu.vector_load %arg7[%get3A_368, %get3A_369] {strides = array<i32>} : memref<40x768xf32, #tpu.memory_space<vmem>>, vector<1x16xf32>,
        %get3A_371 = vector.shape_cast %get3A_370 : vector<1x16xf32> to vector<16xf32>
        %get3A_372 = arith.constant 32 : i32
        %get3A_373 = arith.index_cast %get3A_372 : i32 to index
        %get3A_374 = arith.index_cast %mul3A_331 : i32 to index
        %get3A_375 = tpu.vector_load %arg7[%get3A_373, %get3A_374] {strides = array<i32>} : memref<40x768xf32, #tpu.memory_space<vmem>>, vector<1x16xf32>,
        %get3A_376 = vector.shape_cast %get3A_375 : vector<1x16xf32> to vector<16xf32>
        %mul3A_377 = arith.mulf %get3A_336, %get3A_6 : vector<16xf32>
        %mul3A_378 = arith.mulf %get3A_341, %get3A_11 : vector<16xf32>
        %add3A_379 = arith.addf %mul3A_377, %mul3A_378 : vector<16xf32>
        %mul3A_380 = arith.mulf %get3A_346, %get3A_16 : vector<16xf32>
        %add3A_381 = arith.addf %add3A_379, %mul3A_380 : vector<16xf32>
        %mul3A_382 = arith.mulf %get3A_351, %get3A_21 : vector<16xf32>
        %add3A_383 = arith.addf %add3A_381, %mul3A_382 : vector<16xf32>
        %mul3A_384 = arith.mulf %get3A_356, %get3A_26 : vector<16xf32>
        %add3A_385 = arith.addf %add3A_383, %mul3A_384 : vector<16xf32>
        %mul3A_386 = arith.mulf %get3A_361, %get3A_31 : vector<16xf32>
        %add3A_387 = arith.addf %add3A_385, %mul3A_386 : vector<16xf32>
        %mul3A_388 = arith.mulf %get3A_366, %get3A_36 : vector<16xf32>
        %add3A_389 = arith.addf %add3A_387, %mul3A_388 : vector<16xf32>
        %mul3A_390 = arith.mulf %get3A_371, %get3A_41 : vector<16xf32>
        %add3A_391 = arith.addf %add3A_389, %mul3A_390 : vector<16xf32>
        %mul3A_392 = arith.mulf %get3A_376, %get3A_46 : vector<16xf32>
        %add3A_393 = arith.addf %add3A_391, %mul3A_392 : vector<16xf32>
        %mul3A_394 = arith.constant 16 : i32
        %mul3A_395 = arith.muli %scan3A_329, %mul3A_394 : i32
        %add3A_396 = arith.constant 0 : i32
        %add3A_397 = arith.addi %add3A_396, %mul3A_395 : i32
        %swap3A = arith.constant 0 : i32
        %swap3A_398 = arith.index_cast %swap3A : i32 to index
        %swap3A_399 = arith.index_cast %add3A_397 : i32 to index
        %swap3A_400 = tpu.vector_load %arg9[%swap3A_398, %swap3A_399] {strides = array<i32>} : memref<4x3840xf32, #tpu.memory_space<vmem>>, vector<1x16xf32>,
        %swap3A_401 = vector.shape_cast %swap3A_400 : vector<1x16xf32> to vector<16xf32>
        %swap3A_402 = vector.shape_cast %add3A_393 : vector<16xf32> to vector<1x16xf32>
        tpu.vector_store %arg9[%swap3A_398, %swap3A_399], %swap3A_402 {strides = array<i32>} : memref<4x3840xf32, #tpu.memory_space<vmem>>, vector<1x16xf32>,
        %mul3A_403 = arith.mulf %get3A_336, %get3A_51 : vector<16xf32>
        %mul3A_404 = arith.mulf %get3A_341, %get3A_56 : vector<16xf32>
        %add3A_405 = arith.addf %mul3A_403, %mul3A_404 : vector<16xf32>
        %mul3A_406 = arith.mulf %get3A_346, %get3A_61 : vector<16xf32>
        %add3A_407 = arith.addf %add3A_405, %mul3A_406 : vector<16xf32>
        %mul3A_408 = arith.mulf %get3A_351, %get3A_66 : vector<16xf32>
        %add3A_409 = arith.addf %add3A_407, %mul3A_408 : vector<16xf32>
        %mul3A_410 = arith.mulf %get3A_356, %get3A_71 : vector<16xf32>
        %add3A_411 = arith.addf %add3A_409, %mul3A_410 : vector<16xf32>
        %mul3A_412 = arith.mulf %get3A_361, %get3A_76 : vector<16xf32>
        %add3A_413 = arith.addf %add3A_411, %mul3A_412 : vector<16xf32>
        %mul3A_414 = arith.mulf %get3A_366, %get3A_81 : vector<16xf32>
        %add3A_415 = arith.addf %add3A_413, %mul3A_414 : vector<16xf32>
        %mul3A_416 = arith.mulf %get3A_371, %get3A_86 : vector<16xf32>
        %add3A_417 = arith.addf %add3A_415, %mul3A_416 : vector<16xf32>
        %mul3A_418 = arith.mulf %get3A_376, %get3A_91 : vector<16xf32>
        %add3A_419 = arith.addf %add3A_417, %mul3A_418 : vector<16xf32>
        %mul3A_420 = arith.constant 16 : i32
        %mul3A_421 = arith.muli %scan3A_329, %mul3A_420 : i32
        %add3A_422 = arith.constant 768 : i32
        %add3A_423 = arith.addi %add3A_422, %mul3A_421 : i32
        %swap3A_424 = arith.constant 0 : i32
        %swap3A_425 = arith.index_cast %swap3A_424 : i32 to index
        %swap3A_426 = arith.index_cast %add3A_423 : i32 to index
        %swap3A_427 = tpu.vector_load %arg9[%swap3A_425, %swap3A_426] {strides = array<i32>} : memref<4x3840xf32, #tpu.memory_space<vmem>>, vector<1x16xf32>,
        %swap3A_428 = vector.shape_cast %swap3A_427 : vector<1x16xf32> to vector<16xf32>
        %swap3A_429 = vector.shape_cast %add3A_419 : vector<16xf32> to vector<1x16xf32>
        tpu.vector_store %arg9[%swap3A_425, %swap3A_426], %swap3A_429 {strides = array<i32>} : memref<4x3840xf32, #tpu.memory_space<vmem>>, vector<1x16xf32>,
        %mul3A_430 = arith.mulf %get3A_336, %get3A_96 : vector<16xf32>
        %mul3A_431 = arith.mulf %get3A_341, %get3A_101 : vector<16xf32>
        %add3A_432 = arith.addf %mul3A_430, %mul3A_431 : vector<16xf32>
        %mul3A_433 = arith.mulf %get3A_346, %get3A_106 : vector<16xf32>
        %add3A_434 = arith.addf %add3A_432, %mul3A_433 : vector<16xf32>
        %mul3A_435 = arith.mulf %get3A_351, %get3A_111 : vector<16xf32>
        %add3A_436 = arith.addf %add3A_434, %mul3A_435 : vector<16xf32>
        %mul3A_437 = arith.mulf %get3A_356, %get3A_116 : vector<16xf32>
        %add3A_438 = arith.addf %add3A_436, %mul3A_437 : vector<16xf32>
        %mul3A_439 = arith.mulf %get3A_361, %get3A_121 : vector<16xf32>
        %add3A_440 = arith.addf %add3A_438, %mul3A_439 : vector<16xf32>
        %mul3A_441 = arith.mulf %get3A_366, %get3A_126 : vector<16xf32>
        %add3A_442 = arith.addf %add3A_440, %mul3A_441 : vector<16xf32>
        %mul3A_443 = arith.mulf %get3A_371, %get3A_131 : vector<16xf32>
        %add3A_444 = arith.addf %add3A_442, %mul3A_443 : vector<16xf32>
        %mul3A_445 = arith.mulf %get3A_376, %get3A_136 : vector<16xf32>
        %add3A_446 = arith.addf %add3A_444, %mul3A_445 : vector<16xf32>
        %mul3A_447 = arith.constant 16 : i32
        %mul3A_448 = arith.muli %scan3A_329, %mul3A_447 : i32
        %add3A_449 = arith.constant 1536 : i32
        %add3A_450 = arith.addi %add3A_449, %mul3A_448 : i32
        %swap3A_451 = arith.constant 0 : i32
        %swap3A_452 = arith.index_cast %swap3A_451 : i32 to index
        %swap3A_453 = arith.index_cast %add3A_450 : i32 to index
        %swap3A_454 = tpu.vector_load %arg9[%swap3A_452, %swap3A_453] {strides = array<i32>} : memref<4x3840xf32, #tpu.memory_space<vmem>>, vector<1x16xf32>,
        %swap3A_455 = vector.shape_cast %swap3A_454 : vector<1x16xf32> to vector<16xf32>
        %swap3A_456 = vector.shape_cast %add3A_446 : vector<16xf32> to vector<1x16xf32>
        tpu.vector_store %arg9[%swap3A_452, %swap3A_453], %swap3A_456 {strides = array<i32>} : memref<4x3840xf32, #tpu.memory_space<vmem>>, vector<1x16xf32>,
        %mul3A_457 = arith.mulf %get3A_336, %get3A_141 : vector<16xf32>
        %mul3A_458 = arith.mulf %get3A_341, %get3A_146 : vector<16xf32>
        %add3A_459 = arith.addf %mul3A_457, %mul3A_458 : vector<16xf32>
        %mul3A_460 = arith.mulf %get3A_346, %get3A_151 : vector<16xf32>
        %add3A_461 = arith.addf %add3A_459, %mul3A_460 : vector<16xf32>
        %mul3A_462 = arith.mulf %get3A_351, %get3A_156 : vector<16xf32>
        %add3A_463 = arith.addf %add3A_461, %mul3A_462 : vector<16xf32>
        %mul3A_464 = arith.mulf %get3A_356, %get3A_161 : vector<16xf32>
        %add3A_465 = arith.addf %add3A_463, %mul3A_464 : vector<16xf32>
        %mul3A_466 = arith.mulf %get3A_361, %get3A_166 : vector<16xf32>
        %add3A_467 = arith.addf %add3A_465, %mul3A_466 : vector<16xf32>
        %mul3A_468 = arith.mulf %get3A_366, %get3A_171 : vector<16xf32>
        %add3A_469 = arith.addf %add3A_467, %mul3A_468 : vector<16xf32>
        %mul3A_470 = arith.mulf %get3A_371, %get3A_176 : vector<16xf32>
        %add3A_471 = arith.addf %add3A_469, %mul3A_470 : vector<16xf32>
        %mul3A_472 = arith.mulf %get3A_376, %get3A_181 : vector<16xf32>
        %add3A_473 = arith.addf %add3A_471, %mul3A_472 : vector<16xf32>
        %mul3A_474 = arith.constant 16 : i32
        %mul3A_475 = arith.muli %scan3A_329, %mul3A_474 : i32
        %add3A_476 = arith.constant 2304 : i32
        %add3A_477 = arith.addi %add3A_476, %mul3A_475 : i32
        %swap3A_478 = arith.constant 0 : i32
        %swap3A_479 = arith.index_cast %swap3A_478 : i32 to index
        %swap3A_480 = arith.index_cast %add3A_477 : i32 to index
        %swap3A_481 = tpu.vector_load %arg9[%swap3A_479, %swap3A_480] {strides = array<i32>} : memref<4x3840xf32, #tpu.memory_space<vmem>>, vector<1x16xf32>,
        %swap3A_482 = vector.shape_cast %swap3A_481 : vector<1x16xf32> to vector<16xf32>
        %swap3A_483 = vector.shape_cast %add3A_473 : vector<16xf32> to vector<1x16xf32>
        tpu.vector_store %arg9[%swap3A_479, %swap3A_480], %swap3A_483 {strides = array<i32>} : memref<4x3840xf32, #tpu.memory_space<vmem>>, vector<1x16xf32>,
        %mul3A_484 = arith.mulf %get3A_336, %get3A_186 : vector<16xf32>
        %mul3A_485 = arith.mulf %get3A_341, %get3A_191 : vector<16xf32>
        %add3A_486 = arith.addf %mul3A_484, %mul3A_485 : vector<16xf32>
        %mul3A_487 = arith.mulf %get3A_346, %get3A_196 : vector<16xf32>
        %add3A_488 = arith.addf %add3A_486, %mul3A_487 : vector<16xf32>
        %mul3A_489 = arith.mulf %get3A_351, %get3A_201 : vector<16xf32>
        %add3A_490 = arith.addf %add3A_488, %mul3A_489 : vector<16xf32>
        %mul3A_491 = arith.mulf %get3A_356, %get3A_206 : vector<16xf32>
        %add3A_492 = arith.addf %add3A_490, %mul3A_491 : vector<16xf32>
        %mul3A_493 = arith.mulf %get3A_361, %get3A_211 : vector<16xf32>
        %add3A_494 = arith.addf %add3A_492, %mul3A_493 : vector<16xf32>
        %mul3A_495 = arith.mulf %get3A_366, %get3A_216 : vector<16xf32>
        %add3A_496 = arith.addf %add3A_494, %mul3A_495 : vector<16xf32>
        %mul3A_497 = arith.mulf %get3A_371, %get3A_221 : vector<16xf32>
        %add3A_498 = arith.addf %add3A_496, %mul3A_497 : vector<16xf32>
        %mul3A_499 = arith.mulf %get3A_376, %get3A_226 : vector<16xf32>
        %add3A_500 = arith.addf %add3A_498, %mul3A_499 : vector<16xf32>
        %mul3A_501 = arith.constant 16 : i32
        %mul3A_502 = arith.muli %scan3A_329, %mul3A_501 : i32
        %add3A_503 = arith.constant 3072 : i32
        %add3A_504 = arith.addi %add3A_503, %mul3A_502 : i32
        %swap3A_505 = arith.constant 0 : i32
        %swap3A_506 = arith.index_cast %swap3A_505 : i32 to index
        %swap3A_507 = arith.index_cast %add3A_504 : i32 to index
        %swap3A_508 = tpu.vector_load %arg9[%swap3A_506, %swap3A_507] {strides = array<i32>} : memref<4x3840xf32, #tpu.memory_space<vmem>>, vector<1x16xf32>,
        %swap3A_509 = vector.shape_cast %swap3A_508 : vector<1x16xf32> to vector<16xf32>
        %swap3A_510 = vector.shape_cast %add3A_500 : vector<16xf32> to vector<1x16xf32>
        tpu.vector_store %arg9[%swap3A_506, %swap3A_507], %swap3A_510 {strides = array<i32>} : memref<4x3840xf32, #tpu.memory_space<vmem>>, vector<1x16xf32>,
        %get3A_511 = arith.constant 1 : i32
        %get3A_512 = arith.index_cast %get3A_511 : i32 to index
        %get3A_513 = arith.index_cast %mul3A_331 : i32 to index
        %get3A_514 = tpu.vector_load %arg7[%get3A_512, %get3A_513] {strides = array<i32>} : memref<40x768xf32, #tpu.memory_space<vmem>>, vector<1x16xf32>,
        %get3A_515 = vector.shape_cast %get3A_514 : vector<1x16xf32> to vector<16xf32>
        %get3A_516 = arith.constant 5 : i32
        %get3A_517 = arith.index_cast %get3A_516 : i32 to index
        %get3A_518 = arith.index_cast %mul3A_331 : i32 to index
        %get3A_519 = tpu.vector_load %arg7[%get3A_517, %get3A_518] {strides = array<i32>} : memref<40x768xf32, #tpu.memory_space<vmem>>, vector<1x16xf32>,
        %get3A_520 = vector.shape_cast %get3A_519 : vector<1x16xf32> to vector<16xf32>
        %get3A_521 = arith.constant 9 : i32
        %get3A_522 = arith.index_cast %get3A_521 : i32 to index
        %get3A_523 = arith.index_cast %mul3A_331 : i32 to index
        %get3A_524 = tpu.vector_load %arg7[%get3A_522, %get3A_523] {strides = array<i32>} : memref<40x768xf32, #tpu.memory_space<vmem>>, vector<1x16xf32>,
        %get3A_525 = vector.shape_cast %get3A_524 : vector<1x16xf32> to vector<16xf32>
        %get3A_526 = arith.constant 13 : i32
        %get3A_527 = arith.index_cast %get3A_526 : i32 to index
        %get3A_528 = arith.index_cast %mul3A_331 : i32 to index
        %get3A_529 = tpu.vector_load %arg7[%get3A_527, %get3A_528] {strides = array<i32>} : memref<40x768xf32, #tpu.memory_space<vmem>>, vector<1x16xf32>,
        %get3A_530 = vector.shape_cast %get3A_529 : vector<1x16xf32> to vector<16xf32>
        %get3A_531 = arith.constant 17 : i32
        %get3A_532 = arith.index_cast %get3A_531 : i32 to index
        %get3A_533 = arith.index_cast %mul3A_331 : i32 to index
        %get3A_534 = tpu.vector_load %arg7[%get3A_532, %get3A_533] {strides = array<i32>} : memref<40x768xf32, #tpu.memory_space<vmem>>, vector<1x16xf32>,
        %get3A_535 = vector.shape_cast %get3A_534 : vector<1x16xf32> to vector<16xf32>
        %get3A_536 = arith.constant 21 : i32
        %get3A_537 = arith.index_cast %get3A_536 : i32 to index
        %get3A_538 = arith.index_cast %mul3A_331 : i32 to index
        %get3A_539 = tpu.vector_load %arg7[%get3A_537, %get3A_538] {strides = array<i32>} : memref<40x768xf32, #tpu.memory_space<vmem>>, vector<1x16xf32>,
        %get3A_540 = vector.shape_cast %get3A_539 : vector<1x16xf32> to vector<16xf32>
        %get3A_541 = arith.constant 25 : i32
        %get3A_542 = arith.index_cast %get3A_541 : i32 to index
        %get3A_543 = arith.index_cast %mul3A_331 : i32 to index
        %get3A_544 = tpu.vector_load %arg7[%get3A_542, %get3A_543] {strides = array<i32>} : memref<40x768xf32, #tpu.memory_space<vmem>>, vector<1x16xf32>,
        %get3A_545 = vector.shape_cast %get3A_544 : vector<1x16xf32> to vector<16xf32>
        %get3A_546 = arith.constant 29 : i32
        %get3A_547 = arith.index_cast %get3A_546 : i32 to index
        %get3A_548 = arith.index_cast %mul3A_331 : i32 to index
        %get3A_549 = tpu.vector_load %arg7[%get3A_547, %get3A_548] {strides = array<i32>} : memref<40x768xf32, #tpu.memory_space<vmem>>, vector<1x16xf32>,
        %get3A_550 = vector.shape_cast %get3A_549 : vector<1x16xf32> to vector<16xf32>
        %get3A_551 = arith.constant 33 : i32
        %get3A_552 = arith.index_cast %get3A_551 : i32 to index
        %get3A_553 = arith.index_cast %mul3A_331 : i32 to index
        %get3A_554 = tpu.vector_load %arg7[%get3A_552, %get3A_553] {strides = array<i32>} : memref<40x768xf32, #tpu.memory_space<vmem>>, vector<1x16xf32>,
        %get3A_555 = vector.shape_cast %get3A_554 : vector<1x16xf32> to vector<16xf32>
        %mul3A_556 = arith.mulf %get3A_515, %get3A_6 : vector<16xf32>
        %mul3A_557 = arith.mulf %get3A_520, %get3A_11 : vector<16xf32>
        %add3A_558 = arith.addf %mul3A_556, %mul3A_557 : vector<16xf32>
        %mul3A_559 = arith.mulf %get3A_525, %get3A_16 : vector<16xf32>
        %add3A_560 = arith.addf %add3A_558, %mul3A_559 : vector<16xf32>
        %mul3A_561 = arith.mulf %get3A_530, %get3A_21 : vector<16xf32>
        %add3A_562 = arith.addf %add3A_560, %mul3A_561 : vector<16xf32>
        %mul3A_563 = arith.mulf %get3A_535, %get3A_26 : vector<16xf32>
        %add3A_564 = arith.addf %add3A_562, %mul3A_563 : vector<16xf32>
        %mul3A_565 = arith.mulf %get3A_540, %get3A_31 : vector<16xf32>
        %add3A_566 = arith.addf %add3A_564, %mul3A_565 : vector<16xf32>
        %mul3A_567 = arith.mulf %get3A_545, %get3A_36 : vector<16xf32>
        %add3A_568 = arith.addf %add3A_566, %mul3A_567 : vector<16xf32>
        %mul3A_569 = arith.mulf %get3A_550, %get3A_41 : vector<16xf32>
        %add3A_570 = arith.addf %add3A_568, %mul3A_569 : vector<16xf32>
        %mul3A_571 = arith.mulf %get3A_555, %get3A_46 : vector<16xf32>
        %add3A_572 = arith.addf %add3A_570, %mul3A_571 : vector<16xf32>
        %mul3A_573 = arith.constant 16 : i32
        %mul3A_574 = arith.muli %scan3A_329, %mul3A_573 : i32
        %add3A_575 = arith.constant 0 : i32
        %add3A_576 = arith.addi %add3A_575, %mul3A_574 : i32
        %swap3A_577 = arith.constant 1 : i32
        %swap3A_578 = arith.index_cast %swap3A_577 : i32 to index
        %swap3A_579 = arith.index_cast %add3A_576 : i32 to index
        %swap3A_580 = tpu.vector_load %arg9[%swap3A_578, %swap3A_579] {strides = array<i32>} : memref<4x3840xf32, #tpu.memory_space<vmem>>, vector<1x16xf32>,
        %swap3A_581 = vector.shape_cast %swap3A_580 : vector<1x16xf32> to vector<16xf32>
        %swap3A_582 = vector.shape_cast %add3A_572 : vector<16xf32> to vector<1x16xf32>
        tpu.vector_store %arg9[%swap3A_578, %swap3A_579], %swap3A_582 {strides = array<i32>} : memref<4x3840xf32, #tpu.memory_space<vmem>>, vector<1x16xf32>,
        %mul3A_583 = arith.mulf %get3A_515, %get3A_51 : vector<16xf32>
        %mul3A_584 = arith.mulf %get3A_520, %get3A_56 : vector<16xf32>
        %add3A_585 = arith.addf %mul3A_583, %mul3A_584 : vector<16xf32>
        %mul3A_586 = arith.mulf %get3A_525, %get3A_61 : vector<16xf32>
        %add3A_587 = arith.addf %add3A_585, %mul3A_586 : vector<16xf32>
        %mul3A_588 = arith.mulf %get3A_530, %get3A_66 : vector<16xf32>
        %add3A_589 = arith.addf %add3A_587, %mul3A_588 : vector<16xf32>
        %mul3A_590 = arith.mulf %get3A_535, %get3A_71 : vector<16xf32>
        %add3A_591 = arith.addf %add3A_589, %mul3A_590 : vector<16xf32>
        %mul3A_592 = arith.mulf %get3A_540, %get3A_76 : vector<16xf32>
        %add3A_593 = arith.addf %add3A_591, %mul3A_592 : vector<16xf32>
        %mul3A_594 = arith.mulf %get3A_545, %get3A_81 : vector<16xf32>
        %add3A_595 = arith.addf %add3A_593, %mul3A_594 : vector<16xf32>
        %mul3A_596 = arith.mulf %get3A_550, %get3A_86 : vector<16xf32>
        %add3A_597 = arith.addf %add3A_595, %mul3A_596 : vector<16xf32>
        %mul3A_598 = arith.mulf %get3A_555, %get3A_91 : vector<16xf32>
        %add3A_599 = arith.addf %add3A_597, %mul3A_598 : vector<16xf32>
        %mul3A_600 = arith.constant 16 : i32
        %mul3A_601 = arith.muli %scan3A_329, %mul3A_600 : i32
        %add3A_602 = arith.constant 768 : i32
        %add3A_603 = arith.addi %add3A_602, %mul3A_601 : i32
        %swap3A_604 = arith.constant 1 : i32
        %swap3A_605 = arith.index_cast %swap3A_604 : i32 to index
        %swap3A_606 = arith.index_cast %add3A_603 : i32 to index
        %swap3A_607 = tpu.vector_load %arg9[%swap3A_605, %swap3A_606] {strides = array<i32>} : memref<4x3840xf32, #tpu.memory_space<vmem>>, vector<1x16xf32>,
        %swap3A_608 = vector.shape_cast %swap3A_607 : vector<1x16xf32> to vector<16xf32>
        %swap3A_609 = vector.shape_cast %add3A_599 : vector<16xf32> to vector<1x16xf32>
        tpu.vector_store %arg9[%swap3A_605, %swap3A_606], %swap3A_609 {strides = array<i32>} : memref<4x3840xf32, #tpu.memory_space<vmem>>, vector<1x16xf32>,
        %mul3A_610 = arith.mulf %get3A_515, %get3A_96 : vector<16xf32>
        %mul3A_611 = arith.mulf %get3A_520, %get3A_101 : vector<16xf32>
        %add3A_612 = arith.addf %mul3A_610, %mul3A_611 : vector<16xf32>
        %mul3A_613 = arith.mulf %get3A_525, %get3A_106 : vector<16xf32>
        %add3A_614 = arith.addf %add3A_612, %mul3A_613 : vector<16xf32>
        %mul3A_615 = arith.mulf %get3A_530, %get3A_111 : vector<16xf32>
        %add3A_616 = arith.addf %add3A_614, %mul3A_615 : vector<16xf32>
        %mul3A_617 = arith.mulf %get3A_535, %get3A_116 : vector<16xf32>
        %add3A_618 = arith.addf %add3A_616, %mul3A_617 : vector<16xf32>
        %mul3A_619 = arith.mulf %get3A_540, %get3A_121 : vector<16xf32>
        %add3A_620 = arith.addf %add3A_618, %mul3A_619 : vector<16xf32>
        %mul3A_621 = arith.mulf %get3A_545, %get3A_126 : vector<16xf32>
        %add3A_622 = arith.addf %add3A_620, %mul3A_621 : vector<16xf32>
        %mul3A_623 = arith.mulf %get3A_550, %get3A_131 : vector<16xf32>
        %add3A_624 = arith.addf %add3A_622, %mul3A_623 : vector<16xf32>
        %mul3A_625 = arith.mulf %get3A_555, %get3A_136 : vector<16xf32>
        %add3A_626 = arith.addf %add3A_624, %mul3A_625 : vector<16xf32>
        %mul3A_627 = arith.constant 16 : i32
        %mul3A_628 = arith.muli %scan3A_329, %mul3A_627 : i32
        %add3A_629 = arith.constant 1536 : i32
        %add3A_630 = arith.addi %add3A_629, %mul3A_628 : i32
        %swap3A_631 = arith.constant 1 : i32
        %swap3A_632 = arith.index_cast %swap3A_631 : i32 to index
        %swap3A_633 = arith.index_cast %add3A_630 : i32 to index
        %swap3A_634 = tpu.vector_load %arg9[%swap3A_632, %swap3A_633] {strides = array<i32>} : memref<4x3840xf32, #tpu.memory_space<vmem>>, vector<1x16xf32>,
        %swap3A_635 = vector.shape_cast %swap3A_634 : vector<1x16xf32> to vector<16xf32>
        %swap3A_636 = vector.shape_cast %add3A_626 : vector<16xf32> to vector<1x16xf32>
        tpu.vector_store %arg9[%swap3A_632, %swap3A_633], %swap3A_636 {strides = array<i32>} : memref<4x3840xf32, #tpu.memory_space<vmem>>, vector<1x16xf32>,
        %mul3A_637 = arith.mulf %get3A_515, %get3A_141 : vector<16xf32>
        %mul3A_638 = arith.mulf %get3A_520, %get3A_146 : vector<16xf32>
        %add3A_639 = arith.addf %mul3A_637, %mul3A_638 : vector<16xf32>
        %mul3A_640 = arith.mulf %get3A_525, %get3A_151 : vector<16xf32>
        %add3A_641 = arith.addf %add3A_639, %mul3A_640 : vector<16xf32>
        %mul3A_642 = arith.mulf %get3A_530, %get3A_156 : vector<16xf32>
        %add3A_643 = arith.addf %add3A_641, %mul3A_642 : vector<16xf32>
        %mul3A_644 = arith.mulf %get3A_535, %get3A_161 : vector<16xf32>
        %add3A_645 = arith.addf %add3A_643, %mul3A_644 : vector<16xf32>
        %mul3A_646 = arith.mulf %get3A_540, %get3A_166 : vector<16xf32>
        %add3A_647 = arith.addf %add3A_645, %mul3A_646 : vector<16xf32>
        %mul3A_648 = arith.mulf %get3A_545, %get3A_171 : vector<16xf32>
        %add3A_649 = arith.addf %add3A_647, %mul3A_648 : vector<16xf32>
        %mul3A_650 = arith.mulf %get3A_550, %get3A_176 : vector<16xf32>
        %add3A_651 = arith.addf %add3A_649, %mul3A_650 : vector<16xf32>
        %mul3A_652 = arith.mulf %get3A_555, %get3A_181 : vector<16xf32>
        %add3A_653 = arith.addf %add3A_651, %mul3A_652 : vector<16xf32>
        %mul3A_654 = arith.constant 16 : i32
        %mul3A_655 = arith.muli %scan3A_329, %mul3A_654 : i32
        %add3A_656 = arith.constant 2304 : i32
        %add3A_657 = arith.addi %add3A_656, %mul3A_655 : i32
        %swap3A_658 = arith.constant 1 : i32
        %swap3A_659 = arith.index_cast %swap3A_658 : i32 to index
        %swap3A_660 = arith.index_cast %add3A_657 : i32 to index
        %swap3A_661 = tpu.vector_load %arg9[%swap3A_659, %swap3A_660] {strides = array<i32>} : memref<4x3840xf32, #tpu.memory_space<vmem>>, vector<1x16xf32>,
        %swap3A_662 = vector.shape_cast %swap3A_661 : vector<1x16xf32> to vector<16xf32>
        %swap3A_663 = vector.shape_cast %add3A_653 : vector<16xf32> to vector<1x16xf32>
        tpu.vector_store %arg9[%swap3A_659, %swap3A_660], %swap3A_663 {strides = array<i32>} : memref<4x3840xf32, #tpu.memory_space<vmem>>, vector<1x16xf32>,
        %mul3A_664 = arith.mulf %get3A_515, %get3A_186 : vector<16xf32>
        %mul3A_665 = arith.mulf %get3A_520, %get3A_191 : vector<16xf32>
        %add3A_666 = arith.addf %mul3A_664, %mul3A_665 : vector<16xf32>
        %mul3A_667 = arith.mulf %get3A_525, %get3A_196 : vector<16xf32>
        %add3A_668 = arith.addf %add3A_666, %mul3A_667 : vector<16xf32>
        %mul3A_669 = arith.mulf %get3A_530, %get3A_201 : vector<16xf32>
        %add3A_670 = arith.addf %add3A_668, %mul3A_669 : vector<16xf32>
        %mul3A_671 = arith.mulf %get3A_535, %get3A_206 : vector<16xf32>
        %add3A_672 = arith.addf %add3A_670, %mul3A_671 : vector<16xf32>
        %mul3A_673 = arith.mulf %get3A_540, %get3A_211 : vector<16xf32>
        %add3A_674 = arith.addf %add3A_672, %mul3A_673 : vector<16xf32>
        %mul3A_675 = arith.mulf %get3A_545, %get3A_216 : vector<16xf32>
        %add3A_676 = arith.addf %add3A_674, %mul3A_675 : vector<16xf32>
        %mul3A_677 = arith.mulf %get3A_550, %get3A_221 : vector<16xf32>
        %add3A_678 = arith.addf %add3A_676, %mul3A_677 : vector<16xf32>
        %mul3A_679 = arith.mulf %get3A_555, %get3A_226 : vector<16xf32>
        %add3A_680 = arith.addf %add3A_678, %mul3A_679 : vector<16xf32>
        %mul3A_681 = arith.constant 16 : i32
        %mul3A_682 = arith.muli %scan3A_329, %mul3A_681 : i32
        %add3A_683 = arith.constant 3072 : i32
        %add3A_684 = arith.addi %add3A_683, %mul3A_682 : i32
        %swap3A_685 = arith.constant 1 : i32
        %swap3A_686 = arith.index_cast %swap3A_685 : i32 to index
        %swap3A_687 = arith.index_cast %add3A_684 : i32 to index
        %swap3A_688 = tpu.vector_load %arg9[%swap3A_686, %swap3A_687] {strides = array<i32>} : memref<4x3840xf32, #tpu.memory_space<vmem>>, vector<1x16xf32>,
        %swap3A_689 = vector.shape_cast %swap3A_688 : vector<1x16xf32> to vector<16xf32>
        %swap3A_690 = vector.shape_cast %add3A_680 : vector<16xf32> to vector<1x16xf32>
        tpu.vector_store %arg9[%swap3A_686, %swap3A_687], %swap3A_690 {strides = array<i32>} : memref<4x3840xf32, #tpu.memory_space<vmem>>, vector<1x16xf32>,
        %get3A_691 = arith.constant 2 : i32
        %get3A_692 = arith.index_cast %get3A_691 : i32 to index
        %get3A_693 = arith.index_cast %mul3A_331 : i32 to index
        %get3A_694 = tpu.vector_load %arg7[%get3A_692, %get3A_693] {strides = array<i32>} : memref<40x768xf32, #tpu.memory_space<vmem>>, vector<1x16xf32>,
        %get3A_695 = vector.shape_cast %get3A_694 : vector<1x16xf32> to vector<16xf32>
        %get3A_696 = arith.constant 6 : i32
        %get3A_697 = arith.index_cast %get3A_696 : i32 to index
        %get3A_698 = arith.index_cast %mul3A_331 : i32 to index
        %get3A_699 = tpu.vector_load %arg7[%get3A_697, %get3A_698] {strides = array<i32>} : memref<40x768xf32, #tpu.memory_space<vmem>>, vector<1x16xf32>,
        %get3A_700 = vector.shape_cast %get3A_699 : vector<1x16xf32> to vector<16xf32>
        %get3A_701 = arith.constant 10 : i32
        %get3A_702 = arith.index_cast %get3A_701 : i32 to index
        %get3A_703 = arith.index_cast %mul3A_331 : i32 to index
        %get3A_704 = tpu.vector_load %arg7[%get3A_702, %get3A_703] {strides = array<i32>} : memref<40x768xf32, #tpu.memory_space<vmem>>, vector<1x16xf32>,
        %get3A_705 = vector.shape_cast %get3A_704 : vector<1x16xf32> to vector<16xf32>
        %get3A_706 = arith.constant 14 : i32
        %get3A_707 = arith.index_cast %get3A_706 : i32 to index
        %get3A_708 = arith.index_cast %mul3A_331 : i32 to index
        %get3A_709 = tpu.vector_load %arg7[%get3A_707, %get3A_708] {strides = array<i32>} : memref<40x768xf32, #tpu.memory_space<vmem>>, vector<1x16xf32>,
        %get3A_710 = vector.shape_cast %get3A_709 : vector<1x16xf32> to vector<16xf32>
        %get3A_711 = arith.constant 18 : i32
        %get3A_712 = arith.index_cast %get3A_711 : i32 to index
        %get3A_713 = arith.index_cast %mul3A_331 : i32 to index
        %get3A_714 = tpu.vector_load %arg7[%get3A_712, %get3A_713] {strides = array<i32>} : memref<40x768xf32, #tpu.memory_space<vmem>>, vector<1x16xf32>,
        %get3A_715 = vector.shape_cast %get3A_714 : vector<1x16xf32> to vector<16xf32>
        %get3A_716 = arith.constant 22 : i32
        %get3A_717 = arith.index_cast %get3A_716 : i32 to index
        %get3A_718 = arith.index_cast %mul3A_331 : i32 to index
        %get3A_719 = tpu.vector_load %arg7[%get3A_717, %get3A_718] {strides = array<i32>} : memref<40x768xf32, #tpu.memory_space<vmem>>, vector<1x16xf32>,
        %get3A_720 = vector.shape_cast %get3A_719 : vector<1x16xf32> to vector<16xf32>
        %get3A_721 = arith.constant 26 : i32
        %get3A_722 = arith.index_cast %get3A_721 : i32 to index
        %get3A_723 = arith.index_cast %mul3A_331 : i32 to index
        %get3A_724 = tpu.vector_load %arg7[%get3A_722, %get3A_723] {strides = array<i32>} : memref<40x768xf32, #tpu.memory_space<vmem>>, vector<1x16xf32>,
        %get3A_725 = vector.shape_cast %get3A_724 : vector<1x16xf32> to vector<16xf32>
        %get3A_726 = arith.constant 30 : i32
        %get3A_727 = arith.index_cast %get3A_726 : i32 to index
        %get3A_728 = arith.index_cast %mul3A_331 : i32 to index
        %get3A_729 = tpu.vector_load %arg7[%get3A_727, %get3A_728] {strides = array<i32>} : memref<40x768xf32, #tpu.memory_space<vmem>>, vector<1x16xf32>,
        %get3A_730 = vector.shape_cast %get3A_729 : vector<1x16xf32> to vector<16xf32>
        %get3A_731 = arith.constant 34 : i32
        %get3A_732 = arith.index_cast %get3A_731 : i32 to index
        %get3A_733 = arith.index_cast %mul3A_331 : i32 to index
        %get3A_734 = tpu.vector_load %arg7[%get3A_732, %get3A_733] {strides = array<i32>} : memref<40x768xf32, #tpu.memory_space<vmem>>, vector<1x16xf32>,
        %get3A_735 = vector.shape_cast %get3A_734 : vector<1x16xf32> to vector<16xf32>
        %mul3A_736 = arith.mulf %get3A_695, %get3A_6 : vector<16xf32>
        %mul3A_737 = arith.mulf %get3A_700, %get3A_11 : vector<16xf32>
        %add3A_738 = arith.addf %mul3A_736, %mul3A_737 : vector<16xf32>
        %mul3A_739 = arith.mulf %get3A_705, %get3A_16 : vector<16xf32>
        %add3A_740 = arith.addf %add3A_738, %mul3A_739 : vector<16xf32>
        %mul3A_741 = arith.mulf %get3A_710, %get3A_21 : vector<16xf32>
        %add3A_742 = arith.addf %add3A_740, %mul3A_741 : vector<16xf32>
        %mul3A_743 = arith.mulf %get3A_715, %get3A_26 : vector<16xf32>
        %add3A_744 = arith.addf %add3A_742, %mul3A_743 : vector<16xf32>
        %mul3A_745 = arith.mulf %get3A_720, %get3A_31 : vector<16xf32>
        %add3A_746 = arith.addf %add3A_744, %mul3A_745 : vector<16xf32>
        %mul3A_747 = arith.mulf %get3A_725, %get3A_36 : vector<16xf32>
        %add3A_748 = arith.addf %add3A_746, %mul3A_747 : vector<16xf32>
        %mul3A_749 = arith.mulf %get3A_730, %get3A_41 : vector<16xf32>
        %add3A_750 = arith.addf %add3A_748, %mul3A_749 : vector<16xf32>
        %mul3A_751 = arith.mulf %get3A_735, %get3A_46 : vector<16xf32>
        %add3A_752 = arith.addf %add3A_750, %mul3A_751 : vector<16xf32>
        %mul3A_753 = arith.constant 16 : i32
        %mul3A_754 = arith.muli %scan3A_329, %mul3A_753 : i32
        %add3A_755 = arith.constant 0 : i32
        %add3A_756 = arith.addi %add3A_755, %mul3A_754 : i32
        %swap3A_757 = arith.constant 2 : i32
        %swap3A_758 = arith.index_cast %swap3A_757 : i32 to index
        %swap3A_759 = arith.index_cast %add3A_756 : i32 to index
        %swap3A_760 = tpu.vector_load %arg9[%swap3A_758, %swap3A_759] {strides = array<i32>} : memref<4x3840xf32, #tpu.memory_space<vmem>>, vector<1x16xf32>,
        %swap3A_761 = vector.shape_cast %swap3A_760 : vector<1x16xf32> to vector<16xf32>
        %swap3A_762 = vector.shape_cast %add3A_752 : vector<16xf32> to vector<1x16xf32>
        tpu.vector_store %arg9[%swap3A_758, %swap3A_759], %swap3A_762 {strides = array<i32>} : memref<4x3840xf32, #tpu.memory_space<vmem>>, vector<1x16xf32>,
        %mul3A_763 = arith.mulf %get3A_695, %get3A_51 : vector<16xf32>
        %mul3A_764 = arith.mulf %get3A_700, %get3A_56 : vector<16xf32>
        %add3A_765 = arith.addf %mul3A_763, %mul3A_764 : vector<16xf32>
        %mul3A_766 = arith.mulf %get3A_705, %get3A_61 : vector<16xf32>
        %add3A_767 = arith.addf %add3A_765, %mul3A_766 : vector<16xf32>
        %mul3A_768 = arith.mulf %get3A_710, %get3A_66 : vector<16xf32>
        %add3A_769 = arith.addf %add3A_767, %mul3A_768 : vector<16xf32>
        %mul3A_770 = arith.mulf %get3A_715, %get3A_71 : vector<16xf32>
        %add3A_771 = arith.addf %add3A_769, %mul3A_770 : vector<16xf32>
        %mul3A_772 = arith.mulf %get3A_720, %get3A_76 : vector<16xf32>
        %add3A_773 = arith.addf %add3A_771, %mul3A_772 : vector<16xf32>
        %mul3A_774 = arith.mulf %get3A_725, %get3A_81 : vector<16xf32>
        %add3A_775 = arith.addf %add3A_773, %mul3A_774 : vector<16xf32>
        %mul3A_776 = arith.mulf %get3A_730, %get3A_86 : vector<16xf32>
        %add3A_777 = arith.addf %add3A_775, %mul3A_776 : vector<16xf32>
        %mul3A_778 = arith.mulf %get3A_735, %get3A_91 : vector<16xf32>
        %add3A_779 = arith.addf %add3A_777, %mul3A_778 : vector<16xf32>
        %mul3A_780 = arith.constant 16 : i32
        %mul3A_781 = arith.muli %scan3A_329, %mul3A_780 : i32
        %add3A_782 = arith.constant 768 : i32
        %add3A_783 = arith.addi %add3A_782, %mul3A_781 : i32
        %swap3A_784 = arith.constant 2 : i32
        %swap3A_785 = arith.index_cast %swap3A_784 : i32 to index
        %swap3A_786 = arith.index_cast %add3A_783 : i32 to index
        %swap3A_787 = tpu.vector_load %arg9[%swap3A_785, %swap3A_786] {strides = array<i32>} : memref<4x3840xf32, #tpu.memory_space<vmem>>, vector<1x16xf32>,
        %swap3A_788 = vector.shape_cast %swap3A_787 : vector<1x16xf32> to vector<16xf32>
        %swap3A_789 = vector.shape_cast %add3A_779 : vector<16xf32> to vector<1x16xf32>
        tpu.vector_store %arg9[%swap3A_785, %swap3A_786], %swap3A_789 {strides = array<i32>} : memref<4x3840xf32, #tpu.memory_space<vmem>>, vector<1x16xf32>,
        %mul3A_790 = arith.mulf %get3A_695, %get3A_96 : vector<16xf32>
        %mul3A_791 = arith.mulf %get3A_700, %get3A_101 : vector<16xf32>
        %add3A_792 = arith.addf %mul3A_790, %mul3A_791 : vector<16xf32>
        %mul3A_793 = arith.mulf %get3A_705, %get3A_106 : vector<16xf32>
        %add3A_794 = arith.addf %add3A_792, %mul3A_793 : vector<16xf32>
        %mul3A_795 = arith.mulf %get3A_710, %get3A_111 : vector<16xf32>
        %add3A_796 = arith.addf %add3A_794, %mul3A_795 : vector<16xf32>
        %mul3A_797 = arith.mulf %get3A_715, %get3A_116 : vector<16xf32>
        %add3A_798 = arith.addf %add3A_796, %mul3A_797 : vector<16xf32>
        %mul3A_799 = arith.mulf %get3A_720, %get3A_121 : vector<16xf32>
        %add3A_800 = arith.addf %add3A_798, %mul3A_799 : vector<16xf32>
        %mul3A_801 = arith.mulf %get3A_725, %get3A_126 : vector<16xf32>
        %add3A_802 = arith.addf %add3A_800, %mul3A_801 : vector<16xf32>
        %mul3A_803 = arith.mulf %get3A_730, %get3A_131 : vector<16xf32>
        %add3A_804 = arith.addf %add3A_802, %mul3A_803 : vector<16xf32>
        %mul3A_805 = arith.mulf %get3A_735, %get3A_136 : vector<16xf32>
        %add3A_806 = arith.addf %add3A_804, %mul3A_805 : vector<16xf32>
        %mul3A_807 = arith.constant 16 : i32
        %mul3A_808 = arith.muli %scan3A_329, %mul3A_807 : i32
        %add3A_809 = arith.constant 1536 : i32
        %add3A_810 = arith.addi %add3A_809, %mul3A_808 : i32
        %swap3A_811 = arith.constant 2 : i32
        %swap3A_812 = arith.index_cast %swap3A_811 : i32 to index
        %swap3A_813 = arith.index_cast %add3A_810 : i32 to index
        %swap3A_814 = tpu.vector_load %arg9[%swap3A_812, %swap3A_813] {strides = array<i32>} : memref<4x3840xf32, #tpu.memory_space<vmem>>, vector<1x16xf32>,
        %swap3A_815 = vector.shape_cast %swap3A_814 : vector<1x16xf32> to vector<16xf32>
        %swap3A_816 = vector.shape_cast %add3A_806 : vector<16xf32> to vector<1x16xf32>
        tpu.vector_store %arg9[%swap3A_812, %swap3A_813], %swap3A_816 {strides = array<i32>} : memref<4x3840xf32, #tpu.memory_space<vmem>>, vector<1x16xf32>,
        %mul3A_817 = arith.mulf %get3A_695, %get3A_141 : vector<16xf32>
        %mul3A_818 = arith.mulf %get3A_700, %get3A_146 : vector<16xf32>
        %add3A_819 = arith.addf %mul3A_817, %mul3A_818 : vector<16xf32>
        %mul3A_820 = arith.mulf %get3A_705, %get3A_151 : vector<16xf32>
        %add3A_821 = arith.addf %add3A_819, %mul3A_820 : vector<16xf32>
        %mul3A_822 = arith.mulf %get3A_710, %get3A_156 : vector<16xf32>
        %add3A_823 = arith.addf %add3A_821, %mul3A_822 : vector<16xf32>
        %mul3A_824 = arith.mulf %get3A_715, %get3A_161 : vector<16xf32>
        %add3A_825 = arith.addf %add3A_823, %mul3A_824 : vector<16xf32>
        %mul3A_826 = arith.mulf %get3A_720, %get3A_166 : vector<16xf32>
        %add3A_827 = arith.addf %add3A_825, %mul3A_826 : vector<16xf32>
        %mul3A_828 = arith.mulf %get3A_725, %get3A_171 : vector<16xf32>
        %add3A_829 = arith.addf %add3A_827, %mul3A_828 : vector<16xf32>
        %mul3A_830 = arith.mulf %get3A_730, %get3A_176 : vector<16xf32>
        %add3A_831 = arith.addf %add3A_829, %mul3A_830 : vector<16xf32>
        %mul3A_832 = arith.mulf %get3A_735, %get3A_181 : vector<16xf32>
        %add3A_833 = arith.addf %add3A_831, %mul3A_832 : vector<16xf32>
        %mul3A_834 = arith.constant 16 : i32
        %mul3A_835 = arith.muli %scan3A_329, %mul3A_834 : i32
        %add3A_836 = arith.constant 2304 : i32
        %add3A_837 = arith.addi %add3A_836, %mul3A_835 : i32
        %swap3A_838 = arith.constant 2 : i32
        %swap3A_839 = arith.index_cast %swap3A_838 : i32 to index
        %swap3A_840 = arith.index_cast %add3A_837 : i32 to index
        %swap3A_841 = tpu.vector_load %arg9[%swap3A_839, %swap3A_840] {strides = array<i32>} : memref<4x3840xf32, #tpu.memory_space<vmem>>, vector<1x16xf32>,
        %swap3A_842 = vector.shape_cast %swap3A_841 : vector<1x16xf32> to vector<16xf32>
        %swap3A_843 = vector.shape_cast %add3A_833 : vector<16xf32> to vector<1x16xf32>
        tpu.vector_store %arg9[%swap3A_839, %swap3A_840], %swap3A_843 {strides = array<i32>} : memref<4x3840xf32, #tpu.memory_space<vmem>>, vector<1x16xf32>,
        %mul3A_844 = arith.mulf %get3A_695, %get3A_186 : vector<16xf32>
        %mul3A_845 = arith.mulf %get3A_700, %get3A_191 : vector<16xf32>
        %add3A_846 = arith.addf %mul3A_844, %mul3A_845 : vector<16xf32>
        %mul3A_847 = arith.mulf %get3A_705, %get3A_196 : vector<16xf32>
        %add3A_848 = arith.addf %add3A_846, %mul3A_847 : vector<16xf32>
        %mul3A_849 = arith.mulf %get3A_710, %get3A_201 : vector<16xf32>
        %add3A_850 = arith.addf %add3A_848, %mul3A_849 : vector<16xf32>
        %mul3A_851 = arith.mulf %get3A_715, %get3A_206 : vector<16xf32>
        %add3A_852 = arith.addf %add3A_850, %mul3A_851 : vector<16xf32>
        %mul3A_853 = arith.mulf %get3A_720, %get3A_211 : vector<16xf32>
        %add3A_854 = arith.addf %add3A_852, %mul3A_853 : vector<16xf32>
        %mul3A_855 = arith.mulf %get3A_725, %get3A_216 : vector<16xf32>
        %add3A_856 = arith.addf %add3A_854, %mul3A_855 : vector<16xf32>
        %mul3A_857 = arith.mulf %get3A_730, %get3A_221 : vector<16xf32>
        %add3A_858 = arith.addf %add3A_856, %mul3A_857 : vector<16xf32>
        %mul3A_859 = arith.mulf %get3A_735, %get3A_226 : vector<16xf32>
        %add3A_860 = arith.addf %add3A_858, %mul3A_859 : vector<16xf32>
        %mul3A_861 = arith.constant 16 : i32
        %mul3A_862 = arith.muli %scan3A_329, %mul3A_861 : i32
        %add3A_863 = arith.constant 3072 : i32
        %add3A_864 = arith.addi %add3A_863, %mul3A_862 : i32
        %swap3A_865 = arith.constant 2 : i32
        %swap3A_866 = arith.index_cast %swap3A_865 : i32 to index
        %swap3A_867 = arith.index_cast %add3A_864 : i32 to index
        %swap3A_868 = tpu.vector_load %arg9[%swap3A_866, %swap3A_867] {strides = array<i32>} : memref<4x3840xf32, #tpu.memory_space<vmem>>, vector<1x16xf32>,
        %swap3A_869 = vector.shape_cast %swap3A_868 : vector<1x16xf32> to vector<16xf32>
        %swap3A_870 = vector.shape_cast %add3A_860 : vector<16xf32> to vector<1x16xf32>
        tpu.vector_store %arg9[%swap3A_866, %swap3A_867], %swap3A_870 {strides = array<i32>} : memref<4x3840xf32, #tpu.memory_space<vmem>>, vector<1x16xf32>,
        %get3A_871 = arith.constant 3 : i32
        %get3A_872 = arith.index_cast %get3A_871 : i32 to index
        %get3A_873 = arith.index_cast %mul3A_331 : i32 to index
        %get3A_874 = tpu.vector_load %arg7[%get3A_872, %get3A_873] {strides = array<i32>} : memref<40x768xf32, #tpu.memory_space<vmem>>, vector<1x16xf32>,
        %get3A_875 = vector.shape_cast %get3A_874 : vector<1x16xf32> to vector<16xf32>
        %get3A_876 = arith.constant 7 : i32
        %get3A_877 = arith.index_cast %get3A_876 : i32 to index
        %get3A_878 = arith.index_cast %mul3A_331 : i32 to index
        %get3A_879 = tpu.vector_load %arg7[%get3A_877, %get3A_878] {strides = array<i32>} : memref<40x768xf32, #tpu.memory_space<vmem>>, vector<1x16xf32>,
        %get3A_880 = vector.shape_cast %get3A_879 : vector<1x16xf32> to vector<16xf32>
        %get3A_881 = arith.constant 11 : i32
        %get3A_882 = arith.index_cast %get3A_881 : i32 to index
        %get3A_883 = arith.index_cast %mul3A_331 : i32 to index
        %get3A_884 = tpu.vector_load %arg7[%get3A_882, %get3A_883] {strides = array<i32>} : memref<40x768xf32, #tpu.memory_space<vmem>>, vector<1x16xf32>,
        %get3A_885 = vector.shape_cast %get3A_884 : vector<1x16xf32> to vector<16xf32>
        %get3A_886 = arith.constant 15 : i32
        %get3A_887 = arith.index_cast %get3A_886 : i32 to index
        %get3A_888 = arith.index_cast %mul3A_331 : i32 to index
        %get3A_889 = tpu.vector_load %arg7[%get3A_887, %get3A_888] {strides = array<i32>} : memref<40x768xf32, #tpu.memory_space<vmem>>, vector<1x16xf32>,
        %get3A_890 = vector.shape_cast %get3A_889 : vector<1x16xf32> to vector<16xf32>
        %get3A_891 = arith.constant 19 : i32
        %get3A_892 = arith.index_cast %get3A_891 : i32 to index
        %get3A_893 = arith.index_cast %mul3A_331 : i32 to index
        %get3A_894 = tpu.vector_load %arg7[%get3A_892, %get3A_893] {strides = array<i32>} : memref<40x768xf32, #tpu.memory_space<vmem>>, vector<1x16xf32>,
        %get3A_895 = vector.shape_cast %get3A_894 : vector<1x16xf32> to vector<16xf32>
        %get3A_896 = arith.constant 23 : i32
        %get3A_897 = arith.index_cast %get3A_896 : i32 to index
        %get3A_898 = arith.index_cast %mul3A_331 : i32 to index
        %get3A_899 = tpu.vector_load %arg7[%get3A_897, %get3A_898] {strides = array<i32>} : memref<40x768xf32, #tpu.memory_space<vmem>>, vector<1x16xf32>,
        %get3A_900 = vector.shape_cast %get3A_899 : vector<1x16xf32> to vector<16xf32>
        %get3A_901 = arith.constant 27 : i32
        %get3A_902 = arith.index_cast %get3A_901 : i32 to index
        %get3A_903 = arith.index_cast %mul3A_331 : i32 to index
        %get3A_904 = tpu.vector_load %arg7[%get3A_902, %get3A_903] {strides = array<i32>} : memref<40x768xf32, #tpu.memory_space<vmem>>, vector<1x16xf32>,
        %get3A_905 = vector.shape_cast %get3A_904 : vector<1x16xf32> to vector<16xf32>
        %get3A_906 = arith.constant 31 : i32
        %get3A_907 = arith.index_cast %get3A_906 : i32 to index
        %get3A_908 = arith.index_cast %mul3A_331 : i32 to index
        %get3A_909 = tpu.vector_load %arg7[%get3A_907, %get3A_908] {strides = array<i32>} : memref<40x768xf32, #tpu.memory_space<vmem>>, vector<1x16xf32>,
        %get3A_910 = vector.shape_cast %get3A_909 : vector<1x16xf32> to vector<16xf32>
        %get3A_911 = arith.constant 35 : i32
        %get3A_912 = arith.index_cast %get3A_911 : i32 to index
        %get3A_913 = arith.index_cast %mul3A_331 : i32 to index
        %get3A_914 = tpu.vector_load %arg7[%get3A_912, %get3A_913] {strides = array<i32>} : memref<40x768xf32, #tpu.memory_space<vmem>>, vector<1x16xf32>,
        %get3A_915 = vector.shape_cast %get3A_914 : vector<1x16xf32> to vector<16xf32>
        %mul3A_916 = arith.mulf %get3A_875, %get3A_6 : vector<16xf32>
        %mul3A_917 = arith.mulf %get3A_880, %get3A_11 : vector<16xf32>
        %add3A_918 = arith.addf %mul3A_916, %mul3A_917 : vector<16xf32>
        %mul3A_919 = arith.mulf %get3A_885, %get3A_16 : vector<16xf32>
        %add3A_920 = arith.addf %add3A_918, %mul3A_919 : vector<16xf32>
        %mul3A_921 = arith.mulf %get3A_890, %get3A_21 : vector<16xf32>
        %add3A_922 = arith.addf %add3A_920, %mul3A_921 : vector<16xf32>
        %mul3A_923 = arith.mulf %get3A_895, %get3A_26 : vector<16xf32>
        %add3A_924 = arith.addf %add3A_922, %mul3A_923 : vector<16xf32>
        %mul3A_925 = arith.mulf %get3A_900, %get3A_31 : vector<16xf32>
        %add3A_926 = arith.addf %add3A_924, %mul3A_925 : vector<16xf32>
        %mul3A_927 = arith.mulf %get3A_905, %get3A_36 : vector<16xf32>
        %add3A_928 = arith.addf %add3A_926, %mul3A_927 : vector<16xf32>
        %mul3A_929 = arith.mulf %get3A_910, %get3A_41 : vector<16xf32>
        %add3A_930 = arith.addf %add3A_928, %mul3A_929 : vector<16xf32>
        %mul3A_931 = arith.mulf %get3A_915, %get3A_46 : vector<16xf32>
        %add3A_932 = arith.addf %add3A_930, %mul3A_931 : vector<16xf32>
        %mul3A_933 = arith.constant 16 : i32
        %mul3A_934 = arith.muli %scan3A_329, %mul3A_933 : i32
        %add3A_935 = arith.constant 0 : i32
        %add3A_936 = arith.addi %add3A_935, %mul3A_934 : i32
        %swap3A_937 = arith.constant 3 : i32
        %swap3A_938 = arith.index_cast %swap3A_937 : i32 to index
        %swap3A_939 = arith.index_cast %add3A_936 : i32 to index
        %swap3A_940 = tpu.vector_load %arg9[%swap3A_938, %swap3A_939] {strides = array<i32>} : memref<4x3840xf32, #tpu.memory_space<vmem>>, vector<1x16xf32>,
        %swap3A_941 = vector.shape_cast %swap3A_940 : vector<1x16xf32> to vector<16xf32>
        %swap3A_942 = vector.shape_cast %add3A_932 : vector<16xf32> to vector<1x16xf32>
        tpu.vector_store %arg9[%swap3A_938, %swap3A_939], %swap3A_942 {strides = array<i32>} : memref<4x3840xf32, #tpu.memory_space<vmem>>, vector<1x16xf32>,
        %mul3A_943 = arith.mulf %get3A_875, %get3A_51 : vector<16xf32>
        %mul3A_944 = arith.mulf %get3A_880, %get3A_56 : vector<16xf32>
        %add3A_945 = arith.addf %mul3A_943, %mul3A_944 : vector<16xf32>
        %mul3A_946 = arith.mulf %get3A_885, %get3A_61 : vector<16xf32>
        %add3A_947 = arith.addf %add3A_945, %mul3A_946 : vector<16xf32>
        %mul3A_948 = arith.mulf %get3A_890, %get3A_66 : vector<16xf32>
        %add3A_949 = arith.addf %add3A_947, %mul3A_948 : vector<16xf32>
        %mul3A_950 = arith.mulf %get3A_895, %get3A_71 : vector<16xf32>
        %add3A_951 = arith.addf %add3A_949, %mul3A_950 : vector<16xf32>
        %mul3A_952 = arith.mulf %get3A_900, %get3A_76 : vector<16xf32>
        %add3A_953 = arith.addf %add3A_951, %mul3A_952 : vector<16xf32>
        %mul3A_954 = arith.mulf %get3A_905, %get3A_81 : vector<16xf32>
        %add3A_955 = arith.addf %add3A_953, %mul3A_954 : vector<16xf32>
        %mul3A_956 = arith.mulf %get3A_910, %get3A_86 : vector<16xf32>
        %add3A_957 = arith.addf %add3A_955, %mul3A_956 : vector<16xf32>
        %mul3A_958 = arith.mulf %get3A_915, %get3A_91 : vector<16xf32>
        %add3A_959 = arith.addf %add3A_957, %mul3A_958 : vector<16xf32>
        %mul3A_960 = arith.constant 16 : i32
        %mul3A_961 = arith.muli %scan3A_329, %mul3A_960 : i32
        %add3A_962 = arith.constant 768 : i32
        %add3A_963 = arith.addi %add3A_962, %mul3A_961 : i32
        %swap3A_964 = arith.constant 3 : i32
        %swap3A_965 = arith.index_cast %swap3A_964 : i32 to index
        %swap3A_966 = arith.index_cast %add3A_963 : i32 to index
        %swap3A_967 = tpu.vector_load %arg9[%swap3A_965, %swap3A_966] {strides = array<i32>} : memref<4x3840xf32, #tpu.memory_space<vmem>>, vector<1x16xf32>,
        %swap3A_968 = vector.shape_cast %swap3A_967 : vector<1x16xf32> to vector<16xf32>
        %swap3A_969 = vector.shape_cast %add3A_959 : vector<16xf32> to vector<1x16xf32>
        tpu.vector_store %arg9[%swap3A_965, %swap3A_966], %swap3A_969 {strides = array<i32>} : memref<4x3840xf32, #tpu.memory_space<vmem>>, vector<1x16xf32>,
        %mul3A_970 = arith.mulf %get3A_875, %get3A_96 : vector<16xf32>
        %mul3A_971 = arith.mulf %get3A_880, %get3A_101 : vector<16xf32>
        %add3A_972 = arith.addf %mul3A_970, %mul3A_971 : vector<16xf32>
        %mul3A_973 = arith.mulf %get3A_885, %get3A_106 : vector<16xf32>
        %add3A_974 = arith.addf %add3A_972, %mul3A_973 : vector<16xf32>
        %mul3A_975 = arith.mulf %get3A_890, %get3A_111 : vector<16xf32>
        %add3A_976 = arith.addf %add3A_974, %mul3A_975 : vector<16xf32>
        %mul3A_977 = arith.mulf %get3A_895, %get3A_116 : vector<16xf32>
        %add3A_978 = arith.addf %add3A_976, %mul3A_977 : vector<16xf32>
        %mul3A_979 = arith.mulf %get3A_900, %get3A_121 : vector<16xf32>
        %add3A_980 = arith.addf %add3A_978, %mul3A_979 : vector<16xf32>
        %mul3A_981 = arith.mulf %get3A_905, %get3A_126 : vector<16xf32>
        %add3A_982 = arith.addf %add3A_980, %mul3A_981 : vector<16xf32>
        %mul3A_983 = arith.mulf %get3A_910, %get3A_131 : vector<16xf32>
        %add3A_984 = arith.addf %add3A_982, %mul3A_983 : vector<16xf32>
        %mul3A_985 = arith.mulf %get3A_915, %get3A_136 : vector<16xf32>
        %add3A_986 = arith.addf %add3A_984, %mul3A_985 : vector<16xf32>
        %mul3A_987 = arith.constant 16 : i32
        %mul3A_988 = arith.muli %scan3A_329, %mul3A_987 : i32
        %add3A_989 = arith.constant 1536 : i32
        %add3A_990 = arith.addi %add3A_989, %mul3A_988 : i32
        %swap3A_991 = arith.constant 3 : i32
        %swap3A_992 = arith.index_cast %swap3A_991 : i32 to index
        %swap3A_993 = arith.index_cast %add3A_990 : i32 to index
        %swap3A_994 = tpu.vector_load %arg9[%swap3A_992, %swap3A_993] {strides = array<i32>} : memref<4x3840xf32, #tpu.memory_space<vmem>>, vector<1x16xf32>,
        %swap3A_995 = vector.shape_cast %swap3A_994 : vector<1x16xf32> to vector<16xf32>
        %swap3A_996 = vector.shape_cast %add3A_986 : vector<16xf32> to vector<1x16xf32>
        tpu.vector_store %arg9[%swap3A_992, %swap3A_993], %swap3A_996 {strides = array<i32>} : memref<4x3840xf32, #tpu.memory_space<vmem>>, vector<1x16xf32>,
        %mul3A_997 = arith.mulf %get3A_875, %get3A_141 : vector<16xf32>
        %mul3A_998 = arith.mulf %get3A_880, %get3A_146 : vector<16xf32>
        %add3A_999 = arith.addf %mul3A_997, %mul3A_998 : vector<16xf32>
        %mul3A_1000 = arith.mulf %get3A_885, %get3A_151 : vector<16xf32>
        %add3A_1001 = arith.addf %add3A_999, %mul3A_1000 : vector<16xf32>
        %mul3A_1002 = arith.mulf %get3A_890, %get3A_156 : vector<16xf32>
        %add3A_1003 = arith.addf %add3A_1001, %mul3A_1002 : vector<16xf32>
        %mul3A_1004 = arith.mulf %get3A_895, %get3A_161 : vector<16xf32>
        %add3A_1005 = arith.addf %add3A_1003, %mul3A_1004 : vector<16xf32>
        %mul3A_1006 = arith.mulf %get3A_900, %get3A_166 : vector<16xf32>
        %add3A_1007 = arith.addf %add3A_1005, %mul3A_1006 : vector<16xf32>
        %mul3A_1008 = arith.mulf %get3A_905, %get3A_171 : vector<16xf32>
        %add3A_1009 = arith.addf %add3A_1007, %mul3A_1008 : vector<16xf32>
        %mul3A_1010 = arith.mulf %get3A_910, %get3A_176 : vector<16xf32>
        %add3A_1011 = arith.addf %add3A_1009, %mul3A_1010 : vector<16xf32>
        %mul3A_1012 = arith.mulf %get3A_915, %get3A_181 : vector<16xf32>
        %add3A_1013 = arith.addf %add3A_1011, %mul3A_1012 : vector<16xf32>
        %mul3A_1014 = arith.constant 16 : i32
        %mul3A_1015 = arith.muli %scan3A_329, %mul3A_1014 : i32
        %add3A_1016 = arith.constant 2304 : i32
        %add3A_1017 = arith.addi %add3A_1016, %mul3A_1015 : i32
        %swap3A_1018 = arith.constant 3 : i32
        %swap3A_1019 = arith.index_cast %swap3A_1018 : i32 to index
        %swap3A_1020 = arith.index_cast %add3A_1017 : i32 to index
        %swap3A_1021 = tpu.vector_load %arg9[%swap3A_1019, %swap3A_1020] {strides = array<i32>} : memref<4x3840xf32, #tpu.memory_space<vmem>>, vector<1x16xf32>,
        %swap3A_1022 = vector.shape_cast %swap3A_1021 : vector<1x16xf32> to vector<16xf32>
        %swap3A_1023 = vector.shape_cast %add3A_1013 : vector<16xf32> to vector<1x16xf32>
        tpu.vector_store %arg9[%swap3A_1019, %swap3A_1020], %swap3A_1023 {strides = array<i32>} : memref<4x3840xf32, #tpu.memory_space<vmem>>, vector<1x16xf32>,
        %mul3A_1024 = arith.mulf %get3A_875, %get3A_186 : vector<16xf32>
        %mul3A_1025 = arith.mulf %get3A_880, %get3A_191 : vector<16xf32>
        %add3A_1026 = arith.addf %mul3A_1024, %mul3A_1025 : vector<16xf32>
        %mul3A_1027 = arith.mulf %get3A_885, %get3A_196 : vector<16xf32>
        %add3A_1028 = arith.addf %add3A_1026, %mul3A_1027 : vector<16xf32>
        %mul3A_1029 = arith.mulf %get3A_890, %get3A_201 : vector<16xf32>
        %add3A_1030 = arith.addf %add3A_1028, %mul3A_1029 : vector<16xf32>
        %mul3A_1031 = arith.mulf %get3A_895, %get3A_206 : vector<16xf32>
        %add3A_1032 = arith.addf %add3A_1030, %mul3A_1031 : vector<16xf32>
        %mul3A_1033 = arith.mulf %get3A_900, %get3A_211 : vector<16xf32>
        %add3A_1034 = arith.addf %add3A_1032, %mul3A_1033 : vector<16xf32>
        %mul3A_1035 = arith.mulf %get3A_905, %get3A_216 : vector<16xf32>
        %add3A_1036 = arith.addf %add3A_1034, %mul3A_1035 : vector<16xf32>
        %mul3A_1037 = arith.mulf %get3A_910, %get3A_221 : vector<16xf32>
        %add3A_1038 = arith.addf %add3A_1036, %mul3A_1037 : vector<16xf32>
        %mul3A_1039 = arith.mulf %get3A_915, %get3A_226 : vector<16xf32>
        %add3A_1040 = arith.addf %add3A_1038, %mul3A_1039 : vector<16xf32>
        %mul3A_1041 = arith.constant 16 : i32
        %mul3A_1042 = arith.muli %scan3A_329, %mul3A_1041 : i32
        %add3A_1043 = arith.constant 3072 : i32
        %add3A_1044 = arith.addi %add3A_1043, %mul3A_1042 : i32
        %swap3A_1045 = arith.constant 3 : i32
        %swap3A_1046 = arith.index_cast %swap3A_1045 : i32 to index
        %swap3A_1047 = arith.index_cast %add3A_1044 : i32 to index
        %swap3A_1048 = tpu.vector_load %arg9[%swap3A_1046, %swap3A_1047] {strides = array<i32>} : memref<4x3840xf32, #tpu.memory_space<vmem>>, vector<1x16xf32>,
        %swap3A_1049 = vector.shape_cast %swap3A_1048 : vector<1x16xf32> to vector<16xf32>
        %swap3A_1050 = vector.shape_cast %add3A_1040 : vector<16xf32> to vector<1x16xf32>
        tpu.vector_store %arg9[%swap3A_1046, %swap3A_1047], %swap3A_1050 {strides = array<i32>} : memref<4x3840xf32, #tpu.memory_space<vmem>>, vector<1x16xf32>,
      }
      %scan3A_292 = arith.constant 48 : i32
      %dma_wait3A_293 = arith.constant 0 : i32
      %dma_wait3A_294 = tpu.memref_slice %arg6[%add3A_280, %dma_wait3A_293] : memref<32x40xi32, #tpu.memory_space<vmem>> -> memref<1x40xi32, #tpu.memory_space<vmem>>
      %dma_wait3A_295 = tpu.memref_squeeze %dma_wait3A_294 : memref<1x40xi32, #tpu.memory_space<vmem>> -> memref<40xi32, #tpu.memory_space<vmem>>
      %dma_wait3A_296 = arith.constant 0 : i32
      %dma_wait3A_297 = arith.constant 0 : i32
      %dma_wait3A_298 = tpu.memref_slice %arg2[%dma_wait3A_296, %dma_wait3A_297] : memref<900000x768xf32, #tpu.memory_space<hbm>> -> memref<900000x768xf32, #tpu.memory_space<hbm>>
      tpu.wait_indirect_dma semaphore(%arg12 : memref<!tpu.dma_semaphore, #tpu.memory_space<semaphore_mem>>) src(%dma_wait3A_298 : memref<900000x768xf32, #tpu.memory_space<hbm>>) dst(%arg8 : memref<40x768xf32, #tpu.memory_space<vmem>>)
      %mul3A_299 = arith.constant 4 : i32
      %mul3A_300 = arith.muli %add3A_278, %mul3A_299 : i32
      %add3A_301 = arith.addi %mul3A_2, %mul3A_300 : i32
      "tpu.region"() ({
        %run_scoped3A = tpu.sem_alloc : memref<!tpu.dma_semaphore, #tpu.memory_space<semaphore_mem>>
        %dma_start3A_329 = arith.constant 0 : i32
        %dma_start3A_330 = tpu.memref_slice %arg5[%add3A_301, %dma_start3A_329] : memref<4096x3840xf32, #tpu.memory_space<hbm>> -> memref<4x3840xf32, #tpu.memory_space<hbm>>
        %dma_start3A_331 = arith.constant 0 : i32
        %dma_start3A_332 = tpu.memref_slice %arg5[%add3A_301, %dma_start3A_331] : memref<4096x3840xf32, #tpu.memory_space<hbm>> -> memref<4x3840xf32, #tpu.memory_space<hbm>>
        tpu.enqueue_dma source(%arg9 : memref<4x3840xf32, #tpu.memory_space<vmem>>) target(%dma_start3A_332 : memref<4x3840xf32, #tpu.memory_space<hbm>>) target_semaphore(%run_scoped3A : memref<!tpu.dma_semaphore, #tpu.memory_space<semaphore_mem>>)
        %dma_wait3A_333 = arith.constant 0 : i32
        %dma_wait3A_334 = tpu.memref_slice %arg5[%add3A_301, %dma_wait3A_333] : memref<4096x3840xf32, #tpu.memory_space<hbm>> -> memref<4x3840xf32, #tpu.memory_space<hbm>>
        %dma_wait3A_335 = arith.constant 0 : i32
        %dma_wait3A_336 = tpu.memref_slice %arg5[%add3A_301, %dma_wait3A_335] : memref<4096x3840xf32, #tpu.memory_space<hbm>> -> memref<4x3840xf32, #tpu.memory_space<hbm>>
        tpu.wait_dma2 semaphore(%run_scoped3A : memref<!tpu.dma_semaphore, #tpu.memory_space<semaphore_mem>>) src(%arg9 : memref<4x3840xf32, #tpu.memory_space<vmem>>) dst(%dma_wait3A_336 : memref<4x3840xf32, #tpu.memory_space<hbm>>)
        tpu.yield
      }) : () -> ()
      %mul3A_302 = arith.constant 2 : i32
      %mul3A_303 = arith.muli %mul3A_302, %scan3A_274 : i32
      %add3A_304 = arith.constant 1 : i32
      %add3A_305 = arith.addi %mul3A_303, %add3A_304 : i32
      %add3A_306 = arith.constant 1 : i32
      %add3A_307 = arith.addi %add3A_305, %add3A_306 : i32
      %dma_start3A_308 = arith.constant 0 : i32
      %dma_start3A_309 = tpu.memref_slice %arg6[%add3A_307, %dma_start3A_308] : memref<32x40xi32, #tpu.memory_space<vmem>> -> memref<1x40xi32, #tpu.memory_space<vmem>>
      %dma_start3A_310 = tpu.memref_squeeze %dma_start3A_309 : memref<1x40xi32, #tpu.memory_space<vmem>> -> memref<40xi32, #tpu.memory_space<vmem>>
      %dma_start3A_311 = arith.constant 0 : i32
      %dma_start3A_312 = arith.constant 0 : i32
      %dma_start3A_313 = tpu.memref_slice %arg2[%dma_start3A_311, %dma_start3A_312] : memref<900000x768xf32, #tpu.memory_space<hbm>> -> memref<900000x768xf32, #tpu.memory_space<hbm>>
      tpu.enqueue_indirect_dma source(%dma_start3A_313 : memref<900000x768xf32, #tpu.memory_space<hbm>>) target(%arg7 : memref<40x768xf32, #tpu.memory_space<vmem>>) offsets(%dma_start3A_310 : memref<40xi32, #tpu.memory_space<vmem>>) semaphore(%arg11 : memref<!tpu.dma_semaphore, #tpu.memory_space<semaphore_mem>>)
      %scan3A_314 = arith.constant 0 : i32
      %scan3A_315 = arith.constant 0 : i32
      %scan3A_316 = arith.constant 48 : i32
      %scan3A_317 = arith.addi %scan3A_315, %scan3A_316 : i32
      %scan3A_318 = arith.constant 1 : i32
      scf.for %scan3A_329 = %scan3A_315 to %scan3A_317 step %scan3A_318  : i32 {
        %mul3A_330 = arith.constant 16 : i32
        %mul3A_331 = arith.muli %scan3A_329, %mul3A_330 : i32
        %get3A_332 = arith.constant 0 : i32
        %get3A_333 = arith.index_cast %get3A_332 : i32 to index
        %get3A_334 = arith.index_cast %mul3A_331 : i32 to index
        %get3A_335 = tpu.vector_load %arg8[%get3A_333, %get3A_334] {strides = array<i32>} : memref<40x768xf32, #tpu.memory_space<vmem>>, vector<1x16xf32>,
        %get3A_336 = vector.shape_cast %get3A_335 : vector<1x16xf32> to vector<16xf32>
        %get3A_337 = arith.constant 4 : i32
        %get3A_338 = arith.index_cast %get3A_337 : i32 to index
        %get3A_339 = arith.index_cast %mul3A_331 : i32 to index
        %get3A_340 = tpu.vector_load %arg8[%get3A_338, %get3A_339] {strides = array<i32>} : memref<40x768xf32, #tpu.memory_space<vmem>>, vector<1x16xf32>,
        %get3A_341 = vector.shape_cast %get3A_340 : vector<1x16xf32> to vector<16xf32>
        %get3A_342 = arith.constant 8 : i32
        %get3A_343 = arith.index_cast %get3A_342 : i32 to index
        %get3A_344 = arith.index_cast %mul3A_331 : i32 to index
        %get3A_345 = tpu.vector_load %arg8[%get3A_343, %get3A_344] {strides = array<i32>} : memref<40x768xf32, #tpu.memory_space<vmem>>, vector<1x16xf32>,
        %get3A_346 = vector.shape_cast %get3A_345 : vector<1x16xf32> to vector<16xf32>
        %get3A_347 = arith.constant 12 : i32
        %get3A_348 = arith.index_cast %get3A_347 : i32 to index
        %get3A_349 = arith.index_cast %mul3A_331 : i32 to index
        %get3A_350 = tpu.vector_load %arg8[%get3A_348, %get3A_349] {strides = array<i32>} : memref<40x768xf32, #tpu.memory_space<vmem>>, vector<1x16xf32>,
        %get3A_351 = vector.shape_cast %get3A_350 : vector<1x16xf32> to vector<16xf32>
        %get3A_352 = arith.constant 16 : i32
        %get3A_353 = arith.index_cast %get3A_352 : i32 to index
        %get3A_354 = arith.index_cast %mul3A_331 : i32 to index
        %get3A_355 = tpu.vector_load %arg8[%get3A_353, %get3A_354] {strides = array<i32>} : memref<40x768xf32, #tpu.memory_space<vmem>>, vector<1x16xf32>,
        %get3A_356 = vector.shape_cast %get3A_355 : vector<1x16xf32> to vector<16xf32>
        %get3A_357 = arith.constant 20 : i32
        %get3A_358 = arith.index_cast %get3A_357 : i32 to index
        %get3A_359 = arith.index_cast %mul3A_331 : i32 to index
        %get3A_360 = tpu.vector_load %arg8[%get3A_358, %get3A_359] {strides = array<i32>} : memref<40x768xf32, #tpu.memory_space<vmem>>, vector<1x16xf32>,
        %get3A_361 = vector.shape_cast %get3A_360 : vector<1x16xf32> to vector<16xf32>
        %get3A_362 = arith.constant 24 : i32
        %get3A_363 = arith.index_cast %get3A_362 : i32 to index
        %get3A_364 = arith.index_cast %mul3A_331 : i32 to index
        %get3A_365 = tpu.vector_load %arg8[%get3A_363, %get3A_364] {strides = array<i32>} : memref<40x768xf32, #tpu.memory_space<vmem>>, vector<1x16xf32>,
        %get3A_366 = vector.shape_cast %get3A_365 : vector<1x16xf32> to vector<16xf32>
        %get3A_367 = arith.constant 28 : i32
        %get3A_368 = arith.index_cast %get3A_367 : i32 to index
        %get3A_369 = arith.index_cast %mul3A_331 : i32 to index
        %get3A_370 = tpu.vector_load %arg8[%get3A_368, %get3A_369] {strides = array<i32>} : memref<40x768xf32, #tpu.memory_space<vmem>>, vector<1x16xf32>,
        %get3A_371 = vector.shape_cast %get3A_370 : vector<1x16xf32> to vector<16xf32>
        %get3A_372 = arith.constant 32 : i32
        %get3A_373 = arith.index_cast %get3A_372 : i32 to index
        %get3A_374 = arith.index_cast %mul3A_331 : i32 to index
        %get3A_375 = tpu.vector_load %arg8[%get3A_373, %get3A_374] {strides = array<i32>} : memref<40x768xf32, #tpu.memory_space<vmem>>, vector<1x16xf32>,
        %get3A_376 = vector.shape_cast %get3A_375 : vector<1x16xf32> to vector<16xf32>
        %mul3A_377 = arith.mulf %get3A_336, %get3A_6 : vector<16xf32>
        %mul3A_378 = arith.mulf %get3A_341, %get3A_11 : vector<16xf32>
        %add3A_379 = arith.addf %mul3A_377, %mul3A_378 : vector<16xf32>
        %mul3A_380 = arith.mulf %get3A_346, %get3A_16 : vector<16xf32>
        %add3A_381 = arith.addf %add3A_379, %mul3A_380 : vector<16xf32>
        %mul3A_382 = arith.mulf %get3A_351, %get3A_21 : vector<16xf32>
        %add3A_383 = arith.addf %add3A_381, %mul3A_382 : vector<16xf32>
        %mul3A_384 = arith.mulf %get3A_356, %get3A_26 : vector<16xf32>
        %add3A_385 = arith.addf %add3A_383, %mul3A_384 : vector<16xf32>
        %mul3A_386 = arith.mulf %get3A_361, %get3A_31 : vector<16xf32>
        %add3A_387 = arith.addf %add3A_385, %mul3A_386 : vector<16xf32>
        %mul3A_388 = arith.mulf %get3A_366, %get3A_36 : vector<16xf32>
        %add3A_389 = arith.addf %add3A_387, %mul3A_388 : vector<16xf32>
        %mul3A_390 = arith.mulf %get3A_371, %get3A_41 : vector<16xf32>
        %add3A_391 = arith.addf %add3A_389, %mul3A_390 : vector<16xf32>
        %mul3A_392 = arith.mulf %get3A_376, %get3A_46 : vector<16xf32>
        %add3A_393 = arith.addf %add3A_391, %mul3A_392 : vector<16xf32>
        %mul3A_394 = arith.constant 16 : i32
        %mul3A_395 = arith.muli %scan3A_329, %mul3A_394 : i32
        %add3A_396 = arith.constant 0 : i32
        %add3A_397 = arith.addi %add3A_396, %mul3A_395 : i32
        %swap3A = arith.constant 0 : i32
        %swap3A_398 = arith.index_cast %swap3A : i32 to index
        %swap3A_399 = arith.index_cast %add3A_397 : i32 to index
        %swap3A_400 = tpu.vector_load %arg9[%swap3A_398, %swap3A_399] {strides = array<i32>} : memref<4x3840xf32, #tpu.memory_space<vmem>>, vector<1x16xf32>,
        %swap3A_401 = vector.shape_cast %swap3A_400 : vector<1x16xf32> to vector<16xf32>
        %swap3A_402 = vector.shape_cast %add3A_393 : vector<16xf32> to vector<1x16xf32>
        tpu.vector_store %arg9[%swap3A_398, %swap3A_399], %swap3A_402 {strides = array<i32>} : memref<4x3840xf32, #tpu.memory_space<vmem>>, vector<1x16xf32>,
        %mul3A_403 = arith.mulf %get3A_336, %get3A_51 : vector<16xf32>
        %mul3A_404 = arith.mulf %get3A_341, %get3A_56 : vector<16xf32>
        %add3A_405 = arith.addf %mul3A_403, %mul3A_404 : vector<16xf32>
        %mul3A_406 = arith.mulf %get3A_346, %get3A_61 : vector<16xf32>
        %add3A_407 = arith.addf %add3A_405, %mul3A_406 : vector<16xf32>
        %mul3A_408 = arith.mulf %get3A_351, %get3A_66 : vector<16xf32>
        %add3A_409 = arith.addf %add3A_407, %mul3A_408 : vector<16xf32>
        %mul3A_410 = arith.mulf %get3A_356, %get3A_71 : vector<16xf32>
        %add3A_411 = arith.addf %add3A_409, %mul3A_410 : vector<16xf32>
        %mul3A_412 = arith.mulf %get3A_361, %get3A_76 : vector<16xf32>
        %add3A_413 = arith.addf %add3A_411, %mul3A_412 : vector<16xf32>
        %mul3A_414 = arith.mulf %get3A_366, %get3A_81 : vector<16xf32>
        %add3A_415 = arith.addf %add3A_413, %mul3A_414 : vector<16xf32>
        %mul3A_416 = arith.mulf %get3A_371, %get3A_86 : vector<16xf32>
        %add3A_417 = arith.addf %add3A_415, %mul3A_416 : vector<16xf32>
        %mul3A_418 = arith.mulf %get3A_376, %get3A_91 : vector<16xf32>
        %add3A_419 = arith.addf %add3A_417, %mul3A_418 : vector<16xf32>
        %mul3A_420 = arith.constant 16 : i32
        %mul3A_421 = arith.muli %scan3A_329, %mul3A_420 : i32
        %add3A_422 = arith.constant 768 : i32
        %add3A_423 = arith.addi %add3A_422, %mul3A_421 : i32
        %swap3A_424 = arith.constant 0 : i32
        %swap3A_425 = arith.index_cast %swap3A_424 : i32 to index
        %swap3A_426 = arith.index_cast %add3A_423 : i32 to index
        %swap3A_427 = tpu.vector_load %arg9[%swap3A_425, %swap3A_426] {strides = array<i32>} : memref<4x3840xf32, #tpu.memory_space<vmem>>, vector<1x16xf32>,
        %swap3A_428 = vector.shape_cast %swap3A_427 : vector<1x16xf32> to vector<16xf32>
        %swap3A_429 = vector.shape_cast %add3A_419 : vector<16xf32> to vector<1x16xf32>
        tpu.vector_store %arg9[%swap3A_425, %swap3A_426], %swap3A_429 {strides = array<i32>} : memref<4x3840xf32, #tpu.memory_space<vmem>>, vector<1x16xf32>,
        %mul3A_430 = arith.mulf %get3A_336, %get3A_96 : vector<16xf32>
        %mul3A_431 = arith.mulf %get3A_341, %get3A_101 : vector<16xf32>
        %add3A_432 = arith.addf %mul3A_430, %mul3A_431 : vector<16xf32>
        %mul3A_433 = arith.mulf %get3A_346, %get3A_106 : vector<16xf32>
        %add3A_434 = arith.addf %add3A_432, %mul3A_433 : vector<16xf32>
        %mul3A_435 = arith.mulf %get3A_351, %get3A_111 : vector<16xf32>
        %add3A_436 = arith.addf %add3A_434, %mul3A_435 : vector<16xf32>
        %mul3A_437 = arith.mulf %get3A_356, %get3A_116 : vector<16xf32>
        %add3A_438 = arith.addf %add3A_436, %mul3A_437 : vector<16xf32>
        %mul3A_439 = arith.mulf %get3A_361, %get3A_121 : vector<16xf32>
        %add3A_440 = arith.addf %add3A_438, %mul3A_439 : vector<16xf32>
        %mul3A_441 = arith.mulf %get3A_366, %get3A_126 : vector<16xf32>
        %add3A_442 = arith.addf %add3A_440, %mul3A_441 : vector<16xf32>
        %mul3A_443 = arith.mulf %get3A_371, %get3A_131 : vector<16xf32>
        %add3A_444 = arith.addf %add3A_442, %mul3A_443 : vector<16xf32>
        %mul3A_445 = arith.mulf %get3A_376, %get3A_136 : vector<16xf32>
        %add3A_446 = arith.addf %add3A_444, %mul3A_445 : vector<16xf32>
        %mul3A_447 = arith.constant 16 : i32
        %mul3A_448 = arith.muli %scan3A_329, %mul3A_447 : i32
        %add3A_449 = arith.constant 1536 : i32
        %add3A_450 = arith.addi %add3A_449, %mul3A_448 : i32
        %swap3A_451 = arith.constant 0 : i32
        %swap3A_452 = arith.index_cast %swap3A_451 : i32 to index
        %swap3A_453 = arith.index_cast %add3A_450 : i32 to index
        %swap3A_454 = tpu.vector_load %arg9[%swap3A_452, %swap3A_453] {strides = array<i32>} : memref<4x3840xf32, #tpu.memory_space<vmem>>, vector<1x16xf32>,
        %swap3A_455 = vector.shape_cast %swap3A_454 : vector<1x16xf32> to vector<16xf32>
        %swap3A_456 = vector.shape_cast %add3A_446 : vector<16xf32> to vector<1x16xf32>
        tpu.vector_store %arg9[%swap3A_452, %swap3A_453], %swap3A_456 {strides = array<i32>} : memref<4x3840xf32, #tpu.memory_space<vmem>>, vector<1x16xf32>,
        %mul3A_457 = arith.mulf %get3A_336, %get3A_141 : vector<16xf32>
        %mul3A_458 = arith.mulf %get3A_341, %get3A_146 : vector<16xf32>
        %add3A_459 = arith.addf %mul3A_457, %mul3A_458 : vector<16xf32>
        %mul3A_460 = arith.mulf %get3A_346, %get3A_151 : vector<16xf32>
        %add3A_461 = arith.addf %add3A_459, %mul3A_460 : vector<16xf32>
        %mul3A_462 = arith.mulf %get3A_351, %get3A_156 : vector<16xf32>
        %add3A_463 = arith.addf %add3A_461, %mul3A_462 : vector<16xf32>
        %mul3A_464 = arith.mulf %get3A_356, %get3A_161 : vector<16xf32>
        %add3A_465 = arith.addf %add3A_463, %mul3A_464 : vector<16xf32>
        %mul3A_466 = arith.mulf %get3A_361, %get3A_166 : vector<16xf32>
        %add3A_467 = arith.addf %add3A_465, %mul3A_466 : vector<16xf32>
        %mul3A_468 = arith.mulf %get3A_366, %get3A_171 : vector<16xf32>
        %add3A_469 = arith.addf %add3A_467, %mul3A_468 : vector<16xf32>
        %mul3A_470 = arith.mulf %get3A_371, %get3A_176 : vector<16xf32>
        %add3A_471 = arith.addf %add3A_469, %mul3A_470 : vector<16xf32>
        %mul3A_472 = arith.mulf %get3A_376, %get3A_181 : vector<16xf32>
        %add3A_473 = arith.addf %add3A_471, %mul3A_472 : vector<16xf32>
        %mul3A_474 = arith.constant 16 : i32
        %mul3A_475 = arith.muli %scan3A_329, %mul3A_474 : i32
        %add3A_476 = arith.constant 2304 : i32
        %add3A_477 = arith.addi %add3A_476, %mul3A_475 : i32
        %swap3A_478 = arith.constant 0 : i32
        %swap3A_479 = arith.index_cast %swap3A_478 : i32 to index
        %swap3A_480 = arith.index_cast %add3A_477 : i32 to index
        %swap3A_481 = tpu.vector_load %arg9[%swap3A_479, %swap3A_480] {strides = array<i32>} : memref<4x3840xf32, #tpu.memory_space<vmem>>, vector<1x16xf32>,
        %swap3A_482 = vector.shape_cast %swap3A_481 : vector<1x16xf32> to vector<16xf32>
        %swap3A_483 = vector.shape_cast %add3A_473 : vector<16xf32> to vector<1x16xf32>
        tpu.vector_store %arg9[%swap3A_479, %swap3A_480], %swap3A_483 {strides = array<i32>} : memref<4x3840xf32, #tpu.memory_space<vmem>>, vector<1x16xf32>,
        %mul3A_484 = arith.mulf %get3A_336, %get3A_186 : vector<16xf32>
        %mul3A_485 = arith.mulf %get3A_341, %get3A_191 : vector<16xf32>
        %add3A_486 = arith.addf %mul3A_484, %mul3A_485 : vector<16xf32>
        %mul3A_487 = arith.mulf %get3A_346, %get3A_196 : vector<16xf32>
        %add3A_488 = arith.addf %add3A_486, %mul3A_487 : vector<16xf32>
        %mul3A_489 = arith.mulf %get3A_351, %get3A_201 : vector<16xf32>
        %add3A_490 = arith.addf %add3A_488, %mul3A_489 : vector<16xf32>
        %mul3A_491 = arith.mulf %get3A_356, %get3A_206 : vector<16xf32>
        %add3A_492 = arith.addf %add3A_490, %mul3A_491 : vector<16xf32>
        %mul3A_493 = arith.mulf %get3A_361, %get3A_211 : vector<16xf32>
        %add3A_494 = arith.addf %add3A_492, %mul3A_493 : vector<16xf32>
        %mul3A_495 = arith.mulf %get3A_366, %get3A_216 : vector<16xf32>
        %add3A_496 = arith.addf %add3A_494, %mul3A_495 : vector<16xf32>
        %mul3A_497 = arith.mulf %get3A_371, %get3A_221 : vector<16xf32>
        %add3A_498 = arith.addf %add3A_496, %mul3A_497 : vector<16xf32>
        %mul3A_499 = arith.mulf %get3A_376, %get3A_226 : vector<16xf32>
        %add3A_500 = arith.addf %add3A_498, %mul3A_499 : vector<16xf32>
        %mul3A_501 = arith.constant 16 : i32
        %mul3A_502 = arith.muli %scan3A_329, %mul3A_501 : i32
        %add3A_503 = arith.constant 3072 : i32
        %add3A_504 = arith.addi %add3A_503, %mul3A_502 : i32
        %swap3A_505 = arith.constant 0 : i32
        %swap3A_506 = arith.index_cast %swap3A_505 : i32 to index
        %swap3A_507 = arith.index_cast %add3A_504 : i32 to index
        %swap3A_508 = tpu.vector_load %arg9[%swap3A_506, %swap3A_507] {strides = array<i32>} : memref<4x3840xf32, #tpu.memory_space<vmem>>, vector<1x16xf32>,
        %swap3A_509 = vector.shape_cast %swap3A_508 : vector<1x16xf32> to vector<16xf32>
        %swap3A_510 = vector.shape_cast %add3A_500 : vector<16xf32> to vector<1x16xf32>
        tpu.vector_store %arg9[%swap3A_506, %swap3A_507], %swap3A_510 {strides = array<i32>} : memref<4x3840xf32, #tpu.memory_space<vmem>>, vector<1x16xf32>,
        %get3A_511 = arith.constant 1 : i32
        %get3A_512 = arith.index_cast %get3A_511 : i32 to index
        %get3A_513 = arith.index_cast %mul3A_331 : i32 to index
        %get3A_514 = tpu.vector_load %arg8[%get3A_512, %get3A_513] {strides = array<i32>} : memref<40x768xf32, #tpu.memory_space<vmem>>, vector<1x16xf32>,
        %get3A_515 = vector.shape_cast %get3A_514 : vector<1x16xf32> to vector<16xf32>
        %get3A_516 = arith.constant 5 : i32
        %get3A_517 = arith.index_cast %get3A_516 : i32 to index
        %get3A_518 = arith.index_cast %mul3A_331 : i32 to index
        %get3A_519 = tpu.vector_load %arg8[%get3A_517, %get3A_518] {strides = array<i32>} : memref<40x768xf32, #tpu.memory_space<vmem>>, vector<1x16xf32>,
        %get3A_520 = vector.shape_cast %get3A_519 : vector<1x16xf32> to vector<16xf32>
        %get3A_521 = arith.constant 9 : i32
        %get3A_522 = arith.index_cast %get3A_521 : i32 to index
        %get3A_523 = arith.index_cast %mul3A_331 : i32 to index
        %get3A_524 = tpu.vector_load %arg8[%get3A_522, %get3A_523] {strides = array<i32>} : memref<40x768xf32, #tpu.memory_space<vmem>>, vector<1x16xf32>,
        %get3A_525 = vector.shape_cast %get3A_524 : vector<1x16xf32> to vector<16xf32>
        %get3A_526 = arith.constant 13 : i32
        %get3A_527 = arith.index_cast %get3A_526 : i32 to index
        %get3A_528 = arith.index_cast %mul3A_331 : i32 to index
        %get3A_529 = tpu.vector_load %arg8[%get3A_527, %get3A_528] {strides = array<i32>} : memref<40x768xf32, #tpu.memory_space<vmem>>, vector<1x16xf32>,
        %get3A_530 = vector.shape_cast %get3A_529 : vector<1x16xf32> to vector<16xf32>
        %get3A_531 = arith.constant 17 : i32
        %get3A_532 = arith.index_cast %get3A_531 : i32 to index
        %get3A_533 = arith.index_cast %mul3A_331 : i32 to index
        %get3A_534 = tpu.vector_load %arg8[%get3A_532, %get3A_533] {strides = array<i32>} : memref<40x768xf32, #tpu.memory_space<vmem>>, vector<1x16xf32>,
        %get3A_535 = vector.shape_cast %get3A_534 : vector<1x16xf32> to vector<16xf32>
        %get3A_536 = arith.constant 21 : i32
        %get3A_537 = arith.index_cast %get3A_536 : i32 to index
        %get3A_538 = arith.index_cast %mul3A_331 : i32 to index
        %get3A_539 = tpu.vector_load %arg8[%get3A_537, %get3A_538] {strides = array<i32>} : memref<40x768xf32, #tpu.memory_space<vmem>>, vector<1x16xf32>,
        %get3A_540 = vector.shape_cast %get3A_539 : vector<1x16xf32> to vector<16xf32>
        %get3A_541 = arith.constant 25 : i32
        %get3A_542 = arith.index_cast %get3A_541 : i32 to index
        %get3A_543 = arith.index_cast %mul3A_331 : i32 to index
        %get3A_544 = tpu.vector_load %arg8[%get3A_542, %get3A_543] {strides = array<i32>} : memref<40x768xf32, #tpu.memory_space<vmem>>, vector<1x16xf32>,
        %get3A_545 = vector.shape_cast %get3A_544 : vector<1x16xf32> to vector<16xf32>
        %get3A_546 = arith.constant 29 : i32
        %get3A_547 = arith.index_cast %get3A_546 : i32 to index
        %get3A_548 = arith.index_cast %mul3A_331 : i32 to index
        %get3A_549 = tpu.vector_load %arg8[%get3A_547, %get3A_548] {strides = array<i32>} : memref<40x768xf32, #tpu.memory_space<vmem>>, vector<1x16xf32>,
        %get3A_550 = vector.shape_cast %get3A_549 : vector<1x16xf32> to vector<16xf32>
        %get3A_551 = arith.constant 33 : i32
        %get3A_552 = arith.index_cast %get3A_551 : i32 to index
        %get3A_553 = arith.index_cast %mul3A_331 : i32 to index
        %get3A_554 = tpu.vector_load %arg8[%get3A_552, %get3A_553] {strides = array<i32>} : memref<40x768xf32, #tpu.memory_space<vmem>>, vector<1x16xf32>,
        %get3A_555 = vector.shape_cast %get3A_554 : vector<1x16xf32> to vector<16xf32>
        %mul3A_556 = arith.mulf %get3A_515, %get3A_6 : vector<16xf32>
        %mul3A_557 = arith.mulf %get3A_520, %get3A_11 : vector<16xf32>
        %add3A_558 = arith.addf %mul3A_556, %mul3A_557 : vector<16xf32>
        %mul3A_559 = arith.mulf %get3A_525, %get3A_16 : vector<16xf32>
        %add3A_560 = arith.addf %add3A_558, %mul3A_559 : vector<16xf32>
        %mul3A_561 = arith.mulf %get3A_530, %get3A_21 : vector<16xf32>
        %add3A_562 = arith.addf %add3A_560, %mul3A_561 : vector<16xf32>
        %mul3A_563 = arith.mulf %get3A_535, %get3A_26 : vector<16xf32>
        %add3A_564 = arith.addf %add3A_562, %mul3A_563 : vector<16xf32>
        %mul3A_565 = arith.mulf %get3A_540, %get3A_31 : vector<16xf32>
        %add3A_566 = arith.addf %add3A_564, %mul3A_565 : vector<16xf32>
        %mul3A_567 = arith.mulf %get3A_545, %get3A_36 : vector<16xf32>
        %add3A_568 = arith.addf %add3A_566, %mul3A_567 : vector<16xf32>
        %mul3A_569 = arith.mulf %get3A_550, %get3A_41 : vector<16xf32>
        %add3A_570 = arith.addf %add3A_568, %mul3A_569 : vector<16xf32>
        %mul3A_571 = arith.mulf %get3A_555, %get3A_46 : vector<16xf32>
        %add3A_572 = arith.addf %add3A_570, %mul3A_571 : vector<16xf32>
        %mul3A_573 = arith.constant 16 : i32
        %mul3A_574 = arith.muli %scan3A_329, %mul3A_573 : i32
        %add3A_575 = arith.constant 0 : i32
        %add3A_576 = arith.addi %add3A_575, %mul3A_574 : i32
        %swap3A_577 = arith.constant 1 : i32
        %swap3A_578 = arith.index_cast %swap3A_577 : i32 to index
        %swap3A_579 = arith.index_cast %add3A_576 : i32 to index
        %swap3A_580 = tpu.vector_load %arg9[%swap3A_578, %swap3A_579] {strides = array<i32>} : memref<4x3840xf32, #tpu.memory_space<vmem>>, vector<1x16xf32>,
        %swap3A_581 = vector.shape_cast %swap3A_580 : vector<1x16xf32> to vector<16xf32>
        %swap3A_582 = vector.shape_cast %add3A_572 : vector<16xf32> to vector<1x16xf32>
        tpu.vector_store %arg9[%swap3A_578, %swap3A_579], %swap3A_582 {strides = array<i32>} : memref<4x3840xf32, #tpu.memory_space<vmem>>, vector<1x16xf32>,
        %mul3A_583 = arith.mulf %get3A_515, %get3A_51 : vector<16xf32>
        %mul3A_584 = arith.mulf %get3A_520, %get3A_56 : vector<16xf32>
        %add3A_585 = arith.addf %mul3A_583, %mul3A_584 : vector<16xf32>
        %mul3A_586 = arith.mulf %get3A_525, %get3A_61 : vector<16xf32>
        %add3A_587 = arith.addf %add3A_585, %mul3A_586 : vector<16xf32>
        %mul3A_588 = arith.mulf %get3A_530, %get3A_66 : vector<16xf32>
        %add3A_589 = arith.addf %add3A_587, %mul3A_588 : vector<16xf32>
        %mul3A_590 = arith.mulf %get3A_535, %get3A_71 : vector<16xf32>
        %add3A_591 = arith.addf %add3A_589, %mul3A_590 : vector<16xf32>
        %mul3A_592 = arith.mulf %get3A_540, %get3A_76 : vector<16xf32>
        %add3A_593 = arith.addf %add3A_591, %mul3A_592 : vector<16xf32>
        %mul3A_594 = arith.mulf %get3A_545, %get3A_81 : vector<16xf32>
        %add3A_595 = arith.addf %add3A_593, %mul3A_594 : vector<16xf32>
        %mul3A_596 = arith.mulf %get3A_550, %get3A_86 : vector<16xf32>
        %add3A_597 = arith.addf %add3A_595, %mul3A_596 : vector<16xf32>
        %mul3A_598 = arith.mulf %get3A_555, %get3A_91 : vector<16xf32>
        %add3A_599 = arith.addf %add3A_597, %mul3A_598 : vector<16xf32>
        %mul3A_600 = arith.constant 16 : i32
        %mul3A_601 = arith.muli %scan3A_329, %mul3A_600 : i32
        %add3A_602 = arith.constant 768 : i32
        %add3A_603 = arith.addi %add3A_602, %mul3A_601 : i32
        %swap3A_604 = arith.constant 1 : i32
        %swap3A_605 = arith.index_cast %swap3A_604 : i32 to index
        %swap3A_606 = arith.index_cast %add3A_603 : i32 to index
        %swap3A_607 = tpu.vector_load %arg9[%swap3A_605, %swap3A_606] {strides = array<i32>} : memref<4x3840xf32, #tpu.memory_space<vmem>>, vector<1x16xf32>,
        %swap3A_608 = vector.shape_cast %swap3A_607 : vector<1x16xf32> to vector<16xf32>
        %swap3A_609 = vector.shape_cast %add3A_599 : vector<16xf32> to vector<1x16xf32>
        tpu.vector_store %arg9[%swap3A_605, %swap3A_606], %swap3A_609 {strides = array<i32>} : memref<4x3840xf32, #tpu.memory_space<vmem>>, vector<1x16xf32>,
        %mul3A_610 = arith.mulf %get3A_515, %get3A_96 : vector<16xf32>
        %mul3A_611 = arith.mulf %get3A_520, %get3A_101 : vector<16xf32>
        %add3A_612 = arith.addf %mul3A_610, %mul3A_611 : vector<16xf32>
        %mul3A_613 = arith.mulf %get3A_525, %get3A_106 : vector<16xf32>
        %add3A_614 = arith.addf %add3A_612, %mul3A_613 : vector<16xf32>
        %mul3A_615 = arith.mulf %get3A_530, %get3A_111 : vector<16xf32>
        %add3A_616 = arith.addf %add3A_614, %mul3A_615 : vector<16xf32>
        %mul3A_617 = arith.mulf %get3A_535, %get3A_116 : vector<16xf32>
        %add3A_618 = arith.addf %add3A_616, %mul3A_617 : vector<16xf32>
        %mul3A_619 = arith.mulf %get3A_540, %get3A_121 : vector<16xf32>
        %add3A_620 = arith.addf %add3A_618, %mul3A_619 : vector<16xf32>
        %mul3A_621 = arith.mulf %get3A_545, %get3A_126 : vector<16xf32>
        %add3A_622 = arith.addf %add3A_620, %mul3A_621 : vector<16xf32>
        %mul3A_623 = arith.mulf %get3A_550, %get3A_131 : vector<16xf32>
        %add3A_624 = arith.addf %add3A_622, %mul3A_623 : vector<16xf32>
        %mul3A_625 = arith.mulf %get3A_555, %get3A_136 : vector<16xf32>
        %add3A_626 = arith.addf %add3A_624, %mul3A_625 : vector<16xf32>
        %mul3A_627 = arith.constant 16 : i32
        %mul3A_628 = arith.muli %scan3A_329, %mul3A_627 : i32
        %add3A_629 = arith.constant 1536 : i32
        %add3A_630 = arith.addi %add3A_629, %mul3A_628 : i32
        %swap3A_631 = arith.constant 1 : i32
        %swap3A_632 = arith.index_cast %swap3A_631 : i32 to index
        %swap3A_633 = arith.index_cast %add3A_630 : i32 to index
        %swap3A_634 = tpu.vector_load %arg9[%swap3A_632, %swap3A_633] {strides = array<i32>} : memref<4x3840xf32, #tpu.memory_space<vmem>>, vector<1x16xf32>,
        %swap3A_635 = vector.shape_cast %swap3A_634 : vector<1x16xf32> to vector<16xf32>
        %swap3A_636 = vector.shape_cast %add3A_626 : vector<16xf32> to vector<1x16xf32>
        tpu.vector_store %arg9[%swap3A_632, %swap3A_633], %swap3A_636 {strides = array<i32>} : memref<4x3840xf32, #tpu.memory_space<vmem>>, vector<1x16xf32>,
        %mul3A_637 = arith.mulf %get3A_515, %get3A_141 : vector<16xf32>
        %mul3A_638 = arith.mulf %get3A_520, %get3A_146 : vector<16xf32>
        %add3A_639 = arith.addf %mul3A_637, %mul3A_638 : vector<16xf32>
        %mul3A_640 = arith.mulf %get3A_525, %get3A_151 : vector<16xf32>
        %add3A_641 = arith.addf %add3A_639, %mul3A_640 : vector<16xf32>
        %mul3A_642 = arith.mulf %get3A_530, %get3A_156 : vector<16xf32>
        %add3A_643 = arith.addf %add3A_641, %mul3A_642 : vector<16xf32>
        %mul3A_644 = arith.mulf %get3A_535, %get3A_161 : vector<16xf32>
        %add3A_645 = arith.addf %add3A_643, %mul3A_644 : vector<16xf32>
        %mul3A_646 = arith.mulf %get3A_540, %get3A_166 : vector<16xf32>
        %add3A_647 = arith.addf %add3A_645, %mul3A_646 : vector<16xf32>
        %mul3A_648 = arith.mulf %get3A_545, %get3A_171 : vector<16xf32>
        %add3A_649 = arith.addf %add3A_647, %mul3A_648 : vector<16xf32>
        %mul3A_650 = arith.mulf %get3A_550, %get3A_176 : vector<16xf32>
        %add3A_651 = arith.addf %add3A_649, %mul3A_650 : vector<16xf32>
        %mul3A_652 = arith.mulf %get3A_555, %get3A_181 : vector<16xf32>
        %add3A_653 = arith.addf %add3A_651, %mul3A_652 : vector<16xf32>
        %mul3A_654 = arith.constant 16 : i32
        %mul3A_655 = arith.muli %scan3A_329, %mul3A_654 : i32
        %add3A_656 = arith.constant 2304 : i32
        %add3A_657 = arith.addi %add3A_656, %mul3A_655 : i32
        %swap3A_658 = arith.constant 1 : i32
        %swap3A_659 = arith.index_cast %swap3A_658 : i32 to index
        %swap3A_660 = arith.index_cast %add3A_657 : i32 to index
        %swap3A_661 = tpu.vector_load %arg9[%swap3A_659, %swap3A_660] {strides = array<i32>} : memref<4x3840xf32, #tpu.memory_space<vmem>>, vector<1x16xf32>,
        %swap3A_662 = vector.shape_cast %swap3A_661 : vector<1x16xf32> to vector<16xf32>
        %swap3A_663 = vector.shape_cast %add3A_653 : vector<16xf32> to vector<1x16xf32>
        tpu.vector_store %arg9[%swap3A_659, %swap3A_660], %swap3A_663 {strides = array<i32>} : memref<4x3840xf32, #tpu.memory_space<vmem>>, vector<1x16xf32>,
        %mul3A_664 = arith.mulf %get3A_515, %get3A_186 : vector<16xf32>
        %mul3A_665 = arith.mulf %get3A_520, %get3A_191 : vector<16xf32>
        %add3A_666 = arith.addf %mul3A_664, %mul3A_665 : vector<16xf32>
        %mul3A_667 = arith.mulf %get3A_525, %get3A_196 : vector<16xf32>
        %add3A_668 = arith.addf %add3A_666, %mul3A_667 : vector<16xf32>
        %mul3A_669 = arith.mulf %get3A_530, %get3A_201 : vector<16xf32>
        %add3A_670 = arith.addf %add3A_668, %mul3A_669 : vector<16xf32>
        %mul3A_671 = arith.mulf %get3A_535, %get3A_206 : vector<16xf32>
        %add3A_672 = arith.addf %add3A_670, %mul3A_671 : vector<16xf32>
        %mul3A_673 = arith.mulf %get3A_540, %get3A_211 : vector<16xf32>
        %add3A_674 = arith.addf %add3A_672, %mul3A_673 : vector<16xf32>
        %mul3A_675 = arith.mulf %get3A_545, %get3A_216 : vector<16xf32>
        %add3A_676 = arith.addf %add3A_674, %mul3A_675 : vector<16xf32>
        %mul3A_677 = arith.mulf %get3A_550, %get3A_221 : vector<16xf32>
        %add3A_678 = arith.addf %add3A_676, %mul3A_677 : vector<16xf32>
        %mul3A_679 = arith.mulf %get3A_555, %get3A_226 : vector<16xf32>
        %add3A_680 = arith.addf %add3A_678, %mul3A_679 : vector<16xf32>
        %mul3A_681 = arith.constant 16 : i32
        %mul3A_682 = arith.muli %scan3A_329, %mul3A_681 : i32
        %add3A_683 = arith.constant 3072 : i32
        %add3A_684 = arith.addi %add3A_683, %mul3A_682 : i32
        %swap3A_685 = arith.constant 1 : i32
        %swap3A_686 = arith.index_cast %swap3A_685 : i32 to index
        %swap3A_687 = arith.index_cast %add3A_684 : i32 to index
        %swap3A_688 = tpu.vector_load %arg9[%swap3A_686, %swap3A_687] {strides = array<i32>} : memref<4x3840xf32, #tpu.memory_space<vmem>>, vector<1x16xf32>,
        %swap3A_689 = vector.shape_cast %swap3A_688 : vector<1x16xf32> to vector<16xf32>
        %swap3A_690 = vector.shape_cast %add3A_680 : vector<16xf32> to vector<1x16xf32>
        tpu.vector_store %arg9[%swap3A_686, %swap3A_687], %swap3A_690 {strides = array<i32>} : memref<4x3840xf32, #tpu.memory_space<vmem>>, vector<1x16xf32>,
        %get3A_691 = arith.constant 2 : i32
        %get3A_692 = arith.index_cast %get3A_691 : i32 to index
        %get3A_693 = arith.index_cast %mul3A_331 : i32 to index
        %get3A_694 = tpu.vector_load %arg8[%get3A_692, %get3A_693] {strides = array<i32>} : memref<40x768xf32, #tpu.memory_space<vmem>>, vector<1x16xf32>,
        %get3A_695 = vector.shape_cast %get3A_694 : vector<1x16xf32> to vector<16xf32>
        %get3A_696 = arith.constant 6 : i32
        %get3A_697 = arith.index_cast %get3A_696 : i32 to index
        %get3A_698 = arith.index_cast %mul3A_331 : i32 to index
        %get3A_699 = tpu.vector_load %arg8[%get3A_697, %get3A_698] {strides = array<i32>} : memref<40x768xf32, #tpu.memory_space<vmem>>, vector<1x16xf32>,
        %get3A_700 = vector.shape_cast %get3A_699 : vector<1x16xf32> to vector<16xf32>
        %get3A_701 = arith.constant 10 : i32
        %get3A_702 = arith.index_cast %get3A_701 : i32 to index
        %get3A_703 = arith.index_cast %mul3A_331 : i32 to index
        %get3A_704 = tpu.vector_load %arg8[%get3A_702, %get3A_703] {strides = array<i32>} : memref<40x768xf32, #tpu.memory_space<vmem>>, vector<1x16xf32>,
        %get3A_705 = vector.shape_cast %get3A_704 : vector<1x16xf32> to vector<16xf32>
        %get3A_706 = arith.constant 14 : i32
        %get3A_707 = arith.index_cast %get3A_706 : i32 to index
        %get3A_708 = arith.index_cast %mul3A_331 : i32 to index
        %get3A_709 = tpu.vector_load %arg8[%get3A_707, %get3A_708] {strides = array<i32>} : memref<40x768xf32, #tpu.memory_space<vmem>>, vector<1x16xf32>,
        %get3A_710 = vector.shape_cast %get3A_709 : vector<1x16xf32> to vector<16xf32>
        %get3A_711 = arith.constant 18 : i32
        %get3A_712 = arith.index_cast %get3A_711 : i32 to index
        %get3A_713 = arith.index_cast %mul3A_331 : i32 to index
        %get3A_714 = tpu.vector_load %arg8[%get3A_712, %get3A_713] {strides = array<i32>} : memref<40x768xf32, #tpu.memory_space<vmem>>, vector<1x16xf32>,
        %get3A_715 = vector.shape_cast %get3A_714 : vector<1x16xf32> to vector<16xf32>
        %get3A_716 = arith.constant 22 : i32
        %get3A_717 = arith.index_cast %get3A_716 : i32 to index
        %get3A_718 = arith.index_cast %mul3A_331 : i32 to index
        %get3A_719 = tpu.vector_load %arg8[%get3A_717, %get3A_718] {strides = array<i32>} : memref<40x768xf32, #tpu.memory_space<vmem>>, vector<1x16xf32>,
        %get3A_720 = vector.shape_cast %get3A_719 : vector<1x16xf32> to vector<16xf32>
        %get3A_721 = arith.constant 26 : i32
        %get3A_722 = arith.index_cast %get3A_721 : i32 to index
        %get3A_723 = arith.index_cast %mul3A_331 : i32 to index
        %get3A_724 = tpu.vector_load %arg8[%get3A_722, %get3A_723] {strides = array<i32>} : memref<40x768xf32, #tpu.memory_space<vmem>>, vector<1x16xf32>,
        %get3A_725 = vector.shape_cast %get3A_724 : vector<1x16xf32> to vector<16xf32>
        %get3A_726 = arith.constant 30 : i32
        %get3A_727 = arith.index_cast %get3A_726 : i32 to index
        %get3A_728 = arith.index_cast %mul3A_331 : i32 to index
        %get3A_729 = tpu.vector_load %arg8[%get3A_727, %get3A_728] {strides = array<i32>} : memref<40x768xf32, #tpu.memory_space<vmem>>, vector<1x16xf32>,
        %get3A_730 = vector.shape_cast %get3A_729 : vector<1x16xf32> to vector<16xf32>
        %get3A_731 = arith.constant 34 : i32
        %get3A_732 = arith.index_cast %get3A_731 : i32 to index
        %get3A_733 = arith.index_cast %mul3A_331 : i32 to index
        %get3A_734 = tpu.vector_load %arg8[%get3A_732, %get3A_733] {strides = array<i32>} : memref<40x768xf32, #tpu.memory_space<vmem>>, vector<1x16xf32>,
        %get3A_735 = vector.shape_cast %get3A_734 : vector<1x16xf32> to vector<16xf32>
        %mul3A_736 = arith.mulf %get3A_695, %get3A_6 : vector<16xf32>
        %mul3A_737 = arith.mulf %get3A_700, %get3A_11 : vector<16xf32>
        %add3A_738 = arith.addf %mul3A_736, %mul3A_737 : vector<16xf32>
        %mul3A_739 = arith.mulf %get3A_705, %get3A_16 : vector<16xf32>
        %add3A_740 = arith.addf %add3A_738, %mul3A_739 : vector<16xf32>
        %mul3A_741 = arith.mulf %get3A_710, %get3A_21 : vector<16xf32>
        %add3A_742 = arith.addf %add3A_740, %mul3A_741 : vector<16xf32>
        %mul3A_743 = arith.mulf %get3A_715, %get3A_26 : vector<16xf32>
        %add3A_744 = arith.addf %add3A_742, %mul3A_743 : vector<16xf32>
        %mul3A_745 = arith.mulf %get3A_720, %get3A_31 : vector<16xf32>
        %add3A_746 = arith.addf %add3A_744, %mul3A_745 : vector<16xf32>
        %mul3A_747 = arith.mulf %get3A_725, %get3A_36 : vector<16xf32>
        %add3A_748 = arith.addf %add3A_746, %mul3A_747 : vector<16xf32>
        %mul3A_749 = arith.mulf %get3A_730, %get3A_41 : vector<16xf32>
        %add3A_750 = arith.addf %add3A_748, %mul3A_749 : vector<16xf32>
        %mul3A_751 = arith.mulf %get3A_735, %get3A_46 : vector<16xf32>
        %add3A_752 = arith.addf %add3A_750, %mul3A_751 : vector<16xf32>
        %mul3A_753 = arith.constant 16 : i32
        %mul3A_754 = arith.muli %scan3A_329, %mul3A_753 : i32
        %add3A_755 = arith.constant 0 : i32
        %add3A_756 = arith.addi %add3A_755, %mul3A_754 : i32
        %swap3A_757 = arith.constant 2 : i32
        %swap3A_758 = arith.index_cast %swap3A_757 : i32 to index
        %swap3A_759 = arith.index_cast %add3A_756 : i32 to index
        %swap3A_760 = tpu.vector_load %arg9[%swap3A_758, %swap3A_759] {strides = array<i32>} : memref<4x3840xf32, #tpu.memory_space<vmem>>, vector<1x16xf32>,
        %swap3A_761 = vector.shape_cast %swap3A_760 : vector<1x16xf32> to vector<16xf32>
        %swap3A_762 = vector.shape_cast %add3A_752 : vector<16xf32> to vector<1x16xf32>
        tpu.vector_store %arg9[%swap3A_758, %swap3A_759], %swap3A_762 {strides = array<i32>} : memref<4x3840xf32, #tpu.memory_space<vmem>>, vector<1x16xf32>,
        %mul3A_763 = arith.mulf %get3A_695, %get3A_51 : vector<16xf32>
        %mul3A_764 = arith.mulf %get3A_700, %get3A_56 : vector<16xf32>
        %add3A_765 = arith.addf %mul3A_763, %mul3A_764 : vector<16xf32>
        %mul3A_766 = arith.mulf %get3A_705, %get3A_61 : vector<16xf32>
        %add3A_767 = arith.addf %add3A_765, %mul3A_766 : vector<16xf32>
        %mul3A_768 = arith.mulf %get3A_710, %get3A_66 : vector<16xf32>
        %add3A_769 = arith.addf %add3A_767, %mul3A_768 : vector<16xf32>
        %mul3A_770 = arith.mulf %get3A_715, %get3A_71 : vector<16xf32>
        %add3A_771 = arith.addf %add3A_769, %mul3A_770 : vector<16xf32>
        %mul3A_772 = arith.mulf %get3A_720, %get3A_76 : vector<16xf32>
        %add3A_773 = arith.addf %add3A_771, %mul3A_772 : vector<16xf32>
        %mul3A_774 = arith.mulf %get3A_725, %get3A_81 : vector<16xf32>
        %add3A_775 = arith.addf %add3A_773, %mul3A_774 : vector<16xf32>
        %mul3A_776 = arith.mulf %get3A_730, %get3A_86 : vector<16xf32>
        %add3A_777 = arith.addf %add3A_775, %mul3A_776 : vector<16xf32>
        %mul3A_778 = arith.mulf %get3A_735, %get3A_91 : vector<16xf32>
        %add3A_779 = arith.addf %add3A_777, %mul3A_778 : vector<16xf32>
        %mul3A_780 = arith.constant 16 : i32
        %mul3A_781 = arith.muli %scan3A_329, %mul3A_780 : i32
        %add3A_782 = arith.constant 768 : i32
        %add3A_783 = arith.addi %add3A_782, %mul3A_781 : i32
        %swap3A_784 = arith.constant 2 : i32
        %swap3A_785 = arith.index_cast %swap3A_784 : i32 to index
        %swap3A_786 = arith.index_cast %add3A_783 : i32 to index
        %swap3A_787 = tpu.vector_load %arg9[%swap3A_785, %swap3A_786] {strides = array<i32>} : memref<4x3840xf32, #tpu.memory_space<vmem>>, vector<1x16xf32>,
        %swap3A_788 = vector.shape_cast %swap3A_787 : vector<1x16xf32> to vector<16xf32>
        %swap3A_789 = vector.shape_cast %add3A_779 : vector<16xf32> to vector<1x16xf32>
        tpu.vector_store %arg9[%swap3A_785, %swap3A_786], %swap3A_789 {strides = array<i32>} : memref<4x3840xf32, #tpu.memory_space<vmem>>, vector<1x16xf32>,
        %mul3A_790 = arith.mulf %get3A_695, %get3A_96 : vector<16xf32>
        %mul3A_791 = arith.mulf %get3A_700, %get3A_101 : vector<16xf32>
        %add3A_792 = arith.addf %mul3A_790, %mul3A_791 : vector<16xf32>
        %mul3A_793 = arith.mulf %get3A_705, %get3A_106 : vector<16xf32>
        %add3A_794 = arith.addf %add3A_792, %mul3A_793 : vector<16xf32>
        %mul3A_795 = arith.mulf %get3A_710, %get3A_111 : vector<16xf32>
        %add3A_796 = arith.addf %add3A_794, %mul3A_795 : vector<16xf32>
        %mul3A_797 = arith.mulf %get3A_715, %get3A_116 : vector<16xf32>
        %add3A_798 = arith.addf %add3A_796, %mul3A_797 : vector<16xf32>
        %mul3A_799 = arith.mulf %get3A_720, %get3A_121 : vector<16xf32>
        %add3A_800 = arith.addf %add3A_798, %mul3A_799 : vector<16xf32>
        %mul3A_801 = arith.mulf %get3A_725, %get3A_126 : vector<16xf32>
        %add3A_802 = arith.addf %add3A_800, %mul3A_801 : vector<16xf32>
        %mul3A_803 = arith.mulf %get3A_730, %get3A_131 : vector<16xf32>
        %add3A_804 = arith.addf %add3A_802, %mul3A_803 : vector<16xf32>
        %mul3A_805 = arith.mulf %get3A_735, %get3A_136 : vector<16xf32>
        %add3A_806 = arith.addf %add3A_804, %mul3A_805 : vector<16xf32>
        %mul3A_807 = arith.constant 16 : i32
        %mul3A_808 = arith.muli %scan3A_329, %mul3A_807 : i32
        %add3A_809 = arith.constant 1536 : i32
        %add3A_810 = arith.addi %add3A_809, %mul3A_808 : i32
        %swap3A_811 = arith.constant 2 : i32
        %swap3A_812 = arith.index_cast %swap3A_811 : i32 to index
        %swap3A_813 = arith.index_cast %add3A_810 : i32 to index
        %swap3A_814 = tpu.vector_load %arg9[%swap3A_812, %swap3A_813] {strides = array<i32>} : memref<4x3840xf32, #tpu.memory_space<vmem>>, vector<1x16xf32>,
        %swap3A_815 = vector.shape_cast %swap3A_814 : vector<1x16xf32> to vector<16xf32>
        %swap3A_816 = vector.shape_cast %add3A_806 : vector<16xf32> to vector<1x16xf32>
        tpu.vector_store %arg9[%swap3A_812, %swap3A_813], %swap3A_816 {strides = array<i32>} : memref<4x3840xf32, #tpu.memory_space<vmem>>, vector<1x16xf32>,
        %mul3A_817 = arith.mulf %get3A_695, %get3A_141 : vector<16xf32>
        %mul3A_818 = arith.mulf %get3A_700, %get3A_146 : vector<16xf32>
        %add3A_819 = arith.addf %mul3A_817, %mul3A_818 : vector<16xf32>
        %mul3A_820 = arith.mulf %get3A_705, %get3A_151 : vector<16xf32>
        %add3A_821 = arith.addf %add3A_819, %mul3A_820 : vector<16xf32>
        %mul3A_822 = arith.mulf %get3A_710, %get3A_156 : vector<16xf32>
        %add3A_823 = arith.addf %add3A_821, %mul3A_822 : vector<16xf32>
        %mul3A_824 = arith.mulf %get3A_715, %get3A_161 : vector<16xf32>
        %add3A_825 = arith.addf %add3A_823, %mul3A_824 : vector<16xf32>
        %mul3A_826 = arith.mulf %get3A_720, %get3A_166 : vector<16xf32>
        %add3A_827 = arith.addf %add3A_825, %mul3A_826 : vector<16xf32>
        %mul3A_828 = arith.mulf %get3A_725, %get3A_171 : vector<16xf32>
        %add3A_829 = arith.addf %add3A_827, %mul3A_828 : vector<16xf32>
        %mul3A_830 = arith.mulf %get3A_730, %get3A_176 : vector<16xf32>
        %add3A_831 = arith.addf %add3A_829, %mul3A_830 : vector<16xf32>
        %mul3A_832 = arith.mulf %get3A_735, %get3A_181 : vector<16xf32>
        %add3A_833 = arith.addf %add3A_831, %mul3A_832 : vector<16xf32>
        %mul3A_834 = arith.constant 16 : i32
        %mul3A_835 = arith.muli %scan3A_329, %mul3A_834 : i32
        %add3A_836 = arith.constant 2304 : i32
        %add3A_837 = arith.addi %add3A_836, %mul3A_835 : i32
        %swap3A_838 = arith.constant 2 : i32
        %swap3A_839 = arith.index_cast %swap3A_838 : i32 to index
        %swap3A_840 = arith.index_cast %add3A_837 : i32 to index
        %swap3A_841 = tpu.vector_load %arg9[%swap3A_839, %swap3A_840] {strides = array<i32>} : memref<4x3840xf32, #tpu.memory_space<vmem>>, vector<1x16xf32>,
        %swap3A_842 = vector.shape_cast %swap3A_841 : vector<1x16xf32> to vector<16xf32>
        %swap3A_843 = vector.shape_cast %add3A_833 : vector<16xf32> to vector<1x16xf32>
        tpu.vector_store %arg9[%swap3A_839, %swap3A_840], %swap3A_843 {strides = array<i32>} : memref<4x3840xf32, #tpu.memory_space<vmem>>, vector<1x16xf32>,
        %mul3A_844 = arith.mulf %get3A_695, %get3A_186 : vector<16xf32>
        %mul3A_845 = arith.mulf %get3A_700, %get3A_191 : vector<16xf32>
        %add3A_846 = arith.addf %mul3A_844, %mul3A_845 : vector<16xf32>
        %mul3A_847 = arith.mulf %get3A_705, %get3A_196 : vector<16xf32>
        %add3A_848 = arith.addf %add3A_846, %mul3A_847 : vector<16xf32>
        %mul3A_849 = arith.mulf %get3A_710, %get3A_201 : vector<16xf32>
        %add3A_850 = arith.addf %add3A_848, %mul3A_849 : vector<16xf32>
        %mul3A_851 = arith.mulf %get3A_715, %get3A_206 : vector<16xf32>
        %add3A_852 = arith.addf %add3A_850, %mul3A_851 : vector<16xf32>
        %mul3A_853 = arith.mulf %get3A_720, %get3A_211 : vector<16xf32>
        %add3A_854 = arith.addf %add3A_852, %mul3A_853 : vector<16xf32>
        %mul3A_855 = arith.mulf %get3A_725, %get3A_216 : vector<16xf32>
        %add3A_856 = arith.addf %add3A_854, %mul3A_855 : vector<16xf32>
        %mul3A_857 = arith.mulf %get3A_730, %get3A_221 : vector<16xf32>
        %add3A_858 = arith.addf %add3A_856, %mul3A_857 : vector<16xf32>
        %mul3A_859 = arith.mulf %get3A_735, %get3A_226 : vector<16xf32>
        %add3A_860 = arith.addf %add3A_858, %mul3A_859 : vector<16xf32>
        %mul3A_861 = arith.constant 16 : i32
        %mul3A_862 = arith.muli %scan3A_329, %mul3A_861 : i32
        %add3A_863 = arith.constant 3072 : i32
        %add3A_864 = arith.addi %add3A_863, %mul3A_862 : i32
        %swap3A_865 = arith.constant 2 : i32
        %swap3A_866 = arith.index_cast %swap3A_865 : i32 to index
        %swap3A_867 = arith.index_cast %add3A_864 : i32 to index
        %swap3A_868 = tpu.vector_load %arg9[%swap3A_866, %swap3A_867] {strides = array<i32>} : memref<4x3840xf32, #tpu.memory_space<vmem>>, vector<1x16xf32>,
        %swap3A_869 = vector.shape_cast %swap3A_868 : vector<1x16xf32> to vector<16xf32>
        %swap3A_870 = vector.shape_cast %add3A_860 : vector<16xf32> to vector<1x16xf32>
        tpu.vector_store %arg9[%swap3A_866, %swap3A_867], %swap3A_870 {strides = array<i32>} : memref<4x3840xf32, #tpu.memory_space<vmem>>, vector<1x16xf32>,
        %get3A_871 = arith.constant 3 : i32
        %get3A_872 = arith.index_cast %get3A_871 : i32 to index
        %get3A_873 = arith.index_cast %mul3A_331 : i32 to index
        %get3A_874 = tpu.vector_load %arg8[%get3A_872, %get3A_873] {strides = array<i32>} : memref<40x768xf32, #tpu.memory_space<vmem>>, vector<1x16xf32>,
        %get3A_875 = vector.shape_cast %get3A_874 : vector<1x16xf32> to vector<16xf32>
        %get3A_876 = arith.constant 7 : i32
        %get3A_877 = arith.index_cast %get3A_876 : i32 to index
        %get3A_878 = arith.index_cast %mul3A_331 : i32 to index
        %get3A_879 = tpu.vector_load %arg8[%get3A_877, %get3A_878] {strides = array<i32>} : memref<40x768xf32, #tpu.memory_space<vmem>>, vector<1x16xf32>,
        %get3A_880 = vector.shape_cast %get3A_879 : vector<1x16xf32> to vector<16xf32>
        %get3A_881 = arith.constant 11 : i32
        %get3A_882 = arith.index_cast %get3A_881 : i32 to index
        %get3A_883 = arith.index_cast %mul3A_331 : i32 to index
        %get3A_884 = tpu.vector_load %arg8[%get3A_882, %get3A_883] {strides = array<i32>} : memref<40x768xf32, #tpu.memory_space<vmem>>, vector<1x16xf32>,
        %get3A_885 = vector.shape_cast %get3A_884 : vector<1x16xf32> to vector<16xf32>
        %get3A_886 = arith.constant 15 : i32
        %get3A_887 = arith.index_cast %get3A_886 : i32 to index
        %get3A_888 = arith.index_cast %mul3A_331 : i32 to index
        %get3A_889 = tpu.vector_load %arg8[%get3A_887, %get3A_888] {strides = array<i32>} : memref<40x768xf32, #tpu.memory_space<vmem>>, vector<1x16xf32>,
        %get3A_890 = vector.shape_cast %get3A_889 : vector<1x16xf32> to vector<16xf32>
        %get3A_891 = arith.constant 19 : i32
        %get3A_892 = arith.index_cast %get3A_891 : i32 to index
        %get3A_893 = arith.index_cast %mul3A_331 : i32 to index
        %get3A_894 = tpu.vector_load %arg8[%get3A_892, %get3A_893] {strides = array<i32>} : memref<40x768xf32, #tpu.memory_space<vmem>>, vector<1x16xf32>,
        %get3A_895 = vector.shape_cast %get3A_894 : vector<1x16xf32> to vector<16xf32>
        %get3A_896 = arith.constant 23 : i32
        %get3A_897 = arith.index_cast %get3A_896 : i32 to index
        %get3A_898 = arith.index_cast %mul3A_331 : i32 to index
        %get3A_899 = tpu.vector_load %arg8[%get3A_897, %get3A_898] {strides = array<i32>} : memref<40x768xf32, #tpu.memory_space<vmem>>, vector<1x16xf32>,
        %get3A_900 = vector.shape_cast %get3A_899 : vector<1x16xf32> to vector<16xf32>
        %get3A_901 = arith.constant 27 : i32
        %get3A_902 = arith.index_cast %get3A_901 : i32 to index
        %get3A_903 = arith.index_cast %mul3A_331 : i32 to index
        %get3A_904 = tpu.vector_load %arg8[%get3A_902, %get3A_903] {strides = array<i32>} : memref<40x768xf32, #tpu.memory_space<vmem>>, vector<1x16xf32>,
        %get3A_905 = vector.shape_cast %get3A_904 : vector<1x16xf32> to vector<16xf32>
        %get3A_906 = arith.constant 31 : i32
        %get3A_907 = arith.index_cast %get3A_906 : i32 to index
        %get3A_908 = arith.index_cast %mul3A_331 : i32 to index
        %get3A_909 = tpu.vector_load %arg8[%get3A_907, %get3A_908] {strides = array<i32>} : memref<40x768xf32, #tpu.memory_space<vmem>>, vector<1x16xf32>,
        %get3A_910 = vector.shape_cast %get3A_909 : vector<1x16xf32> to vector<16xf32>
        %get3A_911 = arith.constant 35 : i32
        %get3A_912 = arith.index_cast %get3A_911 : i32 to index
        %get3A_913 = arith.index_cast %mul3A_331 : i32 to index
        %get3A_914 = tpu.vector_load %arg8[%get3A_912, %get3A_913] {strides = array<i32>} : memref<40x768xf32, #tpu.memory_space<vmem>>, vector<1x16xf32>,
        %get3A_915 = vector.shape_cast %get3A_914 : vector<1x16xf32> to vector<16xf32>
        %mul3A_916 = arith.mulf %get3A_875, %get3A_6 : vector<16xf32>
        %mul3A_917 = arith.mulf %get3A_880, %get3A_11 : vector<16xf32>
        %add3A_918 = arith.addf %mul3A_916, %mul3A_917 : vector<16xf32>
        %mul3A_919 = arith.mulf %get3A_885, %get3A_16 : vector<16xf32>
        %add3A_920 = arith.addf %add3A_918, %mul3A_919 : vector<16xf32>
        %mul3A_921 = arith.mulf %get3A_890, %get3A_21 : vector<16xf32>
        %add3A_922 = arith.addf %add3A_920, %mul3A_921 : vector<16xf32>
        %mul3A_923 = arith.mulf %get3A_895, %get3A_26 : vector<16xf32>
        %add3A_924 = arith.addf %add3A_922, %mul3A_923 : vector<16xf32>
        %mul3A_925 = arith.mulf %get3A_900, %get3A_31 : vector<16xf32>
        %add3A_926 = arith.addf %add3A_924, %mul3A_925 : vector<16xf32>
        %mul3A_927 = arith.mulf %get3A_905, %get3A_36 : vector<16xf32>
        %add3A_928 = arith.addf %add3A_926, %mul3A_927 : vector<16xf32>
        %mul3A_929 = arith.mulf %get3A_910, %get3A_41 : vector<16xf32>
        %add3A_930 = arith.addf %add3A_928, %mul3A_929 : vector<16xf32>
        %mul3A_931 = arith.mulf %get3A_915, %get3A_46 : vector<16xf32>
        %add3A_932 = arith.addf %add3A_930, %mul3A_931 : vector<16xf32>
        %mul3A_933 = arith.constant 16 : i32
        %mul3A_934 = arith.muli %scan3A_329, %mul3A_933 : i32
        %add3A_935 = arith.constant 0 : i32
        %add3A_936 = arith.addi %add3A_935, %mul3A_934 : i32
        %swap3A_937 = arith.constant 3 : i32
        %swap3A_938 = arith.index_cast %swap3A_937 : i32 to index
        %swap3A_939 = arith.index_cast %add3A_936 : i32 to index
        %swap3A_940 = tpu.vector_load %arg9[%swap3A_938, %swap3A_939] {strides = array<i32>} : memref<4x3840xf32, #tpu.memory_space<vmem>>, vector<1x16xf32>,
        %swap3A_941 = vector.shape_cast %swap3A_940 : vector<1x16xf32> to vector<16xf32>
        %swap3A_942 = vector.shape_cast %add3A_932 : vector<16xf32> to vector<1x16xf32>
        tpu.vector_store %arg9[%swap3A_938, %swap3A_939], %swap3A_942 {strides = array<i32>} : memref<4x3840xf32, #tpu.memory_space<vmem>>, vector<1x16xf32>,
        %mul3A_943 = arith.mulf %get3A_875, %get3A_51 : vector<16xf32>
        %mul3A_944 = arith.mulf %get3A_880, %get3A_56 : vector<16xf32>
        %add3A_945 = arith.addf %mul3A_943, %mul3A_944 : vector<16xf32>
        %mul3A_946 = arith.mulf %get3A_885, %get3A_61 : vector<16xf32>
        %add3A_947 = arith.addf %add3A_945, %mul3A_946 : vector<16xf32>
        %mul3A_948 = arith.mulf %get3A_890, %get3A_66 : vector<16xf32>
        %add3A_949 = arith.addf %add3A_947, %mul3A_948 : vector<16xf32>
        %mul3A_950 = arith.mulf %get3A_895, %get3A_71 : vector<16xf32>
        %add3A_951 = arith.addf %add3A_949, %mul3A_950 : vector<16xf32>
        %mul3A_952 = arith.mulf %get3A_900, %get3A_76 : vector<16xf32>
        %add3A_953 = arith.addf %add3A_951, %mul3A_952 : vector<16xf32>
        %mul3A_954 = arith.mulf %get3A_905, %get3A_81 : vector<16xf32>
        %add3A_955 = arith.addf %add3A_953, %mul3A_954 : vector<16xf32>
        %mul3A_956 = arith.mulf %get3A_910, %get3A_86 : vector<16xf32>
        %add3A_957 = arith.addf %add3A_955, %mul3A_956 : vector<16xf32>
        %mul3A_958 = arith.mulf %get3A_915, %get3A_91 : vector<16xf32>
        %add3A_959 = arith.addf %add3A_957, %mul3A_958 : vector<16xf32>
        %mul3A_960 = arith.constant 16 : i32
        %mul3A_961 = arith.muli %scan3A_329, %mul3A_960 : i32
        %add3A_962 = arith.constant 768 : i32
        %add3A_963 = arith.addi %add3A_962, %mul3A_961 : i32
        %swap3A_964 = arith.constant 3 : i32
        %swap3A_965 = arith.index_cast %swap3A_964 : i32 to index
        %swap3A_966 = arith.index_cast %add3A_963 : i32 to index
        %swap3A_967 = tpu.vector_load %arg9[%swap3A_965, %swap3A_966] {strides = array<i32>} : memref<4x3840xf32, #tpu.memory_space<vmem>>, vector<1x16xf32>,
        %swap3A_968 = vector.shape_cast %swap3A_967 : vector<1x16xf32> to vector<16xf32>
        %swap3A_969 = vector.shape_cast %add3A_959 : vector<16xf32> to vector<1x16xf32>
        tpu.vector_store %arg9[%swap3A_965, %swap3A_966], %swap3A_969 {strides = array<i32>} : memref<4x3840xf32, #tpu.memory_space<vmem>>, vector<1x16xf32>,
        %mul3A_970 = arith.mulf %get3A_875, %get3A_96 : vector<16xf32>
        %mul3A_971 = arith.mulf %get3A_880, %get3A_101 : vector<16xf32>
        %add3A_972 = arith.addf %mul3A_970, %mul3A_971 : vector<16xf32>
        %mul3A_973 = arith.mulf %get3A_885, %get3A_106 : vector<16xf32>
        %add3A_974 = arith.addf %add3A_972, %mul3A_973 : vector<16xf32>
        %mul3A_975 = arith.mulf %get3A_890, %get3A_111 : vector<16xf32>
        %add3A_976 = arith.addf %add3A_974, %mul3A_975 : vector<16xf32>
        %mul3A_977 = arith.mulf %get3A_895, %get3A_116 : vector<16xf32>
        %add3A_978 = arith.addf %add3A_976, %mul3A_977 : vector<16xf32>
        %mul3A_979 = arith.mulf %get3A_900, %get3A_121 : vector<16xf32>
        %add3A_980 = arith.addf %add3A_978, %mul3A_979 : vector<16xf32>
        %mul3A_981 = arith.mulf %get3A_905, %get3A_126 : vector<16xf32>
        %add3A_982 = arith.addf %add3A_980, %mul3A_981 : vector<16xf32>
        %mul3A_983 = arith.mulf %get3A_910, %get3A_131 : vector<16xf32>
        %add3A_984 = arith.addf %add3A_982, %mul3A_983 : vector<16xf32>
        %mul3A_985 = arith.mulf %get3A_915, %get3A_136 : vector<16xf32>
        %add3A_986 = arith.addf %add3A_984, %mul3A_985 : vector<16xf32>
        %mul3A_987 = arith.constant 16 : i32
        %mul3A_988 = arith.muli %scan3A_329, %mul3A_987 : i32
        %add3A_989 = arith.constant 1536 : i32
        %add3A_990 = arith.addi %add3A_989, %mul3A_988 : i32
        %swap3A_991 = arith.constant 3 : i32
        %swap3A_992 = arith.index_cast %swap3A_991 : i32 to index
        %swap3A_993 = arith.index_cast %add3A_990 : i32 to index
        %swap3A_994 = tpu.vector_load %arg9[%swap3A_992, %swap3A_993] {strides = array<i32>} : memref<4x3840xf32, #tpu.memory_space<vmem>>, vector<1x16xf32>,
        %swap3A_995 = vector.shape_cast %swap3A_994 : vector<1x16xf32> to vector<16xf32>
        %swap3A_996 = vector.shape_cast %add3A_986 : vector<16xf32> to vector<1x16xf32>
        tpu.vector_store %arg9[%swap3A_992, %swap3A_993], %swap3A_996 {strides = array<i32>} : memref<4x3840xf32, #tpu.memory_space<vmem>>, vector<1x16xf32>,
        %mul3A_997 = arith.mulf %get3A_875, %get3A_141 : vector<16xf32>
        %mul3A_998 = arith.mulf %get3A_880, %get3A_146 : vector<16xf32>
        %add3A_999 = arith.addf %mul3A_997, %mul3A_998 : vector<16xf32>
        %mul3A_1000 = arith.mulf %get3A_885, %get3A_151 : vector<16xf32>
        %add3A_1001 = arith.addf %add3A_999, %mul3A_1000 : vector<16xf32>
        %mul3A_1002 = arith.mulf %get3A_890, %get3A_156 : vector<16xf32>
        %add3A_1003 = arith.addf %add3A_1001, %mul3A_1002 : vector<16xf32>
        %mul3A_1004 = arith.mulf %get3A_895, %get3A_161 : vector<16xf32>
        %add3A_1005 = arith.addf %add3A_1003, %mul3A_1004 : vector<16xf32>
        %mul3A_1006 = arith.mulf %get3A_900, %get3A_166 : vector<16xf32>
        %add3A_1007 = arith.addf %add3A_1005, %mul3A_1006 : vector<16xf32>
        %mul3A_1008 = arith.mulf %get3A_905, %get3A_171 : vector<16xf32>
        %add3A_1009 = arith.addf %add3A_1007, %mul3A_1008 : vector<16xf32>
        %mul3A_1010 = arith.mulf %get3A_910, %get3A_176 : vector<16xf32>
        %add3A_1011 = arith.addf %add3A_1009, %mul3A_1010 : vector<16xf32>
        %mul3A_1012 = arith.mulf %get3A_915, %get3A_181 : vector<16xf32>
        %add3A_1013 = arith.addf %add3A_1011, %mul3A_1012 : vector<16xf32>
        %mul3A_1014 = arith.constant 16 : i32
        %mul3A_1015 = arith.muli %scan3A_329, %mul3A_1014 : i32
        %add3A_1016 = arith.constant 2304 : i32
        %add3A_1017 = arith.addi %add3A_1016, %mul3A_1015 : i32
        %swap3A_1018 = arith.constant 3 : i32
        %swap3A_1019 = arith.index_cast %swap3A_1018 : i32 to index
        %swap3A_1020 = arith.index_cast %add3A_1017 : i32 to index
        %swap3A_1021 = tpu.vector_load %arg9[%swap3A_1019, %swap3A_1020] {strides = array<i32>} : memref<4x3840xf32, #tpu.memory_space<vmem>>, vector<1x16xf32>,
        %swap3A_1022 = vector.shape_cast %swap3A_1021 : vector<1x16xf32> to vector<16xf32>
        %swap3A_1023 = vector.shape_cast %add3A_1013 : vector<16xf32> to vector<1x16xf32>
        tpu.vector_store %arg9[%swap3A_1019, %swap3A_1020], %swap3A_1023 {strides = array<i32>} : memref<4x3840xf32, #tpu.memory_space<vmem>>, vector<1x16xf32>,
        %mul3A_1024 = arith.mulf %get3A_875, %get3A_186 : vector<16xf32>
        %mul3A_1025 = arith.mulf %get3A_880, %get3A_191 : vector<16xf32>
        %add3A_1026 = arith.addf %mul3A_1024, %mul3A_1025 : vector<16xf32>
        %mul3A_1027 = arith.mulf %get3A_885, %get3A_196 : vector<16xf32>
        %add3A_1028 = arith.addf %add3A_1026, %mul3A_1027 : vector<16xf32>
        %mul3A_1029 = arith.mulf %get3A_890, %get3A_201 : vector<16xf32>
        %add3A_1030 = arith.addf %add3A_1028, %mul3A_1029 : vector<16xf32>
        %mul3A_1031 = arith.mulf %get3A_895, %get3A_206 : vector<16xf32>
        %add3A_1032 = arith.addf %add3A_1030, %mul3A_1031 : vector<16xf32>
        %mul3A_1033 = arith.mulf %get3A_900, %get3A_211 : vector<16xf32>
        %add3A_1034 = arith.addf %add3A_1032, %mul3A_1033 : vector<16xf32>
        %mul3A_1035 = arith.mulf %get3A_905, %get3A_216 : vector<16xf32>
        %add3A_1036 = arith.addf %add3A_1034, %mul3A_1035 : vector<16xf32>
        %mul3A_1037 = arith.mulf %get3A_910, %get3A_221 : vector<16xf32>
        %add3A_1038 = arith.addf %add3A_1036, %mul3A_1037 : vector<16xf32>
        %mul3A_1039 = arith.mulf %get3A_915, %get3A_226 : vector<16xf32>
        %add3A_1040 = arith.addf %add3A_1038, %mul3A_1039 : vector<16xf32>
        %mul3A_1041 = arith.constant 16 : i32
        %mul3A_1042 = arith.muli %scan3A_329, %mul3A_1041 : i32
        %add3A_1043 = arith.constant 3072 : i32
        %add3A_1044 = arith.addi %add3A_1043, %mul3A_1042 : i32
        %swap3A_1045 = arith.constant 3 : i32
        %swap3A_1046 = arith.index_cast %swap3A_1045 : i32 to index
        %swap3A_1047 = arith.index_cast %add3A_1044 : i32 to index
        %swap3A_1048 = tpu.vector_load %arg9[%swap3A_1046, %swap3A_1047] {strides = array<i32>} : memref<4x3840xf32, #tpu.memory_space<vmem>>, vector<1x16xf32>,
        %swap3A_1049 = vector.shape_cast %swap3A_1048 : vector<1x16xf32> to vector<16xf32>
        %swap3A_1050 = vector.shape_cast %add3A_1040 : vector<16xf32> to vector<1x16xf32>
        tpu.vector_store %arg9[%swap3A_1046, %swap3A_1047], %swap3A_1050 {strides = array<i32>} : memref<4x3840xf32, #tpu.memory_space<vmem>>, vector<1x16xf32>,
      }
      %scan3A_319 = arith.constant 48 : i32
      %dma_wait3A_320 = arith.constant 0 : i32
      %dma_wait3A_321 = tpu.memref_slice %arg6[%add3A_307, %dma_wait3A_320] : memref<32x40xi32, #tpu.memory_space<vmem>> -> memref<1x40xi32, #tpu.memory_space<vmem>>
      %dma_wait3A_322 = tpu.memref_squeeze %dma_wait3A_321 : memref<1x40xi32, #tpu.memory_space<vmem>> -> memref<40xi32, #tpu.memory_space<vmem>>
      %dma_wait3A_323 = arith.constant 0 : i32
      %dma_wait3A_324 = arith.constant 0 : i32
      %dma_wait3A_325 = tpu.memref_slice %arg2[%dma_wait3A_323, %dma_wait3A_324] : memref<900000x768xf32, #tpu.memory_space<hbm>> -> memref<900000x768xf32, #tpu.memory_space<hbm>>
      tpu.wait_indirect_dma semaphore(%arg11 : memref<!tpu.dma_semaphore, #tpu.memory_space<semaphore_mem>>) src(%dma_wait3A_325 : memref<900000x768xf32, #tpu.memory_space<hbm>>) dst(%arg7 : memref<40x768xf32, #tpu.memory_space<vmem>>)
      %mul3A_326 = arith.constant 4 : i32
      %mul3A_327 = arith.muli %add3A_305, %mul3A_326 : i32
      %add3A_328 = arith.addi %mul3A_2, %mul3A_327 : i32
      "tpu.region"() ({
        %run_scoped3A = tpu.sem_alloc : memref<!tpu.dma_semaphore, #tpu.memory_space<semaphore_mem>>
        %dma_start3A_329 = arith.constant 0 : i32
        %dma_start3A_330 = tpu.memref_slice %arg5[%add3A_328, %dma_start3A_329] : memref<4096x3840xf32, #tpu.memory_space<hbm>> -> memref<4x3840xf32, #tpu.memory_space<hbm>>
        %dma_start3A_331 = arith.constant 0 : i32
        %dma_start3A_332 = tpu.memref_slice %arg5[%add3A_328, %dma_start3A_331] : memref<4096x3840xf32, #tpu.memory_space<hbm>> -> memref<4x3840xf32, #tpu.memory_space<hbm>>
        tpu.enqueue_dma source(%arg9 : memref<4x3840xf32, #tpu.memory_space<vmem>>) target(%dma_start3A_332 : memref<4x3840xf32, #tpu.memory_space<hbm>>) target_semaphore(%run_scoped3A : memref<!tpu.dma_semaphore, #tpu.memory_space<semaphore_mem>>)
        %dma_wait3A_333 = arith.constant 0 : i32
        %dma_wait3A_334 = tpu.memref_slice %arg5[%add3A_328, %dma_wait3A_333] : memref<4096x3840xf32, #tpu.memory_space<hbm>> -> memref<4x3840xf32, #tpu.memory_space<hbm>>
        %dma_wait3A_335 = arith.constant 0 : i32
        %dma_wait3A_336 = tpu.memref_slice %arg5[%add3A_328, %dma_wait3A_335] : memref<4096x3840xf32, #tpu.memory_space<hbm>> -> memref<4x3840xf32, #tpu.memory_space<hbm>>
        tpu.wait_dma2 semaphore(%run_scoped3A : memref<!tpu.dma_semaphore, #tpu.memory_space<semaphore_mem>>) src(%arg9 : memref<4x3840xf32, #tpu.memory_space<vmem>>) dst(%dma_wait3A_336 : memref<4x3840xf32, #tpu.memory_space<hbm>>)
        tpu.yield
      }) : () -> ()
    }
    %scan3A_243 = arith.constant 15 : i32
    %dma_start3A_244 = arith.constant 31 : i32
    %dma_start3A_245 = arith.constant 0 : i32
    %dma_start3A_246 = tpu.memref_slice %arg6[%dma_start3A_244, %dma_start3A_245] : memref<32x40xi32, #tpu.memory_space<vmem>> -> memref<1x40xi32, #tpu.memory_space<vmem>>
    %dma_start3A_247 = tpu.memref_squeeze %dma_start3A_246 : memref<1x40xi32, #tpu.memory_space<vmem>> -> memref<40xi32, #tpu.memory_space<vmem>>
    %dma_start3A_248 = arith.constant 0 : i32
    %dma_start3A_249 = arith.constant 0 : i32
    %dma_start3A_250 = tpu.memref_slice %arg2[%dma_start3A_248, %dma_start3A_249] : memref<900000x768xf32, #tpu.memory_space<hbm>> -> memref<900000x768xf32, #tpu.memory_space<hbm>>
    tpu.enqueue_indirect_dma source(%dma_start3A_250 : memref<900000x768xf32, #tpu.memory_space<hbm>>) target(%arg8 : memref<40x768xf32, #tpu.memory_space<vmem>>) offsets(%dma_start3A_247 : memref<40xi32, #tpu.memory_space<vmem>>) semaphore(%arg12 : memref<!tpu.dma_semaphore, #tpu.memory_space<semaphore_mem>>)
    %scan3A_251 = arith.constant 0 : i32
    %scan3A_252 = arith.constant 0 : i32
    %scan3A_253 = arith.constant 48 : i32
    %scan3A_254 = arith.addi %scan3A_252, %scan3A_253 : i32
    %scan3A_255 = arith.constant 1 : i32
    scf.for %scan3A_274 = %scan3A_252 to %scan3A_254 step %scan3A_255  : i32 {
      %mul3A_275 = arith.constant 16 : i32
      %mul3A_276 = arith.muli %scan3A_274, %mul3A_275 : i32
      %get3A_277 = arith.constant 0 : i32
      %get3A_278 = arith.index_cast %get3A_277 : i32 to index
      %get3A_279 = arith.index_cast %mul3A_276 : i32 to index
      %get3A_280 = tpu.vector_load %arg7[%get3A_278, %get3A_279] {strides = array<i32>} : memref<40x768xf32, #tpu.memory_space<vmem>>, vector<1x16xf32>,
      %get3A_281 = vector.shape_cast %get3A_280 : vector<1x16xf32> to vector<16xf32>
      %get3A_282 = arith.constant 4 : i32
      %get3A_283 = arith.index_cast %get3A_282 : i32 to index
      %get3A_284 = arith.index_cast %mul3A_276 : i32 to index
      %get3A_285 = tpu.vector_load %arg7[%get3A_283, %get3A_284] {strides = array<i32>} : memref<40x768xf32, #tpu.memory_space<vmem>>, vector<1x16xf32>,
      %get3A_286 = vector.shape_cast %get3A_285 : vector<1x16xf32> to vector<16xf32>
      %get3A_287 = arith.constant 8 : i32
      %get3A_288 = arith.index_cast %get3A_287 : i32 to index
      %get3A_289 = arith.index_cast %mul3A_276 : i32 to index
      %get3A_290 = tpu.vector_load %arg7[%get3A_288, %get3A_289] {strides = array<i32>} : memref<40x768xf32, #tpu.memory_space<vmem>>, vector<1x16xf32>,
      %get3A_291 = vector.shape_cast %get3A_290 : vector<1x16xf32> to vector<16xf32>
      %get3A_292 = arith.constant 12 : i32
      %get3A_293 = arith.index_cast %get3A_292 : i32 to index
      %get3A_294 = arith.index_cast %mul3A_276 : i32 to index
      %get3A_295 = tpu.vector_load %arg7[%get3A_293, %get3A_294] {strides = array<i32>} : memref<40x768xf32, #tpu.memory_space<vmem>>, vector<1x16xf32>,
      %get3A_296 = vector.shape_cast %get3A_295 : vector<1x16xf32> to vector<16xf32>
      %get3A_297 = arith.constant 16 : i32
      %get3A_298 = arith.index_cast %get3A_297 : i32 to index
      %get3A_299 = arith.index_cast %mul3A_276 : i32 to index
      %get3A_300 = tpu.vector_load %arg7[%get3A_298, %get3A_299] {strides = array<i32>} : memref<40x768xf32, #tpu.memory_space<vmem>>, vector<1x16xf32>,
      %get3A_301 = vector.shape_cast %get3A_300 : vector<1x16xf32> to vector<16xf32>
      %get3A_302 = arith.constant 20 : i32
      %get3A_303 = arith.index_cast %get3A_302 : i32 to index
      %get3A_304 = arith.index_cast %mul3A_276 : i32 to index
      %get3A_305 = tpu.vector_load %arg7[%get3A_303, %get3A_304] {strides = array<i32>} : memref<40x768xf32, #tpu.memory_space<vmem>>, vector<1x16xf32>,
      %get3A_306 = vector.shape_cast %get3A_305 : vector<1x16xf32> to vector<16xf32>
      %get3A_307 = arith.constant 24 : i32
      %get3A_308 = arith.index_cast %get3A_307 : i32 to index
      %get3A_309 = arith.index_cast %mul3A_276 : i32 to index
      %get3A_310 = tpu.vector_load %arg7[%get3A_308, %get3A_309] {strides = array<i32>} : memref<40x768xf32, #tpu.memory_space<vmem>>, vector<1x16xf32>,
      %get3A_311 = vector.shape_cast %get3A_310 : vector<1x16xf32> to vector<16xf32>
      %get3A_312 = arith.constant 28 : i32
      %get3A_313 = arith.index_cast %get3A_312 : i32 to index
      %get3A_314 = arith.index_cast %mul3A_276 : i32 to index
      %get3A_315 = tpu.vector_load %arg7[%get3A_313, %get3A_314] {strides = array<i32>} : memref<40x768xf32, #tpu.memory_space<vmem>>, vector<1x16xf32>,
      %get3A_316 = vector.shape_cast %get3A_315 : vector<1x16xf32> to vector<16xf32>
      %get3A_317 = arith.constant 32 : i32
      %get3A_318 = arith.index_cast %get3A_317 : i32 to index
      %get3A_319 = arith.index_cast %mul3A_276 : i32 to index
      %get3A_320 = tpu.vector_load %arg7[%get3A_318, %get3A_319] {strides = array<i32>} : memref<40x768xf32, #tpu.memory_space<vmem>>, vector<1x16xf32>,
      %get3A_321 = vector.shape_cast %get3A_320 : vector<1x16xf32> to vector<16xf32>
      %mul3A_322 = arith.mulf %get3A_281, %get3A_6 : vector<16xf32>
      %mul3A_323 = arith.mulf %get3A_286, %get3A_11 : vector<16xf32>
      %add3A_324 = arith.addf %mul3A_322, %mul3A_323 : vector<16xf32>
      %mul3A_325 = arith.mulf %get3A_291, %get3A_16 : vector<16xf32>
      %add3A_326 = arith.addf %add3A_324, %mul3A_325 : vector<16xf32>
      %mul3A_327 = arith.mulf %get3A_296, %get3A_21 : vector<16xf32>
      %add3A_328 = arith.addf %add3A_326, %mul3A_327 : vector<16xf32>
      %mul3A_329 = arith.mulf %get3A_301, %get3A_26 : vector<16xf32>
      %add3A_330 = arith.addf %add3A_328, %mul3A_329 : vector<16xf32>
      %mul3A_331 = arith.mulf %get3A_306, %get3A_31 : vector<16xf32>
      %add3A_332 = arith.addf %add3A_330, %mul3A_331 : vector<16xf32>
      %mul3A_333 = arith.mulf %get3A_311, %get3A_36 : vector<16xf32>
      %add3A_334 = arith.addf %add3A_332, %mul3A_333 : vector<16xf32>
      %mul3A_335 = arith.mulf %get3A_316, %get3A_41 : vector<16xf32>
      %add3A_336 = arith.addf %add3A_334, %mul3A_335 : vector<16xf32>
      %mul3A_337 = arith.mulf %get3A_321, %get3A_46 : vector<16xf32>
      %add3A_338 = arith.addf %add3A_336, %mul3A_337 : vector<16xf32>
      %mul3A_339 = arith.constant 16 : i32
      %mul3A_340 = arith.muli %scan3A_274, %mul3A_339 : i32
      %add3A_341 = arith.constant 0 : i32
      %add3A_342 = arith.addi %add3A_341, %mul3A_340 : i32
      %swap3A = arith.constant 0 : i32
      %swap3A_343 = arith.index_cast %swap3A : i32 to index
      %swap3A_344 = arith.index_cast %add3A_342 : i32 to index
      %swap3A_345 = tpu.vector_load %arg9[%swap3A_343, %swap3A_344] {strides = array<i32>} : memref<4x3840xf32, #tpu.memory_space<vmem>>, vector<1x16xf32>,
      %swap3A_346 = vector.shape_cast %swap3A_345 : vector<1x16xf32> to vector<16xf32>
      %swap3A_347 = vector.shape_cast %add3A_338 : vector<16xf32> to vector<1x16xf32>
      tpu.vector_store %arg9[%swap3A_343, %swap3A_344], %swap3A_347 {strides = array<i32>} : memref<4x3840xf32, #tpu.memory_space<vmem>>, vector<1x16xf32>,
      %mul3A_348 = arith.mulf %get3A_281, %get3A_51 : vector<16xf32>
      %mul3A_349 = arith.mulf %get3A_286, %get3A_56 : vector<16xf32>
      %add3A_350 = arith.addf %mul3A_348, %mul3A_349 : vector<16xf32>
      %mul3A_351 = arith.mulf %get3A_291, %get3A_61 : vector<16xf32>
      %add3A_352 = arith.addf %add3A_350, %mul3A_351 : vector<16xf32>
      %mul3A_353 = arith.mulf %get3A_296, %get3A_66 : vector<16xf32>
      %add3A_354 = arith.addf %add3A_352, %mul3A_353 : vector<16xf32>
      %mul3A_355 = arith.mulf %get3A_301, %get3A_71 : vector<16xf32>
      %add3A_356 = arith.addf %add3A_354, %mul3A_355 : vector<16xf32>
      %mul3A_357 = arith.mulf %get3A_306, %get3A_76 : vector<16xf32>
      %add3A_358 = arith.addf %add3A_356, %mul3A_357 : vector<16xf32>
      %mul3A_359 = arith.mulf %get3A_311, %get3A_81 : vector<16xf32>
      %add3A_360 = arith.addf %add3A_358, %mul3A_359 : vector<16xf32>
      %mul3A_361 = arith.mulf %get3A_316, %get3A_86 : vector<16xf32>
      %add3A_362 = arith.addf %add3A_360, %mul3A_361 : vector<16xf32>
      %mul3A_363 = arith.mulf %get3A_321, %get3A_91 : vector<16xf32>
      %add3A_364 = arith.addf %add3A_362, %mul3A_363 : vector<16xf32>
      %mul3A_365 = arith.constant 16 : i32
      %mul3A_366 = arith.muli %scan3A_274, %mul3A_365 : i32
      %add3A_367 = arith.constant 768 : i32
      %add3A_368 = arith.addi %add3A_367, %mul3A_366 : i32
      %swap3A_369 = arith.constant 0 : i32
      %swap3A_370 = arith.index_cast %swap3A_369 : i32 to index
      %swap3A_371 = arith.index_cast %add3A_368 : i32 to index
      %swap3A_372 = tpu.vector_load %arg9[%swap3A_370, %swap3A_371] {strides = array<i32>} : memref<4x3840xf32, #tpu.memory_space<vmem>>, vector<1x16xf32>,
      %swap3A_373 = vector.shape_cast %swap3A_372 : vector<1x16xf32> to vector<16xf32>
      %swap3A_374 = vector.shape_cast %add3A_364 : vector<16xf32> to vector<1x16xf32>
      tpu.vector_store %arg9[%swap3A_370, %swap3A_371], %swap3A_374 {strides = array<i32>} : memref<4x3840xf32, #tpu.memory_space<vmem>>, vector<1x16xf32>,
      %mul3A_375 = arith.mulf %get3A_281, %get3A_96 : vector<16xf32>
      %mul3A_376 = arith.mulf %get3A_286, %get3A_101 : vector<16xf32>
      %add3A_377 = arith.addf %mul3A_375, %mul3A_376 : vector<16xf32>
      %mul3A_378 = arith.mulf %get3A_291, %get3A_106 : vector<16xf32>
      %add3A_379 = arith.addf %add3A_377, %mul3A_378 : vector<16xf32>
      %mul3A_380 = arith.mulf %get3A_296, %get3A_111 : vector<16xf32>
      %add3A_381 = arith.addf %add3A_379, %mul3A_380 : vector<16xf32>
      %mul3A_382 = arith.mulf %get3A_301, %get3A_116 : vector<16xf32>
      %add3A_383 = arith.addf %add3A_381, %mul3A_382 : vector<16xf32>
      %mul3A_384 = arith.mulf %get3A_306, %get3A_121 : vector<16xf32>
      %add3A_385 = arith.addf %add3A_383, %mul3A_384 : vector<16xf32>
      %mul3A_386 = arith.mulf %get3A_311, %get3A_126 : vector<16xf32>
      %add3A_387 = arith.addf %add3A_385, %mul3A_386 : vector<16xf32>
      %mul3A_388 = arith.mulf %get3A_316, %get3A_131 : vector<16xf32>
      %add3A_389 = arith.addf %add3A_387, %mul3A_388 : vector<16xf32>
      %mul3A_390 = arith.mulf %get3A_321, %get3A_136 : vector<16xf32>
      %add3A_391 = arith.addf %add3A_389, %mul3A_390 : vector<16xf32>
      %mul3A_392 = arith.constant 16 : i32
      %mul3A_393 = arith.muli %scan3A_274, %mul3A_392 : i32
      %add3A_394 = arith.constant 1536 : i32
      %add3A_395 = arith.addi %add3A_394, %mul3A_393 : i32
      %swap3A_396 = arith.constant 0 : i32
      %swap3A_397 = arith.index_cast %swap3A_396 : i32 to index
      %swap3A_398 = arith.index_cast %add3A_395 : i32 to index
      %swap3A_399 = tpu.vector_load %arg9[%swap3A_397, %swap3A_398] {strides = array<i32>} : memref<4x3840xf32, #tpu.memory_space<vmem>>, vector<1x16xf32>,
      %swap3A_400 = vector.shape_cast %swap3A_399 : vector<1x16xf32> to vector<16xf32>
      %swap3A_401 = vector.shape_cast %add3A_391 : vector<16xf32> to vector<1x16xf32>
      tpu.vector_store %arg9[%swap3A_397, %swap3A_398], %swap3A_401 {strides = array<i32>} : memref<4x3840xf32, #tpu.memory_space<vmem>>, vector<1x16xf32>,
      %mul3A_402 = arith.mulf %get3A_281, %get3A_141 : vector<16xf32>
      %mul3A_403 = arith.mulf %get3A_286, %get3A_146 : vector<16xf32>
      %add3A_404 = arith.addf %mul3A_402, %mul3A_403 : vector<16xf32>
      %mul3A_405 = arith.mulf %get3A_291, %get3A_151 : vector<16xf32>
      %add3A_406 = arith.addf %add3A_404, %mul3A_405 : vector<16xf32>
      %mul3A_407 = arith.mulf %get3A_296, %get3A_156 : vector<16xf32>
      %add3A_408 = arith.addf %add3A_406, %mul3A_407 : vector<16xf32>
      %mul3A_409 = arith.mulf %get3A_301, %get3A_161 : vector<16xf32>
      %add3A_410 = arith.addf %add3A_408, %mul3A_409 : vector<16xf32>
      %mul3A_411 = arith.mulf %get3A_306, %get3A_166 : vector<16xf32>
      %add3A_412 = arith.addf %add3A_410, %mul3A_411 : vector<16xf32>
      %mul3A_413 = arith.mulf %get3A_311, %get3A_171 : vector<16xf32>
      %add3A_414 = arith.addf %add3A_412, %mul3A_413 : vector<16xf32>
      %mul3A_415 = arith.mulf %get3A_316, %get3A_176 : vector<16xf32>
      %add3A_416 = arith.addf %add3A_414, %mul3A_415 : vector<16xf32>
      %mul3A_417 = arith.mulf %get3A_321, %get3A_181 : vector<16xf32>
      %add3A_418 = arith.addf %add3A_416, %mul3A_417 : vector<16xf32>
      %mul3A_419 = arith.constant 16 : i32
      %mul3A_420 = arith.muli %scan3A_274, %mul3A_419 : i32
      %add3A_421 = arith.constant 2304 : i32
      %add3A_422 = arith.addi %add3A_421, %mul3A_420 : i32
      %swap3A_423 = arith.constant 0 : i32
      %swap3A_424 = arith.index_cast %swap3A_423 : i32 to index
      %swap3A_425 = arith.index_cast %add3A_422 : i32 to index
      %swap3A_426 = tpu.vector_load %arg9[%swap3A_424, %swap3A_425] {strides = array<i32>} : memref<4x3840xf32, #tpu.memory_space<vmem>>, vector<1x16xf32>,
      %swap3A_427 = vector.shape_cast %swap3A_426 : vector<1x16xf32> to vector<16xf32>
      %swap3A_428 = vector.shape_cast %add3A_418 : vector<16xf32> to vector<1x16xf32>
      tpu.vector_store %arg9[%swap3A_424, %swap3A_425], %swap3A_428 {strides = array<i32>} : memref<4x3840xf32, #tpu.memory_space<vmem>>, vector<1x16xf32>,
      %mul3A_429 = arith.mulf %get3A_281, %get3A_186 : vector<16xf32>
      %mul3A_430 = arith.mulf %get3A_286, %get3A_191 : vector<16xf32>
      %add3A_431 = arith.addf %mul3A_429, %mul3A_430 : vector<16xf32>
      %mul3A_432 = arith.mulf %get3A_291, %get3A_196 : vector<16xf32>
      %add3A_433 = arith.addf %add3A_431, %mul3A_432 : vector<16xf32>
      %mul3A_434 = arith.mulf %get3A_296, %get3A_201 : vector<16xf32>
      %add3A_435 = arith.addf %add3A_433, %mul3A_434 : vector<16xf32>
      %mul3A_436 = arith.mulf %get3A_301, %get3A_206 : vector<16xf32>
      %add3A_437 = arith.addf %add3A_435, %mul3A_436 : vector<16xf32>
      %mul3A_438 = arith.mulf %get3A_306, %get3A_211 : vector<16xf32>
      %add3A_439 = arith.addf %add3A_437, %mul3A_438 : vector<16xf32>
      %mul3A_440 = arith.mulf %get3A_311, %get3A_216 : vector<16xf32>
      %add3A_441 = arith.addf %add3A_439, %mul3A_440 : vector<16xf32>
      %mul3A_442 = arith.mulf %get3A_316, %get3A_221 : vector<16xf32>
      %add3A_443 = arith.addf %add3A_441, %mul3A_442 : vector<16xf32>
      %mul3A_444 = arith.mulf %get3A_321, %get3A_226 : vector<16xf32>
      %add3A_445 = arith.addf %add3A_443, %mul3A_444 : vector<16xf32>
      %mul3A_446 = arith.constant 16 : i32
      %mul3A_447 = arith.muli %scan3A_274, %mul3A_446 : i32
      %add3A_448 = arith.constant 3072 : i32
      %add3A_449 = arith.addi %add3A_448, %mul3A_447 : i32
      %swap3A_450 = arith.constant 0 : i32
      %swap3A_451 = arith.index_cast %swap3A_450 : i32 to index
      %swap3A_452 = arith.index_cast %add3A_449 : i32 to index
      %swap3A_453 = tpu.vector_load %arg9[%swap3A_451, %swap3A_452] {strides = array<i32>} : memref<4x3840xf32, #tpu.memory_space<vmem>>, vector<1x16xf32>,
      %swap3A_454 = vector.shape_cast %swap3A_453 : vector<1x16xf32> to vector<16xf32>
      %swap3A_455 = vector.shape_cast %add3A_445 : vector<16xf32> to vector<1x16xf32>
      tpu.vector_store %arg9[%swap3A_451, %swap3A_452], %swap3A_455 {strides = array<i32>} : memref<4x3840xf32, #tpu.memory_space<vmem>>, vector<1x16xf32>,
      %get3A_456 = arith.constant 1 : i32
      %get3A_457 = arith.index_cast %get3A_456 : i32 to index
      %get3A_458 = arith.index_cast %mul3A_276 : i32 to index
      %get3A_459 = tpu.vector_load %arg7[%get3A_457, %get3A_458] {strides = array<i32>} : memref<40x768xf32, #tpu.memory_space<vmem>>, vector<1x16xf32>,
      %get3A_460 = vector.shape_cast %get3A_459 : vector<1x16xf32> to vector<16xf32>
      %get3A_461 = arith.constant 5 : i32
      %get3A_462 = arith.index_cast %get3A_461 : i32 to index
      %get3A_463 = arith.index_cast %mul3A_276 : i32 to index
      %get3A_464 = tpu.vector_load %arg7[%get3A_462, %get3A_463] {strides = array<i32>} : memref<40x768xf32, #tpu.memory_space<vmem>>, vector<1x16xf32>,
      %get3A_465 = vector.shape_cast %get3A_464 : vector<1x16xf32> to vector<16xf32>
      %get3A_466 = arith.constant 9 : i32
      %get3A_467 = arith.index_cast %get3A_466 : i32 to index
      %get3A_468 = arith.index_cast %mul3A_276 : i32 to index
      %get3A_469 = tpu.vector_load %arg7[%get3A_467, %get3A_468] {strides = array<i32>} : memref<40x768xf32, #tpu.memory_space<vmem>>, vector<1x16xf32>,
      %get3A_470 = vector.shape_cast %get3A_469 : vector<1x16xf32> to vector<16xf32>
      %get3A_471 = arith.constant 13 : i32
      %get3A_472 = arith.index_cast %get3A_471 : i32 to index
      %get3A_473 = arith.index_cast %mul3A_276 : i32 to index
      %get3A_474 = tpu.vector_load %arg7[%get3A_472, %get3A_473] {strides = array<i32>} : memref<40x768xf32, #tpu.memory_space<vmem>>, vector<1x16xf32>,
      %get3A_475 = vector.shape_cast %get3A_474 : vector<1x16xf32> to vector<16xf32>
      %get3A_476 = arith.constant 17 : i32
      %get3A_477 = arith.index_cast %get3A_476 : i32 to index
      %get3A_478 = arith.index_cast %mul3A_276 : i32 to index
      %get3A_479 = tpu.vector_load %arg7[%get3A_477, %get3A_478] {strides = array<i32>} : memref<40x768xf32, #tpu.memory_space<vmem>>, vector<1x16xf32>,
      %get3A_480 = vector.shape_cast %get3A_479 : vector<1x16xf32> to vector<16xf32>
      %get3A_481 = arith.constant 21 : i32
      %get3A_482 = arith.index_cast %get3A_481 : i32 to index
      %get3A_483 = arith.index_cast %mul3A_276 : i32 to index
      %get3A_484 = tpu.vector_load %arg7[%get3A_482, %get3A_483] {strides = array<i32>} : memref<40x768xf32, #tpu.memory_space<vmem>>, vector<1x16xf32>,
      %get3A_485 = vector.shape_cast %get3A_484 : vector<1x16xf32> to vector<16xf32>
      %get3A_486 = arith.constant 25 : i32
      %get3A_487 = arith.index_cast %get3A_486 : i32 to index
      %get3A_488 = arith.index_cast %mul3A_276 : i32 to index
      %get3A_489 = tpu.vector_load %arg7[%get3A_487, %get3A_488] {strides = array<i32>} : memref<40x768xf32, #tpu.memory_space<vmem>>, vector<1x16xf32>,
      %get3A_490 = vector.shape_cast %get3A_489 : vector<1x16xf32> to vector<16xf32>
      %get3A_491 = arith.constant 29 : i32
      %get3A_492 = arith.index_cast %get3A_491 : i32 to index
      %get3A_493 = arith.index_cast %mul3A_276 : i32 to index
      %get3A_494 = tpu.vector_load %arg7[%get3A_492, %get3A_493] {strides = array<i32>} : memref<40x768xf32, #tpu.memory_space<vmem>>, vector<1x16xf32>,
      %get3A_495 = vector.shape_cast %get3A_494 : vector<1x16xf32> to vector<16xf32>
      %get3A_496 = arith.constant 33 : i32
      %get3A_497 = arith.index_cast %get3A_496 : i32 to index
      %get3A_498 = arith.index_cast %mul3A_276 : i32 to index
      %get3A_499 = tpu.vector_load %arg7[%get3A_497, %get3A_498] {strides = array<i32>} : memref<40x768xf32, #tpu.memory_space<vmem>>, vector<1x16xf32>,
      %get3A_500 = vector.shape_cast %get3A_499 : vector<1x16xf32> to vector<16xf32>
      %mul3A_501 = arith.mulf %get3A_460, %get3A_6 : vector<16xf32>
      %mul3A_502 = arith.mulf %get3A_465, %get3A_11 : vector<16xf32>
      %add3A_503 = arith.addf %mul3A_501, %mul3A_502 : vector<16xf32>
      %mul3A_504 = arith.mulf %get3A_470, %get3A_16 : vector<16xf32>
      %add3A_505 = arith.addf %add3A_503, %mul3A_504 : vector<16xf32>
      %mul3A_506 = arith.mulf %get3A_475, %get3A_21 : vector<16xf32>
      %add3A_507 = arith.addf %add3A_505, %mul3A_506 : vector<16xf32>
      %mul3A_508 = arith.mulf %get3A_480, %get3A_26 : vector<16xf32>
      %add3A_509 = arith.addf %add3A_507, %mul3A_508 : vector<16xf32>
      %mul3A_510 = arith.mulf %get3A_485, %get3A_31 : vector<16xf32>
      %add3A_511 = arith.addf %add3A_509, %mul3A_510 : vector<16xf32>
      %mul3A_512 = arith.mulf %get3A_490, %get3A_36 : vector<16xf32>
      %add3A_513 = arith.addf %add3A_511, %mul3A_512 : vector<16xf32>
      %mul3A_514 = arith.mulf %get3A_495, %get3A_41 : vector<16xf32>
      %add3A_515 = arith.addf %add3A_513, %mul3A_514 : vector<16xf32>
      %mul3A_516 = arith.mulf %get3A_500, %get3A_46 : vector<16xf32>
      %add3A_517 = arith.addf %add3A_515, %mul3A_516 : vector<16xf32>
      %mul3A_518 = arith.constant 16 : i32
      %mul3A_519 = arith.muli %scan3A_274, %mul3A_518 : i32
      %add3A_520 = arith.constant 0 : i32
      %add3A_521 = arith.addi %add3A_520, %mul3A_519 : i32
      %swap3A_522 = arith.constant 1 : i32
      %swap3A_523 = arith.index_cast %swap3A_522 : i32 to index
      %swap3A_524 = arith.index_cast %add3A_521 : i32 to index
      %swap3A_525 = tpu.vector_load %arg9[%swap3A_523, %swap3A_524] {strides = array<i32>} : memref<4x3840xf32, #tpu.memory_space<vmem>>, vector<1x16xf32>,
      %swap3A_526 = vector.shape_cast %swap3A_525 : vector<1x16xf32> to vector<16xf32>
      %swap3A_527 = vector.shape_cast %add3A_517 : vector<16xf32> to vector<1x16xf32>
      tpu.vector_store %arg9[%swap3A_523, %swap3A_524], %swap3A_527 {strides = array<i32>} : memref<4x3840xf32, #tpu.memory_space<vmem>>, vector<1x16xf32>,
      %mul3A_528 = arith.mulf %get3A_460, %get3A_51 : vector<16xf32>
      %mul3A_529 = arith.mulf %get3A_465, %get3A_56 : vector<16xf32>
      %add3A_530 = arith.addf %mul3A_528, %mul3A_529 : vector<16xf32>
      %mul3A_531 = arith.mulf %get3A_470, %get3A_61 : vector<16xf32>
      %add3A_532 = arith.addf %add3A_530, %mul3A_531 : vector<16xf32>
      %mul3A_533 = arith.mulf %get3A_475, %get3A_66 : vector<16xf32>
      %add3A_534 = arith.addf %add3A_532, %mul3A_533 : vector<16xf32>
      %mul3A_535 = arith.mulf %get3A_480, %get3A_71 : vector<16xf32>
      %add3A_536 = arith.addf %add3A_534, %mul3A_535 : vector<16xf32>
      %mul3A_537 = arith.mulf %get3A_485, %get3A_76 : vector<16xf32>
      %add3A_538 = arith.addf %add3A_536, %mul3A_537 : vector<16xf32>
      %mul3A_539 = arith.mulf %get3A_490, %get3A_81 : vector<16xf32>
      %add3A_540 = arith.addf %add3A_538, %mul3A_539 : vector<16xf32>
      %mul3A_541 = arith.mulf %get3A_495, %get3A_86 : vector<16xf32>
      %add3A_542 = arith.addf %add3A_540, %mul3A_541 : vector<16xf32>
      %mul3A_543 = arith.mulf %get3A_500, %get3A_91 : vector<16xf32>
      %add3A_544 = arith.addf %add3A_542, %mul3A_543 : vector<16xf32>
      %mul3A_545 = arith.constant 16 : i32
      %mul3A_546 = arith.muli %scan3A_274, %mul3A_545 : i32
      %add3A_547 = arith.constant 768 : i32
      %add3A_548 = arith.addi %add3A_547, %mul3A_546 : i32
      %swap3A_549 = arith.constant 1 : i32
      %swap3A_550 = arith.index_cast %swap3A_549 : i32 to index
      %swap3A_551 = arith.index_cast %add3A_548 : i32 to index
      %swap3A_552 = tpu.vector_load %arg9[%swap3A_550, %swap3A_551] {strides = array<i32>} : memref<4x3840xf32, #tpu.memory_space<vmem>>, vector<1x16xf32>,
      %swap3A_553 = vector.shape_cast %swap3A_552 : vector<1x16xf32> to vector<16xf32>
      %swap3A_554 = vector.shape_cast %add3A_544 : vector<16xf32> to vector<1x16xf32>
      tpu.vector_store %arg9[%swap3A_550, %swap3A_551], %swap3A_554 {strides = array<i32>} : memref<4x3840xf32, #tpu.memory_space<vmem>>, vector<1x16xf32>,
      %mul3A_555 = arith.mulf %get3A_460, %get3A_96 : vector<16xf32>
      %mul3A_556 = arith.mulf %get3A_465, %get3A_101 : vector<16xf32>
      %add3A_557 = arith.addf %mul3A_555, %mul3A_556 : vector<16xf32>
      %mul3A_558 = arith.mulf %get3A_470, %get3A_106 : vector<16xf32>
      %add3A_559 = arith.addf %add3A_557, %mul3A_558 : vector<16xf32>
      %mul3A_560 = arith.mulf %get3A_475, %get3A_111 : vector<16xf32>
      %add3A_561 = arith.addf %add3A_559, %mul3A_560 : vector<16xf32>
      %mul3A_562 = arith.mulf %get3A_480, %get3A_116 : vector<16xf32>
      %add3A_563 = arith.addf %add3A_561, %mul3A_562 : vector<16xf32>
      %mul3A_564 = arith.mulf %get3A_485, %get3A_121 : vector<16xf32>
      %add3A_565 = arith.addf %add3A_563, %mul3A_564 : vector<16xf32>
      %mul3A_566 = arith.mulf %get3A_490, %get3A_126 : vector<16xf32>
      %add3A_567 = arith.addf %add3A_565, %mul3A_566 : vector<16xf32>
      %mul3A_568 = arith.mulf %get3A_495, %get3A_131 : vector<16xf32>
      %add3A_569 = arith.addf %add3A_567, %mul3A_568 : vector<16xf32>
      %mul3A_570 = arith.mulf %get3A_500, %get3A_136 : vector<16xf32>
      %add3A_571 = arith.addf %add3A_569, %mul3A_570 : vector<16xf32>
      %mul3A_572 = arith.constant 16 : i32
      %mul3A_573 = arith.muli %scan3A_274, %mul3A_572 : i32
      %add3A_574 = arith.constant 1536 : i32
      %add3A_575 = arith.addi %add3A_574, %mul3A_573 : i32
      %swap3A_576 = arith.constant 1 : i32
      %swap3A_577 = arith.index_cast %swap3A_576 : i32 to index
      %swap3A_578 = arith.index_cast %add3A_575 : i32 to index
      %swap3A_579 = tpu.vector_load %arg9[%swap3A_577, %swap3A_578] {strides = array<i32>} : memref<4x3840xf32, #tpu.memory_space<vmem>>, vector<1x16xf32>,
      %swap3A_580 = vector.shape_cast %swap3A_579 : vector<1x16xf32> to vector<16xf32>
      %swap3A_581 = vector.shape_cast %add3A_571 : vector<16xf32> to vector<1x16xf32>
      tpu.vector_store %arg9[%swap3A_577, %swap3A_578], %swap3A_581 {strides = array<i32>} : memref<4x3840xf32, #tpu.memory_space<vmem>>, vector<1x16xf32>,
      %mul3A_582 = arith.mulf %get3A_460, %get3A_141 : vector<16xf32>
      %mul3A_583 = arith.mulf %get3A_465, %get3A_146 : vector<16xf32>
      %add3A_584 = arith.addf %mul3A_582, %mul3A_583 : vector<16xf32>
      %mul3A_585 = arith.mulf %get3A_470, %get3A_151 : vector<16xf32>
      %add3A_586 = arith.addf %add3A_584, %mul3A_585 : vector<16xf32>
      %mul3A_587 = arith.mulf %get3A_475, %get3A_156 : vector<16xf32>
      %add3A_588 = arith.addf %add3A_586, %mul3A_587 : vector<16xf32>
      %mul3A_589 = arith.mulf %get3A_480, %get3A_161 : vector<16xf32>
      %add3A_590 = arith.addf %add3A_588, %mul3A_589 : vector<16xf32>
      %mul3A_591 = arith.mulf %get3A_485, %get3A_166 : vector<16xf32>
      %add3A_592 = arith.addf %add3A_590, %mul3A_591 : vector<16xf32>
      %mul3A_593 = arith.mulf %get3A_490, %get3A_171 : vector<16xf32>
      %add3A_594 = arith.addf %add3A_592, %mul3A_593 : vector<16xf32>
      %mul3A_595 = arith.mulf %get3A_495, %get3A_176 : vector<16xf32>
      %add3A_596 = arith.addf %add3A_594, %mul3A_595 : vector<16xf32>
      %mul3A_597 = arith.mulf %get3A_500, %get3A_181 : vector<16xf32>
      %add3A_598 = arith.addf %add3A_596, %mul3A_597 : vector<16xf32>
      %mul3A_599 = arith.constant 16 : i32
      %mul3A_600 = arith.muli %scan3A_274, %mul3A_599 : i32
      %add3A_601 = arith.constant 2304 : i32
      %add3A_602 = arith.addi %add3A_601, %mul3A_600 : i32
      %swap3A_603 = arith.constant 1 : i32
      %swap3A_604 = arith.index_cast %swap3A_603 : i32 to index
      %swap3A_605 = arith.index_cast %add3A_602 : i32 to index
      %swap3A_606 = tpu.vector_load %arg9[%swap3A_604, %swap3A_605] {strides = array<i32>} : memref<4x3840xf32, #tpu.memory_space<vmem>>, vector<1x16xf32>,
      %swap3A_607 = vector.shape_cast %swap3A_606 : vector<1x16xf32> to vector<16xf32>
      %swap3A_608 = vector.shape_cast %add3A_598 : vector<16xf32> to vector<1x16xf32>
      tpu.vector_store %arg9[%swap3A_604, %swap3A_605], %swap3A_608 {strides = array<i32>} : memref<4x3840xf32, #tpu.memory_space<vmem>>, vector<1x16xf32>,
      %mul3A_609 = arith.mulf %get3A_460, %get3A_186 : vector<16xf32>
      %mul3A_610 = arith.mulf %get3A_465, %get3A_191 : vector<16xf32>
      %add3A_611 = arith.addf %mul3A_609, %mul3A_610 : vector<16xf32>
      %mul3A_612 = arith.mulf %get3A_470, %get3A_196 : vector<16xf32>
      %add3A_613 = arith.addf %add3A_611, %mul3A_612 : vector<16xf32>
      %mul3A_614 = arith.mulf %get3A_475, %get3A_201 : vector<16xf32>
      %add3A_615 = arith.addf %add3A_613, %mul3A_614 : vector<16xf32>
      %mul3A_616 = arith.mulf %get3A_480, %get3A_206 : vector<16xf32>
      %add3A_617 = arith.addf %add3A_615, %mul3A_616 : vector<16xf32>
      %mul3A_618 = arith.mulf %get3A_485, %get3A_211 : vector<16xf32>
      %add3A_619 = arith.addf %add3A_617, %mul3A_618 : vector<16xf32>
      %mul3A_620 = arith.mulf %get3A_490, %get3A_216 : vector<16xf32>
      %add3A_621 = arith.addf %add3A_619, %mul3A_620 : vector<16xf32>
      %mul3A_622 = arith.mulf %get3A_495, %get3A_221 : vector<16xf32>
      %add3A_623 = arith.addf %add3A_621, %mul3A_622 : vector<16xf32>
      %mul3A_624 = arith.mulf %get3A_500, %get3A_226 : vector<16xf32>
      %add3A_625 = arith.addf %add3A_623, %mul3A_624 : vector<16xf32>
      %mul3A_626 = arith.constant 16 : i32
      %mul3A_627 = arith.muli %scan3A_274, %mul3A_626 : i32
      %add3A_628 = arith.constant 3072 : i32
      %add3A_629 = arith.addi %add3A_628, %mul3A_627 : i32
      %swap3A_630 = arith.constant 1 : i32
      %swap3A_631 = arith.index_cast %swap3A_630 : i32 to index
      %swap3A_632 = arith.index_cast %add3A_629 : i32 to index
      %swap3A_633 = tpu.vector_load %arg9[%swap3A_631, %swap3A_632] {strides = array<i32>} : memref<4x3840xf32, #tpu.memory_space<vmem>>, vector<1x16xf32>,
      %swap3A_634 = vector.shape_cast %swap3A_633 : vector<1x16xf32> to vector<16xf32>
      %swap3A_635 = vector.shape_cast %add3A_625 : vector<16xf32> to vector<1x16xf32>
      tpu.vector_store %arg9[%swap3A_631, %swap3A_632], %swap3A_635 {strides = array<i32>} : memref<4x3840xf32, #tpu.memory_space<vmem>>, vector<1x16xf32>,
      %get3A_636 = arith.constant 2 : i32
      %get3A_637 = arith.index_cast %get3A_636 : i32 to index
      %get3A_638 = arith.index_cast %mul3A_276 : i32 to index
      %get3A_639 = tpu.vector_load %arg7[%get3A_637, %get3A_638] {strides = array<i32>} : memref<40x768xf32, #tpu.memory_space<vmem>>, vector<1x16xf32>,
      %get3A_640 = vector.shape_cast %get3A_639 : vector<1x16xf32> to vector<16xf32>
      %get3A_641 = arith.constant 6 : i32
      %get3A_642 = arith.index_cast %get3A_641 : i32 to index
      %get3A_643 = arith.index_cast %mul3A_276 : i32 to index
      %get3A_644 = tpu.vector_load %arg7[%get3A_642, %get3A_643] {strides = array<i32>} : memref<40x768xf32, #tpu.memory_space<vmem>>, vector<1x16xf32>,
      %get3A_645 = vector.shape_cast %get3A_644 : vector<1x16xf32> to vector<16xf32>
      %get3A_646 = arith.constant 10 : i32
      %get3A_647 = arith.index_cast %get3A_646 : i32 to index
      %get3A_648 = arith.index_cast %mul3A_276 : i32 to index
      %get3A_649 = tpu.vector_load %arg7[%get3A_647, %get3A_648] {strides = array<i32>} : memref<40x768xf32, #tpu.memory_space<vmem>>, vector<1x16xf32>,
      %get3A_650 = vector.shape_cast %get3A_649 : vector<1x16xf32> to vector<16xf32>
      %get3A_651 = arith.constant 14 : i32
      %get3A_652 = arith.index_cast %get3A_651 : i32 to index
      %get3A_653 = arith.index_cast %mul3A_276 : i32 to index
      %get3A_654 = tpu.vector_load %arg7[%get3A_652, %get3A_653] {strides = array<i32>} : memref<40x768xf32, #tpu.memory_space<vmem>>, vector<1x16xf32>,
      %get3A_655 = vector.shape_cast %get3A_654 : vector<1x16xf32> to vector<16xf32>
      %get3A_656 = arith.constant 18 : i32
      %get3A_657 = arith.index_cast %get3A_656 : i32 to index
      %get3A_658 = arith.index_cast %mul3A_276 : i32 to index
      %get3A_659 = tpu.vector_load %arg7[%get3A_657, %get3A_658] {strides = array<i32>} : memref<40x768xf32, #tpu.memory_space<vmem>>, vector<1x16xf32>,
      %get3A_660 = vector.shape_cast %get3A_659 : vector<1x16xf32> to vector<16xf32>
      %get3A_661 = arith.constant 22 : i32
      %get3A_662 = arith.index_cast %get3A_661 : i32 to index
      %get3A_663 = arith.index_cast %mul3A_276 : i32 to index
      %get3A_664 = tpu.vector_load %arg7[%get3A_662, %get3A_663] {strides = array<i32>} : memref<40x768xf32, #tpu.memory_space<vmem>>, vector<1x16xf32>,
      %get3A_665 = vector.shape_cast %get3A_664 : vector<1x16xf32> to vector<16xf32>
      %get3A_666 = arith.constant 26 : i32
      %get3A_667 = arith.index_cast %get3A_666 : i32 to index
      %get3A_668 = arith.index_cast %mul3A_276 : i32 to index
      %get3A_669 = tpu.vector_load %arg7[%get3A_667, %get3A_668] {strides = array<i32>} : memref<40x768xf32, #tpu.memory_space<vmem>>, vector<1x16xf32>,
      %get3A_670 = vector.shape_cast %get3A_669 : vector<1x16xf32> to vector<16xf32>
      %get3A_671 = arith.constant 30 : i32
      %get3A_672 = arith.index_cast %get3A_671 : i32 to index
      %get3A_673 = arith.index_cast %mul3A_276 : i32 to index
      %get3A_674 = tpu.vector_load %arg7[%get3A_672, %get3A_673] {strides = array<i32>} : memref<40x768xf32, #tpu.memory_space<vmem>>, vector<1x16xf32>,
      %get3A_675 = vector.shape_cast %get3A_674 : vector<1x16xf32> to vector<16xf32>
      %get3A_676 = arith.constant 34 : i32
      %get3A_677 = arith.index_cast %get3A_676 : i32 to index
      %get3A_678 = arith.index_cast %mul3A_276 : i32 to index
      %get3A_679 = tpu.vector_load %arg7[%get3A_677, %get3A_678] {strides = array<i32>} : memref<40x768xf32, #tpu.memory_space<vmem>>, vector<1x16xf32>,
      %get3A_680 = vector.shape_cast %get3A_679 : vector<1x16xf32> to vector<16xf32>
      %mul3A_681 = arith.mulf %get3A_640, %get3A_6 : vector<16xf32>
      %mul3A_682 = arith.mulf %get3A_645, %get3A_11 : vector<16xf32>
      %add3A_683 = arith.addf %mul3A_681, %mul3A_682 : vector<16xf32>
      %mul3A_684 = arith.mulf %get3A_650, %get3A_16 : vector<16xf32>
      %add3A_685 = arith.addf %add3A_683, %mul3A_684 : vector<16xf32>
      %mul3A_686 = arith.mulf %get3A_655, %get3A_21 : vector<16xf32>
      %add3A_687 = arith.addf %add3A_685, %mul3A_686 : vector<16xf32>
      %mul3A_688 = arith.mulf %get3A_660, %get3A_26 : vector<16xf32>
      %add3A_689 = arith.addf %add3A_687, %mul3A_688 : vector<16xf32>
      %mul3A_690 = arith.mulf %get3A_665, %get3A_31 : vector<16xf32>
      %add3A_691 = arith.addf %add3A_689, %mul3A_690 : vector<16xf32>
      %mul3A_692 = arith.mulf %get3A_670, %get3A_36 : vector<16xf32>
      %add3A_693 = arith.addf %add3A_691, %mul3A_692 : vector<16xf32>
      %mul3A_694 = arith.mulf %get3A_675, %get3A_41 : vector<16xf32>
      %add3A_695 = arith.addf %add3A_693, %mul3A_694 : vector<16xf32>
      %mul3A_696 = arith.mulf %get3A_680, %get3A_46 : vector<16xf32>
      %add3A_697 = arith.addf %add3A_695, %mul3A_696 : vector<16xf32>
      %mul3A_698 = arith.constant 16 : i32
      %mul3A_699 = arith.muli %scan3A_274, %mul3A_698 : i32
      %add3A_700 = arith.constant 0 : i32
      %add3A_701 = arith.addi %add3A_700, %mul3A_699 : i32
      %swap3A_702 = arith.constant 2 : i32
      %swap3A_703 = arith.index_cast %swap3A_702 : i32 to index
      %swap3A_704 = arith.index_cast %add3A_701 : i32 to index
      %swap3A_705 = tpu.vector_load %arg9[%swap3A_703, %swap3A_704] {strides = array<i32>} : memref<4x3840xf32, #tpu.memory_space<vmem>>, vector<1x16xf32>,
      %swap3A_706 = vector.shape_cast %swap3A_705 : vector<1x16xf32> to vector<16xf32>
      %swap3A_707 = vector.shape_cast %add3A_697 : vector<16xf32> to vector<1x16xf32>
      tpu.vector_store %arg9[%swap3A_703, %swap3A_704], %swap3A_707 {strides = array<i32>} : memref<4x3840xf32, #tpu.memory_space<vmem>>, vector<1x16xf32>,
      %mul3A_708 = arith.mulf %get3A_640, %get3A_51 : vector<16xf32>
      %mul3A_709 = arith.mulf %get3A_645, %get3A_56 : vector<16xf32>
      %add3A_710 = arith.addf %mul3A_708, %mul3A_709 : vector<16xf32>
      %mul3A_711 = arith.mulf %get3A_650, %get3A_61 : vector<16xf32>
      %add3A_712 = arith.addf %add3A_710, %mul3A_711 : vector<16xf32>
      %mul3A_713 = arith.mulf %get3A_655, %get3A_66 : vector<16xf32>
      %add3A_714 = arith.addf %add3A_712, %mul3A_713 : vector<16xf32>
      %mul3A_715 = arith.mulf %get3A_660, %get3A_71 : vector<16xf32>
      %add3A_716 = arith.addf %add3A_714, %mul3A_715 : vector<16xf32>
      %mul3A_717 = arith.mulf %get3A_665, %get3A_76 : vector<16xf32>
      %add3A_718 = arith.addf %add3A_716, %mul3A_717 : vector<16xf32>
      %mul3A_719 = arith.mulf %get3A_670, %get3A_81 : vector<16xf32>
      %add3A_720 = arith.addf %add3A_718, %mul3A_719 : vector<16xf32>
      %mul3A_721 = arith.mulf %get3A_675, %get3A_86 : vector<16xf32>
      %add3A_722 = arith.addf %add3A_720, %mul3A_721 : vector<16xf32>
      %mul3A_723 = arith.mulf %get3A_680, %get3A_91 : vector<16xf32>
      %add3A_724 = arith.addf %add3A_722, %mul3A_723 : vector<16xf32>
      %mul3A_725 = arith.constant 16 : i32
      %mul3A_726 = arith.muli %scan3A_274, %mul3A_725 : i32
      %add3A_727 = arith.constant 768 : i32
      %add3A_728 = arith.addi %add3A_727, %mul3A_726 : i32
      %swap3A_729 = arith.constant 2 : i32
      %swap3A_730 = arith.index_cast %swap3A_729 : i32 to index
      %swap3A_731 = arith.index_cast %add3A_728 : i32 to index
      %swap3A_732 = tpu.vector_load %arg9[%swap3A_730, %swap3A_731] {strides = array<i32>} : memref<4x3840xf32, #tpu.memory_space<vmem>>, vector<1x16xf32>,
      %swap3A_733 = vector.shape_cast %swap3A_732 : vector<1x16xf32> to vector<16xf32>
      %swap3A_734 = vector.shape_cast %add3A_724 : vector<16xf32> to vector<1x16xf32>
      tpu.vector_store %arg9[%swap3A_730, %swap3A_731], %swap3A_734 {strides = array<i32>} : memref<4x3840xf32, #tpu.memory_space<vmem>>, vector<1x16xf32>,
      %mul3A_735 = arith.mulf %get3A_640, %get3A_96 : vector<16xf32>
      %mul3A_736 = arith.mulf %get3A_645, %get3A_101 : vector<16xf32>
      %add3A_737 = arith.addf %mul3A_735, %mul3A_736 : vector<16xf32>
      %mul3A_738 = arith.mulf %get3A_650, %get3A_106 : vector<16xf32>
      %add3A_739 = arith.addf %add3A_737, %mul3A_738 : vector<16xf32>
      %mul3A_740 = arith.mulf %get3A_655, %get3A_111 : vector<16xf32>
      %add3A_741 = arith.addf %add3A_739, %mul3A_740 : vector<16xf32>
      %mul3A_742 = arith.mulf %get3A_660, %get3A_116 : vector<16xf32>
      %add3A_743 = arith.addf %add3A_741, %mul3A_742 : vector<16xf32>
      %mul3A_744 = arith.mulf %get3A_665, %get3A_121 : vector<16xf32>
      %add3A_745 = arith.addf %add3A_743, %mul3A_744 : vector<16xf32>
      %mul3A_746 = arith.mulf %get3A_670, %get3A_126 : vector<16xf32>
      %add3A_747 = arith.addf %add3A_745, %mul3A_746 : vector<16xf32>
      %mul3A_748 = arith.mulf %get3A_675, %get3A_131 : vector<16xf32>
      %add3A_749 = arith.addf %add3A_747, %mul3A_748 : vector<16xf32>
      %mul3A_750 = arith.mulf %get3A_680, %get3A_136 : vector<16xf32>
      %add3A_751 = arith.addf %add3A_749, %mul3A_750 : vector<16xf32>
      %mul3A_752 = arith.constant 16 : i32
      %mul3A_753 = arith.muli %scan3A_274, %mul3A_752 : i32
      %add3A_754 = arith.constant 1536 : i32
      %add3A_755 = arith.addi %add3A_754, %mul3A_753 : i32
      %swap3A_756 = arith.constant 2 : i32
      %swap3A_757 = arith.index_cast %swap3A_756 : i32 to index
      %swap3A_758 = arith.index_cast %add3A_755 : i32 to index
      %swap3A_759 = tpu.vector_load %arg9[%swap3A_757, %swap3A_758] {strides = array<i32>} : memref<4x3840xf32, #tpu.memory_space<vmem>>, vector<1x16xf32>,
      %swap3A_760 = vector.shape_cast %swap3A_759 : vector<1x16xf32> to vector<16xf32>
      %swap3A_761 = vector.shape_cast %add3A_751 : vector<16xf32> to vector<1x16xf32>
      tpu.vector_store %arg9[%swap3A_757, %swap3A_758], %swap3A_761 {strides = array<i32>} : memref<4x3840xf32, #tpu.memory_space<vmem>>, vector<1x16xf32>,
      %mul3A_762 = arith.mulf %get3A_640, %get3A_141 : vector<16xf32>
      %mul3A_763 = arith.mulf %get3A_645, %get3A_146 : vector<16xf32>
      %add3A_764 = arith.addf %mul3A_762, %mul3A_763 : vector<16xf32>
      %mul3A_765 = arith.mulf %get3A_650, %get3A_151 : vector<16xf32>
      %add3A_766 = arith.addf %add3A_764, %mul3A_765 : vector<16xf32>
      %mul3A_767 = arith.mulf %get3A_655, %get3A_156 : vector<16xf32>
      %add3A_768 = arith.addf %add3A_766, %mul3A_767 : vector<16xf32>
      %mul3A_769 = arith.mulf %get3A_660, %get3A_161 : vector<16xf32>
      %add3A_770 = arith.addf %add3A_768, %mul3A_769 : vector<16xf32>
      %mul3A_771 = arith.mulf %get3A_665, %get3A_166 : vector<16xf32>
      %add3A_772 = arith.addf %add3A_770, %mul3A_771 : vector<16xf32>
      %mul3A_773 = arith.mulf %get3A_670, %get3A_171 : vector<16xf32>
      %add3A_774 = arith.addf %add3A_772, %mul3A_773 : vector<16xf32>
      %mul3A_775 = arith.mulf %get3A_675, %get3A_176 : vector<16xf32>
      %add3A_776 = arith.addf %add3A_774, %mul3A_775 : vector<16xf32>
      %mul3A_777 = arith.mulf %get3A_680, %get3A_181 : vector<16xf32>
      %add3A_778 = arith.addf %add3A_776, %mul3A_777 : vector<16xf32>
      %mul3A_779 = arith.constant 16 : i32
      %mul3A_780 = arith.muli %scan3A_274, %mul3A_779 : i32
      %add3A_781 = arith.constant 2304 : i32
      %add3A_782 = arith.addi %add3A_781, %mul3A_780 : i32
      %swap3A_783 = arith.constant 2 : i32
      %swap3A_784 = arith.index_cast %swap3A_783 : i32 to index
      %swap3A_785 = arith.index_cast %add3A_782 : i32 to index
      %swap3A_786 = tpu.vector_load %arg9[%swap3A_784, %swap3A_785] {strides = array<i32>} : memref<4x3840xf32, #tpu.memory_space<vmem>>, vector<1x16xf32>,
      %swap3A_787 = vector.shape_cast %swap3A_786 : vector<1x16xf32> to vector<16xf32>
      %swap3A_788 = vector.shape_cast %add3A_778 : vector<16xf32> to vector<1x16xf32>
      tpu.vector_store %arg9[%swap3A_784, %swap3A_785], %swap3A_788 {strides = array<i32>} : memref<4x3840xf32, #tpu.memory_space<vmem>>, vector<1x16xf32>,
      %mul3A_789 = arith.mulf %get3A_640, %get3A_186 : vector<16xf32>
      %mul3A_790 = arith.mulf %get3A_645, %get3A_191 : vector<16xf32>
      %add3A_791 = arith.addf %mul3A_789, %mul3A_790 : vector<16xf32>
      %mul3A_792 = arith.mulf %get3A_650, %get3A_196 : vector<16xf32>
      %add3A_793 = arith.addf %add3A_791, %mul3A_792 : vector<16xf32>
      %mul3A_794 = arith.mulf %get3A_655, %get3A_201 : vector<16xf32>
      %add3A_795 = arith.addf %add3A_793, %mul3A_794 : vector<16xf32>
      %mul3A_796 = arith.mulf %get3A_660, %get3A_206 : vector<16xf32>
      %add3A_797 = arith.addf %add3A_795, %mul3A_796 : vector<16xf32>
      %mul3A_798 = arith.mulf %get3A_665, %get3A_211 : vector<16xf32>
      %add3A_799 = arith.addf %add3A_797, %mul3A_798 : vector<16xf32>
      %mul3A_800 = arith.mulf %get3A_670, %get3A_216 : vector<16xf32>
      %add3A_801 = arith.addf %add3A_799, %mul3A_800 : vector<16xf32>
      %mul3A_802 = arith.mulf %get3A_675, %get3A_221 : vector<16xf32>
      %add3A_803 = arith.addf %add3A_801, %mul3A_802 : vector<16xf32>
      %mul3A_804 = arith.mulf %get3A_680, %get3A_226 : vector<16xf32>
      %add3A_805 = arith.addf %add3A_803, %mul3A_804 : vector<16xf32>
      %mul3A_806 = arith.constant 16 : i32
      %mul3A_807 = arith.muli %scan3A_274, %mul3A_806 : i32
      %add3A_808 = arith.constant 3072 : i32
      %add3A_809 = arith.addi %add3A_808, %mul3A_807 : i32
      %swap3A_810 = arith.constant 2 : i32
      %swap3A_811 = arith.index_cast %swap3A_810 : i32 to index
      %swap3A_812 = arith.index_cast %add3A_809 : i32 to index
      %swap3A_813 = tpu.vector_load %arg9[%swap3A_811, %swap3A_812] {strides = array<i32>} : memref<4x3840xf32, #tpu.memory_space<vmem>>, vector<1x16xf32>,
      %swap3A_814 = vector.shape_cast %swap3A_813 : vector<1x16xf32> to vector<16xf32>
      %swap3A_815 = vector.shape_cast %add3A_805 : vector<16xf32> to vector<1x16xf32>
      tpu.vector_store %arg9[%swap3A_811, %swap3A_812], %swap3A_815 {strides = array<i32>} : memref<4x3840xf32, #tpu.memory_space<vmem>>, vector<1x16xf32>,
      %get3A_816 = arith.constant 3 : i32
      %get3A_817 = arith.index_cast %get3A_816 : i32 to index
      %get3A_818 = arith.index_cast %mul3A_276 : i32 to index
      %get3A_819 = tpu.vector_load %arg7[%get3A_817, %get3A_818] {strides = array<i32>} : memref<40x768xf32, #tpu.memory_space<vmem>>, vector<1x16xf32>,
      %get3A_820 = vector.shape_cast %get3A_819 : vector<1x16xf32> to vector<16xf32>
      %get3A_821 = arith.constant 7 : i32
      %get3A_822 = arith.index_cast %get3A_821 : i32 to index
      %get3A_823 = arith.index_cast %mul3A_276 : i32 to index
      %get3A_824 = tpu.vector_load %arg7[%get3A_822, %get3A_823] {strides = array<i32>} : memref<40x768xf32, #tpu.memory_space<vmem>>, vector<1x16xf32>,
      %get3A_825 = vector.shape_cast %get3A_824 : vector<1x16xf32> to vector<16xf32>
      %get3A_826 = arith.constant 11 : i32
      %get3A_827 = arith.index_cast %get3A_826 : i32 to index
      %get3A_828 = arith.index_cast %mul3A_276 : i32 to index
      %get3A_829 = tpu.vector_load %arg7[%get3A_827, %get3A_828] {strides = array<i32>} : memref<40x768xf32, #tpu.memory_space<vmem>>, vector<1x16xf32>,
      %get3A_830 = vector.shape_cast %get3A_829 : vector<1x16xf32> to vector<16xf32>
      %get3A_831 = arith.constant 15 : i32
      %get3A_832 = arith.index_cast %get3A_831 : i32 to index
      %get3A_833 = arith.index_cast %mul3A_276 : i32 to index
      %get3A_834 = tpu.vector_load %arg7[%get3A_832, %get3A_833] {strides = array<i32>} : memref<40x768xf32, #tpu.memory_space<vmem>>, vector<1x16xf32>,
      %get3A_835 = vector.shape_cast %get3A_834 : vector<1x16xf32> to vector<16xf32>
      %get3A_836 = arith.constant 19 : i32
      %get3A_837 = arith.index_cast %get3A_836 : i32 to index
      %get3A_838 = arith.index_cast %mul3A_276 : i32 to index
      %get3A_839 = tpu.vector_load %arg7[%get3A_837, %get3A_838] {strides = array<i32>} : memref<40x768xf32, #tpu.memory_space<vmem>>, vector<1x16xf32>,
      %get3A_840 = vector.shape_cast %get3A_839 : vector<1x16xf32> to vector<16xf32>
      %get3A_841 = arith.constant 23 : i32
      %get3A_842 = arith.index_cast %get3A_841 : i32 to index
      %get3A_843 = arith.index_cast %mul3A_276 : i32 to index
      %get3A_844 = tpu.vector_load %arg7[%get3A_842, %get3A_843] {strides = array<i32>} : memref<40x768xf32, #tpu.memory_space<vmem>>, vector<1x16xf32>,
      %get3A_845 = vector.shape_cast %get3A_844 : vector<1x16xf32> to vector<16xf32>
      %get3A_846 = arith.constant 27 : i32
      %get3A_847 = arith.index_cast %get3A_846 : i32 to index
      %get3A_848 = arith.index_cast %mul3A_276 : i32 to index
      %get3A_849 = tpu.vector_load %arg7[%get3A_847, %get3A_848] {strides = array<i32>} : memref<40x768xf32, #tpu.memory_space<vmem>>, vector<1x16xf32>,
      %get3A_850 = vector.shape_cast %get3A_849 : vector<1x16xf32> to vector<16xf32>
      %get3A_851 = arith.constant 31 : i32
      %get3A_852 = arith.index_cast %get3A_851 : i32 to index
      %get3A_853 = arith.index_cast %mul3A_276 : i32 to index
      %get3A_854 = tpu.vector_load %arg7[%get3A_852, %get3A_853] {strides = array<i32>} : memref<40x768xf32, #tpu.memory_space<vmem>>, vector<1x16xf32>,
      %get3A_855 = vector.shape_cast %get3A_854 : vector<1x16xf32> to vector<16xf32>
      %get3A_856 = arith.constant 35 : i32
      %get3A_857 = arith.index_cast %get3A_856 : i32 to index
      %get3A_858 = arith.index_cast %mul3A_276 : i32 to index
      %get3A_859 = tpu.vector_load %arg7[%get3A_857, %get3A_858] {strides = array<i32>} : memref<40x768xf32, #tpu.memory_space<vmem>>, vector<1x16xf32>,
      %get3A_860 = vector.shape_cast %get3A_859 : vector<1x16xf32> to vector<16xf32>
      %mul3A_861 = arith.mulf %get3A_820, %get3A_6 : vector<16xf32>
      %mul3A_862 = arith.mulf %get3A_825, %get3A_11 : vector<16xf32>
      %add3A_863 = arith.addf %mul3A_861, %mul3A_862 : vector<16xf32>
      %mul3A_864 = arith.mulf %get3A_830, %get3A_16 : vector<16xf32>
      %add3A_865 = arith.addf %add3A_863, %mul3A_864 : vector<16xf32>
      %mul3A_866 = arith.mulf %get3A_835, %get3A_21 : vector<16xf32>
      %add3A_867 = arith.addf %add3A_865, %mul3A_866 : vector<16xf32>
      %mul3A_868 = arith.mulf %get3A_840, %get3A_26 : vector<16xf32>
      %add3A_869 = arith.addf %add3A_867, %mul3A_868 : vector<16xf32>
      %mul3A_870 = arith.mulf %get3A_845, %get3A_31 : vector<16xf32>
      %add3A_871 = arith.addf %add3A_869, %mul3A_870 : vector<16xf32>
      %mul3A_872 = arith.mulf %get3A_850, %get3A_36 : vector<16xf32>
      %add3A_873 = arith.addf %add3A_871, %mul3A_872 : vector<16xf32>
      %mul3A_874 = arith.mulf %get3A_855, %get3A_41 : vector<16xf32>
      %add3A_875 = arith.addf %add3A_873, %mul3A_874 : vector<16xf32>
      %mul3A_876 = arith.mulf %get3A_860, %get3A_46 : vector<16xf32>
      %add3A_877 = arith.addf %add3A_875, %mul3A_876 : vector<16xf32>
      %mul3A_878 = arith.constant 16 : i32
      %mul3A_879 = arith.muli %scan3A_274, %mul3A_878 : i32
      %add3A_880 = arith.constant 0 : i32
      %add3A_881 = arith.addi %add3A_880, %mul3A_879 : i32
      %swap3A_882 = arith.constant 3 : i32
      %swap3A_883 = arith.index_cast %swap3A_882 : i32 to index
      %swap3A_884 = arith.index_cast %add3A_881 : i32 to index
      %swap3A_885 = tpu.vector_load %arg9[%swap3A_883, %swap3A_884] {strides = array<i32>} : memref<4x3840xf32, #tpu.memory_space<vmem>>, vector<1x16xf32>,
      %swap3A_886 = vector.shape_cast %swap3A_885 : vector<1x16xf32> to vector<16xf32>
      %swap3A_887 = vector.shape_cast %add3A_877 : vector<16xf32> to vector<1x16xf32>
      tpu.vector_store %arg9[%swap3A_883, %swap3A_884], %swap3A_887 {strides = array<i32>} : memref<4x3840xf32, #tpu.memory_space<vmem>>, vector<1x16xf32>,
      %mul3A_888 = arith.mulf %get3A_820, %get3A_51 : vector<16xf32>
      %mul3A_889 = arith.mulf %get3A_825, %get3A_56 : vector<16xf32>
      %add3A_890 = arith.addf %mul3A_888, %mul3A_889 : vector<16xf32>
      %mul3A_891 = arith.mulf %get3A_830, %get3A_61 : vector<16xf32>
      %add3A_892 = arith.addf %add3A_890, %mul3A_891 : vector<16xf32>
      %mul3A_893 = arith.mulf %get3A_835, %get3A_66 : vector<16xf32>
      %add3A_894 = arith.addf %add3A_892, %mul3A_893 : vector<16xf32>
      %mul3A_895 = arith.mulf %get3A_840, %get3A_71 : vector<16xf32>
      %add3A_896 = arith.addf %add3A_894, %mul3A_895 : vector<16xf32>
      %mul3A_897 = arith.mulf %get3A_845, %get3A_76 : vector<16xf32>
      %add3A_898 = arith.addf %add3A_896, %mul3A_897 : vector<16xf32>
      %mul3A_899 = arith.mulf %get3A_850, %get3A_81 : vector<16xf32>
      %add3A_900 = arith.addf %add3A_898, %mul3A_899 : vector<16xf32>
      %mul3A_901 = arith.mulf %get3A_855, %get3A_86 : vector<16xf32>
      %add3A_902 = arith.addf %add3A_900, %mul3A_901 : vector<16xf32>
      %mul3A_903 = arith.mulf %get3A_860, %get3A_91 : vector<16xf32>
      %add3A_904 = arith.addf %add3A_902, %mul3A_903 : vector<16xf32>
      %mul3A_905 = arith.constant 16 : i32
      %mul3A_906 = arith.muli %scan3A_274, %mul3A_905 : i32
      %add3A_907 = arith.constant 768 : i32
      %add3A_908 = arith.addi %add3A_907, %mul3A_906 : i32
      %swap3A_909 = arith.constant 3 : i32
      %swap3A_910 = arith.index_cast %swap3A_909 : i32 to index
      %swap3A_911 = arith.index_cast %add3A_908 : i32 to index
      %swap3A_912 = tpu.vector_load %arg9[%swap3A_910, %swap3A_911] {strides = array<i32>} : memref<4x3840xf32, #tpu.memory_space<vmem>>, vector<1x16xf32>,
      %swap3A_913 = vector.shape_cast %swap3A_912 : vector<1x16xf32> to vector<16xf32>
      %swap3A_914 = vector.shape_cast %add3A_904 : vector<16xf32> to vector<1x16xf32>
      tpu.vector_store %arg9[%swap3A_910, %swap3A_911], %swap3A_914 {strides = array<i32>} : memref<4x3840xf32, #tpu.memory_space<vmem>>, vector<1x16xf32>,
      %mul3A_915 = arith.mulf %get3A_820, %get3A_96 : vector<16xf32>
      %mul3A_916 = arith.mulf %get3A_825, %get3A_101 : vector<16xf32>
      %add3A_917 = arith.addf %mul3A_915, %mul3A_916 : vector<16xf32>
      %mul3A_918 = arith.mulf %get3A_830, %get3A_106 : vector<16xf32>
      %add3A_919 = arith.addf %add3A_917, %mul3A_918 : vector<16xf32>
      %mul3A_920 = arith.mulf %get3A_835, %get3A_111 : vector<16xf32>
      %add3A_921 = arith.addf %add3A_919, %mul3A_920 : vector<16xf32>
      %mul3A_922 = arith.mulf %get3A_840, %get3A_116 : vector<16xf32>
      %add3A_923 = arith.addf %add3A_921, %mul3A_922 : vector<16xf32>
      %mul3A_924 = arith.mulf %get3A_845, %get3A_121 : vector<16xf32>
      %add3A_925 = arith.addf %add3A_923, %mul3A_924 : vector<16xf32>
      %mul3A_926 = arith.mulf %get3A_850, %get3A_126 : vector<16xf32>
      %add3A_927 = arith.addf %add3A_925, %mul3A_926 : vector<16xf32>
      %mul3A_928 = arith.mulf %get3A_855, %get3A_131 : vector<16xf32>
      %add3A_929 = arith.addf %add3A_927, %mul3A_928 : vector<16xf32>
      %mul3A_930 = arith.mulf %get3A_860, %get3A_136 : vector<16xf32>
      %add3A_931 = arith.addf %add3A_929, %mul3A_930 : vector<16xf32>
      %mul3A_932 = arith.constant 16 : i32
      %mul3A_933 = arith.muli %scan3A_274, %mul3A_932 : i32
      %add3A_934 = arith.constant 1536 : i32
      %add3A_935 = arith.addi %add3A_934, %mul3A_933 : i32
      %swap3A_936 = arith.constant 3 : i32
      %swap3A_937 = arith.index_cast %swap3A_936 : i32 to index
      %swap3A_938 = arith.index_cast %add3A_935 : i32 to index
      %swap3A_939 = tpu.vector_load %arg9[%swap3A_937, %swap3A_938] {strides = array<i32>} : memref<4x3840xf32, #tpu.memory_space<vmem>>, vector<1x16xf32>,
      %swap3A_940 = vector.shape_cast %swap3A_939 : vector<1x16xf32> to vector<16xf32>
      %swap3A_941 = vector.shape_cast %add3A_931 : vector<16xf32> to vector<1x16xf32>
      tpu.vector_store %arg9[%swap3A_937, %swap3A_938], %swap3A_941 {strides = array<i32>} : memref<4x3840xf32, #tpu.memory_space<vmem>>, vector<1x16xf32>,
      %mul3A_942 = arith.mulf %get3A_820, %get3A_141 : vector<16xf32>
      %mul3A_943 = arith.mulf %get3A_825, %get3A_146 : vector<16xf32>
      %add3A_944 = arith.addf %mul3A_942, %mul3A_943 : vector<16xf32>
      %mul3A_945 = arith.mulf %get3A_830, %get3A_151 : vector<16xf32>
      %add3A_946 = arith.addf %add3A_944, %mul3A_945 : vector<16xf32>
      %mul3A_947 = arith.mulf %get3A_835, %get3A_156 : vector<16xf32>
      %add3A_948 = arith.addf %add3A_946, %mul3A_947 : vector<16xf32>
      %mul3A_949 = arith.mulf %get3A_840, %get3A_161 : vector<16xf32>
      %add3A_950 = arith.addf %add3A_948, %mul3A_949 : vector<16xf32>
      %mul3A_951 = arith.mulf %get3A_845, %get3A_166 : vector<16xf32>
      %add3A_952 = arith.addf %add3A_950, %mul3A_951 : vector<16xf32>
      %mul3A_953 = arith.mulf %get3A_850, %get3A_171 : vector<16xf32>
      %add3A_954 = arith.addf %add3A_952, %mul3A_953 : vector<16xf32>
      %mul3A_955 = arith.mulf %get3A_855, %get3A_176 : vector<16xf32>
      %add3A_956 = arith.addf %add3A_954, %mul3A_955 : vector<16xf32>
      %mul3A_957 = arith.mulf %get3A_860, %get3A_181 : vector<16xf32>
      %add3A_958 = arith.addf %add3A_956, %mul3A_957 : vector<16xf32>
      %mul3A_959 = arith.constant 16 : i32
      %mul3A_960 = arith.muli %scan3A_274, %mul3A_959 : i32
      %add3A_961 = arith.constant 2304 : i32
      %add3A_962 = arith.addi %add3A_961, %mul3A_960 : i32
      %swap3A_963 = arith.constant 3 : i32
      %swap3A_964 = arith.index_cast %swap3A_963 : i32 to index
      %swap3A_965 = arith.index_cast %add3A_962 : i32 to index
      %swap3A_966 = tpu.vector_load %arg9[%swap3A_964, %swap3A_965] {strides = array<i32>} : memref<4x3840xf32, #tpu.memory_space<vmem>>, vector<1x16xf32>,
      %swap3A_967 = vector.shape_cast %swap3A_966 : vector<1x16xf32> to vector<16xf32>
      %swap3A_968 = vector.shape_cast %add3A_958 : vector<16xf32> to vector<1x16xf32>
      tpu.vector_store %arg9[%swap3A_964, %swap3A_965], %swap3A_968 {strides = array<i32>} : memref<4x3840xf32, #tpu.memory_space<vmem>>, vector<1x16xf32>,
      %mul3A_969 = arith.mulf %get3A_820, %get3A_186 : vector<16xf32>
      %mul3A_970 = arith.mulf %get3A_825, %get3A_191 : vector<16xf32>
      %add3A_971 = arith.addf %mul3A_969, %mul3A_970 : vector<16xf32>
      %mul3A_972 = arith.mulf %get3A_830, %get3A_196 : vector<16xf32>
      %add3A_973 = arith.addf %add3A_971, %mul3A_972 : vector<16xf32>
      %mul3A_974 = arith.mulf %get3A_835, %get3A_201 : vector<16xf32>
      %add3A_975 = arith.addf %add3A_973, %mul3A_974 : vector<16xf32>
      %mul3A_976 = arith.mulf %get3A_840, %get3A_206 : vector<16xf32>
      %add3A_977 = arith.addf %add3A_975, %mul3A_976 : vector<16xf32>
      %mul3A_978 = arith.mulf %get3A_845, %get3A_211 : vector<16xf32>
      %add3A_979 = arith.addf %add3A_977, %mul3A_978 : vector<16xf32>
      %mul3A_980 = arith.mulf %get3A_850, %get3A_216 : vector<16xf32>
      %add3A_981 = arith.addf %add3A_979, %mul3A_980 : vector<16xf32>
      %mul3A_982 = arith.mulf %get3A_855, %get3A_221 : vector<16xf32>
      %add3A_983 = arith.addf %add3A_981, %mul3A_982 : vector<16xf32>
      %mul3A_984 = arith.mulf %get3A_860, %get3A_226 : vector<16xf32>
      %add3A_985 = arith.addf %add3A_983, %mul3A_984 : vector<16xf32>
      %mul3A_986 = arith.constant 16 : i32
      %mul3A_987 = arith.muli %scan3A_274, %mul3A_986 : i32
      %add3A_988 = arith.constant 3072 : i32
      %add3A_989 = arith.addi %add3A_988, %mul3A_987 : i32
      %swap3A_990 = arith.constant 3 : i32
      %swap3A_991 = arith.index_cast %swap3A_990 : i32 to index
      %swap3A_992 = arith.index_cast %add3A_989 : i32 to index
      %swap3A_993 = tpu.vector_load %arg9[%swap3A_991, %swap3A_992] {strides = array<i32>} : memref<4x3840xf32, #tpu.memory_space<vmem>>, vector<1x16xf32>,
      %swap3A_994 = vector.shape_cast %swap3A_993 : vector<1x16xf32> to vector<16xf32>
      %swap3A_995 = vector.shape_cast %add3A_985 : vector<16xf32> to vector<1x16xf32>
      tpu.vector_store %arg9[%swap3A_991, %swap3A_992], %swap3A_995 {strides = array<i32>} : memref<4x3840xf32, #tpu.memory_space<vmem>>, vector<1x16xf32>,
    }
    %scan3A_256 = arith.constant 48 : i32
    %dma_wait3A_257 = arith.constant 31 : i32
    %dma_wait3A_258 = arith.constant 0 : i32
    %dma_wait3A_259 = tpu.memref_slice %arg6[%dma_wait3A_257, %dma_wait3A_258] : memref<32x40xi32, #tpu.memory_space<vmem>> -> memref<1x40xi32, #tpu.memory_space<vmem>>
    %dma_wait3A_260 = tpu.memref_squeeze %dma_wait3A_259 : memref<1x40xi32, #tpu.memory_space<vmem>> -> memref<40xi32, #tpu.memory_space<vmem>>
    %dma_wait3A_261 = arith.constant 0 : i32
    %dma_wait3A_262 = arith.constant 0 : i32
    %dma_wait3A_263 = tpu.memref_slice %arg2[%dma_wait3A_261, %dma_wait3A_262] : memref<900000x768xf32, #tpu.memory_space<hbm>> -> memref<900000x768xf32, #tpu.memory_space<hbm>>
    tpu.wait_indirect_dma semaphore(%arg12 : memref<!tpu.dma_semaphore, #tpu.memory_space<semaphore_mem>>) src(%dma_wait3A_263 : memref<900000x768xf32, #tpu.memory_space<hbm>>) dst(%arg8 : memref<40x768xf32, #tpu.memory_space<vmem>>)
    %add3A_264 = arith.constant 120 : i32
    %add3A_265 = arith.addi %mul3A_2, %add3A_264 : i32
    "tpu.region"() ({
      %run_scoped3A = tpu.sem_alloc : memref<!tpu.dma_semaphore, #tpu.memory_space<semaphore_mem>>
      %dma_start3A_274 = arith.constant 0 : i32
      %dma_start3A_275 = tpu.memref_slice %arg5[%add3A_265, %dma_start3A_274] : memref<4096x3840xf32, #tpu.memory_space<hbm>> -> memref<4x3840xf32, #tpu.memory_space<hbm>>
      %dma_start3A_276 = arith.constant 0 : i32
      %dma_start3A_277 = tpu.memref_slice %arg5[%add3A_265, %dma_start3A_276] : memref<4096x3840xf32, #tpu.memory_space<hbm>> -> memref<4x3840xf32, #tpu.memory_space<hbm>>
      tpu.enqueue_dma source(%arg9 : memref<4x3840xf32, #tpu.memory_space<vmem>>) target(%dma_start3A_277 : memref<4x3840xf32, #tpu.memory_space<hbm>>) target_semaphore(%run_scoped3A : memref<!tpu.dma_semaphore, #tpu.memory_space<semaphore_mem>>)
      %dma_wait3A_278 = arith.constant 0 : i32
      %dma_wait3A_279 = tpu.memref_slice %arg5[%add3A_265, %dma_wait3A_278] : memref<4096x3840xf32, #tpu.memory_space<hbm>> -> memref<4x3840xf32, #tpu.memory_space<hbm>>
      %dma_wait3A_280 = arith.constant 0 : i32
      %dma_wait3A_281 = tpu.memref_slice %arg5[%add3A_265, %dma_wait3A_280] : memref<4096x3840xf32, #tpu.memory_space<hbm>> -> memref<4x3840xf32, #tpu.memory_space<hbm>>
      tpu.wait_dma2 semaphore(%run_scoped3A : memref<!tpu.dma_semaphore, #tpu.memory_space<semaphore_mem>>) src(%arg9 : memref<4x3840xf32, #tpu.memory_space<vmem>>) dst(%dma_wait3A_281 : memref<4x3840xf32, #tpu.memory_space<hbm>>)
      tpu.yield
    }) : () -> ()
    %scan3A_266 = arith.constant 0 : i32
    %scan3A_267 = arith.constant 0 : i32
    %scan3A_268 = arith.constant 48 : i32
    %scan3A_269 = arith.addi %scan3A_267, %scan3A_268 : i32
    %scan3A_270 = arith.constant 1 : i32
    scf.for %scan3A_274 = %scan3A_267 to %scan3A_269 step %scan3A_270  : i32 {
      %mul3A_275 = arith.constant 16 : i32
      %mul3A_276 = arith.muli %scan3A_274, %mul3A_275 : i32
      %get3A_277 = arith.constant 0 : i32
      %get3A_278 = arith.index_cast %get3A_277 : i32 to index
      %get3A_279 = arith.index_cast %mul3A_276 : i32 to index
      %get3A_280 = tpu.vector_load %arg8[%get3A_278, %get3A_279] {strides = array<i32>} : memref<40x768xf32, #tpu.memory_space<vmem>>, vector<1x16xf32>,
      %get3A_281 = vector.shape_cast %get3A_280 : vector<1x16xf32> to vector<16xf32>
      %get3A_282 = arith.constant 4 : i32
      %get3A_283 = arith.index_cast %get3A_282 : i32 to index
      %get3A_284 = arith.index_cast %mul3A_276 : i32 to index
      %get3A_285 = tpu.vector_load %arg8[%get3A_283, %get3A_284] {strides = array<i32>} : memref<40x768xf32, #tpu.memory_space<vmem>>, vector<1x16xf32>,
      %get3A_286 = vector.shape_cast %get3A_285 : vector<1x16xf32> to vector<16xf32>
      %get3A_287 = arith.constant 8 : i32
      %get3A_288 = arith.index_cast %get3A_287 : i32 to index
      %get3A_289 = arith.index_cast %mul3A_276 : i32 to index
      %get3A_290 = tpu.vector_load %arg8[%get3A_288, %get3A_289] {strides = array<i32>} : memref<40x768xf32, #tpu.memory_space<vmem>>, vector<1x16xf32>,
      %get3A_291 = vector.shape_cast %get3A_290 : vector<1x16xf32> to vector<16xf32>
      %get3A_292 = arith.constant 12 : i32
      %get3A_293 = arith.index_cast %get3A_292 : i32 to index
      %get3A_294 = arith.index_cast %mul3A_276 : i32 to index
      %get3A_295 = tpu.vector_load %arg8[%get3A_293, %get3A_294] {strides = array<i32>} : memref<40x768xf32, #tpu.memory_space<vmem>>, vector<1x16xf32>,
      %get3A_296 = vector.shape_cast %get3A_295 : vector<1x16xf32> to vector<16xf32>
      %get3A_297 = arith.constant 16 : i32
      %get3A_298 = arith.index_cast %get3A_297 : i32 to index
      %get3A_299 = arith.index_cast %mul3A_276 : i32 to index
      %get3A_300 = tpu.vector_load %arg8[%get3A_298, %get3A_299] {strides = array<i32>} : memref<40x768xf32, #tpu.memory_space<vmem>>, vector<1x16xf32>,
      %get3A_301 = vector.shape_cast %get3A_300 : vector<1x16xf32> to vector<16xf32>
      %get3A_302 = arith.constant 20 : i32
      %get3A_303 = arith.index_cast %get3A_302 : i32 to index
      %get3A_304 = arith.index_cast %mul3A_276 : i32 to index
      %get3A_305 = tpu.vector_load %arg8[%get3A_303, %get3A_304] {strides = array<i32>} : memref<40x768xf32, #tpu.memory_space<vmem>>, vector<1x16xf32>,
      %get3A_306 = vector.shape_cast %get3A_305 : vector<1x16xf32> to vector<16xf32>
      %get3A_307 = arith.constant 24 : i32
      %get3A_308 = arith.index_cast %get3A_307 : i32 to index
      %get3A_309 = arith.index_cast %mul3A_276 : i32 to index
      %get3A_310 = tpu.vector_load %arg8[%get3A_308, %get3A_309] {strides = array<i32>} : memref<40x768xf32, #tpu.memory_space<vmem>>, vector<1x16xf32>,
      %get3A_311 = vector.shape_cast %get3A_310 : vector<1x16xf32> to vector<16xf32>
      %get3A_312 = arith.constant 28 : i32
      %get3A_313 = arith.index_cast %get3A_312 : i32 to index
      %get3A_314 = arith.index_cast %mul3A_276 : i32 to index
      %get3A_315 = tpu.vector_load %arg8[%get3A_313, %get3A_314] {strides = array<i32>} : memref<40x768xf32, #tpu.memory_space<vmem>>, vector<1x16xf32>,
      %get3A_316 = vector.shape_cast %get3A_315 : vector<1x16xf32> to vector<16xf32>
      %get3A_317 = arith.constant 32 : i32
      %get3A_318 = arith.index_cast %get3A_317 : i32 to index
      %get3A_319 = arith.index_cast %mul3A_276 : i32 to index
      %get3A_320 = tpu.vector_load %arg8[%get3A_318, %get3A_319] {strides = array<i32>} : memref<40x768xf32, #tpu.memory_space<vmem>>, vector<1x16xf32>,
      %get3A_321 = vector.shape_cast %get3A_320 : vector<1x16xf32> to vector<16xf32>
      %mul3A_322 = arith.mulf %get3A_281, %get3A_6 : vector<16xf32>
      %mul3A_323 = arith.mulf %get3A_286, %get3A_11 : vector<16xf32>
      %add3A_324 = arith.addf %mul3A_322, %mul3A_323 : vector<16xf32>
      %mul3A_325 = arith.mulf %get3A_291, %get3A_16 : vector<16xf32>
      %add3A_326 = arith.addf %add3A_324, %mul3A_325 : vector<16xf32>
      %mul3A_327 = arith.mulf %get3A_296, %get3A_21 : vector<16xf32>
      %add3A_328 = arith.addf %add3A_326, %mul3A_327 : vector<16xf32>
      %mul3A_329 = arith.mulf %get3A_301, %get3A_26 : vector<16xf32>
      %add3A_330 = arith.addf %add3A_328, %mul3A_329 : vector<16xf32>
      %mul3A_331 = arith.mulf %get3A_306, %get3A_31 : vector<16xf32>
      %add3A_332 = arith.addf %add3A_330, %mul3A_331 : vector<16xf32>
      %mul3A_333 = arith.mulf %get3A_311, %get3A_36 : vector<16xf32>
      %add3A_334 = arith.addf %add3A_332, %mul3A_333 : vector<16xf32>
      %mul3A_335 = arith.mulf %get3A_316, %get3A_41 : vector<16xf32>
      %add3A_336 = arith.addf %add3A_334, %mul3A_335 : vector<16xf32>
      %mul3A_337 = arith.mulf %get3A_321, %get3A_46 : vector<16xf32>
      %add3A_338 = arith.addf %add3A_336, %mul3A_337 : vector<16xf32>
      %mul3A_339 = arith.constant 16 : i32
      %mul3A_340 = arith.muli %scan3A_274, %mul3A_339 : i32
      %add3A_341 = arith.constant 0 : i32
      %add3A_342 = arith.addi %add3A_341, %mul3A_340 : i32
      %swap3A = arith.constant 0 : i32
      %swap3A_343 = arith.index_cast %swap3A : i32 to index
      %swap3A_344 = arith.index_cast %add3A_342 : i32 to index
      %swap3A_345 = tpu.vector_load %arg9[%swap3A_343, %swap3A_344] {strides = array<i32>} : memref<4x3840xf32, #tpu.memory_space<vmem>>, vector<1x16xf32>,
      %swap3A_346 = vector.shape_cast %swap3A_345 : vector<1x16xf32> to vector<16xf32>
      %swap3A_347 = vector.shape_cast %add3A_338 : vector<16xf32> to vector<1x16xf32>
      tpu.vector_store %arg9[%swap3A_343, %swap3A_344], %swap3A_347 {strides = array<i32>} : memref<4x3840xf32, #tpu.memory_space<vmem>>, vector<1x16xf32>,
      %mul3A_348 = arith.mulf %get3A_281, %get3A_51 : vector<16xf32>
      %mul3A_349 = arith.mulf %get3A_286, %get3A_56 : vector<16xf32>
      %add3A_350 = arith.addf %mul3A_348, %mul3A_349 : vector<16xf32>
      %mul3A_351 = arith.mulf %get3A_291, %get3A_61 : vector<16xf32>
      %add3A_352 = arith.addf %add3A_350, %mul3A_351 : vector<16xf32>
      %mul3A_353 = arith.mulf %get3A_296, %get3A_66 : vector<16xf32>
      %add3A_354 = arith.addf %add3A_352, %mul3A_353 : vector<16xf32>
      %mul3A_355 = arith.mulf %get3A_301, %get3A_71 : vector<16xf32>
      %add3A_356 = arith.addf %add3A_354, %mul3A_355 : vector<16xf32>
      %mul3A_357 = arith.mulf %get3A_306, %get3A_76 : vector<16xf32>
      %add3A_358 = arith.addf %add3A_356, %mul3A_357 : vector<16xf32>
      %mul3A_359 = arith.mulf %get3A_311, %get3A_81 : vector<16xf32>
      %add3A_360 = arith.addf %add3A_358, %mul3A_359 : vector<16xf32>
      %mul3A_361 = arith.mulf %get3A_316, %get3A_86 : vector<16xf32>
      %add3A_362 = arith.addf %add3A_360, %mul3A_361 : vector<16xf32>
      %mul3A_363 = arith.mulf %get3A_321, %get3A_91 : vector<16xf32>
      %add3A_364 = arith.addf %add3A_362, %mul3A_363 : vector<16xf32>
      %mul3A_365 = arith.constant 16 : i32
      %mul3A_366 = arith.muli %scan3A_274, %mul3A_365 : i32
      %add3A_367 = arith.constant 768 : i32
      %add3A_368 = arith.addi %add3A_367, %mul3A_366 : i32
      %swap3A_369 = arith.constant 0 : i32
      %swap3A_370 = arith.index_cast %swap3A_369 : i32 to index
      %swap3A_371 = arith.index_cast %add3A_368 : i32 to index
      %swap3A_372 = tpu.vector_load %arg9[%swap3A_370, %swap3A_371] {strides = array<i32>} : memref<4x3840xf32, #tpu.memory_space<vmem>>, vector<1x16xf32>,
      %swap3A_373 = vector.shape_cast %swap3A_372 : vector<1x16xf32> to vector<16xf32>
      %swap3A_374 = vector.shape_cast %add3A_364 : vector<16xf32> to vector<1x16xf32>
      tpu.vector_store %arg9[%swap3A_370, %swap3A_371], %swap3A_374 {strides = array<i32>} : memref<4x3840xf32, #tpu.memory_space<vmem>>, vector<1x16xf32>,
      %mul3A_375 = arith.mulf %get3A_281, %get3A_96 : vector<16xf32>
      %mul3A_376 = arith.mulf %get3A_286, %get3A_101 : vector<16xf32>
      %add3A_377 = arith.addf %mul3A_375, %mul3A_376 : vector<16xf32>
      %mul3A_378 = arith.mulf %get3A_291, %get3A_106 : vector<16xf32>
      %add3A_379 = arith.addf %add3A_377, %mul3A_378 : vector<16xf32>
      %mul3A_380 = arith.mulf %get3A_296, %get3A_111 : vector<16xf32>
      %add3A_381 = arith.addf %add3A_379, %mul3A_380 : vector<16xf32>
      %mul3A_382 = arith.mulf %get3A_301, %get3A_116 : vector<16xf32>
      %add3A_383 = arith.addf %add3A_381, %mul3A_382 : vector<16xf32>
      %mul3A_384 = arith.mulf %get3A_306, %get3A_121 : vector<16xf32>
      %add3A_385 = arith.addf %add3A_383, %mul3A_384 : vector<16xf32>
      %mul3A_386 = arith.mulf %get3A_311, %get3A_126 : vector<16xf32>
      %add3A_387 = arith.addf %add3A_385, %mul3A_386 : vector<16xf32>
      %mul3A_388 = arith.mulf %get3A_316, %get3A_131 : vector<16xf32>
      %add3A_389 = arith.addf %add3A_387, %mul3A_388 : vector<16xf32>
      %mul3A_390 = arith.mulf %get3A_321, %get3A_136 : vector<16xf32>
      %add3A_391 = arith.addf %add3A_389, %mul3A_390 : vector<16xf32>
      %mul3A_392 = arith.constant 16 : i32
      %mul3A_393 = arith.muli %scan3A_274, %mul3A_392 : i32
      %add3A_394 = arith.constant 1536 : i32
      %add3A_395 = arith.addi %add3A_394, %mul3A_393 : i32
      %swap3A_396 = arith.constant 0 : i32
      %swap3A_397 = arith.index_cast %swap3A_396 : i32 to index
      %swap3A_398 = arith.index_cast %add3A_395 : i32 to index
      %swap3A_399 = tpu.vector_load %arg9[%swap3A_397, %swap3A_398] {strides = array<i32>} : memref<4x3840xf32, #tpu.memory_space<vmem>>, vector<1x16xf32>,
      %swap3A_400 = vector.shape_cast %swap3A_399 : vector<1x16xf32> to vector<16xf32>
      %swap3A_401 = vector.shape_cast %add3A_391 : vector<16xf32> to vector<1x16xf32>
      tpu.vector_store %arg9[%swap3A_397, %swap3A_398], %swap3A_401 {strides = array<i32>} : memref<4x3840xf32, #tpu.memory_space<vmem>>, vector<1x16xf32>,
      %mul3A_402 = arith.mulf %get3A_281, %get3A_141 : vector<16xf32>
      %mul3A_403 = arith.mulf %get3A_286, %get3A_146 : vector<16xf32>
      %add3A_404 = arith.addf %mul3A_402, %mul3A_403 : vector<16xf32>
      %mul3A_405 = arith.mulf %get3A_291, %get3A_151 : vector<16xf32>
      %add3A_406 = arith.addf %add3A_404, %mul3A_405 : vector<16xf32>
      %mul3A_407 = arith.mulf %get3A_296, %get3A_156 : vector<16xf32>
      %add3A_408 = arith.addf %add3A_406, %mul3A_407 : vector<16xf32>
      %mul3A_409 = arith.mulf %get3A_301, %get3A_161 : vector<16xf32>
      %add3A_410 = arith.addf %add3A_408, %mul3A_409 : vector<16xf32>
      %mul3A_411 = arith.mulf %get3A_306, %get3A_166 : vector<16xf32>
      %add3A_412 = arith.addf %add3A_410, %mul3A_411 : vector<16xf32>
      %mul3A_413 = arith.mulf %get3A_311, %get3A_171 : vector<16xf32>
      %add3A_414 = arith.addf %add3A_412, %mul3A_413 : vector<16xf32>
      %mul3A_415 = arith.mulf %get3A_316, %get3A_176 : vector<16xf32>
      %add3A_416 = arith.addf %add3A_414, %mul3A_415 : vector<16xf32>
      %mul3A_417 = arith.mulf %get3A_321, %get3A_181 : vector<16xf32>
      %add3A_418 = arith.addf %add3A_416, %mul3A_417 : vector<16xf32>
      %mul3A_419 = arith.constant 16 : i32
      %mul3A_420 = arith.muli %scan3A_274, %mul3A_419 : i32
      %add3A_421 = arith.constant 2304 : i32
      %add3A_422 = arith.addi %add3A_421, %mul3A_420 : i32
      %swap3A_423 = arith.constant 0 : i32
      %swap3A_424 = arith.index_cast %swap3A_423 : i32 to index
      %swap3A_425 = arith.index_cast %add3A_422 : i32 to index
      %swap3A_426 = tpu.vector_load %arg9[%swap3A_424, %swap3A_425] {strides = array<i32>} : memref<4x3840xf32, #tpu.memory_space<vmem>>, vector<1x16xf32>,
      %swap3A_427 = vector.shape_cast %swap3A_426 : vector<1x16xf32> to vector<16xf32>
      %swap3A_428 = vector.shape_cast %add3A_418 : vector<16xf32> to vector<1x16xf32>
      tpu.vector_store %arg9[%swap3A_424, %swap3A_425], %swap3A_428 {strides = array<i32>} : memref<4x3840xf32, #tpu.memory_space<vmem>>, vector<1x16xf32>,
      %mul3A_429 = arith.mulf %get3A_281, %get3A_186 : vector<16xf32>
      %mul3A_430 = arith.mulf %get3A_286, %get3A_191 : vector<16xf32>
      %add3A_431 = arith.addf %mul3A_429, %mul3A_430 : vector<16xf32>
      %mul3A_432 = arith.mulf %get3A_291, %get3A_196 : vector<16xf32>
      %add3A_433 = arith.addf %add3A_431, %mul3A_432 : vector<16xf32>
      %mul3A_434 = arith.mulf %get3A_296, %get3A_201 : vector<16xf32>
      %add3A_435 = arith.addf %add3A_433, %mul3A_434 : vector<16xf32>
      %mul3A_436 = arith.mulf %get3A_301, %get3A_206 : vector<16xf32>
      %add3A_437 = arith.addf %add3A_435, %mul3A_436 : vector<16xf32>
      %mul3A_438 = arith.mulf %get3A_306, %get3A_211 : vector<16xf32>
      %add3A_439 = arith.addf %add3A_437, %mul3A_438 : vector<16xf32>
      %mul3A_440 = arith.mulf %get3A_311, %get3A_216 : vector<16xf32>
      %add3A_441 = arith.addf %add3A_439, %mul3A_440 : vector<16xf32>
      %mul3A_442 = arith.mulf %get3A_316, %get3A_221 : vector<16xf32>
      %add3A_443 = arith.addf %add3A_441, %mul3A_442 : vector<16xf32>
      %mul3A_444 = arith.mulf %get3A_321, %get3A_226 : vector<16xf32>
      %add3A_445 = arith.addf %add3A_443, %mul3A_444 : vector<16xf32>
      %mul3A_446 = arith.constant 16 : i32
      %mul3A_447 = arith.muli %scan3A_274, %mul3A_446 : i32
      %add3A_448 = arith.constant 3072 : i32
      %add3A_449 = arith.addi %add3A_448, %mul3A_447 : i32
      %swap3A_450 = arith.constant 0 : i32
      %swap3A_451 = arith.index_cast %swap3A_450 : i32 to index
      %swap3A_452 = arith.index_cast %add3A_449 : i32 to index
      %swap3A_453 = tpu.vector_load %arg9[%swap3A_451, %swap3A_452] {strides = array<i32>} : memref<4x3840xf32, #tpu.memory_space<vmem>>, vector<1x16xf32>,
      %swap3A_454 = vector.shape_cast %swap3A_453 : vector<1x16xf32> to vector<16xf32>
      %swap3A_455 = vector.shape_cast %add3A_445 : vector<16xf32> to vector<1x16xf32>
      tpu.vector_store %arg9[%swap3A_451, %swap3A_452], %swap3A_455 {strides = array<i32>} : memref<4x3840xf32, #tpu.memory_space<vmem>>, vector<1x16xf32>,
      %get3A_456 = arith.constant 1 : i32
      %get3A_457 = arith.index_cast %get3A_456 : i32 to index
      %get3A_458 = arith.index_cast %mul3A_276 : i32 to index
      %get3A_459 = tpu.vector_load %arg8[%get3A_457, %get3A_458] {strides = array<i32>} : memref<40x768xf32, #tpu.memory_space<vmem>>, vector<1x16xf32>,
      %get3A_460 = vector.shape_cast %get3A_459 : vector<1x16xf32> to vector<16xf32>
      %get3A_461 = arith.constant 5 : i32
      %get3A_462 = arith.index_cast %get3A_461 : i32 to index
      %get3A_463 = arith.index_cast %mul3A_276 : i32 to index
      %get3A_464 = tpu.vector_load %arg8[%get3A_462, %get3A_463] {strides = array<i32>} : memref<40x768xf32, #tpu.memory_space<vmem>>, vector<1x16xf32>,
      %get3A_465 = vector.shape_cast %get3A_464 : vector<1x16xf32> to vector<16xf32>
      %get3A_466 = arith.constant 9 : i32
      %get3A_467 = arith.index_cast %get3A_466 : i32 to index
      %get3A_468 = arith.index_cast %mul3A_276 : i32 to index
      %get3A_469 = tpu.vector_load %arg8[%get3A_467, %get3A_468] {strides = array<i32>} : memref<40x768xf32, #tpu.memory_space<vmem>>, vector<1x16xf32>,
      %get3A_470 = vector.shape_cast %get3A_469 : vector<1x16xf32> to vector<16xf32>
      %get3A_471 = arith.constant 13 : i32
      %get3A_472 = arith.index_cast %get3A_471 : i32 to index
      %get3A_473 = arith.index_cast %mul3A_276 : i32 to index
      %get3A_474 = tpu.vector_load %arg8[%get3A_472, %get3A_473] {strides = array<i32>} : memref<40x768xf32, #tpu.memory_space<vmem>>, vector<1x16xf32>,
      %get3A_475 = vector.shape_cast %get3A_474 : vector<1x16xf32> to vector<16xf32>
      %get3A_476 = arith.constant 17 : i32
      %get3A_477 = arith.index_cast %get3A_476 : i32 to index
      %get3A_478 = arith.index_cast %mul3A_276 : i32 to index
      %get3A_479 = tpu.vector_load %arg8[%get3A_477, %get3A_478] {strides = array<i32>} : memref<40x768xf32, #tpu.memory_space<vmem>>, vector<1x16xf32>,
      %get3A_480 = vector.shape_cast %get3A_479 : vector<1x16xf32> to vector<16xf32>
      %get3A_481 = arith.constant 21 : i32
      %get3A_482 = arith.index_cast %get3A_481 : i32 to index
      %get3A_483 = arith.index_cast %mul3A_276 : i32 to index
      %get3A_484 = tpu.vector_load %arg8[%get3A_482, %get3A_483] {strides = array<i32>} : memref<40x768xf32, #tpu.memory_space<vmem>>, vector<1x16xf32>,
      %get3A_485 = vector.shape_cast %get3A_484 : vector<1x16xf32> to vector<16xf32>
      %get3A_486 = arith.constant 25 : i32
      %get3A_487 = arith.index_cast %get3A_486 : i32 to index
      %get3A_488 = arith.index_cast %mul3A_276 : i32 to index
      %get3A_489 = tpu.vector_load %arg8[%get3A_487, %get3A_488] {strides = array<i32>} : memref<40x768xf32, #tpu.memory_space<vmem>>, vector<1x16xf32>,
      %get3A_490 = vector.shape_cast %get3A_489 : vector<1x16xf32> to vector<16xf32>
      %get3A_491 = arith.constant 29 : i32
      %get3A_492 = arith.index_cast %get3A_491 : i32 to index
      %get3A_493 = arith.index_cast %mul3A_276 : i32 to index
      %get3A_494 = tpu.vector_load %arg8[%get3A_492, %get3A_493] {strides = array<i32>} : memref<40x768xf32, #tpu.memory_space<vmem>>, vector<1x16xf32>,
      %get3A_495 = vector.shape_cast %get3A_494 : vector<1x16xf32> to vector<16xf32>
      %get3A_496 = arith.constant 33 : i32
      %get3A_497 = arith.index_cast %get3A_496 : i32 to index
      %get3A_498 = arith.index_cast %mul3A_276 : i32 to index
      %get3A_499 = tpu.vector_load %arg8[%get3A_497, %get3A_498] {strides = array<i32>} : memref<40x768xf32, #tpu.memory_space<vmem>>, vector<1x16xf32>,
      %get3A_500 = vector.shape_cast %get3A_499 : vector<1x16xf32> to vector<16xf32>
      %mul3A_501 = arith.mulf %get3A_460, %get3A_6 : vector<16xf32>
      %mul3A_502 = arith.mulf %get3A_465, %get3A_11 : vector<16xf32>
      %add3A_503 = arith.addf %mul3A_501, %mul3A_502 : vector<16xf32>
      %mul3A_504 = arith.mulf %get3A_470, %get3A_16 : vector<16xf32>
      %add3A_505 = arith.addf %add3A_503, %mul3A_504 : vector<16xf32>
      %mul3A_506 = arith.mulf %get3A_475, %get3A_21 : vector<16xf32>
      %add3A_507 = arith.addf %add3A_505, %mul3A_506 : vector<16xf32>
      %mul3A_508 = arith.mulf %get3A_480, %get3A_26 : vector<16xf32>
      %add3A_509 = arith.addf %add3A_507, %mul3A_508 : vector<16xf32>
      %mul3A_510 = arith.mulf %get3A_485, %get3A_31 : vector<16xf32>
      %add3A_511 = arith.addf %add3A_509, %mul3A_510 : vector<16xf32>
      %mul3A_512 = arith.mulf %get3A_490, %get3A_36 : vector<16xf32>
      %add3A_513 = arith.addf %add3A_511, %mul3A_512 : vector<16xf32>
      %mul3A_514 = arith.mulf %get3A_495, %get3A_41 : vector<16xf32>
      %add3A_515 = arith.addf %add3A_513, %mul3A_514 : vector<16xf32>
      %mul3A_516 = arith.mulf %get3A_500, %get3A_46 : vector<16xf32>
      %add3A_517 = arith.addf %add3A_515, %mul3A_516 : vector<16xf32>
      %mul3A_518 = arith.constant 16 : i32
      %mul3A_519 = arith.muli %scan3A_274, %mul3A_518 : i32
      %add3A_520 = arith.constant 0 : i32
      %add3A_521 = arith.addi %add3A_520, %mul3A_519 : i32
      %swap3A_522 = arith.constant 1 : i32
      %swap3A_523 = arith.index_cast %swap3A_522 : i32 to index
      %swap3A_524 = arith.index_cast %add3A_521 : i32 to index
      %swap3A_525 = tpu.vector_load %arg9[%swap3A_523, %swap3A_524] {strides = array<i32>} : memref<4x3840xf32, #tpu.memory_space<vmem>>, vector<1x16xf32>,
      %swap3A_526 = vector.shape_cast %swap3A_525 : vector<1x16xf32> to vector<16xf32>
      %swap3A_527 = vector.shape_cast %add3A_517 : vector<16xf32> to vector<1x16xf32>
      tpu.vector_store %arg9[%swap3A_523, %swap3A_524], %swap3A_527 {strides = array<i32>} : memref<4x3840xf32, #tpu.memory_space<vmem>>, vector<1x16xf32>,
      %mul3A_528 = arith.mulf %get3A_460, %get3A_51 : vector<16xf32>
      %mul3A_529 = arith.mulf %get3A_465, %get3A_56 : vector<16xf32>
      %add3A_530 = arith.addf %mul3A_528, %mul3A_529 : vector<16xf32>
      %mul3A_531 = arith.mulf %get3A_470, %get3A_61 : vector<16xf32>
      %add3A_532 = arith.addf %add3A_530, %mul3A_531 : vector<16xf32>
      %mul3A_533 = arith.mulf %get3A_475, %get3A_66 : vector<16xf32>
      %add3A_534 = arith.addf %add3A_532, %mul3A_533 : vector<16xf32>
      %mul3A_535 = arith.mulf %get3A_480, %get3A_71 : vector<16xf32>
      %add3A_536 = arith.addf %add3A_534, %mul3A_535 : vector<16xf32>
      %mul3A_537 = arith.mulf %get3A_485, %get3A_76 : vector<16xf32>
      %add3A_538 = arith.addf %add3A_536, %mul3A_537 : vector<16xf32>
      %mul3A_539 = arith.mulf %get3A_490, %get3A_81 : vector<16xf32>
      %add3A_540 = arith.addf %add3A_538, %mul3A_539 : vector<16xf32>
      %mul3A_541 = arith.mulf %get3A_495, %get3A_86 : vector<16xf32>
      %add3A_542 = arith.addf %add3A_540, %mul3A_541 : vector<16xf32>
      %mul3A_543 = arith.mulf %get3A_500, %get3A_91 : vector<16xf32>
      %add3A_544 = arith.addf %add3A_542, %mul3A_543 : vector<16xf32>
      %mul3A_545 = arith.constant 16 : i32
      %mul3A_546 = arith.muli %scan3A_274, %mul3A_545 : i32
      %add3A_547 = arith.constant 768 : i32
      %add3A_548 = arith.addi %add3A_547, %mul3A_546 : i32
      %swap3A_549 = arith.constant 1 : i32
      %swap3A_550 = arith.index_cast %swap3A_549 : i32 to index
      %swap3A_551 = arith.index_cast %add3A_548 : i32 to index
      %swap3A_552 = tpu.vector_load %arg9[%swap3A_550, %swap3A_551] {strides = array<i32>} : memref<4x3840xf32, #tpu.memory_space<vmem>>, vector<1x16xf32>,
      %swap3A_553 = vector.shape_cast %swap3A_552 : vector<1x16xf32> to vector<16xf32>
      %swap3A_554 = vector.shape_cast %add3A_544 : vector<16xf32> to vector<1x16xf32>
      tpu.vector_store %arg9[%swap3A_550, %swap3A_551], %swap3A_554 {strides = array<i32>} : memref<4x3840xf32, #tpu.memory_space<vmem>>, vector<1x16xf32>,
      %mul3A_555 = arith.mulf %get3A_460, %get3A_96 : vector<16xf32>
      %mul3A_556 = arith.mulf %get3A_465, %get3A_101 : vector<16xf32>
      %add3A_557 = arith.addf %mul3A_555, %mul3A_556 : vector<16xf32>
      %mul3A_558 = arith.mulf %get3A_470, %get3A_106 : vector<16xf32>
      %add3A_559 = arith.addf %add3A_557, %mul3A_558 : vector<16xf32>
      %mul3A_560 = arith.mulf %get3A_475, %get3A_111 : vector<16xf32>
      %add3A_561 = arith.addf %add3A_559, %mul3A_560 : vector<16xf32>
      %mul3A_562 = arith.mulf %get3A_480, %get3A_116 : vector<16xf32>
      %add3A_563 = arith.addf %add3A_561, %mul3A_562 : vector<16xf32>
      %mul3A_564 = arith.mulf %get3A_485, %get3A_121 : vector<16xf32>
      %add3A_565 = arith.addf %add3A_563, %mul3A_564 : vector<16xf32>
      %mul3A_566 = arith.mulf %get3A_490, %get3A_126 : vector<16xf32>
      %add3A_567 = arith.addf %add3A_565, %mul3A_566 : vector<16xf32>
      %mul3A_568 = arith.mulf %get3A_495, %get3A_131 : vector<16xf32>
      %add3A_569 = arith.addf %add3A_567, %mul3A_568 : vector<16xf32>
      %mul3A_570 = arith.mulf %get3A_500, %get3A_136 : vector<16xf32>
      %add3A_571 = arith.addf %add3A_569, %mul3A_570 : vector<16xf32>
      %mul3A_572 = arith.constant 16 : i32
      %mul3A_573 = arith.muli %scan3A_274, %mul3A_572 : i32
      %add3A_574 = arith.constant 1536 : i32
      %add3A_575 = arith.addi %add3A_574, %mul3A_573 : i32
      %swap3A_576 = arith.constant 1 : i32
      %swap3A_577 = arith.index_cast %swap3A_576 : i32 to index
      %swap3A_578 = arith.index_cast %add3A_575 : i32 to index
      %swap3A_579 = tpu.vector_load %arg9[%swap3A_577, %swap3A_578] {strides = array<i32>} : memref<4x3840xf32, #tpu.memory_space<vmem>>, vector<1x16xf32>,
      %swap3A_580 = vector.shape_cast %swap3A_579 : vector<1x16xf32> to vector<16xf32>
      %swap3A_581 = vector.shape_cast %add3A_571 : vector<16xf32> to vector<1x16xf32>
      tpu.vector_store %arg9[%swap3A_577, %swap3A_578], %swap3A_581 {strides = array<i32>} : memref<4x3840xf32, #tpu.memory_space<vmem>>, vector<1x16xf32>,
      %mul3A_582 = arith.mulf %get3A_460, %get3A_141 : vector<16xf32>
      %mul3A_583 = arith.mulf %get3A_465, %get3A_146 : vector<16xf32>
      %add3A_584 = arith.addf %mul3A_582, %mul3A_583 : vector<16xf32>
      %mul3A_585 = arith.mulf %get3A_470, %get3A_151 : vector<16xf32>
      %add3A_586 = arith.addf %add3A_584, %mul3A_585 : vector<16xf32>
      %mul3A_587 = arith.mulf %get3A_475, %get3A_156 : vector<16xf32>
      %add3A_588 = arith.addf %add3A_586, %mul3A_587 : vector<16xf32>
      %mul3A_589 = arith.mulf %get3A_480, %get3A_161 : vector<16xf32>
      %add3A_590 = arith.addf %add3A_588, %mul3A_589 : vector<16xf32>
      %mul3A_591 = arith.mulf %get3A_485, %get3A_166 : vector<16xf32>
      %add3A_592 = arith.addf %add3A_590, %mul3A_591 : vector<16xf32>
      %mul3A_593 = arith.mulf %get3A_490, %get3A_171 : vector<16xf32>
      %add3A_594 = arith.addf %add3A_592, %mul3A_593 : vector<16xf32>
      %mul3A_595 = arith.mulf %get3A_495, %get3A_176 : vector<16xf32>
      %add3A_596 = arith.addf %add3A_594, %mul3A_595 : vector<16xf32>
      %mul3A_597 = arith.mulf %get3A_500, %get3A_181 : vector<16xf32>
      %add3A_598 = arith.addf %add3A_596, %mul3A_597 : vector<16xf32>
      %mul3A_599 = arith.constant 16 : i32
      %mul3A_600 = arith.muli %scan3A_274, %mul3A_599 : i32
      %add3A_601 = arith.constant 2304 : i32
      %add3A_602 = arith.addi %add3A_601, %mul3A_600 : i32
      %swap3A_603 = arith.constant 1 : i32
      %swap3A_604 = arith.index_cast %swap3A_603 : i32 to index
      %swap3A_605 = arith.index_cast %add3A_602 : i32 to index
      %swap3A_606 = tpu.vector_load %arg9[%swap3A_604, %swap3A_605] {strides = array<i32>} : memref<4x3840xf32, #tpu.memory_space<vmem>>, vector<1x16xf32>,
      %swap3A_607 = vector.shape_cast %swap3A_606 : vector<1x16xf32> to vector<16xf32>
      %swap3A_608 = vector.shape_cast %add3A_598 : vector<16xf32> to vector<1x16xf32>
      tpu.vector_store %arg9[%swap3A_604, %swap3A_605], %swap3A_608 {strides = array<i32>} : memref<4x3840xf32, #tpu.memory_space<vmem>>, vector<1x16xf32>,
      %mul3A_609 = arith.mulf %get3A_460, %get3A_186 : vector<16xf32>
      %mul3A_610 = arith.mulf %get3A_465, %get3A_191 : vector<16xf32>
      %add3A_611 = arith.addf %mul3A_609, %mul3A_610 : vector<16xf32>
      %mul3A_612 = arith.mulf %get3A_470, %get3A_196 : vector<16xf32>
      %add3A_613 = arith.addf %add3A_611, %mul3A_612 : vector<16xf32>
      %mul3A_614 = arith.mulf %get3A_475, %get3A_201 : vector<16xf32>
      %add3A_615 = arith.addf %add3A_613, %mul3A_614 : vector<16xf32>
      %mul3A_616 = arith.mulf %get3A_480, %get3A_206 : vector<16xf32>
      %add3A_617 = arith.addf %add3A_615, %mul3A_616 : vector<16xf32>
      %mul3A_618 = arith.mulf %get3A_485, %get3A_211 : vector<16xf32>
      %add3A_619 = arith.addf %add3A_617, %mul3A_618 : vector<16xf32>
      %mul3A_620 = arith.mulf %get3A_490, %get3A_216 : vector<16xf32>
      %add3A_621 = arith.addf %add3A_619, %mul3A_620 : vector<16xf32>
      %mul3A_622 = arith.mulf %get3A_495, %get3A_221 : vector<16xf32>
      %add3A_623 = arith.addf %add3A_621, %mul3A_622 : vector<16xf32>
      %mul3A_624 = arith.mulf %get3A_500, %get3A_226 : vector<16xf32>
      %add3A_625 = arith.addf %add3A_623, %mul3A_624 : vector<16xf32>
      %mul3A_626 = arith.constant 16 : i32
      %mul3A_627 = arith.muli %scan3A_274, %mul3A_626 : i32
      %add3A_628 = arith.constant 3072 : i32
      %add3A_629 = arith.addi %add3A_628, %mul3A_627 : i32
      %swap3A_630 = arith.constant 1 : i32
      %swap3A_631 = arith.index_cast %swap3A_630 : i32 to index
      %swap3A_632 = arith.index_cast %add3A_629 : i32 to index
      %swap3A_633 = tpu.vector_load %arg9[%swap3A_631, %swap3A_632] {strides = array<i32>} : memref<4x3840xf32, #tpu.memory_space<vmem>>, vector<1x16xf32>,
      %swap3A_634 = vector.shape_cast %swap3A_633 : vector<1x16xf32> to vector<16xf32>
      %swap3A_635 = vector.shape_cast %add3A_625 : vector<16xf32> to vector<1x16xf32>
      tpu.vector_store %arg9[%swap3A_631, %swap3A_632], %swap3A_635 {strides = array<i32>} : memref<4x3840xf32, #tpu.memory_space<vmem>>, vector<1x16xf32>,
      %get3A_636 = arith.constant 2 : i32
      %get3A_637 = arith.index_cast %get3A_636 : i32 to index
      %get3A_638 = arith.index_cast %mul3A_276 : i32 to index
      %get3A_639 = tpu.vector_load %arg8[%get3A_637, %get3A_638] {strides = array<i32>} : memref<40x768xf32, #tpu.memory_space<vmem>>, vector<1x16xf32>,
      %get3A_640 = vector.shape_cast %get3A_639 : vector<1x16xf32> to vector<16xf32>
      %get3A_641 = arith.constant 6 : i32
      %get3A_642 = arith.index_cast %get3A_641 : i32 to index
      %get3A_643 = arith.index_cast %mul3A_276 : i32 to index
      %get3A_644 = tpu.vector_load %arg8[%get3A_642, %get3A_643] {strides = array<i32>} : memref<40x768xf32, #tpu.memory_space<vmem>>, vector<1x16xf32>,
      %get3A_645 = vector.shape_cast %get3A_644 : vector<1x16xf32> to vector<16xf32>
      %get3A_646 = arith.constant 10 : i32
      %get3A_647 = arith.index_cast %get3A_646 : i32 to index
      %get3A_648 = arith.index_cast %mul3A_276 : i32 to index
      %get3A_649 = tpu.vector_load %arg8[%get3A_647, %get3A_648] {strides = array<i32>} : memref<40x768xf32, #tpu.memory_space<vmem>>, vector<1x16xf32>,
      %get3A_650 = vector.shape_cast %get3A_649 : vector<1x16xf32> to vector<16xf32>
      %get3A_651 = arith.constant 14 : i32
      %get3A_652 = arith.index_cast %get3A_651 : i32 to index
      %get3A_653 = arith.index_cast %mul3A_276 : i32 to index
      %get3A_654 = tpu.vector_load %arg8[%get3A_652, %get3A_653] {strides = array<i32>} : memref<40x768xf32, #tpu.memory_space<vmem>>, vector<1x16xf32>,
      %get3A_655 = vector.shape_cast %get3A_654 : vector<1x16xf32> to vector<16xf32>
      %get3A_656 = arith.constant 18 : i32
      %get3A_657 = arith.index_cast %get3A_656 : i32 to index
      %get3A_658 = arith.index_cast %mul3A_276 : i32 to index
      %get3A_659 = tpu.vector_load %arg8[%get3A_657, %get3A_658] {strides = array<i32>} : memref<40x768xf32, #tpu.memory_space<vmem>>, vector<1x16xf32>,
      %get3A_660 = vector.shape_cast %get3A_659 : vector<1x16xf32> to vector<16xf32>
      %get3A_661 = arith.constant 22 : i32
      %get3A_662 = arith.index_cast %get3A_661 : i32 to index
      %get3A_663 = arith.index_cast %mul3A_276 : i32 to index
      %get3A_664 = tpu.vector_load %arg8[%get3A_662, %get3A_663] {strides = array<i32>} : memref<40x768xf32, #tpu.memory_space<vmem>>, vector<1x16xf32>,
      %get3A_665 = vector.shape_cast %get3A_664 : vector<1x16xf32> to vector<16xf32>
      %get3A_666 = arith.constant 26 : i32
      %get3A_667 = arith.index_cast %get3A_666 : i32 to index
      %get3A_668 = arith.index_cast %mul3A_276 : i32 to index
      %get3A_669 = tpu.vector_load %arg8[%get3A_667, %get3A_668] {strides = array<i32>} : memref<40x768xf32, #tpu.memory_space<vmem>>, vector<1x16xf32>,
      %get3A_670 = vector.shape_cast %get3A_669 : vector<1x16xf32> to vector<16xf32>
      %get3A_671 = arith.constant 30 : i32
      %get3A_672 = arith.index_cast %get3A_671 : i32 to index
      %get3A_673 = arith.index_cast %mul3A_276 : i32 to index
      %get3A_674 = tpu.vector_load %arg8[%get3A_672, %get3A_673] {strides = array<i32>} : memref<40x768xf32, #tpu.memory_space<vmem>>, vector<1x16xf32>,
      %get3A_675 = vector.shape_cast %get3A_674 : vector<1x16xf32> to vector<16xf32>
      %get3A_676 = arith.constant 34 : i32
      %get3A_677 = arith.index_cast %get3A_676 : i32 to index
      %get3A_678 = arith.index_cast %mul3A_276 : i32 to index
      %get3A_679 = tpu.vector_load %arg8[%get3A_677, %get3A_678] {strides = array<i32>} : memref<40x768xf32, #tpu.memory_space<vmem>>, vector<1x16xf32>,
      %get3A_680 = vector.shape_cast %get3A_679 : vector<1x16xf32> to vector<16xf32>
      %mul3A_681 = arith.mulf %get3A_640, %get3A_6 : vector<16xf32>
      %mul3A_682 = arith.mulf %get3A_645, %get3A_11 : vector<16xf32>
      %add3A_683 = arith.addf %mul3A_681, %mul3A_682 : vector<16xf32>
      %mul3A_684 = arith.mulf %get3A_650, %get3A_16 : vector<16xf32>
      %add3A_685 = arith.addf %add3A_683, %mul3A_684 : vector<16xf32>
      %mul3A_686 = arith.mulf %get3A_655, %get3A_21 : vector<16xf32>
      %add3A_687 = arith.addf %add3A_685, %mul3A_686 : vector<16xf32>
      %mul3A_688 = arith.mulf %get3A_660, %get3A_26 : vector<16xf32>
      %add3A_689 = arith.addf %add3A_687, %mul3A_688 : vector<16xf32>
      %mul3A_690 = arith.mulf %get3A_665, %get3A_31 : vector<16xf32>
      %add3A_691 = arith.addf %add3A_689, %mul3A_690 : vector<16xf32>
      %mul3A_692 = arith.mulf %get3A_670, %get3A_36 : vector<16xf32>
      %add3A_693 = arith.addf %add3A_691, %mul3A_692 : vector<16xf32>
      %mul3A_694 = arith.mulf %get3A_675, %get3A_41 : vector<16xf32>
      %add3A_695 = arith.addf %add3A_693, %mul3A_694 : vector<16xf32>
      %mul3A_696 = arith.mulf %get3A_680, %get3A_46 : vector<16xf32>
      %add3A_697 = arith.addf %add3A_695, %mul3A_696 : vector<16xf32>
      %mul3A_698 = arith.constant 16 : i32
      %mul3A_699 = arith.muli %scan3A_274, %mul3A_698 : i32
      %add3A_700 = arith.constant 0 : i32
      %add3A_701 = arith.addi %add3A_700, %mul3A_699 : i32
      %swap3A_702 = arith.constant 2 : i32
      %swap3A_703 = arith.index_cast %swap3A_702 : i32 to index
      %swap3A_704 = arith.index_cast %add3A_701 : i32 to index
      %swap3A_705 = tpu.vector_load %arg9[%swap3A_703, %swap3A_704] {strides = array<i32>} : memref<4x3840xf32, #tpu.memory_space<vmem>>, vector<1x16xf32>,
      %swap3A_706 = vector.shape_cast %swap3A_705 : vector<1x16xf32> to vector<16xf32>
      %swap3A_707 = vector.shape_cast %add3A_697 : vector<16xf32> to vector<1x16xf32>
      tpu.vector_store %arg9[%swap3A_703, %swap3A_704], %swap3A_707 {strides = array<i32>} : memref<4x3840xf32, #tpu.memory_space<vmem>>, vector<1x16xf32>,
      %mul3A_708 = arith.mulf %get3A_640, %get3A_51 : vector<16xf32>
      %mul3A_709 = arith.mulf %get3A_645, %get3A_56 : vector<16xf32>
      %add3A_710 = arith.addf %mul3A_708, %mul3A_709 : vector<16xf32>
      %mul3A_711 = arith.mulf %get3A_650, %get3A_61 : vector<16xf32>
      %add3A_712 = arith.addf %add3A_710, %mul3A_711 : vector<16xf32>
      %mul3A_713 = arith.mulf %get3A_655, %get3A_66 : vector<16xf32>
      %add3A_714 = arith.addf %add3A_712, %mul3A_713 : vector<16xf32>
      %mul3A_715 = arith.mulf %get3A_660, %get3A_71 : vector<16xf32>
      %add3A_716 = arith.addf %add3A_714, %mul3A_715 : vector<16xf32>
      %mul3A_717 = arith.mulf %get3A_665, %get3A_76 : vector<16xf32>
      %add3A_718 = arith.addf %add3A_716, %mul3A_717 : vector<16xf32>
      %mul3A_719 = arith.mulf %get3A_670, %get3A_81 : vector<16xf32>
      %add3A_720 = arith.addf %add3A_718, %mul3A_719 : vector<16xf32>
      %mul3A_721 = arith.mulf %get3A_675, %get3A_86 : vector<16xf32>
      %add3A_722 = arith.addf %add3A_720, %mul3A_721 : vector<16xf32>
      %mul3A_723 = arith.mulf %get3A_680, %get3A_91 : vector<16xf32>
      %add3A_724 = arith.addf %add3A_722, %mul3A_723 : vector<16xf32>
      %mul3A_725 = arith.constant 16 : i32
      %mul3A_726 = arith.muli %scan3A_274, %mul3A_725 : i32
      %add3A_727 = arith.constant 768 : i32
      %add3A_728 = arith.addi %add3A_727, %mul3A_726 : i32
      %swap3A_729 = arith.constant 2 : i32
      %swap3A_730 = arith.index_cast %swap3A_729 : i32 to index
      %swap3A_731 = arith.index_cast %add3A_728 : i32 to index
      %swap3A_732 = tpu.vector_load %arg9[%swap3A_730, %swap3A_731] {strides = array<i32>} : memref<4x3840xf32, #tpu.memory_space<vmem>>, vector<1x16xf32>,
      %swap3A_733 = vector.shape_cast %swap3A_732 : vector<1x16xf32> to vector<16xf32>
      %swap3A_734 = vector.shape_cast %add3A_724 : vector<16xf32> to vector<1x16xf32>
      tpu.vector_store %arg9[%swap3A_730, %swap3A_731], %swap3A_734 {strides = array<i32>} : memref<4x3840xf32, #tpu.memory_space<vmem>>, vector<1x16xf32>,
      %mul3A_735 = arith.mulf %get3A_640, %get3A_96 : vector<16xf32>
      %mul3A_736 = arith.mulf %get3A_645, %get3A_101 : vector<16xf32>
      %add3A_737 = arith.addf %mul3A_735, %mul3A_736 : vector<16xf32>
      %mul3A_738 = arith.mulf %get3A_650, %get3A_106 : vector<16xf32>
      %add3A_739 = arith.addf %add3A_737, %mul3A_738 : vector<16xf32>
      %mul3A_740 = arith.mulf %get3A_655, %get3A_111 : vector<16xf32>
      %add3A_741 = arith.addf %add3A_739, %mul3A_740 : vector<16xf32>
      %mul3A_742 = arith.mulf %get3A_660, %get3A_116 : vector<16xf32>
      %add3A_743 = arith.addf %add3A_741, %mul3A_742 : vector<16xf32>
      %mul3A_744 = arith.mulf %get3A_665, %get3A_121 : vector<16xf32>
      %add3A_745 = arith.addf %add3A_743, %mul3A_744 : vector<16xf32>
      %mul3A_746 = arith.mulf %get3A_670, %get3A_126 : vector<16xf32>
      %add3A_747 = arith.addf %add3A_745, %mul3A_746 : vector<16xf32>
      %mul3A_748 = arith.mulf %get3A_675, %get3A_131 : vector<16xf32>
      %add3A_749 = arith.addf %add3A_747, %mul3A_748 : vector<16xf32>
      %mul3A_750 = arith.mulf %get3A_680, %get3A_136 : vector<16xf32>
      %add3A_751 = arith.addf %add3A_749, %mul3A_750 : vector<16xf32>
      %mul3A_752 = arith.constant 16 : i32
      %mul3A_753 = arith.muli %scan3A_274, %mul3A_752 : i32
      %add3A_754 = arith.constant 1536 : i32
      %add3A_755 = arith.addi %add3A_754, %mul3A_753 : i32
      %swap3A_756 = arith.constant 2 : i32
      %swap3A_757 = arith.index_cast %swap3A_756 : i32 to index
      %swap3A_758 = arith.index_cast %add3A_755 : i32 to index
      %swap3A_759 = tpu.vector_load %arg9[%swap3A_757, %swap3A_758] {strides = array<i32>} : memref<4x3840xf32, #tpu.memory_space<vmem>>, vector<1x16xf32>,
      %swap3A_760 = vector.shape_cast %swap3A_759 : vector<1x16xf32> to vector<16xf32>
      %swap3A_761 = vector.shape_cast %add3A_751 : vector<16xf32> to vector<1x16xf32>
      tpu.vector_store %arg9[%swap3A_757, %swap3A_758], %swap3A_761 {strides = array<i32>} : memref<4x3840xf32, #tpu.memory_space<vmem>>, vector<1x16xf32>,
      %mul3A_762 = arith.mulf %get3A_640, %get3A_141 : vector<16xf32>
      %mul3A_763 = arith.mulf %get3A_645, %get3A_146 : vector<16xf32>
      %add3A_764 = arith.addf %mul3A_762, %mul3A_763 : vector<16xf32>
      %mul3A_765 = arith.mulf %get3A_650, %get3A_151 : vector<16xf32>
      %add3A_766 = arith.addf %add3A_764, %mul3A_765 : vector<16xf32>
      %mul3A_767 = arith.mulf %get3A_655, %get3A_156 : vector<16xf32>
      %add3A_768 = arith.addf %add3A_766, %mul3A_767 : vector<16xf32>
      %mul3A_769 = arith.mulf %get3A_660, %get3A_161 : vector<16xf32>
      %add3A_770 = arith.addf %add3A_768, %mul3A_769 : vector<16xf32>
      %mul3A_771 = arith.mulf %get3A_665, %get3A_166 : vector<16xf32>
      %add3A_772 = arith.addf %add3A_770, %mul3A_771 : vector<16xf32>
      %mul3A_773 = arith.mulf %get3A_670, %get3A_171 : vector<16xf32>
      %add3A_774 = arith.addf %add3A_772, %mul3A_773 : vector<16xf32>
      %mul3A_775 = arith.mulf %get3A_675, %get3A_176 : vector<16xf32>
      %add3A_776 = arith.addf %add3A_774, %mul3A_775 : vector<16xf32>
      %mul3A_777 = arith.mulf %get3A_680, %get3A_181 : vector<16xf32>
      %add3A_778 = arith.addf %add3A_776, %mul3A_777 : vector<16xf32>
      %mul3A_779 = arith.constant 16 : i32
      %mul3A_780 = arith.muli %scan3A_274, %mul3A_779 : i32
      %add3A_781 = arith.constant 2304 : i32
      %add3A_782 = arith.addi %add3A_781, %mul3A_780 : i32
      %swap3A_783 = arith.constant 2 : i32
      %swap3A_784 = arith.index_cast %swap3A_783 : i32 to index
      %swap3A_785 = arith.index_cast %add3A_782 : i32 to index
      %swap3A_786 = tpu.vector_load %arg9[%swap3A_784, %swap3A_785] {strides = array<i32>} : memref<4x3840xf32, #tpu.memory_space<vmem>>, vector<1x16xf32>,
      %swap3A_787 = vector.shape_cast %swap3A_786 : vector<1x16xf32> to vector<16xf32>
      %swap3A_788 = vector.shape_cast %add3A_778 : vector<16xf32> to vector<1x16xf32>
      tpu.vector_store %arg9[%swap3A_784, %swap3A_785], %swap3A_788 {strides = array<i32>} : memref<4x3840xf32, #tpu.memory_space<vmem>>, vector<1x16xf32>,
      %mul3A_789 = arith.mulf %get3A_640, %get3A_186 : vector<16xf32>
      %mul3A_790 = arith.mulf %get3A_645, %get3A_191 : vector<16xf32>
      %add3A_791 = arith.addf %mul3A_789, %mul3A_790 : vector<16xf32>
      %mul3A_792 = arith.mulf %get3A_650, %get3A_196 : vector<16xf32>
      %add3A_793 = arith.addf %add3A_791, %mul3A_792 : vector<16xf32>
      %mul3A_794 = arith.mulf %get3A_655, %get3A_201 : vector<16xf32>
      %add3A_795 = arith.addf %add3A_793, %mul3A_794 : vector<16xf32>
      %mul3A_796 = arith.mulf %get3A_660, %get3A_206 : vector<16xf32>
      %add3A_797 = arith.addf %add3A_795, %mul3A_796 : vector<16xf32>
      %mul3A_798 = arith.mulf %get3A_665, %get3A_211 : vector<16xf32>
      %add3A_799 = arith.addf %add3A_797, %mul3A_798 : vector<16xf32>
      %mul3A_800 = arith.mulf %get3A_670, %get3A_216 : vector<16xf32>
      %add3A_801 = arith.addf %add3A_799, %mul3A_800 : vector<16xf32>
      %mul3A_802 = arith.mulf %get3A_675, %get3A_221 : vector<16xf32>
      %add3A_803 = arith.addf %add3A_801, %mul3A_802 : vector<16xf32>
      %mul3A_804 = arith.mulf %get3A_680, %get3A_226 : vector<16xf32>
      %add3A_805 = arith.addf %add3A_803, %mul3A_804 : vector<16xf32>
      %mul3A_806 = arith.constant 16 : i32
      %mul3A_807 = arith.muli %scan3A_274, %mul3A_806 : i32
      %add3A_808 = arith.constant 3072 : i32
      %add3A_809 = arith.addi %add3A_808, %mul3A_807 : i32
      %swap3A_810 = arith.constant 2 : i32
      %swap3A_811 = arith.index_cast %swap3A_810 : i32 to index
      %swap3A_812 = arith.index_cast %add3A_809 : i32 to index
      %swap3A_813 = tpu.vector_load %arg9[%swap3A_811, %swap3A_812] {strides = array<i32>} : memref<4x3840xf32, #tpu.memory_space<vmem>>, vector<1x16xf32>,
      %swap3A_814 = vector.shape_cast %swap3A_813 : vector<1x16xf32> to vector<16xf32>
      %swap3A_815 = vector.shape_cast %add3A_805 : vector<16xf32> to vector<1x16xf32>
      tpu.vector_store %arg9[%swap3A_811, %swap3A_812], %swap3A_815 {strides = array<i32>} : memref<4x3840xf32, #tpu.memory_space<vmem>>, vector<1x16xf32>,
      %get3A_816 = arith.constant 3 : i32
      %get3A_817 = arith.index_cast %get3A_816 : i32 to index
      %get3A_818 = arith.index_cast %mul3A_276 : i32 to index
      %get3A_819 = tpu.vector_load %arg8[%get3A_817, %get3A_818] {strides = array<i32>} : memref<40x768xf32, #tpu.memory_space<vmem>>, vector<1x16xf32>,
      %get3A_820 = vector.shape_cast %get3A_819 : vector<1x16xf32> to vector<16xf32>
      %get3A_821 = arith.constant 7 : i32
      %get3A_822 = arith.index_cast %get3A_821 : i32 to index
      %get3A_823 = arith.index_cast %mul3A_276 : i32 to index
      %get3A_824 = tpu.vector_load %arg8[%get3A_822, %get3A_823] {strides = array<i32>} : memref<40x768xf32, #tpu.memory_space<vmem>>, vector<1x16xf32>,
      %get3A_825 = vector.shape_cast %get3A_824 : vector<1x16xf32> to vector<16xf32>
      %get3A_826 = arith.constant 11 : i32
      %get3A_827 = arith.index_cast %get3A_826 : i32 to index
      %get3A_828 = arith.index_cast %mul3A_276 : i32 to index
      %get3A_829 = tpu.vector_load %arg8[%get3A_827, %get3A_828] {strides = array<i32>} : memref<40x768xf32, #tpu.memory_space<vmem>>, vector<1x16xf32>,
      %get3A_830 = vector.shape_cast %get3A_829 : vector<1x16xf32> to vector<16xf32>
      %get3A_831 = arith.constant 15 : i32
      %get3A_832 = arith.index_cast %get3A_831 : i32 to index
      %get3A_833 = arith.index_cast %mul3A_276 : i32 to index
      %get3A_834 = tpu.vector_load %arg8[%get3A_832, %get3A_833] {strides = array<i32>} : memref<40x768xf32, #tpu.memory_space<vmem>>, vector<1x16xf32>,
      %get3A_835 = vector.shape_cast %get3A_834 : vector<1x16xf32> to vector<16xf32>
      %get3A_836 = arith.constant 19 : i32
      %get3A_837 = arith.index_cast %get3A_836 : i32 to index
      %get3A_838 = arith.index_cast %mul3A_276 : i32 to index
      %get3A_839 = tpu.vector_load %arg8[%get3A_837, %get3A_838] {strides = array<i32>} : memref<40x768xf32, #tpu.memory_space<vmem>>, vector<1x16xf32>,
      %get3A_840 = vector.shape_cast %get3A_839 : vector<1x16xf32> to vector<16xf32>
      %get3A_841 = arith.constant 23 : i32
      %get3A_842 = arith.index_cast %get3A_841 : i32 to index
      %get3A_843 = arith.index_cast %mul3A_276 : i32 to index
      %get3A_844 = tpu.vector_load %arg8[%get3A_842, %get3A_843] {strides = array<i32>} : memref<40x768xf32, #tpu.memory_space<vmem>>, vector<1x16xf32>,
      %get3A_845 = vector.shape_cast %get3A_844 : vector<1x16xf32> to vector<16xf32>
      %get3A_846 = arith.constant 27 : i32
      %get3A_847 = arith.index_cast %get3A_846 : i32 to index
      %get3A_848 = arith.index_cast %mul3A_276 : i32 to index
      %get3A_849 = tpu.vector_load %arg8[%get3A_847, %get3A_848] {strides = array<i32>} : memref<40x768xf32, #tpu.memory_space<vmem>>, vector<1x16xf32>,
      %get3A_850 = vector.shape_cast %get3A_849 : vector<1x16xf32> to vector<16xf32>
      %get3A_851 = arith.constant 31 : i32
      %get3A_852 = arith.index_cast %get3A_851 : i32 to index
      %get3A_853 = arith.index_cast %mul3A_276 : i32 to index
      %get3A_854 = tpu.vector_load %arg8[%get3A_852, %get3A_853] {strides = array<i32>} : memref<40x768xf32, #tpu.memory_space<vmem>>, vector<1x16xf32>,
      %get3A_855 = vector.shape_cast %get3A_854 : vector<1x16xf32> to vector<16xf32>
      %get3A_856 = arith.constant 35 : i32
      %get3A_857 = arith.index_cast %get3A_856 : i32 to index
      %get3A_858 = arith.index_cast %mul3A_276 : i32 to index
      %get3A_859 = tpu.vector_load %arg8[%get3A_857, %get3A_858] {strides = array<i32>} : memref<40x768xf32, #tpu.memory_space<vmem>>, vector<1x16xf32>,
      %get3A_860 = vector.shape_cast %get3A_859 : vector<1x16xf32> to vector<16xf32>
      %mul3A_861 = arith.mulf %get3A_820, %get3A_6 : vector<16xf32>
      %mul3A_862 = arith.mulf %get3A_825, %get3A_11 : vector<16xf32>
      %add3A_863 = arith.addf %mul3A_861, %mul3A_862 : vector<16xf32>
      %mul3A_864 = arith.mulf %get3A_830, %get3A_16 : vector<16xf32>
      %add3A_865 = arith.addf %add3A_863, %mul3A_864 : vector<16xf32>
      %mul3A_866 = arith.mulf %get3A_835, %get3A_21 : vector<16xf32>
      %add3A_867 = arith.addf %add3A_865, %mul3A_866 : vector<16xf32>
      %mul3A_868 = arith.mulf %get3A_840, %get3A_26 : vector<16xf32>
      %add3A_869 = arith.addf %add3A_867, %mul3A_868 : vector<16xf32>
      %mul3A_870 = arith.mulf %get3A_845, %get3A_31 : vector<16xf32>
      %add3A_871 = arith.addf %add3A_869, %mul3A_870 : vector<16xf32>
      %mul3A_872 = arith.mulf %get3A_850, %get3A_36 : vector<16xf32>
      %add3A_873 = arith.addf %add3A_871, %mul3A_872 : vector<16xf32>
      %mul3A_874 = arith.mulf %get3A_855, %get3A_41 : vector<16xf32>
      %add3A_875 = arith.addf %add3A_873, %mul3A_874 : vector<16xf32>
      %mul3A_876 = arith.mulf %get3A_860, %get3A_46 : vector<16xf32>
      %add3A_877 = arith.addf %add3A_875, %mul3A_876 : vector<16xf32>
      %mul3A_878 = arith.constant 16 : i32
      %mul3A_879 = arith.muli %scan3A_274, %mul3A_878 : i32
      %add3A_880 = arith.constant 0 : i32
      %add3A_881 = arith.addi %add3A_880, %mul3A_879 : i32
      %swap3A_882 = arith.constant 3 : i32
      %swap3A_883 = arith.index_cast %swap3A_882 : i32 to index
      %swap3A_884 = arith.index_cast %add3A_881 : i32 to index
      %swap3A_885 = tpu.vector_load %arg9[%swap3A_883, %swap3A_884] {strides = array<i32>} : memref<4x3840xf32, #tpu.memory_space<vmem>>, vector<1x16xf32>,
      %swap3A_886 = vector.shape_cast %swap3A_885 : vector<1x16xf32> to vector<16xf32>
      %swap3A_887 = vector.shape_cast %add3A_877 : vector<16xf32> to vector<1x16xf32>
      tpu.vector_store %arg9[%swap3A_883, %swap3A_884], %swap3A_887 {strides = array<i32>} : memref<4x3840xf32, #tpu.memory_space<vmem>>, vector<1x16xf32>,
      %mul3A_888 = arith.mulf %get3A_820, %get3A_51 : vector<16xf32>
      %mul3A_889 = arith.mulf %get3A_825, %get3A_56 : vector<16xf32>
      %add3A_890 = arith.addf %mul3A_888, %mul3A_889 : vector<16xf32>
      %mul3A_891 = arith.mulf %get3A_830, %get3A_61 : vector<16xf32>
      %add3A_892 = arith.addf %add3A_890, %mul3A_891 : vector<16xf32>
      %mul3A_893 = arith.mulf %get3A_835, %get3A_66 : vector<16xf32>
      %add3A_894 = arith.addf %add3A_892, %mul3A_893 : vector<16xf32>
      %mul3A_895 = arith.mulf %get3A_840, %get3A_71 : vector<16xf32>
      %add3A_896 = arith.addf %add3A_894, %mul3A_895 : vector<16xf32>
      %mul3A_897 = arith.mulf %get3A_845, %get3A_76 : vector<16xf32>
      %add3A_898 = arith.addf %add3A_896, %mul3A_897 : vector<16xf32>
      %mul3A_899 = arith.mulf %get3A_850, %get3A_81 : vector<16xf32>
      %add3A_900 = arith.addf %add3A_898, %mul3A_899 : vector<16xf32>
      %mul3A_901 = arith.mulf %get3A_855, %get3A_86 : vector<16xf32>
      %add3A_902 = arith.addf %add3A_900, %mul3A_901 : vector<16xf32>
      %mul3A_903 = arith.mulf %get3A_860, %get3A_91 : vector<16xf32>
      %add3A_904 = arith.addf %add3A_902, %mul3A_903 : vector<16xf32>
      %mul3A_905 = arith.constant 16 : i32
      %mul3A_906 = arith.muli %scan3A_274, %mul3A_905 : i32
      %add3A_907 = arith.constant 768 : i32
      %add3A_908 = arith.addi %add3A_907, %mul3A_906 : i32
      %swap3A_909 = arith.constant 3 : i32
      %swap3A_910 = arith.index_cast %swap3A_909 : i32 to index
      %swap3A_911 = arith.index_cast %add3A_908 : i32 to index
      %swap3A_912 = tpu.vector_load %arg9[%swap3A_910, %swap3A_911] {strides = array<i32>} : memref<4x3840xf32, #tpu.memory_space<vmem>>, vector<1x16xf32>,
      %swap3A_913 = vector.shape_cast %swap3A_912 : vector<1x16xf32> to vector<16xf32>
      %swap3A_914 = vector.shape_cast %add3A_904 : vector<16xf32> to vector<1x16xf32>
      tpu.vector_store %arg9[%swap3A_910, %swap3A_911], %swap3A_914 {strides = array<i32>} : memref<4x3840xf32, #tpu.memory_space<vmem>>, vector<1x16xf32>,
      %mul3A_915 = arith.mulf %get3A_820, %get3A_96 : vector<16xf32>
      %mul3A_916 = arith.mulf %get3A_825, %get3A_101 : vector<16xf32>
      %add3A_917 = arith.addf %mul3A_915, %mul3A_916 : vector<16xf32>
      %mul3A_918 = arith.mulf %get3A_830, %get3A_106 : vector<16xf32>
      %add3A_919 = arith.addf %add3A_917, %mul3A_918 : vector<16xf32>
      %mul3A_920 = arith.mulf %get3A_835, %get3A_111 : vector<16xf32>
      %add3A_921 = arith.addf %add3A_919, %mul3A_920 : vector<16xf32>
      %mul3A_922 = arith.mulf %get3A_840, %get3A_116 : vector<16xf32>
      %add3A_923 = arith.addf %add3A_921, %mul3A_922 : vector<16xf32>
      %mul3A_924 = arith.mulf %get3A_845, %get3A_121 : vector<16xf32>
      %add3A_925 = arith.addf %add3A_923, %mul3A_924 : vector<16xf32>
      %mul3A_926 = arith.mulf %get3A_850, %get3A_126 : vector<16xf32>
      %add3A_927 = arith.addf %add3A_925, %mul3A_926 : vector<16xf32>
      %mul3A_928 = arith.mulf %get3A_855, %get3A_131 : vector<16xf32>
      %add3A_929 = arith.addf %add3A_927, %mul3A_928 : vector<16xf32>
      %mul3A_930 = arith.mulf %get3A_860, %get3A_136 : vector<16xf32>
      %add3A_931 = arith.addf %add3A_929, %mul3A_930 : vector<16xf32>
      %mul3A_932 = arith.constant 16 : i32
      %mul3A_933 = arith.muli %scan3A_274, %mul3A_932 : i32
      %add3A_934 = arith.constant 1536 : i32
      %add3A_935 = arith.addi %add3A_934, %mul3A_933 : i32
      %swap3A_936 = arith.constant 3 : i32
      %swap3A_937 = arith.index_cast %swap3A_936 : i32 to index
      %swap3A_938 = arith.index_cast %add3A_935 : i32 to index
      %swap3A_939 = tpu.vector_load %arg9[%swap3A_937, %swap3A_938] {strides = array<i32>} : memref<4x3840xf32, #tpu.memory_space<vmem>>, vector<1x16xf32>,
      %swap3A_940 = vector.shape_cast %swap3A_939 : vector<1x16xf32> to vector<16xf32>
      %swap3A_941 = vector.shape_cast %add3A_931 : vector<16xf32> to vector<1x16xf32>
      tpu.vector_store %arg9[%swap3A_937, %swap3A_938], %swap3A_941 {strides = array<i32>} : memref<4x3840xf32, #tpu.memory_space<vmem>>, vector<1x16xf32>,
      %mul3A_942 = arith.mulf %get3A_820, %get3A_141 : vector<16xf32>
      %mul3A_943 = arith.mulf %get3A_825, %get3A_146 : vector<16xf32>
      %add3A_944 = arith.addf %mul3A_942, %mul3A_943 : vector<16xf32>
      %mul3A_945 = arith.mulf %get3A_830, %get3A_151 : vector<16xf32>
      %add3A_946 = arith.addf %add3A_944, %mul3A_945 : vector<16xf32>
      %mul3A_947 = arith.mulf %get3A_835, %get3A_156 : vector<16xf32>
      %add3A_948 = arith.addf %add3A_946, %mul3A_947 : vector<16xf32>
      %mul3A_949 = arith.mulf %get3A_840, %get3A_161 : vector<16xf32>
      %add3A_950 = arith.addf %add3A_948, %mul3A_949 : vector<16xf32>
      %mul3A_951 = arith.mulf %get3A_845, %get3A_166 : vector<16xf32>
      %add3A_952 = arith.addf %add3A_950, %mul3A_951 : vector<16xf32>
      %mul3A_953 = arith.mulf %get3A_850, %get3A_171 : vector<16xf32>
      %add3A_954 = arith.addf %add3A_952, %mul3A_953 : vector<16xf32>
      %mul3A_955 = arith.mulf %get3A_855, %get3A_176 : vector<16xf32>
      %add3A_956 = arith.addf %add3A_954, %mul3A_955 : vector<16xf32>
      %mul3A_957 = arith.mulf %get3A_860, %get3A_181 : vector<16xf32>
      %add3A_958 = arith.addf %add3A_956, %mul3A_957 : vector<16xf32>
      %mul3A_959 = arith.constant 16 : i32
      %mul3A_960 = arith.muli %scan3A_274, %mul3A_959 : i32
      %add3A_961 = arith.constant 2304 : i32
      %add3A_962 = arith.addi %add3A_961, %mul3A_960 : i32
      %swap3A_963 = arith.constant 3 : i32
      %swap3A_964 = arith.index_cast %swap3A_963 : i32 to index
      %swap3A_965 = arith.index_cast %add3A_962 : i32 to index
      %swap3A_966 = tpu.vector_load %arg9[%swap3A_964, %swap3A_965] {strides = array<i32>} : memref<4x3840xf32, #tpu.memory_space<vmem>>, vector<1x16xf32>,
      %swap3A_967 = vector.shape_cast %swap3A_966 : vector<1x16xf32> to vector<16xf32>
      %swap3A_968 = vector.shape_cast %add3A_958 : vector<16xf32> to vector<1x16xf32>
      tpu.vector_store %arg9[%swap3A_964, %swap3A_965], %swap3A_968 {strides = array<i32>} : memref<4x3840xf32, #tpu.memory_space<vmem>>, vector<1x16xf32>,
      %mul3A_969 = arith.mulf %get3A_820, %get3A_186 : vector<16xf32>
      %mul3A_970 = arith.mulf %get3A_825, %get3A_191 : vector<16xf32>
      %add3A_971 = arith.addf %mul3A_969, %mul3A_970 : vector<16xf32>
      %mul3A_972 = arith.mulf %get3A_830, %get3A_196 : vector<16xf32>
      %add3A_973 = arith.addf %add3A_971, %mul3A_972 : vector<16xf32>
      %mul3A_974 = arith.mulf %get3A_835, %get3A_201 : vector<16xf32>
      %add3A_975 = arith.addf %add3A_973, %mul3A_974 : vector<16xf32>
      %mul3A_976 = arith.mulf %get3A_840, %get3A_206 : vector<16xf32>
      %add3A_977 = arith.addf %add3A_975, %mul3A_976 : vector<16xf32>
      %mul3A_978 = arith.mulf %get3A_845, %get3A_211 : vector<16xf32>
      %add3A_979 = arith.addf %add3A_977, %mul3A_978 : vector<16xf32>
      %mul3A_980 = arith.mulf %get3A_850, %get3A_216 : vector<16xf32>
      %add3A_981 = arith.addf %add3A_979, %mul3A_980 : vector<16xf32>
      %mul3A_982 = arith.mulf %get3A_855, %get3A_221 : vector<16xf32>
      %add3A_983 = arith.addf %add3A_981, %mul3A_982 : vector<16xf32>
      %mul3A_984 = arith.mulf %get3A_860, %get3A_226 : vector<16xf32>
      %add3A_985 = arith.addf %add3A_983, %mul3A_984 : vector<16xf32>
      %mul3A_986 = arith.constant 16 : i32
      %mul3A_987 = arith.muli %scan3A_274, %mul3A_986 : i32
      %add3A_988 = arith.constant 3072 : i32
      %add3A_989 = arith.addi %add3A_988, %mul3A_987 : i32
      %swap3A_990 = arith.constant 3 : i32
      %swap3A_991 = arith.index_cast %swap3A_990 : i32 to index
      %swap3A_992 = arith.index_cast %add3A_989 : i32 to index
      %swap3A_993 = tpu.vector_load %arg9[%swap3A_991, %swap3A_992] {strides = array<i32>} : memref<4x3840xf32, #tpu.memory_space<vmem>>, vector<1x16xf32>,
      %swap3A_994 = vector.shape_cast %swap3A_993 : vector<1x16xf32> to vector<16xf32>
      %swap3A_995 = vector.shape_cast %add3A_985 : vector<16xf32> to vector<1x16xf32>
      tpu.vector_store %arg9[%swap3A_991, %swap3A_992], %swap3A_995 {strides = array<i32>} : memref<4x3840xf32, #tpu.memory_space<vmem>>, vector<1x16xf32>,
    }
    %scan3A_271 = arith.constant 48 : i32
    %add3A_272 = arith.constant 124 : i32
    %add3A_273 = arith.addi %mul3A_2, %add3A_272 : i32
    "tpu.region"() ({
      %run_scoped3A = tpu.sem_alloc : memref<!tpu.dma_semaphore, #tpu.memory_space<semaphore_mem>>
      %dma_start3A_274 = arith.constant 0 : i32
      %dma_start3A_275 = tpu.memref_slice %arg5[%add3A_273, %dma_start3A_274] : memref<4096x3840xf32, #tpu.memory_space<hbm>> -> memref<4x3840xf32, #tpu.memory_space<hbm>>
      %dma_start3A_276 = arith.constant 0 : i32
      %dma_start3A_277 = tpu.memref_slice %arg5[%add3A_273, %dma_start3A_276] : memref<4096x3840xf32, #tpu.memory_space<hbm>> -> memref<4x3840xf32, #tpu.memory_space<hbm>>
      tpu.enqueue_dma source(%arg9 : memref<4x3840xf32, #tpu.memory_space<vmem>>) target(%dma_start3A_277 : memref<4x3840xf32, #tpu.memory_space<hbm>>) target_semaphore(%run_scoped3A : memref<!tpu.dma_semaphore, #tpu.memory_space<semaphore_mem>>)
      %dma_wait3A_278 = arith.constant 0 : i32
      %dma_wait3A_279 = tpu.memref_slice %arg5[%add3A_273, %dma_wait3A_278] : memref<4096x3840xf32, #tpu.memory_space<hbm>> -> memref<4x3840xf32, #tpu.memory_space<hbm>>
      %dma_wait3A_280 = arith.constant 0 : i32
      %dma_wait3A_281 = tpu.memref_slice %arg5[%add3A_273, %dma_wait3A_280] : memref<4096x3840xf32, #tpu.memory_space<hbm>> -> memref<4x3840xf32, #tpu.memory_space<hbm>>
      tpu.wait_dma2 semaphore(%run_scoped3A : memref<!tpu.dma_semaphore, #tpu.memory_space<semaphore_mem>>) src(%arg9 : memref<4x3840xf32, #tpu.memory_space<vmem>>) dst(%dma_wait3A_281 : memref<4x3840xf32, #tpu.memory_space<hbm>>)
      tpu.yield
    }) : () -> ()
    return
  }
}

module attributes {stable_mosaic.version = 14 : i64} {
  func.func @_mm_body(%arg0: i32, %arg1: memref<512x3840xf32, #tpu.memory_space<vmem>>, %arg2: memref<3840x64xf32, #tpu.memory_space<vmem>>, %arg3: memref<1x320xf32, #tpu.memory_space<vmem>>, %arg4: memref<512x320xf32, #tpu.memory_space<vmem>>) attributes {dimension_semantics = [#tpu.dimension_semantics<arbitrary>], iteration_bounds = array<i64: 8>, scalar_prefetch = 0 : i64, scratch_operands = 0 : i64, tpu.core_type = #tpu.core_type<tc>, window_params = [{transform_indices = @transform_0, window_bounds = array<i64: 512, 3840>}, {pipeline_mode = #tpu.pipeline_mode<synchronous>, transform_indices = @transform_1, window_bounds = array<i64: 3840, 64>}, {pipeline_mode = #tpu.pipeline_mode<synchronous>, transform_indices = @transform_2, window_bounds = array<i64: 1, 320>}, {transform_indices = @transform_3, window_bounds = array<i64: 512, 320>}]} {
    %get3A = arith.constant 0 : index
    %get3A_0 = arith.constant 0 : index
    %get3A_1 = vector.load %arg1[%get3A, %get3A_0] : memref<512x3840xf32, #tpu.memory_space<vmem>>, vector<512x3840xf32>
    %get3A_2 = arith.constant 0 : index
    %get3A_3 = arith.constant 0 : index
    %get3A_4 = vector.load %arg2[%get3A_2, %get3A_3] : memref<3840x64xf32, #tpu.memory_space<vmem>>, vector<3840x64xf32>
    %get3A_5 = arith.constant 0 : index
    %get3A_6 = arith.constant 0 : index
    %get3A_7 = vector.load %arg3[%get3A_5, %get3A_6] : memref<1x320xf32, #tpu.memory_space<vmem>>, vector<1x320xf32>
    %slice3A = vector.extract_strided_slice %get3A_1 {offsets = [0, 0], sizes = [512, 768], strides = [1, 1]} : vector<512x3840xf32> to vector<512x768xf32>
    %slice3A_8 = vector.extract_strided_slice %get3A_4 {offsets = [0, 0], sizes = [768, 64], strides = [1, 1]} : vector<3840x64xf32> to vector<768x64xf32>
    %dot_general3A = arith.constant dense<0.000000e+00> : vector<512x64xf32>
    %dot_general3A_9 = tpu.matmul %slice3A, %slice3A_8, %dot_general3A {dimension_numbers = #tpu.dot_dimension_numbers<[1], [0], [0], [1], [0, 0, 1, 1], [], []>, transpose_lhs_hint = false} : vector<512x768xf32>, vector<768x64xf32>, vector<512x64xf32> -> vector<512x64xf32>
    %slice3A_10 = vector.extract_strided_slice %get3A_7 {offsets = [0, 0], sizes = [1, 64], strides = [1, 1]} : vector<1x320xf32> to vector<1x64xf32>
    %add3A = vector.broadcast %slice3A_10 : vector<1x64xf32> to vector<512x64xf32>
    %add3A_11 = arith.addf %dot_general3A_9, %add3A : vector<512x64xf32>
    %swap3A = arith.constant 0 : index
    %swap3A_12 = arith.constant 0 : index
    %swap3A_13 = vector.load %arg4[%swap3A, %swap3A_12] : memref<512x320xf32, #tpu.memory_space<vmem>>, vector<512x64xf32>
    tpu.vector_store %arg4[%swap3A, %swap3A_12], %add3A_11 {strides = array<i32>} : memref<512x320xf32, #tpu.memory_space<vmem>>, vector<512x64xf32>,
    %slice3A_14 = vector.extract_strided_slice %get3A_1 {offsets = [0, 768], sizes = [512, 768], strides = [1, 1]} : vector<512x3840xf32> to vector<512x768xf32>
    %slice3A_15 = vector.extract_strided_slice %get3A_4 {offsets = [768, 0], sizes = [768, 64], strides = [1, 1]} : vector<3840x64xf32> to vector<768x64xf32>
    %dot_general3A_16 = arith.constant dense<0.000000e+00> : vector<512x64xf32>
    %dot_general3A_17 = tpu.matmul %slice3A_14, %slice3A_15, %dot_general3A_16 {dimension_numbers = #tpu.dot_dimension_numbers<[1], [0], [0], [1], [0, 0, 1, 1], [], []>, transpose_lhs_hint = false} : vector<512x768xf32>, vector<768x64xf32>, vector<512x64xf32> -> vector<512x64xf32>
    %slice3A_18 = vector.extract_strided_slice %get3A_7 {offsets = [0, 64], sizes = [1, 64], strides = [1, 1]} : vector<1x320xf32> to vector<1x64xf32>
    %add3A_19 = vector.broadcast %slice3A_18 : vector<1x64xf32> to vector<512x64xf32>
    %add3A_20 = arith.addf %dot_general3A_17, %add3A_19 : vector<512x64xf32>
    %swap3A_21 = arith.constant 0 : index
    %swap3A_22 = arith.constant 64 : index
    %swap3A_23 = vector.load %arg4[%swap3A_21, %swap3A_22] : memref<512x320xf32, #tpu.memory_space<vmem>>, vector<512x64xf32>
    tpu.vector_store %arg4[%swap3A_21, %swap3A_22], %add3A_20 {strides = array<i32>} : memref<512x320xf32, #tpu.memory_space<vmem>>, vector<512x64xf32>,
    %slice3A_24 = vector.extract_strided_slice %get3A_1 {offsets = [0, 1536], sizes = [512, 768], strides = [1, 1]} : vector<512x3840xf32> to vector<512x768xf32>
    %slice3A_25 = vector.extract_strided_slice %get3A_4 {offsets = [1536, 0], sizes = [768, 64], strides = [1, 1]} : vector<3840x64xf32> to vector<768x64xf32>
    %dot_general3A_26 = arith.constant dense<0.000000e+00> : vector<512x64xf32>
    %dot_general3A_27 = tpu.matmul %slice3A_24, %slice3A_25, %dot_general3A_26 {dimension_numbers = #tpu.dot_dimension_numbers<[1], [0], [0], [1], [0, 0, 1, 1], [], []>, transpose_lhs_hint = false} : vector<512x768xf32>, vector<768x64xf32>, vector<512x64xf32> -> vector<512x64xf32>
    %slice3A_28 = vector.extract_strided_slice %get3A_7 {offsets = [0, 128], sizes = [1, 64], strides = [1, 1]} : vector<1x320xf32> to vector<1x64xf32>
    %add3A_29 = vector.broadcast %slice3A_28 : vector<1x64xf32> to vector<512x64xf32>
    %add3A_30 = arith.addf %dot_general3A_27, %add3A_29 : vector<512x64xf32>
    %swap3A_31 = arith.constant 0 : index
    %swap3A_32 = arith.constant 128 : index
    %swap3A_33 = vector.load %arg4[%swap3A_31, %swap3A_32] : memref<512x320xf32, #tpu.memory_space<vmem>>, vector<512x64xf32>
    tpu.vector_store %arg4[%swap3A_31, %swap3A_32], %add3A_30 {strides = array<i32>} : memref<512x320xf32, #tpu.memory_space<vmem>>, vector<512x64xf32>,
    %slice3A_34 = vector.extract_strided_slice %get3A_1 {offsets = [0, 2304], sizes = [512, 768], strides = [1, 1]} : vector<512x3840xf32> to vector<512x768xf32>
    %slice3A_35 = vector.extract_strided_slice %get3A_4 {offsets = [2304, 0], sizes = [768, 64], strides = [1, 1]} : vector<3840x64xf32> to vector<768x64xf32>
    %dot_general3A_36 = arith.constant dense<0.000000e+00> : vector<512x64xf32>
    %dot_general3A_37 = tpu.matmul %slice3A_34, %slice3A_35, %dot_general3A_36 {dimension_numbers = #tpu.dot_dimension_numbers<[1], [0], [0], [1], [0, 0, 1, 1], [], []>, transpose_lhs_hint = false} : vector<512x768xf32>, vector<768x64xf32>, vector<512x64xf32> -> vector<512x64xf32>
    %slice3A_38 = vector.extract_strided_slice %get3A_7 {offsets = [0, 192], sizes = [1, 64], strides = [1, 1]} : vector<1x320xf32> to vector<1x64xf32>
    %add3A_39 = vector.broadcast %slice3A_38 : vector<1x64xf32> to vector<512x64xf32>
    %add3A_40 = arith.addf %dot_general3A_37, %add3A_39 : vector<512x64xf32>
    %swap3A_41 = arith.constant 0 : index
    %swap3A_42 = arith.constant 192 : index
    %swap3A_43 = vector.load %arg4[%swap3A_41, %swap3A_42] : memref<512x320xf32, #tpu.memory_space<vmem>>, vector<512x64xf32>
    tpu.vector_store %arg4[%swap3A_41, %swap3A_42], %add3A_40 {strides = array<i32>} : memref<512x320xf32, #tpu.memory_space<vmem>>, vector<512x64xf32>,
    %slice3A_44 = vector.extract_strided_slice %get3A_1 {offsets = [0, 3072], sizes = [512, 768], strides = [1, 1]} : vector<512x3840xf32> to vector<512x768xf32>
    %slice3A_45 = vector.extract_strided_slice %get3A_4 {offsets = [3072, 0], sizes = [768, 64], strides = [1, 1]} : vector<3840x64xf32> to vector<768x64xf32>
    %dot_general3A_46 = arith.constant dense<0.000000e+00> : vector<512x64xf32>
    %dot_general3A_47 = tpu.matmul %slice3A_44, %slice3A_45, %dot_general3A_46 {dimension_numbers = #tpu.dot_dimension_numbers<[1], [0], [0], [1], [0, 0, 1, 1], [], []>, transpose_lhs_hint = false} : vector<512x768xf32>, vector<768x64xf32>, vector<512x64xf32> -> vector<512x64xf32>
    %slice3A_48 = vector.extract_strided_slice %get3A_7 {offsets = [0, 256], sizes = [1, 64], strides = [1, 1]} : vector<1x320xf32> to vector<1x64xf32>
    %add3A_49 = vector.broadcast %slice3A_48 : vector<1x64xf32> to vector<512x64xf32>
    %add3A_50 = arith.addf %dot_general3A_47, %add3A_49 : vector<512x64xf32>
    %swap3A_51 = arith.constant 0 : index
    %swap3A_52 = arith.constant 256 : index
    %swap3A_53 = vector.load %arg4[%swap3A_51, %swap3A_52] : memref<512x320xf32, #tpu.memory_space<vmem>>, vector<512x64xf32>
    tpu.vector_store %arg4[%swap3A_51, %swap3A_52], %add3A_50 {strides = array<i32>} : memref<512x320xf32, #tpu.memory_space<vmem>>, vector<512x64xf32>,
    return
  }
  func.func @transform_0(%arg0: i32) -> (i32, i32) {
    %c0_i32 = arith.constant 0 : i32
    %c0_i32_0 = arith.constant 0 : i32
    return %arg0, %c0_i32 : i32, i32
  }
  func.func @transform_1(%arg0: i32) -> (i32, i32) {
    %c0_i32 = arith.constant 0 : i32
    %c0_i32_0 = arith.constant 0 : i32
    %c0_i32_1 = arith.constant 0 : i32
    return %c0_i32, %c0_i32_0 : i32, i32
  }
  func.func @transform_2(%arg0: i32) -> (i32, i32) {
    %c0_i32 = arith.constant 0 : i32
    %c0_i32_0 = arith.constant 0 : i32
    %c0_i32_1 = arith.constant 0 : i32
    return %c0_i32, %c0_i32_0 : i32, i32
  }
  func.func @transform_3(%arg0: i32) -> (i32, i32) {
    %c0_i32 = arith.constant 0 : i32
    %c0_i32_0 = arith.constant 0 : i32
    return %arg0, %c0_i32 : i32, i32
  }
}

module attributes {stable_mosaic.version = 14 : i64} {
  func.func @_head_body(%arg0: memref<4096x64xf32, #tpu.memory_space<vmem>>, %arg1: memref<4x64xf32, #tpu.memory_space<vmem>>, %arg2: memref<4096x4xf32, #tpu.memory_space<vmem>>) attributes {dimension_semantics = [], scalar_prefetch = 0 : i64, scratch_operands = 0 : i64, tpu.core_type = #tpu.core_type<tc>} {
    %get3A = arith.constant 0 : index
    %get3A_0 = arith.constant 0 : index
    %get3A_1 = vector.load %arg0[%get3A, %get3A_0] : memref<4096x64xf32, #tpu.memory_space<vmem>>, vector<4096x64xf32>
    %get3A_2 = arith.constant 0 : index
    %get3A_3 = arith.constant 0 : index
    %get3A_4 = vector.load %arg1[%get3A_2, %get3A_3] : memref<4x64xf32, #tpu.memory_space<vmem>>, vector<4x64xf32>
    %mul3A = arith.mulf %get3A_1, %get3A_1 : vector<4096x64xf32>
    %reduce_sum3A = vector.shape_cast %mul3A : vector<4096x64xf32> to vector<1x4096x64xf32>
    %reduce_sum3A_5 = arith.constant dense<0.000000e+00> : vector<1xf32>
    %reduce_sum3A_6 = vector.multi_reduction <add>, %reduce_sum3A, %reduce_sum3A_5 [1, 2] : vector<1x4096x64xf32> to vector<1xf32>
    %reduce_sum3A_7 = vector.shape_cast %reduce_sum3A_6 : vector<1xf32> to vector<1x1x1xf32>
    %reduce_sum3A_8 = vector.extract %reduce_sum3A_7[0, 0, 0] : f32 from vector<1x1x1xf32>
    %sqrt3A = math.sqrt %reduce_sum3A_8 : f32
    %mul3A_9 = arith.mulf %get3A_4, %get3A_4 : vector<4x64xf32>
    %reduce_sum3A_10 = arith.constant dense<0.000000e+00> : vector<4xf32>
    %reduce_sum3A_11 = vector.multi_reduction <add>, %mul3A_9, %reduce_sum3A_10 [1] : vector<4x64xf32> to vector<4xf32>
    %sqrt3A_12 = math.sqrt %reduce_sum3A_11 : vector<4xf32>
    %dot_general3A = arith.constant dense<0.000000e+00> : vector<4096x4xf32>
    %dot_general3A_13 = tpu.matmul %get3A_1, %get3A_4, %dot_general3A {dimension_numbers = #tpu.dot_dimension_numbers<[1], [1], [0], [0], [0, 0, 1, 0], [], []>, transpose_lhs_hint = false} : vector<4096x64xf32>, vector<4x64xf32>, vector<4096x4xf32> -> vector<4096x4xf32>
    %div3A = vector.broadcast %sqrt3A : f32 to vector<4096x4xf32>
    %div3A_14 = arith.divf %dot_general3A_13, %div3A : vector<4096x4xf32>
    %broadcast_in_dim3A = vector.shape_cast %sqrt3A_12 : vector<4xf32> to vector<1x4xf32>
    %div3A_15 = vector.broadcast %broadcast_in_dim3A : vector<1x4xf32> to vector<4096x4xf32>
    %div3A_16 = arith.divf %div3A_14, %div3A_15 : vector<4096x4xf32>
    %reduce_max3A = arith.constant dense<0xFF800000> : vector<4096xf32>
    %reduce_max3A_17 = vector.multi_reduction <maximumf>, %div3A_16, %reduce_max3A [1] : vector<4096x4xf32> to vector<4096xf32>
    %broadcast_in_dim3A_18 = vector.shape_cast %reduce_max3A_17 : vector<4096xf32> to vector<4096x1xf32>
    %sub3A = vector.broadcast %broadcast_in_dim3A_18 : vector<4096x1xf32> to vector<4096x4xf32>
    %sub3A_19 = arith.subf %div3A_16, %sub3A : vector<4096x4xf32>
    %exp3A = math.exp %sub3A_19 : vector<4096x4xf32>
    %reduce_sum3A_20 = arith.constant dense<0.000000e+00> : vector<4096xf32>
    %reduce_sum3A_21 = vector.multi_reduction <add>, %exp3A, %reduce_sum3A_20 [1] : vector<4096x4xf32> to vector<4096xf32>
    %broadcast_in_dim3A_22 = vector.shape_cast %reduce_sum3A_21 : vector<4096xf32> to vector<4096x1xf32>
    %div3A_23 = vector.broadcast %broadcast_in_dim3A_22 : vector<4096x1xf32> to vector<4096x4xf32>
    %div3A_24 = arith.divf %exp3A, %div3A_23 : vector<4096x4xf32>
    %swap3A = arith.constant 0 : index
    %swap3A_25 = arith.constant 0 : index
    %swap3A_26 = vector.load %arg2[%swap3A, %swap3A_25] : memref<4096x4xf32, #tpu.memory_space<vmem>>, vector<4096x4xf32>
    tpu.vector_store %arg2[%swap3A, %swap3A_25], %div3A_24 {strides = array<i32>} : memref<4096x4xf32, #tpu.memory_space<vmem>>, vector<4096x4xf32>,
    return
  }
}

</mosaic_0001>

<sc_bundles>
// kernel: kernel.5.cloned.1.call-start
scs
__scs_entry_jumppad:
0x0: {  	(pc) =	sbr.rel $0x88, $3  }
0x1: {  	(tag) =	ssettag $0x0;
	lr =	simm.s32 $0x1  }
0x2: {  	[smem:$0x3F98] =	sst lr;
	_ =	strace $0xD0000000  }
0x3: {  	_ = 	snop  }
0x4: {  	_ = 	snop  }
0x5: {  	_ = 	snop  }
0x6: {  	_ = 	snop  }
0x7: {  	_ = 	snop  }
__scs_overlays_trampoline_lowered:
0x8: {  	[smem:$0x3FA7] =	sst s0  }
0x9: {  	[smem:$0x3FA8] =	sst s1  }
0xa: {  	[smem:$0x3FA9] =	sst s2  }
0xb: {  	[smem:$0x3FAA] =	sst s3  }
0xc: {  	[smem:$0x3FAB] =	sst s4  }
0xd: {  	[smem:$0x3FAC] =	sst s5  }
0xe: {  	[smem:$0x3FAD] =	sst s6  }
0xf: {  	[smem:$0x3FAE] =	sst s7  }
0x10: {  	[smem:$0x3FAF] =	sst s8  }
0x11: {  	[smem:$0x3FB0] =	sst s9;
	s0 =	simm.s32 @!p0 $0x0  }
0x12: {  	s1 =	sld [smem:$0x3F96];
	s0 =	simm.s32 @p0 $0x1  }
0x13: {  	[smem:$0x3FB1] =	sst s0;
	s0 =	simm.s32 @!p1 $0x0  }
0x14: {  	s2 =	sld [smem:$0x3F95];
	s0 =	simm.s32 @p1 $0x1  }
0x15: {  	[smem:$0x3FB2] =	sst s0;
	s0 =	simm.s32 @!p2 $0x0  }
0x16: {  	s3 =	sld [smem:$0x3FDB];
	s0 =	simm.s32 @p2 $0x1  }
0x17: {  	s4 =	simm.s32 $0x1BF5;
	[smem:$0x3FB4] =	sst s0  }
0x18: {  	s0 =	sld [smem:$0x3F97];
	_ =	swait.ge [sflag:s4], $0x0  }
0x19: {  	s7 =	sld [smem:$0x3F98]  }
0x1a: {  	s8 =	sadd.s32 $0xFFFFE003, lr  }
0x1b: {  	s9 =	sadd.s32 $0xFFFFFEF7, lr;
	s5 =	simm.s32 $0xFFFFFFFF;
	p2 =	slt.u32 s8, $0xFFFFF086  }
0x1c: {  	p1 =	slt.u32 s9, $0xF7A;
	s5 =	simm.s32 @!p2 $0x0  }
0x1d: {  	s5 =	simm.s32 @p1 $0x1;
	p0 =	seq.s32 s7, s2  }
0x1e: {  	s7 =	smul.u32 @!p0 $0xF7A, s2;
	p2 =	seq.s32 @!p0 s5, $0x0  }
0x1f: {  	s9 =	smul.u32 $0xF7A, s1;
	s8 =	simm.s32 @!p0 $0x1BF5;
	p2 =	por !p2, p0  }
0x20: {  	[sflag:s8] =	ssyncset.s32 @!p0 $0xFFFFF086;
	s6 =	sadd.s32 @!p0 s3, s7;
	s7 =	simm.s32 @!p0 $0x108  }
0x21: {  	s3 =	sadd.s32 s3, s9;
	s6 =	sadd.s32 @!p0 $0x88, s6;
	s7 =	simm.s32 @p2 $0x1082  }
0x22: {  	[simem:s7], [sflag:s8] =	dma.local @!p0 [hbm:s6], $0xF7A  }
0x23: {  	s9 =	sor.u32 $0xD0000000, s2;
	s6 =	simm.s32 $0x108;
	_ =	swait.ge @!p0 [sflag:s8], $0x0  }
0x24: {  	s3 =	sadd.s32 $0x88, s3;
	s6 =	simm.s32 @!p1 $0x1082;
	[sflag:s4] =	ssyncset.s32 $0xFFFFF086  }
0x25: {  	[simem:s6], [sflag:s4] =	dma.local [hbm:s3], $0xF7A  }
0x26: {  	[smem:$0x3F98] =	sst s1;
	(tag) =	ssettag s2;
	_ =	strace s9  }
0x27: {  	s1 =	sld [smem:$0x3FA8]  }
0x28: {  	s2 =	sld [smem:$0x3FA9]  }
0x29: {  	s4 =	sld [smem:$0x3FAB]  }
0x2a: {  	p0 =	seq.s32 s5, $0x0;
	s5 =	sld [smem:$0x3FAC]  }
0x2b: {  	s6 =	sld [smem:$0x3FAD]  }
0x2c: {  	s7 =	sld [smem:$0x3FAE]  }
0x2d: {  	s3 =	simm.s32 $0x108;
	s8 =	sld [smem:$0x3FAF]  }
0x2e: {  	s3 =	simm.s32 @!p0 $0x1082;
	s9 =	sld [smem:$0x3FB0]  }
0x2f: {  	lr =	sadd.s32 s0, s3;
	s0 =	sld [smem:$0x3FA7]  }
0x30: {  	s3 =	sld [smem:$0x3FAA]  }
0x31: {  	[smem:$0x3FB3] =	sst s10  }
0x32: {  	s10 =	sld [smem:$0x3FB1];
	_ =	sdelay $0x3  }
0x33: {  	p0 =	seq.s32 s10, $0x1;
	s10 =	sld [smem:$0x3FB3];
	_ =	sdelay $0x3  }
0x34: {  	[smem:$0x3FB3] =	sst s10  }
0x35: {  	s10 =	sld [smem:$0x3FB2];
	_ =	sdelay $0x3  }
0x36: {  	p1 =	seq.s32 s10, $0x1;
	s10 =	sld [smem:$0x3FB3];
	_ =	sdelay $0x3  }
0x37: {  	[smem:$0x3FB3] =	sst s10  }
0x38: {  	s10 =	sld [smem:$0x3FB4]  }
0x39: {  	_ = 	snop;
	(pc) =	sbr.ind lr, $3  }
0x3a: {  	_ = 	snop  }
0x3b: {  	_ = 	snop  }
0x3c: {  	p2 =	seq.s32 s10, $0x1;
	s10 =	sld [smem:$0x3FB3]  }
0x3d: {  	_ =	shalt  }
0x3e: {  	_ =	shalt  }
0x3f: {  	_ =	shalt  }
0x40: {  	_ =	shalt  }
0x41: {  	_ =	shalt  }
0x42: {  	_ =	shalt  }
0x43: {  	_ =	shalt  }
0x44: {  	_ =	shalt  }
0x45: {  	_ =	shalt  }
0x46: {  	_ =	shalt  }
0x47: {  	_ =	shalt  }
0x48: {  	_ =	shalt  }
0x49: {  	_ =	shalt  }
0x4a: {  	_ =	shalt  }
0x4b: {  	_ =	shalt  }
0x4c: {  	_ =	shalt  }
0x4d: {  	_ =	shalt  }
0x4e: {  	_ =	shalt  }
0x4f: {  	_ =	shalt  }
0x50: {  	_ =	shalt  }
0x51: {  	_ =	shalt  }
0x52: {  	_ =	shalt  }
0x53: {  	_ =	shalt  }
0x54: {  	_ =	shalt  }
0x55: {  	_ =	shalt  }
0x56: {  	_ =	shalt  }
0x57: {  	_ =	shalt  }
0x58: {  	_ =	shalt  }
0x59: {  	_ =	shalt  }
0x5a: {  	_ =	shalt  }
0x5b: {  	_ =	shalt  }
0x5c: {  	_ =	shalt  }
0x5d: {  	_ =	shalt  }
0x5e: {  	_ =	shalt  }
0x5f: {  	_ =	shalt  }
0x60: {  	_ =	shalt  }
0x61: {  	_ =	shalt  }
0x62: {  	_ =	shalt  }
0x63: {  	_ =	shalt  }
0x64: {  	_ =	shalt  }
0x65: {  	_ =	shalt  }
0x66: {  	_ =	shalt  }
0x67: {  	_ =	shalt  }
0x68: {  	_ =	shalt  }
0x69: {  	_ =	shalt  }
0x6a: {  	_ =	shalt  }
0x6b: {  	_ =	shalt  }
0x6c: {  	_ =	shalt  }
0x6d: {  	_ =	shalt  }
0x6e: {  	_ =	shalt  }
0x6f: {  	_ =	shalt  }
0x70: {  	_ =	shalt  }
0x71: {  	_ =	shalt  }
0x72: {  	_ =	shalt  }
0x73: {  	_ =	shalt  }
0x74: {  	_ =	shalt  }
0x75: {  	_ =	shalt  }
0x76: {  	_ =	shalt  }
0x77: {  	_ =	shalt  }
0x78: {  	_ =	shalt  }
0x79: {  	_ =	shalt  }
0x7a: {  	_ =	shalt  }
0x7b: {  	_ =	shalt  }
0x7c: {  	_ =	shalt  }
0x7d: {  	_ =	shalt  }
0x7e: {  	_ =	shalt  }
0x7f: {  	_ =	shalt  }
0x80: {  	_ =	shalt  }
0x81: {  	_ =	shalt  }
0x82: {  	_ =	shalt  }
0x83: {  	_ =	shalt  }
0x84: {  	_ =	shalt  }
0x85: {  	_ =	shalt  }
0x86: {  	_ =	shalt  }
0x87: {  	_ =	shalt  }
.Lfunc_end0:
.L_simem_size_0:
called_computation_lowered:
.L_overlay_start_0:
0x88: {  	s2 =	sld [smem:$0x3FD9]  }
0x89: {  	s3 =	sld [smem:$0x3FFE];
	_ =	sdelay $0x1  }
0x8a: {  	s1 =	srdreg.scid  }
0x8b: {  	s0 =	sand.u32 $0x1, s1  }
0x8c: {  	s14 =	sshll.u32 s0, $0xA;
	s2 =	sadd.s32 s3, s2  }
0x8d: {  	s2 =	sadd.s32 s2, s14  }
0x8e: {  	[smem:$0x3FBF] =	sst s2  }
0x8f: {  	_ = 	snop  }
0x90: {  	s2 =	sld [smem:$0x3FD0];
	_ =	sdelay $0x2  }
0x91: {  	s4 =	simm.s32 $0xA;
	s5 =	simm.s32 $0x10;
	s15 =	sld [smem:$0x3FC8]  }
0x92: {  	[smem:s5], [sflag:s4] =	dma.local [hbm:s2], $0x1  }
0x93: {  	_ =	swait.eq [sflag:s4], $0x1  }
0x94: {  	[sflag:s4] =	ssyncset.done $0x0  }
0x95: {  	s16 =	sld [smem:$0x13];
	[sflag:s4] =	ssyncadd.s32 $0xFFFFFFFF  }
0x96: {  	s17 =	sld [smem:$0x14];
	(tm) =	ssettm $0x1  }
0x97: {  	s18 =	sld [smem:$0x3FFB];
	_ =	sdelay $0x3  }
0x98: {  	_ =	strace s18  }
0x99: {  	s5 =	sld [smem:$0x3FFC];
	_ =	sdelay $0x3  }
0x9a: {  	_ =	strace s5  }
0x9b: {  	s5 =	sld [smem:$0x3FFD];
	_ =	sdelay $0x3  }
0x9c: {  	_ =	strace s5  }
0x9d: {  	_ =	strace $0x8FFFFFFF  }
0x9e: {  	s19 =	sld [smem:$0x3FDB];
	_ =	sdelay $0x1  }
0x9f: {  	s6 =	simm.s32 $_scs_section_size  }
0xa0: {  	s7 =	simm.s32 $_size__tile_overlayer_lowered;
	s8 =	simm.s32 $_tile_overlayer_lowered  }
0xa1: {  	s22 =	simm.s32 $0x1BFF;
	s21 =	sshll.u32 s8, $0x1;
	s5 =	sadd.s32 s6, s19  }
0xa2: {  	s9 =	simm.s32 $0x0;
	s20 =	sshll.u32 s7, $0x1;
	s7 =	sadd.s32 s21, s5  }
0xa3: {  	[timem:s9], [sflag:s22] =	dma.local [hbm:s7], s20  }
0xa4: {  	_ =	swait.ge [sflag:s22], s20  }
0xa5: {  	s6 =	ssub.s32 $0x0, s20;
	[sflag:s22] =	ssyncset.done $0x0  }
0xa6: {  	[sflag:s22] =	ssyncadd.s32 s6;
	_ =	sdelay $0x1  }
0xa7: {  	s23 =	simm.s32 $0x1B8B  }
0xa8: {  	_ =	swait.ge [sflag:s23], $0x1  }
0xa9: {  	[sflag:s23] =	ssyncset.done $0x0  }
0xaa: {  	s25 =	simm.s32 $0x1B8E;
	s24 =	sld [smem:$0x3FFE];
	[sflag:s23] =	ssyncadd.s32 $0xFFFFFFFF  }
0xab: {  	s26 =	simm.s32 $execute0_lowered;
	[smem:$0x3FD2] =	sst s25  }
0xac: {  	s7 =	sshll.u32 s26, $0x1;
	_ =	strace $0x80000046;
	[dreg:$0x1] =	wrdreg $0xFFFFFFFF  }
0xad: {  	s28 =	simm.s32 $_size_execute0_lowered;
	s5 =	sadd.s32 s5, s7;
	[dreg:$0x0] =	wrdreg $0x0  }
0xae: {  	s7 =	sshll.u32 s28, $0x1;
	[dreg:$0x2] =	wrdreg s5  }
0xaf: {  	[dreg:$0x3] =	wrdreg s7  }
0xb0: {  	[dreg:$0x4] =	wrdreg $0xC0  }
0xb1: {  	_ =	task [dreg:s9], $0x5FFFF  }
0xb2: {  	[dreg:$0x1] =	wrdreg $0xFFFFFFFF  }
0xb3: {  	[dreg:$0x0] =	wrdreg $0x60  }
0xb4: {  	[dreg:$0x2] =	wrdreg s15  }
0xb5: {  	[dreg:$0x3] =	wrdreg s16  }
0xb6: {  	[dreg:$0x4] =	wrdreg s17  }
0xb7: {  	[dreg:$0x5] =	wrdreg s24  }
0xb8: {  	[dreg:$0x6] =	wrdreg $0x9  }
0xb9: {  	_ =	task.clear_ibuf [dreg:s9], $0x7FFFF;
	_ =	strace $0x90000046  }
0xba: {  	s29 =	simm.s32 $0x9;
	_ =	strace $0x80000048  }
0xbb: {  	_ =	swait.ge [sflag:s29], $0x1  }
0xbc: {  	[sflag:s29] =	ssyncadd.s32 $0xFFFFFFFF  }
0xbd: {  	_ =	strace $0x90000048  }
0xbe: {  	_ =	sfence  }
0xbf: {  	s30 =	sld [smem:$0x0];
	_ =	sdelay $0x2  }
0xc0: {  	s31 =	sshll.u32 s1, $0xD;
	s1 =	sshrl.u32 s1, $0x2  }
0xc1: {  	s3 =	sand.u32 $0x4000, s31;
	s1 =	sadd.s32 s1, s30  }
0xc2: {  	s0 =	sor.u32 s3, s0;
	s1 =	sshll.u32 s1, $0x11  }
0xc3: {  	s0 =	sor.u32 s1, s0  }
0xc4: {  	s0 =	sadd.s32 $0x8F2B, s0  }
0xc5: {  	[sflag:s0] =	ssyncadd.remote.s32 $0x1  }
0xc6: {  	_ =	sfence.sel $0xFFFF  }
0xc7: {  	[dreg:$0x0] =	wrdreg $0xFFFFFFFF;
	(pc) =	sbr.abs _section_cstart, $3  }
0xc8: {  	[dreg:$0x1] =	wrdreg $0xFFFFFFFF  }
0xc9: {  	_ =	task.clear_ibuf [dreg:s9], $0x2FFFF;
	_ =	strace $0x9FFFFFFF  }
0xca: {  	(tm) =	ssettm $0x7FFFFFFF  }
0xcb: {  	_ =	shalt  }
tec
execute0_lowered:
.L_overlay_start_1:
0x0: {  	(tag) =	ssettag $0x1  }
0x1: {  	s1 =	rddreg [dreg:$0x0]  }
0x2: {  	s0 =	rddreg [dreg:$0x1]  }
0x3: {  	s2 =	rddreg [dreg:$0x3]  }
0x4: {  	s3 =	srdreg.scid;
	s4 =	stileid.u32;
	s5 =	simm.s32 $0x0  }
0x5: {  	s14 =	simm.s32 $0x3;
	s12 =	simm.s32 $0xB000;
	s13 =	simm.s32 $0xB800  }
0x6: {  	s16 =	simm.s32 $0xC800;
	s17 =	simm.s32 $0xD000;
	s18 =	simm.s32 $0xD800  }
0x7: {  	s19 =	simm.s32 $0xE000;
	s20 =	simm.s32 $0xE800;
	s21 =	simm.s32 $0xF000  }
0x8: {  	s22 =	simm.s32 $0xF800;
	s23 =	simm.s32 $0x2;
	s24 =	simm.s32 $0x200  }
0x9: {  	s25 =	simm.s32 $0x400;
	s26 =	simm.s32 $0x10000;
	s3 =	sand.u32 $0x1, s3  }
0xa: {  	s4 =	sshll.u32 s4, $0x1;
	[smem:$0x7FF] =	sst s5;
	s5 =	sadd.s32 $0x1000, s2  }
0xb: {  	s9 =	sadd.s32 $0x200, s1;
	s6 =	ssub.s32 $0x2, s3;
	s3 =	sor.u32 s3, s4  }
0xc: {  	s10 =	sadd.s32 $0x1040, s2;
	s28 =	sshrl.u32 s6, $0x1;
	s7 =	smul.u32 $0x78000, s3  }
0xd: {  	_ =	strace $0x80000047;
	s8 =	sshll.u32 s3, $0x9;
	s4 =	ssub.s32 s6, s28  }
0xe: {  	s6 =	sshll.u32 s3, $0x4;
	s0 =	sadd.s32 s0, s8;
	s29 =	sshrl.u32 s7, $0x3  }
0xf: {  	[dreg:$0x5] =	wrdreg s0;
	s31 =	smax.u32 s4, $0x1;
	s0 =	sadd.s32 s5, s29  }
0x10: {  	v2 =	vlaneseq.u32;
	s8 =	sadd.s32 $0x100, s1;
	[dreg:$0x8] =	wrdreg s31;
	s30 =	sadd.s32 $0xE100, s0  }
0x11: {  	v0 =	vand.u32 $0x7, v2;
	v1 =	vshrl.u32 v2, $0x3;
	v2 =	vor.u32 $0x8, v2;
	s3 =	simm.s32 $0x0;
	s0 =	sadd.s32 $0xE140, s0;
	[dreg:$0x6] =	wrdreg s30  }
0x12: {  	vm0 =	vmmov $0xffff;
	v1 =	vmul.u32 $0x8, v1;
	[tilespmem:$0x1FFF0] =	vst v2;
	s4 =	simm.s32 $0xC000;
	[dreg:$0x7] =	wrdreg s0;
	s0 =	simm.s32 $0x1  }
.LBB2_1:
0x13: {  	[dreg:$0x9] =	wrdreg s3  }
0x14: {  	s3 =	simm.s32 $0x0;
	s2 =	rddreg [dreg:$0x5]  }
0x15: {  	[tilespmem:s3], [sflag:$0x3] =	stream.linear.gather [hbm4b:s2+s3], $0x1000, $0x38;
	[tilespmem:$0x15400] =	vst v63  }
0x16: {  	_ =	swait.ge [sflag:s14], $0x1000  }
0x17: {  	[sflag:s14] =	ssyncset.done $0x0  }
0x18: {  	[sflag:s14] =	ssyncadd.s32 $0xFFFFF000  }
0x19: {  	s7 =	simm.s32 $0x13C00;
	s15 =	rddreg [dreg:$0x2]  }
0x1a: {  	[tilespmem:s7], [sflag:$0x3] =	stream.linear.gather [hbm4b:s15+s3], $0x1800, $0x38;
	[tilespmem:$0x15400] =	vst v63  }
0x1b: {  	_ =	swait.ge [sflag:s14], $0x1800  }
0x1c: {  	[sflag:s14] =	ssyncset.done $0x0  }
0x1d: {  	v2 =	vld [tilespmem:$0x1FFF0];
	[sflag:s14] =	ssyncadd.s32 $0xFFFFE800  }
0x1e: {  	v3 =	vld [tilespmem:$0x13C00]  }
0x1f: {  	v4 =	vld [tilespmem:$0x13C80]  }
0x20: {  	v5 =	vld [tilespmem:$0x13D00]  }
0x21: {  	v6 =	vld [tilespmem:$0x13D80]  }
0x22: {  	v7 =	vld [tilespmem:$0x13E00]  }
0x23: {  	v8 =	vld [tilespmem:$0x13E80]  }
0x24: {  	v9 =	vld [tilespmem:$0x13F00]  }
0x25: {  	v10 =	vld [tilespmem:$0x13F80]  }
0x26: {  	v11 =	vld [tilespmem:$0x14000]  }
0x27: {  	v12 =	vld [tilespmem:$0x14080]  }
0x28: {  	v13 =	vld [tilespmem:$0x14100]  }
0x29: {  	v14 =	vld [tilespmem:$0x14180]  }
0x2a: {  	v15 =	vld [tilespmem:$0x14200]  }
0x2b: {  	v16 =	vld [tilespmem:$0x14280]  }
0x2c: {  	v17 =	vld [tilespmem:$0x14300]  }
0x2d: {  	v18 =	vld [tilespmem:$0x14380]  }
0x2e: {  	v19 =	vld [tilespmem:$0x14400]  }
0x2f: {  	v20 =	vld [tilespmem:$0x14480]  }
0x30: {  	v21 =	vld [tilespmem:$0x14500]  }
0x31: {  	v22 =	vld [tilespmem:$0x14580]  }
0x32: {  	v23 =	vld [tilespmem:$0x14600]  }
0x33: {  	v24 =	vld [tilespmem:$0x14680]  }
0x34: {  	v25 =	vld [tilespmem:$0x14700]  }
0x35: {  	v26 =	vld [tilespmem:$0x14780]  }
0x36: {  	v27 =	vld [tilespmem:$0x14800]  }
0x37: {  	v28 =	vld [tilespmem:$0x14880]  }
0x38: {  	v29 =	vld [tilespmem:$0x14900]  }
0x39: {  	v30 =	vld [tilespmem:$0x14980]  }
0x3a: {  	v31 =	vld [tilespmem:$0x14A00]  }
0x3b: {  	v40 =	vld [tilespmem:$0x0]  }
0x3c: {  	v32 =	vld [tilespmem:$0x14A80]  }
0x3d: {  	v33 =	vld [tilespmem:$0x14B00]  }
0x3e: {  	v34 =	vld [tilespmem:$0x14B80]  }
0x3f: {  	v35 =	vld [tilespmem:$0x14C00]  }
0x40: {  	v36 =	vld [tilespmem:$0x14C80];
	v39 =	vshrl.u32 v40, $0x3  }
0x41: {  	v37 =	vld [tilespmem:$0x14D00];
	v41 =	vmul.u32 $0x30, v39  }
0x42: {  	v38 =	vld [tilespmem:$0x14D80];
	v42 =	vand.u32 $0x7, v40  }
0x43: {  	v43 =	vld [tilespmem:$0x15000];
	v48 =	vor.u32 v42, v41  }
0x44: {  	v45 =	vld [tilespmem:$0x15100];
	v44 =	vperm.xlane v48, v0  }
0x45: {  	v46 =	vld [tilespmem:$0x15180]  }
0x46: {  	v47 =	vld [tilespmem:$0x15200];
	v49 =	vadd.s32 v1, v44  }
0x47: {  	v40 =	vld [tilespmem:$0x14E80]  }
0x48: {  	v39 =	vld [tilespmem:$0x14E00]  }
0x49: {  	v41 =	vld [tilespmem:$0x14F00]  }
0x4a: {  	s29 =	simm.s32 $0x1000;
	v42 =	vld [tilespmem:$0x14F80];
	v48 =	vperm.xlane v48, v2  }
0x4b: {  	v44 =	vld [tilespmem:$0x15080];
	[tilespmem:s29], [sflag:$0x1] =	stream.indirect_vreg.gather [hbm4b:s1+s3], $0x80, v49, vm0, $0xb8  }
0x4c: {  	s30 =	simm.s32 $0x1800;
	v48 =	vadd.s32 v1, v48  }
0x4d: {  	[tilespmem:s30], [sflag:$0x1] =	stream.indirect_vreg.gather [hbm4b:s8+s3], $0x80, v49, vm0, $0xb8;
	[tilespmem:$0x15400] =	vst v63  }
0x4e: {  	s31 =	simm.s32 $0x2000  }
0x4f: {  	[tilespmem:s31], [sflag:$0x1] =	stream.indirect_vreg.gather [hbm4b:s9+s3], $0x80, v49, vm0, $0xb8;
	[tilespmem:$0x15400] =	vst v63  }
0x50: {  	s7 =	simm.s32 $0x2800  }
0x51: {  	[tilespmem:s7], [sflag:$0x1] =	stream.indirect_vreg.gather [hbm4b:s1+s3], $0x80, v48, vm0, $0xb8;
	[tilespmem:$0x15400] =	vst v63  }
0x52: {  	s11 =	simm.s32 $0x3000  }
0x53: {  	[tilespmem:s11], [sflag:$0x1] =	stream.indirect_vreg.gather [hbm4b:s8+s3], $0x80, v48, vm0, $0xb8;
	[tilespmem:$0x15400] =	vst v63  }
0x54: {  	s15 =	simm.s32 $0x3800  }
0x55: {  	[tilespmem:s15], [sflag:$0x1] =	stream.indirect_vreg.gather [hbm4b:s9+s3], $0x80, v48, vm0, $0xb8;
	[tilespmem:$0x15400] =	vst v63  }
0x56: {  	v48 =	vld [tilespmem:$0x10];
	_ =	sdelay $0x4  }
0x57: {  	v62 =	vshrl.u32 v48, $0x3  }
0x58: {  	v49 =	vmul.u32 $0x30, v62  }
0x59: {  	v48 =	vand.u32 $0x7, v48  }
0x5a: {  	v48 =	vor.u32 v48, v49  }
0x5b: {  	v49 =	vperm.xlane v48, v0;
	_ =	sdelay $0x1  }
0x5c: {  	v49 =	vadd.s32 v1, v49;
	_ =	sdelay $0x3  }
0x5d: {  	s29 =	simm.s32 $0x4000;
	v48 =	vperm.xlane v48, v2  }
0x5e: {  	[tilespmem:s29], [sflag:$0x1] =	stream.indirect_vreg.gather [hbm4b:s1+s3], $0x80, v49, vm0, $0xb8;
	[tilespmem:$0x15400] =	vst v63  }
0x5f: {  	s30 =	simm.s32 $0x4800;
	v48 =	vadd.s32 v1, v48  }
0x60: {  	[tilespmem:s30], [sflag:$0x1] =	stream.indirect_vreg.gather [hbm4b:s8+s3], $0x80, v49, vm0, $0xb8;
	[tilespmem:$0x15400] =	vst v63  }
0x61: {  	s31 =	simm.s32 $0x5000  }
0x62: {  	[tilespmem:s31], [sflag:$0x1] =	stream.indirect_vreg.gather [hbm4b:s9+s3], $0x80, v49, vm0, $0xb8;
	[tilespmem:$0x15400] =	vst v63  }
0x63: {  	s7 =	simm.s32 $0x5800  }
0x64: {  	[tilespmem:s7], [sflag:$0x1] =	stream.indirect_vreg.gather [hbm4b:s1+s3], $0x80, v48, vm0, $0xb8;
	[tilespmem:$0x15400] =	vst v63  }
0x65: {  	s11 =	simm.s32 $0x6000  }
0x66: {  	[tilespmem:s11], [sflag:$0x1] =	stream.indirect_vreg.gather [hbm4b:s8+s3], $0x80, v48, vm0, $0xb8;
	[tilespmem:$0x15400] =	vst v63  }
0x67: {  	s15 =	simm.s32 $0x6800  }
0x68: {  	[tilespmem:s15], [sflag:$0x1] =	stream.indirect_vreg.gather [hbm4b:s9+s3], $0x80, v48, vm0, $0xb8;
	[tilespmem:$0x15400] =	vst v63  }
0x69: {  	v48 =	vld.msk [tilespmem:$0x20], $0xff;
	_ =	sdelay $0x4  }
0x6a: {  	v63 =	vshrl.u32 v48, $0x3  }
0x6b: {  	v49 =	vmul.u32 $0x30, v63  }
0x6c: {  	v48 =	vand.u32 $0x7, v48  }
0x6d: {  	v48 =	vor.u32 v48, v49  }
0x6e: {  	v48 =	vperm.xlane v48, v0;
	_ =	sdelay $0x1  }
0x6f: {  	v48 =	vadd.s32 v1, v48;
	_ =	sdelay $0x3  }
0x70: {  	s29 =	simm.s32 $0x7000  }
0x71: {  	[tilespmem:s29], [sflag:$0x1] =	stream.indirect_vreg.gather [hbm4b:s1+s3], $0x80, v48, vm0, $0xb8;
	[tilespmem:$0x15400] =	vst v63  }
0x72: {  	s30 =	simm.s32 $0x7800  }
0x73: {  	[tilespmem:s30], [sflag:$0x1] =	stream.indirect_vreg.gather [hbm4b:s8+s3], $0x80, v48, vm0, $0xb8;
	[tilespmem:$0x15400] =	vst v63  }
0x74: {  	s31 =	simm.s32 $0x8000  }
0x75: {  	[tilespmem:s31], [sflag:$0x1] =	stream.indirect_vreg.gather [hbm4b:s9+s3], $0x80, v48, vm0, $0xb8;
	[tilespmem:$0x15400] =	vst v63  }
0x76: {  	_ =	swait.ge [sflag:s0], $0x7800  }
0x77: {  	[sflag:s0] =	ssyncset.done $0x0  }
0x78: {  	s28 =	simm.s32 $0x0;
	[sflag:s0] =	ssyncadd.s32 $0xFFFF8800  }
.LBB2_2:
0x79: {  	s2 =	sshll.u32 s28, $0x8  }
0x7a: {  	s29 =	sand.u32 $0x3FFFFF00, s2  }
0x7b: {  	v48 =	vld [tilespmem:s29+$0x80];
	_ =	sdelay $0x4  }
0x7c: {  	v49 =	vshrl.u32 v48, $0x3  }
0x7d: {  	v49 =	vmul.u32 $0x30, v49  }
0x7e: {  	v48 =	vand.u32 $0x7, v48  }
0x7f: {  	v48 =	vor.u32 v48, v49  }
0x80: {  	v49 =	vperm.xlane v48, v0  }
0x81: {  	v2 =	vld [tilespmem:$0x1FFF0]  }
0x82: {  	v49 =	vadd.s32 v1, v49;
	_ =	sdelay $0x3  }
0x83: {  	s30 =	simm.s32 $0x0;
	s11 =	simm.s32 $0x8800;
	v48 =	vperm.xlane v48, v2  }
0x84: {  	[tilespmem:s11], [sflag:$0x2] =	stream.indirect_vreg.gather [hbm4b:s1+s30], $0x80, v49, vm0, $0xb8;
	[tilespmem:$0x15400] =	vst v63  }
0x85: {  	s15 =	simm.s32 $0x9000;
	v48 =	vadd.s32 v1, v48  }
0x86: {  	[tilespmem:s15], [sflag:$0x2] =	stream.indirect_vreg.gather [hbm4b:s8+s30], $0x80, v49, vm0, $0xb8;
	[tilespmem:$0x15400] =	vst v63  }
0x87: {  	s3 =	simm.s32 $0x9800  }
0x88: {  	[tilespmem:s3], [sflag:$0x2] =	stream.indirect_vreg.gather [hbm4b:s9+s30], $0x80, v49, vm0, $0xb8;
	[tilespmem:$0x15400] =	vst v63  }
0x89: {  	s7 =	simm.s32 $0xA000  }
0x8a: {  	[tilespmem:s7], [sflag:$0x2] =	stream.indirect_vreg.gather [hbm4b:s1+s30], $0x80, v48, vm0, $0xb8;
	[tilespmem:$0x15400] =	vst v63  }
0x8b: {  	s11 =	simm.s32 $0xA800  }
0x8c: {  	[tilespmem:s11], [sflag:$0x2] =	stream.indirect_vreg.gather [hbm4b:s8+s30], $0x80, v48, vm0, $0xb8;
	[tilespmem:$0x15400] =	vst v63  }
0x8d: {  	_ = 	snop  }
0x8e: {  	[tilespmem:s12], [sflag:$0x2] =	stream.indirect_vreg.gather [hbm4b:s9+s30], $0x80, v48, vm0, $0xb8;
	[tilespmem:$0x15400] =	vst v63  }
0x8f: {  	v48 =	vld [tilespmem:s29+$0x90];
	_ =	sdelay $0x4  }
0x90: {  	v62 =	vshrl.u32 v48, $0x3  }
0x91: {  	v49 =	vmul.u32 $0x30, v62  }
0x92: {  	v48 =	vand.u32 $0x7, v48  }
0x93: {  	v48 =	vor.u32 v48, v49  }
0x94: {  	v49 =	vperm.xlane v48, v0;
	_ =	sdelay $0x1  }
0x95: {  	v49 =	vadd.s32 v1, v49;
	_ =	sdelay $0x3  }
0x96: {  	v48 =	vperm.xlane v48, v2  }
0x97: {  	[tilespmem:s13], [sflag:$0x2] =	stream.indirect_vreg.gather [hbm4b:s1+s30], $0x80, v49, vm0, $0xb8;
	[tilespmem:$0x15400] =	vst v63  }
0x98: {  	v48 =	vadd.s32 v1, v48  }
0x99: {  	[tilespmem:s4], [sflag:$0x2] =	stream.indirect_vreg.gather [hbm4b:s8+s30], $0x80, v49, vm0, $0xb8;
	[tilespmem:$0x15400] =	vst v63  }
0x9a: {  	_ = 	snop  }
0x9b: {  	[tilespmem:s16], [sflag:$0x2] =	stream.indirect_vreg.gather [hbm4b:s9+s30], $0x80, v49, vm0, $0xb8;
	[tilespmem:$0x15400] =	vst v63  }
0x9c: {  	_ = 	snop  }
0x9d: {  	[tilespmem:s17], [sflag:$0x2] =	stream.indirect_vreg.gather [hbm4b:s1+s30], $0x80, v48, vm0, $0xb8;
	[tilespmem:$0x15400] =	vst v63  }
0x9e: {  	_ = 	snop  }
0x9f: {  	[tilespmem:s18], [sflag:$0x2] =	stream.indirect_vreg.gather [hbm4b:s8+s30], $0x80, v48, vm0, $0xb8;
	[tilespmem:$0x15400] =	vst v63  }
0xa0: {  	s15 =	sor.u32 $0xA0, s29  }
0xa1: {  	[tilespmem:s19], [sflag:$0x2] =	stream.indirect_vreg.gather [hbm4b:s9+s30], $0x80, v48, vm0, $0xb8;
	[tilespmem:$0x15400] =	vst v63  }
0xa2: {  	v48 =	vld.msk [tilespmem:s15+$0x0], $0xff;
	_ =	sdelay $0x4  }
0xa3: {  	v63 =	vshrl.u32 v48, $0x3  }
0xa4: {  	v49 =	vmul.u32 $0x30, v63  }
0xa5: {  	v48 =	vand.u32 $0x7, v48  }
0xa6: {  	v48 =	vor.u32 v48, v49  }
0xa7: {  	v48 =	vperm.xlane v48, v0;
	_ =	sdelay $0x1  }
0xa8: {  	v48 =	vadd.s32 v1, v48;
	_ =	sdelay $0x4  }
0xa9: {  	[tilespmem:s20], [sflag:$0x2] =	stream.indirect_vreg.gather [hbm4b:s1+s30], $0x80, v48, vm0, $0xb8;
	[tilespmem:$0x15400] =	vst v63  }
0xaa: {  	_ = 	snop  }
0xab: {  	[tilespmem:s21], [sflag:$0x2] =	stream.indirect_vreg.gather [hbm4b:s8+s30], $0x80, v48, vm0, $0xb8;
	[tilespmem:$0x15400] =	vst v63  }
0xac: {  	s31 =	simm.s32 $0x0;
	s2 =	simm.s32 $0x0  }
0xad: {  	[tilespmem:s22], [sflag:$0x2] =	stream.indirect_vreg.gather [hbm4b:s9+s30], $0x80, v48, vm0, $0xb8;
	[tilespmem:$0x15400] =	vst v63  }
.LBB2_3:
0xae: {  	s3 =	sshll.u32 s2, $0x7  }
0xaf: {  	s15 =	sand.u32 $0x70, s30;
	s3 =	sand.u32 $0x3FFFFC00, s3  }
0xb0: {  	s3 =	sor.u32 s15, s3  }
0xb1: {  	v48 =	vld [tilespmem:s3+$0x1000]  }
0xb2: {  	v49 =	vld [tilespmem:s3+$0x1200];
	_ =	sdelay $0x1  }
0xb3: {  	v50 =	vld [tilespmem:s3+$0x2800];
	_ =	sdelay $0x1  }
0xb4: {  	v51 =	vld [tilespmem:s3+$0x2A00]  }
0xb5: {  	v52 =	vmul.f32 v48, v3;
	v53 =	vmul.f32 v49, v4  }
0xb6: {  	v54 =	vld [tilespmem:s3+$0x4000]  }
0xb7: {  	v60 =	vmul.f32 v50, v5;
	v52 =	vadd.f32 v53, v52  }
0xb8: {  	v55 =	vld [tilespmem:s3+$0x4200]  }
0xb9: {  	v61 =	vmul.f32 v51, v6;
	v52 =	vadd.f32 v60, v52  }
0xba: {  	v56 =	vld [tilespmem:s3+$0x5800];
	v59 =	vmul.f32 v48, v12;
	v60 =	vmul.f32 v49, v13  }
0xbb: {  	v62 =	vmul.f32 v54, v7;
	v52 =	vadd.f32 v61, v52  }
0xbc: {  	v57 =	vld [tilespmem:s3+$0x5A00];
	v59 =	vadd.f32 v60, v59;
	v60 =	vmul.f32 v50, v14  }
0xbd: {  	v58 =	vld [tilespmem:s3+$0x7000];
	v53 =	vmul.f32 v55, v8;
	v52 =	vadd.f32 v62, v52  }
0xbe: {  	v59 =	vadd.f32 v60, v59;
	v60 =	vmul.f32 v51, v15  }
0xbf: {  	v52 =	vadd.f32 v53, v52;
	v53 =	vmul.f32 v56, v9  }
0xc0: {  	v59 =	vadd.f32 v60, v59;
	v60 =	vmul.f32 v54, v16  }
0xc1: {  	v63 =	vmul.f32 v54, v25;
	v52 =	vadd.f32 v53, v52;
	v53 =	vmul.f32 v57, v10  }
0xc2: {  	v61 =	vmul.f32 v58, v11;
	v59 =	vadd.f32 v60, v59;
	v60 =	vmul.f32 v55, v17  }
0xc3: {  	v62 =	vmul.f32 v49, v22;
	v52 =	vadd.f32 v53, v52;
	v53 =	vmul.f32 v48, v21  }
0xc4: {  	v2 =	vmul.f32 v49, v31;
	v59 =	vadd.f32 v60, v59;
	v60 =	vmul.f32 v48, v30  }
0xc5: {  	v52 =	vadd.f32 v61, v52;
	v53 =	vadd.f32 v62, v53;
	v61 =	vmul.f32 v50, v23  }
0xc6: {  	v49 =	vmul.f32 v49, v40;
	v2 =	vadd.f32 v2, v60;
	v60 =	vmul.f32 v50, v32  }
0xc7: {  	v48 =	vmul.f32 v48, v39;
	v53 =	vadd.f32 v61, v53;
	v61 =	vmul.f32 v51, v24  }
0xc8: {  	v62 =	vmul.f32 v56, v18;
	v2 =	vadd.f32 v60, v2;
	v60 =	vmul.f32 v51, v33  }
0xc9: {  	v48 =	vadd.f32 v49, v48;
	v49 =	vmul.f32 v50, v41;
	v53 =	vadd.f32 v61, v53  }
0xca: {  	v50 =	vmul.f32 v55, v26;
	v2 =	vadd.f32 v60, v2;
	v60 =	vmul.f32 v54, v34  }
0xcb: {  	v48 =	vadd.f32 v49, v48;
	v53 =	vadd.f32 v63, v53;
	v63 =	vmul.f32 v51, v42  }
0xcc: {  	v59 =	vadd.f32 v62, v59;
	v61 =	vmul.f32 v57, v19;
	v2 =	vadd.f32 v60, v2  }
0xcd: {  	v60 =	vmul.f32 v55, v35;
	v48 =	vadd.f32 v63, v48;
	v63 =	vmul.f32 v54, v43  }
0xce: {  	v62 =	vmul.f32 v56, v27;
	v50 =	vadd.f32 v50, v53;
	v54 =	vadd.f32 v61, v59  }
0xcf: {  	v61 =	vmul.f32 v55, v44;
	v2 =	vadd.f32 v60, v2;
	v48 =	vadd.f32 v63, v48  }
0xd0: {  	v50 =	vadd.f32 v62, v50;
	v62 =	vmul.f32 v57, v28;
	v63 =	vmul.f32 v56, v36  }
0xd1: {  	v59 =	vmul.f32 v58, v20;
	v60 =	vmul.f32 v56, v45;
	v48 =	vadd.f32 v61, v48  }
0xd2: {  	s7 =	sshll.u32 s2, $0x6;
	v50 =	vadd.f32 v62, v50;
	v2 =	vadd.f32 v63, v2;
	v61 =	vmul.f32 v57, v37  }
0xd3: {  	s7 =	sand.u32 $0x3FFFFE00, s7;
	v62 =	vmul.f32 v58, v29;
	v63 =	vmul.f32 v57, v46;
	v48 =	vadd.f32 v60, v48  }
0xd4: {  	s11 =	sand.u32 $0xE00, s31;
	s7 =	sor.u32 s15, s7;
	v54 =	vadd.f32 v59, v54;
	v56 =	vmul.f32 v58, v38;
	v2 =	vadd.f32 v61, v2  }
0xd5: {  	s15 =	sor.u32 s15, s11;
	[tilespmem:s7+$0x10000] =	vst v52;
	v57 =	vmul.f32 v58, v47;
	v50 =	vadd.f32 v62, v50;
	v48 =	vadd.f32 v63, v48  }
0xd6: {  	[tilespmem:s15+$0x10C00] =	vst v54;
	v2 =	vadd.f32 v56, v2  }
0xd7: {  	[tilespmem:s15+$0x11800] =	vst v50;
	v48 =	vadd.f32 v57, v48  }
0xd8: {  	[tilespmem:s15+$0x12400] =	vst v2  }
0xd9: {  	[tilespmem:s15+$0x13000] =	vst v48  }
0xda: {  	v2 =	vld [tilespmem:s3+$0x1080]  }
0xdb: {  	v48 =	vld [tilespmem:s3+$0x1280];
	_ =	sdelay $0x1  }
0xdc: {  	v49 =	vld [tilespmem:s3+$0x2880];
	_ =	sdelay $0x1  }
0xdd: {  	v50 =	vld [tilespmem:s3+$0x2A80]  }
0xde: {  	v58 =	vmul.f32 v2, v3;
	v59 =	vmul.f32 v48, v4  }
0xdf: {  	v53 =	vld [tilespmem:s3+$0x4080]  }
0xe0: {  	v60 =	vmul.f32 v49, v5;
	v51 =	vadd.f32 v59, v58  }
0xe1: {  	v54 =	vld [tilespmem:s3+$0x4280]  }
0xe2: {  	v61 =	vmul.f32 v50, v6;
	v51 =	vadd.f32 v60, v51  }
0xe3: {  	v55 =	vld [tilespmem:s3+$0x5880]  }
0xe4: {  	v62 =	vmul.f32 v53, v7;
	v51 =	vadd.f32 v61, v51  }
0xe5: {  	v56 =	vld [tilespmem:s3+$0x5A80];
	v60 =	vmul.f32 v2, v12;
	v61 =	vmul.f32 v48, v13  }
0xe6: {  	v57 =	vld [tilespmem:s3+$0x7080];
	v63 =	vmul.f32 v54, v8;
	v51 =	vadd.f32 v62, v51  }
0xe7: {  	v59 =	vmul.f32 v49, v14;
	v58 =	vadd.f32 v61, v60  }
0xe8: {  	v62 =	vmul.f32 v55, v9;
	v51 =	vadd.f32 v63, v51  }
0xe9: {  	v58 =	vadd.f32 v59, v58;
	v59 =	vmul.f32 v50, v15  }
0xea: {  	v52 =	vmul.f32 v56, v10;
	v51 =	vadd.f32 v62, v51  }
0xeb: {  	v60 =	vmul.f32 v57, v11;
	v58 =	vadd.f32 v59, v58;
	v59 =	vmul.f32 v53, v16  }
0xec: {  	v61 =	vmul.f32 v48, v22;
	v51 =	vadd.f32 v52, v51;
	v52 =	vmul.f32 v2, v21  }
0xed: {  	v63 =	vmul.f32 v48, v31;
	v58 =	vadd.f32 v59, v58;
	v59 =	vmul.f32 v54, v17  }
0xee: {  	v51 =	vadd.f32 v60, v51;
	v52 =	vadd.f32 v61, v52;
	v60 =	vmul.f32 v49, v23  }
0xef: {  	v48 =	vmul.f32 v48, v40;
	v61 =	vmul.f32 v55, v18;
	v58 =	vadd.f32 v59, v58  }
0xf0: {  	v59 =	vmul.f32 v2, v30;
	v52 =	vadd.f32 v60, v52;
	v60 =	vmul.f32 v50, v24  }
0xf1: {  	v62 =	vmul.f32 v53, v25;
	v2 =	vmul.f32 v2, v39;
	v58 =	vadd.f32 v61, v58  }
0xf2: {  	v59 =	vadd.f32 v63, v59;
	v52 =	vadd.f32 v60, v52;
	v60 =	vmul.f32 v49, v32  }
0xf3: {  	v2 =	vadd.f32 v48, v2;
	v48 =	vmul.f32 v49, v41;
	v61 =	vmul.f32 v56, v19  }
0xf4: {  	v63 =	vmul.f32 v50, v42;
	v59 =	vadd.f32 v60, v59;
	v60 =	vmul.f32 v50, v33  }
0xf5: {  	v49 =	vmul.f32 v54, v26;
	v2 =	vadd.f32 v48, v2;
	v52 =	vadd.f32 v62, v52  }
0xf6: {  	v62 =	vmul.f32 v55, v27;
	v50 =	vadd.f32 v60, v59;
	v60 =	vmul.f32 v53, v34  }
0xf7: {  	v2 =	vadd.f32 v63, v2;
	v63 =	vmul.f32 v53, v43;
	v49 =	vadd.f32 v49, v52  }
0xf8: {  	v53 =	vadd.f32 v61, v58;
	v50 =	vadd.f32 v60, v50;
	v60 =	vmul.f32 v54, v35  }
0xf9: {  	v2 =	vadd.f32 v63, v2;
	v61 =	vmul.f32 v54, v44;
	v63 =	vmul.f32 v55, v36  }
0xfa: {  	v49 =	vadd.f32 v62, v49;
	v62 =	vmul.f32 v56, v28;
	v50 =	vadd.f32 v60, v50  }
0xfb: {  	v58 =	vmul.f32 v57, v20;
	v2 =	vadd.f32 v61, v2;
	v60 =	vmul.f32 v55, v45  }
0xfc: {  	v61 =	vmul.f32 v56, v37;
	v49 =	vadd.f32 v62, v49;
	v50 =	vadd.f32 v63, v50  }
0xfd: {  	v62 =	vmul.f32 v57, v29;
	v2 =	vadd.f32 v60, v2;
	v63 =	vmul.f32 v56, v46  }
0xfe: {  	s7 =	sadd.s32 $0x10000, s7;
	v53 =	vadd.f32 v58, v53;
	v56 =	vmul.f32 v57, v38;
	v50 =	vadd.f32 v61, v50  }
0xff: {  	[tilespmem:s7+$0x80] =	vst v51;
	v49 =	vadd.f32 v62, v49;
	v57 =	vmul.f32 v57, v47;
	v2 =	vadd.f32 v63, v2  }
0x100: {  	[tilespmem:s15+$0x10C80] =	vst v53;
	v50 =	vadd.f32 v56, v50  }
0x101: {  	[tilespmem:s15+$0x11880] =	vst v49;
	v2 =	vadd.f32 v57, v2  }
0x102: {  	[tilespmem:s15+$0x12480] =	vst v50  }
0x103: {  	[tilespmem:s15+$0x13080] =	vst v2  }
0x104: {  	v2 =	vld [tilespmem:s3+$0x1100]  }
0x105: {  	v48 =	vld [tilespmem:s3+$0x1300];
	_ =	sdelay $0x1  }
0x106: {  	v49 =	vld [tilespmem:s3+$0x2900];
	_ =	sdelay $0x1  }
0x107: {  	v50 =	vld [tilespmem:s3+$0x2B00]  }
0x108: {  	v58 =	vmul.f32 v2, v3;
	v59 =	vmul.f32 v48, v4  }
0x109: {  	v53 =	vld [tilespmem:s3+$0x4100]  }
0x10a: {  	v60 =	vmul.f32 v49, v5;
	v51 =	vadd.f32 v59, v58  }
0x10b: {  	v54 =	vld [tilespmem:s3+$0x4300]  }
0x10c: {  	v61 =	vmul.f32 v50, v6;
	v51 =	vadd.f32 v60, v51  }
0x10d: {  	v55 =	vld [tilespmem:s3+$0x5900]  }
0x10e: {  	v62 =	vmul.f32 v53, v7;
	v51 =	vadd.f32 v61, v51  }
0x10f: {  	v56 =	vld [tilespmem:s3+$0x5B00];
	v60 =	vmul.f32 v2, v12;
	v61 =	vmul.f32 v48, v13  }
0x110: {  	v57 =	vld [tilespmem:s3+$0x7100];
	v63 =	vmul.f32 v54, v8;
	v51 =	vadd.f32 v62, v51  }
0x111: {  	v59 =	vmul.f32 v49, v14;
	v58 =	vadd.f32 v61, v60  }
0x112: {  	v62 =	vmul.f32 v55, v9;
	v51 =	vadd.f32 v63, v51  }
0x113: {  	v58 =	vadd.f32 v59, v58;
	v59 =	vmul.f32 v50, v15  }
0x114: {  	v52 =	vmul.f32 v56, v10;
	v51 =	vadd.f32 v62, v51  }
0x115: {  	v60 =	vmul.f32 v57, v11;
	v58 =	vadd.f32 v59, v58;
	v59 =	vmul.f32 v53, v16  }
0x116: {  	v61 =	vmul.f32 v48, v22;
	v51 =	vadd.f32 v52, v51;
	v52 =	vmul.f32 v2, v21  }
0x117: {  	v63 =	vmul.f32 v48, v31;
	v58 =	vadd.f32 v59, v58;
	v59 =	vmul.f32 v54, v17  }
0x118: {  	v51 =	vadd.f32 v60, v51;
	v52 =	vadd.f32 v61, v52;
	v60 =	vmul.f32 v49, v23  }
0x119: {  	v48 =	vmul.f32 v48, v40;
	v61 =	vmul.f32 v55, v18;
	v58 =	vadd.f32 v59, v58  }
0x11a: {  	v59 =	vmul.f32 v2, v30;
	v52 =	vadd.f32 v60, v52;
	v60 =	vmul.f32 v50, v24  }
0x11b: {  	v62 =	vmul.f32 v53, v25;
	v2 =	vmul.f32 v2, v39;
	v58 =	vadd.f32 v61, v58  }
0x11c: {  	v59 =	vadd.f32 v63, v59;
	v52 =	vadd.f32 v60, v52;
	v60 =	vmul.f32 v49, v32  }
0x11d: {  	v2 =	vadd.f32 v48, v2;
	v48 =	vmul.f32 v49, v41;
	v61 =	vmul.f32 v56, v19  }
0x11e: {  	v63 =	vmul.f32 v50, v42;
	v59 =	vadd.f32 v60, v59;
	v60 =	vmul.f32 v50, v33  }
0x11f: {  	v49 =	vmul.f32 v54, v26;
	v2 =	vadd.f32 v48, v2;
	v52 =	vadd.f32 v62, v52  }
0x120: {  	v62 =	vmul.f32 v55, v27;
	v50 =	vadd.f32 v60, v59;
	v60 =	vmul.f32 v53, v34  }
0x121: {  	v2 =	vadd.f32 v63, v2;
	v63 =	vmul.f32 v53, v43;
	v49 =	vadd.f32 v49, v52  }
0x122: {  	v53 =	vadd.f32 v61, v58;
	v58 =	vmul.f32 v54, v35;
	v50 =	vadd.f32 v60, v50  }
0x123: {  	v2 =	vadd.f32 v63, v2;
	v61 =	vmul.f32 v56, v28;
	v60 =	vmul.f32 v54, v44  }
0x124: {  	v49 =	vadd.f32 v62, v49;
	v62 =	vmul.f32 v55, v36;
	v50 =	vadd.f32 v58, v50  }
0x125: {  	v63 =	vmul.f32 v57, v20;
	v59 =	vmul.f32 v55, v45;
	v2 =	vadd.f32 v60, v2  }
0x126: {  	v49 =	vadd.f32 v61, v49;
	v60 =	vmul.f32 v56, v37;
	v50 =	vadd.f32 v62, v50  }
0x127: {  	v61 =	vmul.f32 v57, v29;
	v2 =	vadd.f32 v59, v2;
	v62 =	vmul.f32 v56, v46  }
0x128: {  	v53 =	vadd.f32 v63, v53;
	v63 =	vmul.f32 v57, v38;
	v50 =	vadd.f32 v60, v50  }
0x129: {  	[tilespmem:s7+$0x100] =	vst v51;
	v49 =	vadd.f32 v61, v49;
	v56 =	vmul.f32 v57, v47;
	v2 =	vadd.f32 v62, v2  }
0x12a: {  	[tilespmem:s15+$0x10D00] =	vst v53;
	v50 =	vadd.f32 v63, v50  }
0x12b: {  	[tilespmem:s15+$0x11900] =	vst v49;
	v2 =	vadd.f32 v56, v2  }
0x12c: {  	[tilespmem:s15+$0x12500] =	vst v50  }
0x12d: {  	[tilespmem:s15+$0x13100] =	vst v2  }
0x12e: {  	v2 =	vld [tilespmem:s3+$0x1180]  }
0x12f: {  	v48 =	vld [tilespmem:s3+$0x1380];
	_ =	sdelay $0x1  }
0x130: {  	v49 =	vld [tilespmem:s3+$0x2980];
	_ =	sdelay $0x1  }
0x131: {  	v50 =	vld [tilespmem:s3+$0x2B80]  }
0x132: {  	v53 =	vld [tilespmem:s3+$0x4180];
	v57 =	vmul.f32 v2, v3;
	v58 =	vmul.f32 v48, v4;
	_ =	sdelay $0x1  }
0x133: {  	v54 =	vld [tilespmem:s3+$0x4380];
	v59 =	vmul.f32 v49, v5;
	v51 =	vadd.f32 v58, v57;
	_ =	sdelay $0x1  }
0x134: {  	v60 =	vmul.f32 v50, v6;
	v51 =	vadd.f32 v59, v51  }
0x135: {  	v55 =	vld [tilespmem:s3+$0x5980];
	v61 =	vmul.f32 v53, v7  }
0x136: {  	v63 =	vmul.f32 v2, v12;
	v51 =	vadd.f32 v60, v51;
	v60 =	vmul.f32 v48, v13  }
0x137: {  	v56 =	vld [tilespmem:s3+$0x5B80];
	v62 =	vmul.f32 v54, v8  }
0x138: {  	v58 =	vmul.f32 v49, v14;
	v51 =	vadd.f32 v61, v51;
	v57 =	vadd.f32 v60, v63  }
0x139: {  	v52 =	vmul.f32 v2, v21;
	v59 =	vld [tilespmem:s3+$0x7180];
	v60 =	vmul.f32 v48, v22  }
0x13a: {  	v61 =	vmul.f32 v55, v9;
	v51 =	vadd.f32 v62, v51;
	v57 =	vadd.f32 v58, v57  }
0x13b: {  	v58 =	vmul.f32 v50, v15;
	v52 =	vadd.f32 v60, v52;
	v60 =	vmul.f32 v49, v23  }
0x13c: {  	v51 =	vadd.f32 v61, v51;
	v61 =	vmul.f32 v56, v10  }
0x13d: {  	v57 =	vadd.f32 v58, v57;
	v58 =	vmul.f32 v53, v16;
	v52 =	vadd.f32 v60, v52  }
0x13e: {  	v60 =	vmul.f32 v50, v24;
	v51 =	vadd.f32 v61, v51;
	v61 =	vmul.f32 v59, v11  }
0x13f: {  	v57 =	vadd.f32 v58, v57;
	v58 =	vmul.f32 v54, v17  }
0x140: {  	v52 =	vadd.f32 v60, v52;
	v60 =	vmul.f32 v53, v25;
	v51 =	vadd.f32 v61, v51  }
0x141: {  	v57 =	vadd.f32 v58, v57;
	v58 =	vmul.f32 v2, v30;
	v61 =	vmul.f32 v48, v31  }
0x142: {  	v52 =	vadd.f32 v60, v52;
	v2 =	vmul.f32 v2, v39;
	v48 =	vmul.f32 v48, v40  }
0x143: {  	v60 =	vmul.f32 v55, v18;
	v58 =	vadd.f32 v61, v58;
	v61 =	vmul.f32 v49, v32  }
0x144: {  	v2 =	vadd.f32 v48, v2;
	v48 =	vmul.f32 v54, v26;
	v49 =	vmul.f32 v49, v41  }
0x145: {  	v57 =	vadd.f32 v60, v57;
	v60 =	vmul.f32 v50, v33;
	v58 =	vadd.f32 v61, v58  }
0x146: {  	v63 =	vmul.f32 v56, v19;
	v62 =	vmul.f32 v50, v42;
	v2 =	vadd.f32 v49, v2  }
0x147: {  	v48 =	vadd.f32 v48, v52;
	v61 =	vmul.f32 v53, v34;
	v60 =	vadd.f32 v60, v58  }
0x148: {  	v53 =	vmul.f32 v53, v43;
	v50 =	vadd.f32 v63, v57;
	v2 =	vadd.f32 v62, v2  }
0x149: {  	v63 =	vmul.f32 v54, v35;
	v62 =	vmul.f32 v55, v27;
	v52 =	vadd.f32 v61, v60  }
0x14a: {  	v57 =	vmul.f32 v59, v29;
	v58 =	vmul.f32 v54, v44;
	v2 =	vadd.f32 v53, v2  }
0x14b: {  	v48 =	vadd.f32 v62, v48;
	v61 =	vmul.f32 v55, v36;
	v52 =	vadd.f32 v63, v52  }
0x14c: {  	v60 =	vmul.f32 v56, v28;
	v55 =	vmul.f32 v55, v45;
	v2 =	vadd.f32 v58, v2  }
0x14d: {  	v62 =	vmul.f32 v59, v20;
	v63 =	vmul.f32 v56, v37;
	v52 =	vadd.f32 v61, v52  }
0x14e: {  	v48 =	vadd.f32 v60, v48;
	v58 =	vmul.f32 v56, v46;
	v2 =	vadd.f32 v55, v2  }
0x14f: {  	p0 =	sne.s32 s2, $0x2F;
	v49 =	vadd.f32 v62, v50;
	v61 =	vmul.f32 v59, v38;
	v60 =	vadd.f32 v63, v52  }
.Ltmp0:
0x150: {  	[tilespmem:s7+$0x180] =	vst v51;
	v62 =	vmul.f32 v59, v47;
	v48 =	vadd.f32 v57, v48;
	v2 =	vadd.f32 v58, v2;
	(pc) =	sbr.rel @p0 .LBB2_3-.Ltmp0, $4  }
0x151: {  	[tilespmem:s15+$0x10D80] =	vst v49;
	v63 =	vadd.f32 v61, v60  }
0x152: {  	[tilespmem:s15+$0x11980] =	vst v48;
	v2 =	vadd.f32 v62, v2  }
0x153: {  	[tilespmem:s15+$0x12580] =	vst v63  }
0x154: {  	s31 =	sadd.s32 $0x40, s31;
	s30 =	sadd.s32 $0x10, s30;
	s2 =	sadd.s32 $0x1, s2;
	[tilespmem:s15+$0x13180] =	vst v2  }
0x155: {  	s2 =	sadd.s32 s6, s28  }
0x156: {  	_ =	swait.ge [sflag:s23], $0x7800;
	s30 =	smul.u32 $0xF00, s2  }
0x157: {  	[sflag:s23] =	ssyncset.done $0x0  }
0x158: {  	[sflag:s23] =	ssyncadd.s32 $0xFFFF8800;
	s2 =	sadd.s32 s5, s30  }
0x159: {  	[hbm4b:s2+s24] =	stream.strided.scatter [tilespmem:s26], [sflag:$0x3], $0x3C00, s25, s24, $0x38;
	[tilespmem:$0x15400] =	vst v63  }
0x15a: {  	_ =	swait.ge [sflag:s14], $0x3C00  }
0x15b: {  	[sflag:s14] =	ssyncset.done $0x0  }
0x15c: {  	[sflag:s14] =	ssyncadd.s32 $0xFFFFC400  }
0x15d: {  	v2 =	vld [tilespmem:s29+$0x100];
	_ =	sdelay $0x4  }
0x15e: {  	v48 =	vshrl.u32 v2, $0x3  }
0x15f: {  	v48 =	vmul.u32 $0x30, v48  }
0x160: {  	v2 =	vand.u32 $0x7, v2  }
0x161: {  	v2 =	vor.u32 v2, v48  }
0x162: {  	v48 =	vperm.xlane v2, v0  }
0x163: {  	v49 =	vld [tilespmem:$0x1FFF0]  }
0x164: {  	v48 =	vadd.s32 v1, v48;
	_ =	sdelay $0x3  }
0x165: {  	s31 =	simm.s32 $0x0;
	s7 =	simm.s32 $0x1000;
	v2 =	vperm.xlane v2, v49  }
0x166: {  	[tilespmem:s7], [sflag:$0x1] =	stream.indirect_vreg.gather [hbm4b:s1+s31], $0x80, v48, vm0, $0xb8;
	[tilespmem:$0x15400] =	vst v63  }
0x167: {  	s11 =	simm.s32 $0x1800;
	v2 =	vadd.s32 v1, v2  }
0x168: {  	[tilespmem:s11], [sflag:$0x1] =	stream.indirect_vreg.gather [hbm4b:s8+s31], $0x80, v48, vm0, $0xb8;
	[tilespmem:$0x15400] =	vst v63  }
0x169: {  	s15 =	simm.s32 $0x2000  }
0x16a: {  	[tilespmem:s15], [sflag:$0x1] =	stream.indirect_vreg.gather [hbm4b:s9+s31], $0x80, v48, vm0, $0xb8;
	[tilespmem:$0x15400] =	vst v63  }
0x16b: {  	s3 =	simm.s32 $0x2800  }
0x16c: {  	[tilespmem:s3], [sflag:$0x1] =	stream.indirect_vreg.gather [hbm4b:s1+s31], $0x80, v2, vm0, $0xb8;
	[tilespmem:$0x15400] =	vst v63  }
0x16d: {  	s7 =	simm.s32 $0x3000  }
0x16e: {  	[tilespmem:s7], [sflag:$0x1] =	stream.indirect_vreg.gather [hbm4b:s8+s31], $0x80, v2, vm0, $0xb8;
	[tilespmem:$0x15400] =	vst v63  }
0x16f: {  	s11 =	simm.s32 $0x3800  }
0x170: {  	[tilespmem:s11], [sflag:$0x1] =	stream.indirect_vreg.gather [hbm4b:s9+s31], $0x80, v2, vm0, $0xb8;
	[tilespmem:$0x15400] =	vst v63  }
0x171: {  	v2 =	vld [tilespmem:s29+$0x110];
	_ =	sdelay $0x4  }
0x172: {  	v62 =	vshrl.u32 v2, $0x3  }
0x173: {  	v48 =	vmul.u32 $0x30, v62  }
0x174: {  	v2 =	vand.u32 $0x7, v2  }
0x175: {  	v2 =	vor.u32 v2, v48  }
0x176: {  	v48 =	vperm.xlane v2, v0;
	_ =	sdelay $0x1  }
0x177: {  	v48 =	vadd.s32 v1, v48;
	_ =	sdelay $0x3  }
0x178: {  	s15 =	simm.s32 $0x4000;
	v2 =	vperm.xlane v2, v49  }
0x179: {  	[tilespmem:s15], [sflag:$0x1] =	stream.indirect_vreg.gather [hbm4b:s1+s31], $0x80, v48, vm0, $0xb8;
	[tilespmem:$0x15400] =	vst v63  }
0x17a: {  	s3 =	simm.s32 $0x4800;
	v2 =	vadd.s32 v1, v2  }
0x17b: {  	[tilespmem:s3], [sflag:$0x1] =	stream.indirect_vreg.gather [hbm4b:s8+s31], $0x80, v48, vm0, $0xb8;
	[tilespmem:$0x15400] =	vst v63  }
0x17c: {  	s7 =	simm.s32 $0x5000  }
0x17d: {  	[tilespmem:s7], [sflag:$0x1] =	stream.indirect_vreg.gather [hbm4b:s9+s31], $0x80, v48, vm0, $0xb8;
	[tilespmem:$0x15400] =	vst v63  }
0x17e: {  	s11 =	simm.s32 $0x5800  }
0x17f: {  	[tilespmem:s11], [sflag:$0x1] =	stream.indirect_vreg.gather [hbm4b:s1+s31], $0x80, v2, vm0, $0xb8;
	[tilespmem:$0x15400] =	vst v63  }
0x180: {  	s15 =	simm.s32 $0x6000  }
0x181: {  	[tilespmem:s15], [sflag:$0x1] =	stream.indirect_vreg.gather [hbm4b:s8+s31], $0x80, v2, vm0, $0xb8;
	[tilespmem:$0x15400] =	vst v63  }
0x182: {  	s3 =	simm.s32 $0x6800  }
0x183: {  	[tilespmem:s3], [sflag:$0x1] =	stream.indirect_vreg.gather [hbm4b:s9+s31], $0x80, v2, vm0, $0xb8;
	[tilespmem:$0x15400] =	vst v63  }
0x184: {  	v2 =	vld.msk [tilespmem:s29+$0x120], $0xff;
	_ =	sdelay $0x4  }
0x185: {  	v63 =	vshrl.u32 v2, $0x3  }
0x186: {  	v48 =	vmul.u32 $0x30, v63  }
0x187: {  	v2 =	vand.u32 $0x7, v2  }
0x188: {  	v2 =	vor.u32 v2, v48  }
0x189: {  	v2 =	vperm.xlane v2, v0;
	_ =	sdelay $0x1  }
0x18a: {  	v2 =	vadd.s32 v1, v2;
	_ =	sdelay $0x3  }
0x18b: {  	s7 =	simm.s32 $0x7000  }
0x18c: {  	[tilespmem:s7], [sflag:$0x1] =	stream.indirect_vreg.gather [hbm4b:s1+s31], $0x80, v2, vm0, $0xb8;
	[tilespmem:$0x15400] =	vst v63  }
0x18d: {  	s11 =	simm.s32 $0x7800  }
0x18e: {  	[tilespmem:s11], [sflag:$0x1] =	stream.indirect_vreg.gather [hbm4b:s8+s31], $0x80, v2, vm0, $0xb8;
	[tilespmem:$0x15400] =	vst v63  }
0x18f: {  	s2 =	simm.s32 $0x0;
	s15 =	simm.s32 $0x8000;
	s29 =	simm.s32 $0x0  }
0x190: {  	[tilespmem:s15], [sflag:$0x1] =	stream.indirect_vreg.gather [hbm4b:s9+s31], $0x80, v2, vm0, $0xb8;
	[tilespmem:$0x15400] =	vst v63  }
.LBB2_5:
0x191: {  	s3 =	sshll.u32 s2, $0x7  }
0x192: {  	s15 =	sand.u32 $0x70, s31;
	s3 =	sand.u32 $0x3FFFFC00, s3  }
0x193: {  	s3 =	sor.u32 s15, s3  }
0x194: {  	v2 =	vld [tilespmem:s3+$0x8800]  }
0x195: {  	v48 =	vld [tilespmem:s3+$0x8A00];
	_ =	sdelay $0x1  }
0x196: {  	v49 =	vld [tilespmem:s3+$0xA000];
	_ =	sdelay $0x1  }
0x197: {  	v50 =	vld [tilespmem:s3+$0xA200]  }
0x198: {  	v51 =	vmul.f32 v2, v3;
	v52 =	vmul.f32 v48, v4  }
0x199: {  	v53 =	vld [tilespmem:s3+$0xB800]  }
0x19a: {  	v58 =	vmul.f32 v49, v5;
	v51 =	vadd.f32 v52, v51  }
0x19b: {  	v54 =	vld [tilespmem:s3+$0xBA00]  }
0x19c: {  	v59 =	vmul.f32 v50, v6;
	v51 =	vadd.f32 v58, v51  }
0x19d: {  	v55 =	vld [tilespmem:s3+$0xD000]  }
0x19e: {  	v60 =	vmul.f32 v53, v7;
	v51 =	vadd.f32 v59, v51  }
0x19f: {  	v56 =	vld [tilespmem:s3+$0xD200];
	v58 =	vmul.f32 v2, v12;
	v59 =	vmul.f32 v48, v13  }
0x1a0: {  	v57 =	vld [tilespmem:s3+$0xE800];
	v61 =	vmul.f32 v54, v8;
	v51 =	vadd.f32 v60, v51  }
0x1a1: {  	v58 =	vadd.f32 v59, v58;
	v59 =	vmul.f32 v49, v14  }
0x1a2: {  	v62 =	vmul.f32 v55, v9;
	v51 =	vadd.f32 v61, v51  }
0x1a3: {  	v58 =	vadd.f32 v59, v58;
	v59 =	vmul.f32 v50, v15  }
0x1a4: {  	v52 =	vmul.f32 v56, v10;
	v51 =	vadd.f32 v62, v51  }
0x1a5: {  	v60 =	vmul.f32 v57, v11;
	v58 =	vadd.f32 v59, v58;
	v59 =	vmul.f32 v53, v16  }
0x1a6: {  	v61 =	vmul.f32 v48, v22;
	v51 =	vadd.f32 v52, v51;
	v52 =	vmul.f32 v2, v21  }
0x1a7: {  	v63 =	vmul.f32 v48, v31;
	v58 =	vadd.f32 v59, v58;
	v59 =	vmul.f32 v54, v17  }
0x1a8: {  	v51 =	vadd.f32 v60, v51;
	v52 =	vadd.f32 v61, v52;
	v60 =	vmul.f32 v49, v23  }
0x1a9: {  	v48 =	vmul.f32 v48, v40;
	v61 =	vmul.f32 v55, v18;
	v58 =	vadd.f32 v59, v58  }
0x1aa: {  	v59 =	vmul.f32 v2, v30;
	v52 =	vadd.f32 v60, v52;
	v60 =	vmul.f32 v50, v24  }
0x1ab: {  	v62 =	vmul.f32 v53, v25;
	v2 =	vmul.f32 v2, v39;
	v58 =	vadd.f32 v61, v58  }
0x1ac: {  	v59 =	vadd.f32 v63, v59;
	v52 =	vadd.f32 v60, v52;
	v60 =	vmul.f32 v49, v32  }
0x1ad: {  	v2 =	vadd.f32 v48, v2;
	v48 =	vmul.f32 v49, v41;
	v61 =	vmul.f32 v56, v19  }
0x1ae: {  	v63 =	vmul.f32 v50, v42;
	v59 =	vadd.f32 v60, v59;
	v60 =	vmul.f32 v50, v33  }
0x1af: {  	v49 =	vmul.f32 v54, v26;
	v2 =	vadd.f32 v48, v2;
	v52 =	vadd.f32 v62, v52  }
0x1b0: {  	v62 =	vmul.f32 v55, v27;
	v50 =	vadd.f32 v60, v59;
	v60 =	vmul.f32 v53, v34  }
0x1b1: {  	v2 =	vadd.f32 v63, v2;
	v63 =	vmul.f32 v53, v43;
	v49 =	vadd.f32 v49, v52  }
0x1b2: {  	v53 =	vadd.f32 v61, v58;
	v50 =	vadd.f32 v60, v50;
	v60 =	vmul.f32 v54, v35  }
0x1b3: {  	v2 =	vadd.f32 v63, v2;
	v61 =	vmul.f32 v54, v44;
	v63 =	vmul.f32 v55, v36  }
0x1b4: {  	v49 =	vadd.f32 v62, v49;
	v62 =	vmul.f32 v56, v28;
	v50 =	vadd.f32 v60, v50  }
0x1b5: {  	v58 =	vmul.f32 v57, v20;
	v2 =	vadd.f32 v61, v2;
	v60 =	vmul.f32 v55, v45  }
0x1b6: {  	s7 =	sshll.u32 s2, $0x6;
	v61 =	vmul.f32 v56, v37;
	v49 =	vadd.f32 v62, v49;
	v50 =	vadd.f32 v63, v50  }
0x1b7: {  	s7 =	sand.u32 $0x3FFFFE00, s7;
	v62 =	vmul.f32 v57, v29;
	v2 =	vadd.f32 v60, v2;
	v63 =	vmul.f32 v56, v46  }
0x1b8: {  	s11 =	sand.u32 $0xE00, s29;
	s7 =	sor.u32 s15, s7;
	v53 =	vadd.f32 v58, v53;
	v56 =	vmul.f32 v57, v38;
	v50 =	vadd.f32 v61, v50  }
0x1b9: {  	s15 =	sor.u32 s15, s11;
	[tilespmem:s7+$0x10000] =	vst v51;
	v49 =	vadd.f32 v62, v49;
	v57 =	vmul.f32 v57, v47;
	v2 =	vadd.f32 v63, v2  }
0x1ba: {  	[tilespmem:s15+$0x10C00] =	vst v53;
	v50 =	vadd.f32 v56, v50  }
0x1bb: {  	[tilespmem:s15+$0x11800] =	vst v49;
	v2 =	vadd.f32 v57, v2  }
0x1bc: {  	[tilespmem:s15+$0x12400] =	vst v50  }
0x1bd: {  	[tilespmem:s15+$0x13000] =	vst v2  }
0x1be: {  	v2 =	vld [tilespmem:s3+$0x8880]  }
0x1bf: {  	v48 =	vld [tilespmem:s3+$0x8A80];
	_ =	sdelay $0x1  }
0x1c0: {  	v49 =	vld [tilespmem:s3+$0xA080];
	_ =	sdelay $0x1  }
0x1c1: {  	v50 =	vld [tilespmem:s3+$0xA280]  }
0x1c2: {  	v58 =	vmul.f32 v2, v3;
	v59 =	vmul.f32 v48, v4  }
0x1c3: {  	v53 =	vld [tilespmem:s3+$0xB880]  }
0x1c4: {  	v60 =	vmul.f32 v49, v5;
	v51 =	vadd.f32 v59, v58  }
0x1c5: {  	v54 =	vld [tilespmem:s3+$0xBA80]  }
0x1c6: {  	v61 =	vmul.f32 v50, v6;
	v51 =	vadd.f32 v60, v51  }
0x1c7: {  	v55 =	vld [tilespmem:s3+$0xD080]  }
0x1c8: {  	v62 =	vmul.f32 v53, v7;
	v51 =	vadd.f32 v61, v51  }
0x1c9: {  	v56 =	vld [tilespmem:s3+$0xD280];
	v60 =	vmul.f32 v2, v12;
	v61 =	vmul.f32 v48, v13  }
0x1ca: {  	v57 =	vld [tilespmem:s3+$0xE880];
	v63 =	vmul.f32 v54, v8;
	v51 =	vadd.f32 v62, v51  }
0x1cb: {  	v59 =	vmul.f32 v49, v14;
	v58 =	vadd.f32 v61, v60  }
0x1cc: {  	v62 =	vmul.f32 v55, v9;
	v51 =	vadd.f32 v63, v51  }
0x1cd: {  	v58 =	vadd.f32 v59, v58;
	v59 =	vmul.f32 v50, v15  }
0x1ce: {  	v52 =	vmul.f32 v56, v10;
	v51 =	vadd.f32 v62, v51  }
0x1cf: {  	v60 =	vmul.f32 v57, v11;
	v58 =	vadd.f32 v59, v58;
	v59 =	vmul.f32 v53, v16  }
0x1d0: {  	v61 =	vmul.f32 v48, v22;
	v51 =	vadd.f32 v52, v51;
	v52 =	vmul.f32 v2, v21  }
0x1d1: {  	v63 =	vmul.f32 v48, v31;
	v58 =	vadd.f32 v59, v58;
	v59 =	vmul.f32 v54, v17  }
0x1d2: {  	v51 =	vadd.f32 v60, v51;
	v52 =	vadd.f32 v61, v52;
	v60 =	vmul.f32 v49, v23  }
0x1d3: {  	v48 =	vmul.f32 v48, v40;
	v61 =	vmul.f32 v55, v18;
	v58 =	vadd.f32 v59, v58  }
0x1d4: {  	v59 =	vmul.f32 v2, v30;
	v52 =	vadd.f32 v60, v52;
	v60 =	vmul.f32 v50, v24  }
0x1d5: {  	v62 =	vmul.f32 v53, v25;
	v2 =	vmul.f32 v2, v39;
	v58 =	vadd.f32 v61, v58  }
0x1d6: {  	v59 =	vadd.f32 v63, v59;
	v52 =	vadd.f32 v60, v52;
	v60 =	vmul.f32 v49, v32  }
0x1d7: {  	v2 =	vadd.f32 v48, v2;
	v48 =	vmul.f32 v49, v41;
	v61 =	vmul.f32 v56, v19  }
0x1d8: {  	v63 =	vmul.f32 v50, v42;
	v59 =	vadd.f32 v60, v59;
	v60 =	vmul.f32 v50, v33  }
0x1d9: {  	v49 =	vmul.f32 v54, v26;
	v2 =	vadd.f32 v48, v2;
	v52 =	vadd.f32 v62, v52  }
0x1da: {  	v62 =	vmul.f32 v55, v27;
	v50 =	vadd.f32 v60, v59;
	v60 =	vmul.f32 v53, v34  }
0x1db: {  	v2 =	vadd.f32 v63, v2;
	v63 =	vmul.f32 v53, v43;
	v49 =	vadd.f32 v49, v52  }
0x1dc: {  	v53 =	vadd.f32 v61, v58;
	v50 =	vadd.f32 v60, v50;
	v60 =	vmul.f32 v54, v35  }
0x1dd: {  	v2 =	vadd.f32 v63, v2;
	v61 =	vmul.f32 v54, v44;
	v63 =	vmul.f32 v55, v36  }
0x1de: {  	v49 =	vadd.f32 v62, v49;
	v62 =	vmul.f32 v56, v28;
	v50 =	vadd.f32 v60, v50  }
0x1df: {  	v58 =	vmul.f32 v57, v20;
	v2 =	vadd.f32 v61, v2;
	v60 =	vmul.f32 v55, v45  }
0x1e0: {  	v61 =	vmul.f32 v56, v37;
	v49 =	vadd.f32 v62, v49;
	v50 =	vadd.f32 v63, v50  }
0x1e1: {  	v62 =	vmul.f32 v57, v29;
	v2 =	vadd.f32 v60, v2;
	v63 =	vmul.f32 v56, v46  }
0x1e2: {  	s7 =	sadd.s32 $0x10000, s7;
	v53 =	vadd.f32 v58, v53;
	v56 =	vmul.f32 v57, v38;
	v50 =	vadd.f32 v61, v50  }
0x1e3: {  	[tilespmem:s7+$0x80] =	vst v51;
	v49 =	vadd.f32 v62, v49;
	v57 =	vmul.f32 v57, v47;
	v2 =	vadd.f32 v63, v2  }
0x1e4: {  	[tilespmem:s15+$0x10C80] =	vst v53;
	v50 =	vadd.f32 v56, v50  }
0x1e5: {  	[tilespmem:s15+$0x11880] =	vst v49;
	v2 =	vadd.f32 v57, v2  }
0x1e6: {  	[tilespmem:s15+$0x12480] =	vst v50  }
0x1e7: {  	[tilespmem:s15+$0x13080] =	vst v2  }
0x1e8: {  	v2 =	vld [tilespmem:s3+$0x8900]  }
0x1e9: {  	v48 =	vld [tilespmem:s3+$0x8B00];
	_ =	sdelay $0x1  }
0x1ea: {  	v49 =	vld [tilespmem:s3+$0xA100];
	_ =	sdelay $0x1  }
0x1eb: {  	v50 =	vld [tilespmem:s3+$0xA300]  }
0x1ec: {  	v58 =	vmul.f32 v2, v3;
	v59 =	vmul.f32 v48, v4  }
0x1ed: {  	v53 =	vld [tilespmem:s3+$0xB900]  }
0x1ee: {  	v60 =	vmul.f32 v49, v5;
	v51 =	vadd.f32 v59, v58  }
0x1ef: {  	v54 =	vld [tilespmem:s3+$0xBB00]  }
0x1f0: {  	v61 =	vmul.f32 v50, v6;
	v51 =	vadd.f32 v60, v51  }
0x1f1: {  	v55 =	vld [tilespmem:s3+$0xD100]  }
0x1f2: {  	v62 =	vmul.f32 v53, v7;
	v51 =	vadd.f32 v61, v51  }
0x1f3: {  	v56 =	vld [tilespmem:s3+$0xD300];
	v60 =	vmul.f32 v2, v12;
	v61 =	vmul.f32 v48, v13  }
0x1f4: {  	v57 =	vld [tilespmem:s3+$0xE900];
	v63 =	vmul.f32 v54, v8;
	v51 =	vadd.f32 v62, v51  }
0x1f5: {  	v59 =	vmul.f32 v49, v14;
	v58 =	vadd.f32 v61, v60  }
0x1f6: {  	v62 =	vmul.f32 v55, v9;
	v51 =	vadd.f32 v63, v51  }
0x1f7: {  	v58 =	vadd.f32 v59, v58;
	v59 =	vmul.f32 v50, v15  }
0x1f8: {  	v52 =	vmul.f32 v56, v10;
	v51 =	vadd.f32 v62, v51  }
0x1f9: {  	v60 =	vmul.f32 v57, v11;
	v58 =	vadd.f32 v59, v58;
	v59 =	vmul.f32 v53, v16  }
0x1fa: {  	v61 =	vmul.f32 v48, v22;
	v51 =	vadd.f32 v52, v51;
	v52 =	vmul.f32 v2, v21  }
0x1fb: {  	v63 =	vmul.f32 v48, v31;
	v58 =	vadd.f32 v59, v58;
	v59 =	vmul.f32 v54, v17  }
0x1fc: {  	v51 =	vadd.f32 v60, v51;
	v52 =	vadd.f32 v61, v52;
	v60 =	vmul.f32 v49, v23  }
0x1fd: {  	v48 =	vmul.f32 v48, v40;
	v61 =	vmul.f32 v55, v18;
	v58 =	vadd.f32 v59, v58  }
0x1fe: {  	v59 =	vmul.f32 v2, v30;
	v52 =	vadd.f32 v60, v52;
	v60 =	vmul.f32 v50, v24  }
0x1ff: {  	v62 =	vmul.f32 v53, v25;
	v2 =	vmul.f32 v2, v39;
	v58 =	vadd.f32 v61, v58  }
0x200: {  	v59 =	vadd.f32 v63, v59;
	v52 =	vadd.f32 v60, v52;
	v60 =	vmul.f32 v49, v32  }
0x201: {  	v2 =	vadd.f32 v48, v2;
	v48 =	vmul.f32 v49, v41;
	v61 =	vmul.f32 v56, v19  }
0x202: {  	v63 =	vmul.f32 v50, v42;
	v59 =	vadd.f32 v60, v59;
	v60 =	vmul.f32 v50, v33  }
0x203: {  	v49 =	vmul.f32 v54, v26;
	v2 =	vadd.f32 v48, v2;
	v52 =	vadd.f32 v62, v52  }
0x204: {  	v62 =	vmul.f32 v55, v27;
	v50 =	vadd.f32 v60, v59;
	v60 =	vmul.f32 v53, v34  }
0x205: {  	v2 =	vadd.f32 v63, v2;
	v63 =	vmul.f32 v53, v43;
	v49 =	vadd.f32 v49, v52  }
0x206: {  	v53 =	vadd.f32 v61, v58;
	v58 =	vmul.f32 v54, v35;
	v50 =	vadd.f32 v60, v50  }
0x207: {  	v2 =	vadd.f32 v63, v2;
	v61 =	vmul.f32 v56, v28;
	v60 =	vmul.f32 v54, v44  }
0x208: {  	v49 =	vadd.f32 v62, v49;
	v62 =	vmul.f32 v55, v36;
	v50 =	vadd.f32 v58, v50  }
0x209: {  	v63 =	vmul.f32 v57, v20;
	v59 =	vmul.f32 v55, v45;
	v2 =	vadd.f32 v60, v2  }
0x20a: {  	v49 =	vadd.f32 v61, v49;
	v60 =	vmul.f32 v56, v37;
	v50 =	vadd.f32 v62, v50  }
0x20b: {  	v61 =	vmul.f32 v57, v29;
	v2 =	vadd.f32 v59, v2;
	v62 =	vmul.f32 v56, v46  }
0x20c: {  	v53 =	vadd.f32 v63, v53;
	v63 =	vmul.f32 v57, v38;
	v50 =	vadd.f32 v60, v50  }
0x20d: {  	[tilespmem:s7+$0x100] =	vst v51;
	v49 =	vadd.f32 v61, v49;
	v56 =	vmul.f32 v57, v47;
	v2 =	vadd.f32 v62, v2  }
0x20e: {  	[tilespmem:s15+$0x10D00] =	vst v53;
	v50 =	vadd.f32 v63, v50  }
0x20f: {  	[tilespmem:s15+$0x11900] =	vst v49;
	v2 =	vadd.f32 v56, v2  }
0x210: {  	[tilespmem:s15+$0x12500] =	vst v50  }
0x211: {  	[tilespmem:s15+$0x13100] =	vst v2  }
0x212: {  	v2 =	vld [tilespmem:s3+$0x8980]  }
0x213: {  	v48 =	vld [tilespmem:s3+$0x8B80];
	_ =	sdelay $0x1  }
0x214: {  	v49 =	vld [tilespmem:s3+$0xA180];
	_ =	sdelay $0x1  }
0x215: {  	v50 =	vld [tilespmem:s3+$0xA380]  }
0x216: {  	v53 =	vld [tilespmem:s3+$0xB980];
	v57 =	vmul.f32 v2, v3;
	v58 =	vmul.f32 v48, v4;
	_ =	sdelay $0x1  }
0x217: {  	v54 =	vld [tilespmem:s3+$0xBB80];
	v59 =	vmul.f32 v49, v5;
	v51 =	vadd.f32 v58, v57;
	_ =	sdelay $0x1  }
0x218: {  	v60 =	vmul.f32 v50, v6;
	v51 =	vadd.f32 v59, v51  }
0x219: {  	v55 =	vld [tilespmem:s3+$0xD180];
	v61 =	vmul.f32 v53, v7  }
0x21a: {  	v63 =	vmul.f32 v2, v12;
	v51 =	vadd.f32 v60, v51;
	v60 =	vmul.f32 v48, v13  }
0x21b: {  	v56 =	vld [tilespmem:s3+$0xD380];
	v62 =	vmul.f32 v54, v8  }
0x21c: {  	v58 =	vmul.f32 v49, v14;
	v51 =	vadd.f32 v61, v51;
	v57 =	vadd.f32 v60, v63  }
0x21d: {  	v52 =	vmul.f32 v2, v21;
	v59 =	vld [tilespmem:s3+$0xE980];
	v60 =	vmul.f32 v48, v22  }
0x21e: {  	v61 =	vmul.f32 v55, v9;
	v51 =	vadd.f32 v62, v51;
	v57 =	vadd.f32 v58, v57  }
0x21f: {  	v58 =	vmul.f32 v50, v15;
	v52 =	vadd.f32 v60, v52;
	v60 =	vmul.f32 v49, v23  }
0x220: {  	v51 =	vadd.f32 v61, v51;
	v61 =	vmul.f32 v56, v10  }
0x221: {  	v57 =	vadd.f32 v58, v57;
	v58 =	vmul.f32 v53, v16;
	v52 =	vadd.f32 v60, v52  }
0x222: {  	v60 =	vmul.f32 v50, v24;
	v51 =	vadd.f32 v61, v51;
	v61 =	vmul.f32 v59, v11  }
0x223: {  	v57 =	vadd.f32 v58, v57;
	v58 =	vmul.f32 v54, v17  }
0x224: {  	v52 =	vadd.f32 v60, v52;
	v60 =	vmul.f32 v53, v25;
	v51 =	vadd.f32 v61, v51  }
0x225: {  	v57 =	vadd.f32 v58, v57;
	v58 =	vmul.f32 v2, v30;
	v61 =	vmul.f32 v48, v31  }
0x226: {  	v52 =	vadd.f32 v60, v52;
	v2 =	vmul.f32 v2, v39;
	v48 =	vmul.f32 v48, v40  }
0x227: {  	v60 =	vmul.f32 v55, v18;
	v58 =	vadd.f32 v61, v58;
	v61 =	vmul.f32 v49, v32  }
0x228: {  	v2 =	vadd.f32 v48, v2;
	v48 =	vmul.f32 v54, v26;
	v49 =	vmul.f32 v49, v41  }
0x229: {  	v57 =	vadd.f32 v60, v57;
	v60 =	vmul.f32 v50, v33;
	v58 =	vadd.f32 v61, v58  }
0x22a: {  	v63 =	vmul.f32 v56, v19;
	v62 =	vmul.f32 v50, v42;
	v2 =	vadd.f32 v49, v2  }
0x22b: {  	v48 =	vadd.f32 v48, v52;
	v61 =	vmul.f32 v53, v34;
	v60 =	vadd.f32 v60, v58  }
0x22c: {  	v53 =	vmul.f32 v53, v43;
	v50 =	vadd.f32 v63, v57;
	v2 =	vadd.f32 v62, v2  }
0x22d: {  	v63 =	vmul.f32 v54, v35;
	v62 =	vmul.f32 v55, v27;
	v52 =	vadd.f32 v61, v60  }
0x22e: {  	v57 =	vmul.f32 v59, v29;
	v58 =	vmul.f32 v54, v44;
	v2 =	vadd.f32 v53, v2  }
0x22f: {  	v48 =	vadd.f32 v62, v48;
	v61 =	vmul.f32 v55, v36;
	v52 =	vadd.f32 v63, v52  }
0x230: {  	v60 =	vmul.f32 v56, v28;
	v55 =	vmul.f32 v55, v45;
	v2 =	vadd.f32 v58, v2  }
0x231: {  	v62 =	vmul.f32 v59, v20;
	v63 =	vmul.f32 v56, v37;
	v52 =	vadd.f32 v61, v52  }
0x232: {  	v48 =	vadd.f32 v60, v48;
	v58 =	vmul.f32 v56, v46;
	v2 =	vadd.f32 v55, v2  }
0x233: {  	p0 =	sne.s32 s2, $0x2F;
	v49 =	vadd.f32 v62, v50;
	v61 =	vmul.f32 v59, v38;
	v60 =	vadd.f32 v63, v52  }
.Ltmp1:
0x234: {  	[tilespmem:s7+$0x180] =	vst v51;
	v62 =	vmul.f32 v59, v47;
	v48 =	vadd.f32 v57, v48;
	v2 =	vadd.f32 v58, v2;
	(pc) =	sbr.rel @p0 .LBB2_5-.Ltmp1, $4  }
0x235: {  	[tilespmem:s15+$0x10D80] =	vst v49;
	v63 =	vadd.f32 v61, v60  }
0x236: {  	[tilespmem:s15+$0x11980] =	vst v48;
	v2 =	vadd.f32 v62, v2  }
0x237: {  	[tilespmem:s15+$0x12580] =	vst v63  }
0x238: {  	s29 =	sadd.s32 $0x40, s29;
	s31 =	sadd.s32 $0x10, s31;
	s2 =	sadd.s32 $0x1, s2;
	[tilespmem:s15+$0x13180] =	vst v2  }
0x239: {  	_ =	swait.ge [sflag:s0], $0x7800;
	s28 =	sadd.s32 $0x1, s28  }
0x23a: {  	[sflag:s0] =	ssyncset.done $0x0;
	p0 =	sne.s32 s28, $0xF  }
.Ltmp2:
0x23b: {  	s2 =	sadd.s32 s30, s10;
	[sflag:s0] =	ssyncadd.s32 $0xFFFF8800;
	(pc) =	sbr.rel @p0 .LBB2_2-.Ltmp2, $4  }
0x23c: {  	[hbm4b:s2+s24] =	stream.strided.scatter [tilespmem:s26], [sflag:$0x3], $0x3C00, s25, s24, $0x38;
	[tilespmem:$0x15400] =	vst v63  }
0x23d: {  	_ =	swait.ge [sflag:s14], $0x3C00  }
0x23e: {  	[sflag:s14] =	ssyncset.done $0x0  }
0x23f: {  	[sflag:s14] =	ssyncadd.s32 $0xFFFFC400  }
0x240: {  	v2 =	vld [tilespmem:$0xF80];
	_ =	sdelay $0x4  }
0x241: {  	v48 =	vshrl.u32 v2, $0x3  }
0x242: {  	v48 =	vmul.u32 $0x30, v48  }
0x243: {  	v2 =	vand.u32 $0x7, v2  }
0x244: {  	v2 =	vor.u32 v2, v48  }
0x245: {  	v48 =	vperm.xlane v2, v0  }
0x246: {  	v49 =	vld [tilespmem:$0x1FFF0]  }
0x247: {  	v48 =	vadd.s32 v1, v48;
	_ =	sdelay $0x3  }
0x248: {  	s28 =	simm.s32 $0x0;
	s2 =	simm.s32 $0x8800;
	v2 =	vperm.xlane v2, v49  }
0x249: {  	[tilespmem:s2], [sflag:$0x2] =	stream.indirect_vreg.gather [hbm4b:s1+s28], $0x80, v48, vm0, $0xb8;
	[tilespmem:$0x15400] =	vst v63  }
0x24a: {  	s11 =	simm.s32 $0x9000;
	v2 =	vadd.s32 v1, v2  }
0x24b: {  	[tilespmem:s11], [sflag:$0x2] =	stream.indirect_vreg.gather [hbm4b:s8+s28], $0x80, v48, vm0, $0xb8;
	[tilespmem:$0x15400] =	vst v63  }
0x24c: {  	s15 =	simm.s32 $0x9800  }
0x24d: {  	[tilespmem:s15], [sflag:$0x2] =	stream.indirect_vreg.gather [hbm4b:s9+s28], $0x80, v48, vm0, $0xb8;
	[tilespmem:$0x15400] =	vst v63  }
0x24e: {  	s30 =	simm.s32 $0xA000  }
0x24f: {  	[tilespmem:s30], [sflag:$0x2] =	stream.indirect_vreg.gather [hbm4b:s1+s28], $0x80, v2, vm0, $0xb8;
	[tilespmem:$0x15400] =	vst v63  }
0x250: {  	s31 =	simm.s32 $0xA800  }
0x251: {  	[tilespmem:s31], [sflag:$0x2] =	stream.indirect_vreg.gather [hbm4b:s8+s28], $0x80, v2, vm0, $0xb8;
	[tilespmem:$0x15400] =	vst v63  }
0x252: {  	_ = 	snop  }
0x253: {  	[tilespmem:s12], [sflag:$0x2] =	stream.indirect_vreg.gather [hbm4b:s9+s28], $0x80, v2, vm0, $0xb8;
	[tilespmem:$0x15400] =	vst v63  }
0x254: {  	v2 =	vld [tilespmem:$0xF90];
	_ =	sdelay $0x4  }
0x255: {  	v62 =	vshrl.u32 v2, $0x3  }
0x256: {  	v48 =	vmul.u32 $0x30, v62  }
0x257: {  	v2 =	vand.u32 $0x7, v2  }
0x258: {  	v2 =	vor.u32 v2, v48  }
0x259: {  	v48 =	vperm.xlane v2, v0;
	_ =	sdelay $0x1  }
0x25a: {  	v48 =	vadd.s32 v1, v48;
	_ =	sdelay $0x3  }
0x25b: {  	v2 =	vperm.xlane v2, v49  }
0x25c: {  	[tilespmem:s13], [sflag:$0x2] =	stream.indirect_vreg.gather [hbm4b:s1+s28], $0x80, v48, vm0, $0xb8;
	[tilespmem:$0x15400] =	vst v63  }
0x25d: {  	v2 =	vadd.s32 v1, v2  }
0x25e: {  	[tilespmem:s4], [sflag:$0x2] =	stream.indirect_vreg.gather [hbm4b:s8+s28], $0x80, v48, vm0, $0xb8;
	[tilespmem:$0x15400] =	vst v63  }
0x25f: {  	_ = 	snop  }
0x260: {  	[tilespmem:s16], [sflag:$0x2] =	stream.indirect_vreg.gather [hbm4b:s9+s28], $0x80, v48, vm0, $0xb8;
	[tilespmem:$0x15400] =	vst v63  }
0x261: {  	_ = 	snop  }
0x262: {  	[tilespmem:s17], [sflag:$0x2] =	stream.indirect_vreg.gather [hbm4b:s1+s28], $0x80, v2, vm0, $0xb8;
	[tilespmem:$0x15400] =	vst v63  }
0x263: {  	_ = 	snop  }
0x264: {  	[tilespmem:s18], [sflag:$0x2] =	stream.indirect_vreg.gather [hbm4b:s8+s28], $0x80, v2, vm0, $0xb8;
	[tilespmem:$0x15400] =	vst v63  }
0x265: {  	_ = 	snop  }
0x266: {  	[tilespmem:s19], [sflag:$0x2] =	stream.indirect_vreg.gather [hbm4b:s9+s28], $0x80, v2, vm0, $0xb8;
	[tilespmem:$0x15400] =	vst v63  }
0x267: {  	v2 =	vld.msk [tilespmem:$0xFA0], $0xff;
	_ =	sdelay $0x4  }
0x268: {  	v63 =	vshrl.u32 v2, $0x3  }
0x269: {  	v48 =	vmul.u32 $0x30, v63  }
0x26a: {  	v2 =	vand.u32 $0x7, v2  }
0x26b: {  	v2 =	vor.u32 v2, v48  }
0x26c: {  	v2 =	vperm.xlane v2, v0;
	_ =	sdelay $0x1  }
0x26d: {  	v2 =	vadd.s32 v1, v2;
	_ =	sdelay $0x4  }
0x26e: {  	[tilespmem:s20], [sflag:$0x2] =	stream.indirect_vreg.gather [hbm4b:s1+s28], $0x80, v2, vm0, $0xb8;
	[tilespmem:$0x15400] =	vst v63  }
0x26f: {  	_ = 	snop  }
0x270: {  	[tilespmem:s21], [sflag:$0x2] =	stream.indirect_vreg.gather [hbm4b:s8+s28], $0x80, v2, vm0, $0xb8;
	[tilespmem:$0x15400] =	vst v63  }
0x271: {  	s29 =	simm.s32 $0x0;
	s2 =	simm.s32 $0x0  }
0x272: {  	[tilespmem:s22], [sflag:$0x2] =	stream.indirect_vreg.gather [hbm4b:s9+s28], $0x80, v2, vm0, $0xb8;
	[tilespmem:$0x15400] =	vst v63  }
.LBB2_8:
0x273: {  	s3 =	sshll.u32 s2, $0x7  }
0x274: {  	s15 =	sand.u32 $0x70, s28;
	s3 =	sand.u32 $0x3FFFFC00, s3  }
0x275: {  	s3 =	sor.u32 s15, s3  }
0x276: {  	v2 =	vld [tilespmem:s3+$0x1000]  }
0x277: {  	v48 =	vld [tilespmem:s3+$0x1200];
	_ =	sdelay $0x1  }
0x278: {  	v49 =	vld [tilespmem:s3+$0x2800];
	_ =	sdelay $0x1  }
0x279: {  	v50 =	vld [tilespmem:s3+$0x2A00]  }
0x27a: {  	v51 =	vmul.f32 v2, v3;
	v52 =	vmul.f32 v48, v4  }
0x27b: {  	v53 =	vld [tilespmem:s3+$0x4000]  }
0x27c: {  	v58 =	vmul.f32 v49, v5;
	v51 =	vadd.f32 v52, v51  }
0x27d: {  	v54 =	vld [tilespmem:s3+$0x4200]  }
0x27e: {  	v59 =	vmul.f32 v50, v6;
	v51 =	vadd.f32 v58, v51  }
0x27f: {  	v55 =	vld [tilespmem:s3+$0x5800]  }
0x280: {  	v60 =	vmul.f32 v53, v7;
	v51 =	vadd.f32 v59, v51  }
0x281: {  	v56 =	vld [tilespmem:s3+$0x5A00];
	v58 =	vmul.f32 v2, v12;
	v59 =	vmul.f32 v48, v13  }
0x282: {  	v57 =	vld [tilespmem:s3+$0x7000];
	v61 =	vmul.f32 v54, v8;
	v51 =	vadd.f32 v60, v51  }
0x283: {  	v58 =	vadd.f32 v59, v58;
	v59 =	vmul.f32 v49, v14  }
0x284: {  	v62 =	vmul.f32 v55, v9;
	v51 =	vadd.f32 v61, v51  }
0x285: {  	v58 =	vadd.f32 v59, v58;
	v59 =	vmul.f32 v50, v15  }
0x286: {  	v52 =	vmul.f32 v56, v10;
	v51 =	vadd.f32 v62, v51  }
0x287: {  	v60 =	vmul.f32 v57, v11;
	v58 =	vadd.f32 v59, v58;
	v59 =	vmul.f32 v53, v16  }
0x288: {  	v61 =	vmul.f32 v48, v22;
	v51 =	vadd.f32 v52, v51;
	v52 =	vmul.f32 v2, v21  }
0x289: {  	v63 =	vmul.f32 v48, v31;
	v58 =	vadd.f32 v59, v58;
	v59 =	vmul.f32 v54, v17  }
0x28a: {  	v51 =	vadd.f32 v60, v51;
	v52 =	vadd.f32 v61, v52;
	v60 =	vmul.f32 v49, v23  }
0x28b: {  	v48 =	vmul.f32 v48, v40;
	v61 =	vmul.f32 v55, v18;
	v58 =	vadd.f32 v59, v58  }
0x28c: {  	v59 =	vmul.f32 v2, v30;
	v52 =	vadd.f32 v60, v52;
	v60 =	vmul.f32 v50, v24  }
0x28d: {  	v62 =	vmul.f32 v53, v25;
	v2 =	vmul.f32 v2, v39;
	v58 =	vadd.f32 v61, v58  }
0x28e: {  	v59 =	vadd.f32 v63, v59;
	v52 =	vadd.f32 v60, v52;
	v60 =	vmul.f32 v49, v32  }
0x28f: {  	v2 =	vadd.f32 v48, v2;
	v48 =	vmul.f32 v49, v41;
	v61 =	vmul.f32 v56, v19  }
0x290: {  	v63 =	vmul.f32 v50, v42;
	v59 =	vadd.f32 v60, v59;
	v60 =	vmul.f32 v50, v33  }
0x291: {  	v49 =	vmul.f32 v54, v26;
	v2 =	vadd.f32 v48, v2;
	v52 =	vadd.f32 v62, v52  }
0x292: {  	v62 =	vmul.f32 v55, v27;
	v50 =	vadd.f32 v60, v59;
	v60 =	vmul.f32 v53, v34  }
0x293: {  	v2 =	vadd.f32 v63, v2;
	v63 =	vmul.f32 v53, v43;
	v49 =	vadd.f32 v49, v52  }
0x294: {  	v53 =	vadd.f32 v61, v58;
	v50 =	vadd.f32 v60, v50;
	v60 =	vmul.f32 v54, v35  }
0x295: {  	v2 =	vadd.f32 v63, v2;
	v61 =	vmul.f32 v54, v44;
	v63 =	vmul.f32 v55, v36  }
0x296: {  	v49 =	vadd.f32 v62, v49;
	v62 =	vmul.f32 v56, v28;
	v50 =	vadd.f32 v60, v50  }
0x297: {  	v58 =	vmul.f32 v57, v20;
	v2 =	vadd.f32 v61, v2;
	v60 =	vmul.f32 v55, v45  }
0x298: {  	s7 =	sshll.u32 s2, $0x6;
	v61 =	vmul.f32 v56, v37;
	v49 =	vadd.f32 v62, v49;
	v50 =	vadd.f32 v63, v50  }
0x299: {  	s7 =	sand.u32 $0x3FFFFE00, s7;
	v62 =	vmul.f32 v57, v29;
	v2 =	vadd.f32 v60, v2;
	v63 =	vmul.f32 v56, v46  }
0x29a: {  	s11 =	sand.u32 $0xE00, s29;
	s7 =	sor.u32 s15, s7;
	v53 =	vadd.f32 v58, v53;
	v56 =	vmul.f32 v57, v38;
	v50 =	vadd.f32 v61, v50  }
0x29b: {  	s15 =	sor.u32 s15, s11;
	[tilespmem:s7+$0x10000] =	vst v51;
	v49 =	vadd.f32 v62, v49;
	v57 =	vmul.f32 v57, v47;
	v2 =	vadd.f32 v63, v2  }
0x29c: {  	[tilespmem:s15+$0x10C00] =	vst v53;
	v50 =	vadd.f32 v56, v50  }
0x29d: {  	[tilespmem:s15+$0x11800] =	vst v49;
	v2 =	vadd.f32 v57, v2  }
0x29e: {  	[tilespmem:s15+$0x12400] =	vst v50  }
0x29f: {  	[tilespmem:s15+$0x13000] =	vst v2  }
0x2a0: {  	v2 =	vld [tilespmem:s3+$0x1080]  }
0x2a1: {  	v48 =	vld [tilespmem:s3+$0x1280];
	_ =	sdelay $0x1  }
0x2a2: {  	v49 =	vld [tilespmem:s3+$0x2880];
	_ =	sdelay $0x1  }
0x2a3: {  	v50 =	vld [tilespmem:s3+$0x2A80]  }
0x2a4: {  	v58 =	vmul.f32 v2, v3;
	v59 =	vmul.f32 v48, v4  }
0x2a5: {  	v53 =	vld [tilespmem:s3+$0x4080]  }
0x2a6: {  	v60 =	vmul.f32 v49, v5;
	v51 =	vadd.f32 v59, v58  }
0x2a7: {  	v54 =	vld [tilespmem:s3+$0x4280]  }
0x2a8: {  	v61 =	vmul.f32 v50, v6;
	v51 =	vadd.f32 v60, v51  }
0x2a9: {  	v55 =	vld [tilespmem:s3+$0x5880]  }
0x2aa: {  	v62 =	vmul.f32 v53, v7;
	v51 =	vadd.f32 v61, v51  }
0x2ab: {  	v56 =	vld [tilespmem:s3+$0x5A80];
	v60 =	vmul.f32 v2, v12;
	v61 =	vmul.f32 v48, v13  }
0x2ac: {  	v57 =	vld [tilespmem:s3+$0x7080];
	v63 =	vmul.f32 v54, v8;
	v51 =	vadd.f32 v62, v51  }
0x2ad: {  	v59 =	vmul.f32 v49, v14;
	v58 =	vadd.f32 v61, v60  }
0x2ae: {  	v62 =	vmul.f32 v55, v9;
	v51 =	vadd.f32 v63, v51  }
0x2af: {  	v58 =	vadd.f32 v59, v58;
	v59 =	vmul.f32 v50, v15  }
0x2b0: {  	v52 =	vmul.f32 v56, v10;
	v51 =	vadd.f32 v62, v51  }
0x2b1: {  	v60 =	vmul.f32 v57, v11;
	v58 =	vadd.f32 v59, v58;
	v59 =	vmul.f32 v53, v16  }
0x2b2: {  	v61 =	vmul.f32 v48, v22;
	v51 =	vadd.f32 v52, v51;
	v52 =	vmul.f32 v2, v21  }
0x2b3: {  	v63 =	vmul.f32 v48, v31;
	v58 =	vadd.f32 v59, v58;
	v59 =	vmul.f32 v54, v17  }
0x2b4: {  	v51 =	vadd.f32 v60, v51;
	v52 =	vadd.f32 v61, v52;
	v60 =	vmul.f32 v49, v23  }
0x2b5: {  	v48 =	vmul.f32 v48, v40;
	v61 =	vmul.f32 v55, v18;
	v58 =	vadd.f32 v59, v58  }
0x2b6: {  	v59 =	vmul.f32 v2, v30;
	v52 =	vadd.f32 v60, v52;
	v60 =	vmul.f32 v50, v24  }
0x2b7: {  	v62 =	vmul.f32 v53, v25;
	v2 =	vmul.f32 v2, v39;
	v58 =	vadd.f32 v61, v58  }
0x2b8: {  	v59 =	vadd.f32 v63, v59;
	v52 =	vadd.f32 v60, v52;
	v60 =	vmul.f32 v49, v32  }
0x2b9: {  	v2 =	vadd.f32 v48, v2;
	v48 =	vmul.f32 v49, v41;
	v61 =	vmul.f32 v56, v19  }
0x2ba: {  	v63 =	vmul.f32 v50, v42;
	v59 =	vadd.f32 v60, v59;
	v60 =	vmul.f32 v50, v33  }
0x2bb: {  	v49 =	vmul.f32 v54, v26;
	v2 =	vadd.f32 v48, v2;
	v52 =	vadd.f32 v62, v52  }
0x2bc: {  	v62 =	vmul.f32 v55, v27;
	v50 =	vadd.f32 v60, v59;
	v60 =	vmul.f32 v53, v34  }
0x2bd: {  	v2 =	vadd.f32 v63, v2;
	v63 =	vmul.f32 v53, v43;
	v49 =	vadd.f32 v49, v52  }
0x2be: {  	v53 =	vadd.f32 v61, v58;
	v50 =	vadd.f32 v60, v50;
	v60 =	vmul.f32 v54, v35  }
0x2bf: {  	v2 =	vadd.f32 v63, v2;
	v61 =	vmul.f32 v54, v44;
	v63 =	vmul.f32 v55, v36  }
0x2c0: {  	v49 =	vadd.f32 v62, v49;
	v62 =	vmul.f32 v56, v28;
	v50 =	vadd.f32 v60, v50  }
0x2c1: {  	v58 =	vmul.f32 v57, v20;
	v2 =	vadd.f32 v61, v2;
	v60 =	vmul.f32 v55, v45  }
0x2c2: {  	v61 =	vmul.f32 v56, v37;
	v49 =	vadd.f32 v62, v49;
	v50 =	vadd.f32 v63, v50  }
0x2c3: {  	v62 =	vmul.f32 v57, v29;
	v2 =	vadd.f32 v60, v2;
	v63 =	vmul.f32 v56, v46  }
0x2c4: {  	s7 =	sadd.s32 $0x10000, s7;
	v53 =	vadd.f32 v58, v53;
	v56 =	vmul.f32 v57, v38;
	v50 =	vadd.f32 v61, v50  }
0x2c5: {  	[tilespmem:s7+$0x80] =	vst v51;
	v49 =	vadd.f32 v62, v49;
	v57 =	vmul.f32 v57, v47;
	v2 =	vadd.f32 v63, v2  }
0x2c6: {  	[tilespmem:s15+$0x10C80] =	vst v53;
	v50 =	vadd.f32 v56, v50  }
0x2c7: {  	[tilespmem:s15+$0x11880] =	vst v49;
	v2 =	vadd.f32 v57, v2  }
0x2c8: {  	[tilespmem:s15+$0x12480] =	vst v50  }
0x2c9: {  	[tilespmem:s15+$0x13080] =	vst v2  }
0x2ca: {  	v2 =	vld [tilespmem:s3+$0x1100]  }
0x2cb: {  	v48 =	vld [tilespmem:s3+$0x1300];
	_ =	sdelay $0x1  }
0x2cc: {  	v49 =	vld [tilespmem:s3+$0x2900];
	_ =	sdelay $0x1  }
0x2cd: {  	v50 =	vld [tilespmem:s3+$0x2B00]  }
0x2ce: {  	v58 =	vmul.f32 v2, v3;
	v59 =	vmul.f32 v48, v4  }
0x2cf: {  	v53 =	vld [tilespmem:s3+$0x4100]  }
0x2d0: {  	v60 =	vmul.f32 v49, v5;
	v51 =	vadd.f32 v59, v58  }
0x2d1: {  	v54 =	vld [tilespmem:s3+$0x4300]  }
0x2d2: {  	v61 =	vmul.f32 v50, v6;
	v51 =	vadd.f32 v60, v51  }
0x2d3: {  	v55 =	vld [tilespmem:s3+$0x5900]  }
0x2d4: {  	v62 =	vmul.f32 v53, v7;
	v51 =	vadd.f32 v61, v51  }
0x2d5: {  	v56 =	vld [tilespmem:s3+$0x5B00];
	v60 =	vmul.f32 v2, v12;
	v61 =	vmul.f32 v48, v13  }
0x2d6: {  	v57 =	vld [tilespmem:s3+$0x7100];
	v63 =	vmul.f32 v54, v8;
	v51 =	vadd.f32 v62, v51  }
0x2d7: {  	v59 =	vmul.f32 v49, v14;
	v58 =	vadd.f32 v61, v60  }
0x2d8: {  	v62 =	vmul.f32 v55, v9;
	v51 =	vadd.f32 v63, v51  }
0x2d9: {  	v58 =	vadd.f32 v59, v58;
	v59 =	vmul.f32 v50, v15  }
0x2da: {  	v52 =	vmul.f32 v56, v10;
	v51 =	vadd.f32 v62, v51  }
0x2db: {  	v60 =	vmul.f32 v57, v11;
	v58 =	vadd.f32 v59, v58;
	v59 =	vmul.f32 v53, v16  }
0x2dc: {  	v61 =	vmul.f32 v48, v22;
	v51 =	vadd.f32 v52, v51;
	v52 =	vmul.f32 v2, v21  }
0x2dd: {  	v63 =	vmul.f32 v48, v31;
	v58 =	vadd.f32 v59, v58;
	v59 =	vmul.f32 v54, v17  }
0x2de: {  	v51 =	vadd.f32 v60, v51;
	v52 =	vadd.f32 v61, v52;
	v60 =	vmul.f32 v49, v23  }
0x2df: {  	v48 =	vmul.f32 v48, v40;
	v61 =	vmul.f32 v55, v18;
	v58 =	vadd.f32 v59, v58  }
0x2e0: {  	v59 =	vmul.f32 v2, v30;
	v52 =	vadd.f32 v60, v52;
	v60 =	vmul.f32 v50, v24  }
0x2e1: {  	v62 =	vmul.f32 v53, v25;
	v2 =	vmul.f32 v2, v39;
	v58 =	vadd.f32 v61, v58  }
0x2e2: {  	v59 =	vadd.f32 v63, v59;
	v52 =	vadd.f32 v60, v52;
	v60 =	vmul.f32 v49, v32  }
0x2e3: {  	v2 =	vadd.f32 v48, v2;
	v48 =	vmul.f32 v49, v41;
	v61 =	vmul.f32 v56, v19  }
0x2e4: {  	v63 =	vmul.f32 v50, v42;
	v59 =	vadd.f32 v60, v59;
	v60 =	vmul.f32 v50, v33  }
0x2e5: {  	v49 =	vmul.f32 v54, v26;
	v2 =	vadd.f32 v48, v2;
	v52 =	vadd.f32 v62, v52  }
0x2e6: {  	v62 =	vmul.f32 v55, v27;
	v50 =	vadd.f32 v60, v59;
	v60 =	vmul.f32 v53, v34  }
0x2e7: {  	v2 =	vadd.f32 v63, v2;
	v63 =	vmul.f32 v53, v43;
	v49 =	vadd.f32 v49, v52  }
0x2e8: {  	v53 =	vadd.f32 v61, v58;
	v58 =	vmul.f32 v54, v35;
	v50 =	vadd.f32 v60, v50  }
0x2e9: {  	v2 =	vadd.f32 v63, v2;
	v61 =	vmul.f32 v56, v28;
	v60 =	vmul.f32 v54, v44  }
0x2ea: {  	v49 =	vadd.f32 v62, v49;
	v62 =	vmul.f32 v55, v36;
	v50 =	vadd.f32 v58, v50  }
0x2eb: {  	v63 =	vmul.f32 v57, v20;
	v59 =	vmul.f32 v55, v45;
	v2 =	vadd.f32 v60, v2  }
0x2ec: {  	v49 =	vadd.f32 v61, v49;
	v60 =	vmul.f32 v56, v37;
	v50 =	vadd.f32 v62, v50  }
0x2ed: {  	v61 =	vmul.f32 v57, v29;
	v2 =	vadd.f32 v59, v2;
	v62 =	vmul.f32 v56, v46  }
0x2ee: {  	v53 =	vadd.f32 v63, v53;
	v63 =	vmul.f32 v57, v38;
	v50 =	vadd.f32 v60, v50  }
0x2ef: {  	[tilespmem:s7+$0x100] =	vst v51;
	v49 =	vadd.f32 v61, v49;
	v56 =	vmul.f32 v57, v47;
	v2 =	vadd.f32 v62, v2  }
0x2f0: {  	[tilespmem:s15+$0x10D00] =	vst v53;
	v50 =	vadd.f32 v63, v50  }
0x2f1: {  	[tilespmem:s15+$0x11900] =	vst v49;
	v2 =	vadd.f32 v56, v2  }
0x2f2: {  	[tilespmem:s15+$0x12500] =	vst v50  }
0x2f3: {  	[tilespmem:s15+$0x13100] =	vst v2  }
0x2f4: {  	v2 =	vld [tilespmem:s3+$0x1180]  }
0x2f5: {  	v48 =	vld [tilespmem:s3+$0x1380];
	_ =	sdelay $0x1  }
0x2f6: {  	v49 =	vld [tilespmem:s3+$0x2980];
	_ =	sdelay $0x1  }
0x2f7: {  	v50 =	vld [tilespmem:s3+$0x2B80]  }
0x2f8: {  	v53 =	vld [tilespmem:s3+$0x4180];
	v57 =	vmul.f32 v2, v3;
	v58 =	vmul.f32 v48, v4;
	_ =	sdelay $0x1  }
0x2f9: {  	v54 =	vld [tilespmem:s3+$0x4380];
	v59 =	vmul.f32 v49, v5;
	v51 =	vadd.f32 v58, v57;
	_ =	sdelay $0x1  }
0x2fa: {  	v60 =	vmul.f32 v50, v6;
	v51 =	vadd.f32 v59, v51  }
0x2fb: {  	v55 =	vld [tilespmem:s3+$0x5980];
	v61 =	vmul.f32 v53, v7  }
0x2fc: {  	v63 =	vmul.f32 v2, v12;
	v51 =	vadd.f32 v60, v51;
	v60 =	vmul.f32 v48, v13  }
0x2fd: {  	v56 =	vld [tilespmem:s3+$0x5B80];
	v62 =	vmul.f32 v54, v8  }
0x2fe: {  	v58 =	vmul.f32 v49, v14;
	v51 =	vadd.f32 v61, v51;
	v57 =	vadd.f32 v60, v63  }
0x2ff: {  	v52 =	vmul.f32 v2, v21;
	v59 =	vld [tilespmem:s3+$0x7180];
	v60 =	vmul.f32 v48, v22  }
0x300: {  	v61 =	vmul.f32 v55, v9;
	v51 =	vadd.f32 v62, v51;
	v57 =	vadd.f32 v58, v57  }
0x301: {  	v58 =	vmul.f32 v50, v15;
	v52 =	vadd.f32 v60, v52;
	v60 =	vmul.f32 v49, v23  }
0x302: {  	v51 =	vadd.f32 v61, v51;
	v61 =	vmul.f32 v56, v10  }
0x303: {  	v57 =	vadd.f32 v58, v57;
	v58 =	vmul.f32 v53, v16;
	v52 =	vadd.f32 v60, v52  }
0x304: {  	v60 =	vmul.f32 v50, v24;
	v51 =	vadd.f32 v61, v51;
	v61 =	vmul.f32 v59, v11  }
0x305: {  	v57 =	vadd.f32 v58, v57;
	v58 =	vmul.f32 v54, v17  }
0x306: {  	v52 =	vadd.f32 v60, v52;
	v60 =	vmul.f32 v53, v25;
	v51 =	vadd.f32 v61, v51  }
0x307: {  	v57 =	vadd.f32 v58, v57;
	v58 =	vmul.f32 v2, v30;
	v61 =	vmul.f32 v48, v31  }
0x308: {  	v52 =	vadd.f32 v60, v52;
	v2 =	vmul.f32 v2, v39;
	v48 =	vmul.f32 v48, v40  }
0x309: {  	v60 =	vmul.f32 v55, v18;
	v58 =	vadd.f32 v61, v58;
	v61 =	vmul.f32 v49, v32  }
0x30a: {  	v2 =	vadd.f32 v48, v2;
	v48 =	vmul.f32 v54, v26;
	v49 =	vmul.f32 v49, v41  }
0x30b: {  	v57 =	vadd.f32 v60, v57;
	v60 =	vmul.f32 v50, v33;
	v58 =	vadd.f32 v61, v58  }
0x30c: {  	v63 =	vmul.f32 v56, v19;
	v62 =	vmul.f32 v50, v42;
	v2 =	vadd.f32 v49, v2  }
0x30d: {  	v48 =	vadd.f32 v48, v52;
	v61 =	vmul.f32 v53, v34;
	v60 =	vadd.f32 v60, v58  }
0x30e: {  	v53 =	vmul.f32 v53, v43;
	v50 =	vadd.f32 v63, v57;
	v2 =	vadd.f32 v62, v2  }
0x30f: {  	v63 =	vmul.f32 v54, v35;
	v62 =	vmul.f32 v55, v27;
	v52 =	vadd.f32 v61, v60  }
0x310: {  	v57 =	vmul.f32 v59, v29;
	v58 =	vmul.f32 v54, v44;
	v2 =	vadd.f32 v53, v2  }
0x311: {  	v48 =	vadd.f32 v62, v48;
	v61 =	vmul.f32 v55, v36;
	v52 =	vadd.f32 v63, v52  }
0x312: {  	v60 =	vmul.f32 v56, v28;
	v55 =	vmul.f32 v55, v45;
	v2 =	vadd.f32 v58, v2  }
0x313: {  	v62 =	vmul.f32 v59, v20;
	v63 =	vmul.f32 v56, v37;
	v52 =	vadd.f32 v61, v52  }
0x314: {  	v48 =	vadd.f32 v60, v48;
	v58 =	vmul.f32 v56, v46;
	v2 =	vadd.f32 v55, v2  }
0x315: {  	p0 =	sne.s32 s2, $0x2F;
	v49 =	vadd.f32 v62, v50;
	v61 =	vmul.f32 v59, v38;
	v60 =	vadd.f32 v63, v52  }
.Ltmp3:
0x316: {  	[tilespmem:s7+$0x180] =	vst v51;
	v62 =	vmul.f32 v59, v47;
	v48 =	vadd.f32 v57, v48;
	v2 =	vadd.f32 v58, v2;
	(pc) =	sbr.rel @p0 .LBB2_8-.Ltmp3, $4  }
0x317: {  	[tilespmem:s15+$0x10D80] =	vst v49;
	v63 =	vadd.f32 v61, v60  }
0x318: {  	[tilespmem:s15+$0x11980] =	vst v48;
	v2 =	vadd.f32 v62, v2  }
0x319: {  	[tilespmem:s15+$0x12580] =	vst v63  }
0x31a: {  	s29 =	sadd.s32 $0x40, s29;
	s28 =	sadd.s32 $0x10, s28;
	s2 =	sadd.s32 $0x1, s2;
	[tilespmem:s15+$0x13180] =	vst v2  }
0x31b: {  	_ =	swait.ge [sflag:s23], $0x7800  }
0x31c: {  	[sflag:s23] =	ssyncset.done $0x0  }
0x31d: {  	s2 =	rddreg [dreg:$0x6];
	[sflag:s23] =	ssyncadd.s32 $0xFFFF8800  }
0x31e: {  	[hbm4b:s2+s24] =	stream.strided.scatter [tilespmem:s26], [sflag:$0x3], $0x3C00, s25, s24, $0x38;
	[tilespmem:$0x15400] =	vst v63  }
0x31f: {  	_ =	swait.ge [sflag:s14], $0x3C00  }
0x320: {  	s28 =	simm.s32 $0x0;
	[sflag:s14] =	ssyncset.done $0x0  }
0x321: {  	s29 =	simm.s32 $0x0;
	s2 =	simm.s32 $0x0;
	[sflag:s14] =	ssyncadd.s32 $0xFFFFC400  }
.LBB2_10:
0x322: {  	s3 =	sshll.u32 s2, $0x7  }
0x323: {  	s15 =	sand.u32 $0x70, s28;
	s3 =	sand.u32 $0x3FFFFC00, s3  }
0x324: {  	s3 =	sor.u32 s15, s3  }
0x325: {  	v2 =	vld [tilespmem:s3+$0x8800]  }
0x326: {  	v48 =	vld [tilespmem:s3+$0x8A00];
	_ =	sdelay $0x1  }
0x327: {  	v49 =	vld [tilespmem:s3+$0xA000];
	_ =	sdelay $0x1  }
0x328: {  	v50 =	vld [tilespmem:s3+$0xA200]  }
0x329: {  	v51 =	vmul.f32 v2, v3;
	v52 =	vmul.f32 v48, v4  }
0x32a: {  	v53 =	vld [tilespmem:s3+$0xB800]  }
0x32b: {  	v58 =	vmul.f32 v49, v5;
	v51 =	vadd.f32 v52, v51  }
0x32c: {  	v54 =	vld [tilespmem:s3+$0xBA00]  }
0x32d: {  	v59 =	vmul.f32 v50, v6;
	v51 =	vadd.f32 v58, v51  }
0x32e: {  	v55 =	vld [tilespmem:s3+$0xD000]  }
0x32f: {  	v60 =	vmul.f32 v53, v7;
	v51 =	vadd.f32 v59, v51  }
0x330: {  	v56 =	vld [tilespmem:s3+$0xD200];
	v58 =	vmul.f32 v2, v12;
	v59 =	vmul.f32 v48, v13  }
0x331: {  	v57 =	vld [tilespmem:s3+$0xE800];
	v61 =	vmul.f32 v54, v8;
	v51 =	vadd.f32 v60, v51  }
0x332: {  	v58 =	vadd.f32 v59, v58;
	v59 =	vmul.f32 v49, v14  }
0x333: {  	v62 =	vmul.f32 v55, v9;
	v51 =	vadd.f32 v61, v51  }
0x334: {  	v58 =	vadd.f32 v59, v58;
	v59 =	vmul.f32 v50, v15  }
0x335: {  	v52 =	vmul.f32 v56, v10;
	v51 =	vadd.f32 v62, v51  }
0x336: {  	v60 =	vmul.f32 v57, v11;
	v58 =	vadd.f32 v59, v58;
	v59 =	vmul.f32 v53, v16  }
0x337: {  	v61 =	vmul.f32 v48, v22;
	v51 =	vadd.f32 v52, v51;
	v52 =	vmul.f32 v2, v21  }
0x338: {  	v63 =	vmul.f32 v48, v31;
	v58 =	vadd.f32 v59, v58;
	v59 =	vmul.f32 v54, v17  }
0x339: {  	v51 =	vadd.f32 v60, v51;
	v52 =	vadd.f32 v61, v52;
	v60 =	vmul.f32 v49, v23  }
0x33a: {  	v48 =	vmul.f32 v48, v40;
	v61 =	vmul.f32 v55, v18;
	v58 =	vadd.f32 v59, v58  }
0x33b: {  	v59 =	vmul.f32 v2, v30;
	v52 =	vadd.f32 v60, v52;
	v60 =	vmul.f32 v50, v24  }
0x33c: {  	v62 =	vmul.f32 v53, v25;
	v2 =	vmul.f32 v2, v39;
	v58 =	vadd.f32 v61, v58  }
0x33d: {  	v59 =	vadd.f32 v63, v59;
	v52 =	vadd.f32 v60, v52;
	v60 =	vmul.f32 v49, v32  }
0x33e: {  	v2 =	vadd.f32 v48, v2;
	v48 =	vmul.f32 v49, v41;
	v61 =	vmul.f32 v56, v19  }
0x33f: {  	v63 =	vmul.f32 v50, v42;
	v59 =	vadd.f32 v60, v59;
	v60 =	vmul.f32 v50, v33  }
0x340: {  	v49 =	vmul.f32 v54, v26;
	v2 =	vadd.f32 v48, v2;
	v52 =	vadd.f32 v62, v52  }
0x341: {  	v62 =	vmul.f32 v55, v27;
	v50 =	vadd.f32 v60, v59;
	v60 =	vmul.f32 v53, v34  }
0x342: {  	v2 =	vadd.f32 v63, v2;
	v63 =	vmul.f32 v53, v43;
	v49 =	vadd.f32 v49, v52  }
0x343: {  	v53 =	vadd.f32 v61, v58;
	v50 =	vadd.f32 v60, v50;
	v60 =	vmul.f32 v54, v35  }
0x344: {  	v2 =	vadd.f32 v63, v2;
	v61 =	vmul.f32 v54, v44;
	v63 =	vmul.f32 v55, v36  }
0x345: {  	v49 =	vadd.f32 v62, v49;
	v62 =	vmul.f32 v56, v28;
	v50 =	vadd.f32 v60, v50  }
0x346: {  	v58 =	vmul.f32 v57, v20;
	v2 =	vadd.f32 v61, v2;
	v60 =	vmul.f32 v55, v45  }
0x347: {  	s7 =	sshll.u32 s2, $0x6;
	v61 =	vmul.f32 v56, v37;
	v49 =	vadd.f32 v62, v49;
	v50 =	vadd.f32 v63, v50  }
0x348: {  	s7 =	sand.u32 $0x3FFFFE00, s7;
	v62 =	vmul.f32 v57, v29;
	v2 =	vadd.f32 v60, v2;
	v63 =	vmul.f32 v56, v46  }
0x349: {  	s11 =	sand.u32 $0xE00, s29;
	s7 =	sor.u32 s15, s7;
	v53 =	vadd.f32 v58, v53;
	v56 =	vmul.f32 v57, v38;
	v50 =	vadd.f32 v61, v50  }
0x34a: {  	s15 =	sor.u32 s15, s11;
	[tilespmem:s7+$0x10000] =	vst v51;
	v49 =	vadd.f32 v62, v49;
	v57 =	vmul.f32 v57, v47;
	v2 =	vadd.f32 v63, v2  }
0x34b: {  	[tilespmem:s15+$0x10C00] =	vst v53;
	v50 =	vadd.f32 v56, v50  }
0x34c: {  	[tilespmem:s15+$0x11800] =	vst v49;
	v2 =	vadd.f32 v57, v2  }
0x34d: {  	[tilespmem:s15+$0x12400] =	vst v50  }
0x34e: {  	[tilespmem:s15+$0x13000] =	vst v2  }
0x34f: {  	v2 =	vld [tilespmem:s3+$0x8880]  }
0x350: {  	v48 =	vld [tilespmem:s3+$0x8A80];
	_ =	sdelay $0x1  }
0x351: {  	v49 =	vld [tilespmem:s3+$0xA080];
	_ =	sdelay $0x1  }
0x352: {  	v50 =	vld [tilespmem:s3+$0xA280]  }
0x353: {  	v58 =	vmul.f32 v2, v3;
	v59 =	vmul.f32 v48, v4  }
0x354: {  	v53 =	vld [tilespmem:s3+$0xB880]  }
0x355: {  	v60 =	vmul.f32 v49, v5;
	v51 =	vadd.f32 v59, v58  }
0x356: {  	v54 =	vld [tilespmem:s3+$0xBA80]  }
0x357: {  	v61 =	vmul.f32 v50, v6;
	v51 =	vadd.f32 v60, v51  }
0x358: {  	v55 =	vld [tilespmem:s3+$0xD080]  }
0x359: {  	v62 =	vmul.f32 v53, v7;
	v51 =	vadd.f32 v61, v51  }
0x35a: {  	v56 =	vld [tilespmem:s3+$0xD280];
	v60 =	vmul.f32 v2, v12;
	v61 =	vmul.f32 v48, v13  }
0x35b: {  	v57 =	vld [tilespmem:s3+$0xE880];
	v63 =	vmul.f32 v54, v8;
	v51 =	vadd.f32 v62, v51  }
0x35c: {  	v59 =	vmul.f32 v49, v14;
	v58 =	vadd.f32 v61, v60  }
0x35d: {  	v62 =	vmul.f32 v55, v9;
	v51 =	vadd.f32 v63, v51  }
0x35e: {  	v58 =	vadd.f32 v59, v58;
	v59 =	vmul.f32 v50, v15  }
0x35f: {  	v52 =	vmul.f32 v56, v10;
	v51 =	vadd.f32 v62, v51  }
0x360: {  	v60 =	vmul.f32 v57, v11;
	v58 =	vadd.f32 v59, v58;
	v59 =	vmul.f32 v53, v16  }
0x361: {  	v61 =	vmul.f32 v48, v22;
	v51 =	vadd.f32 v52, v51;
	v52 =	vmul.f32 v2, v21  }
0x362: {  	v63 =	vmul.f32 v48, v31;
	v58 =	vadd.f32 v59, v58;
	v59 =	vmul.f32 v54, v17  }
0x363: {  	v51 =	vadd.f32 v60, v51;
	v52 =	vadd.f32 v61, v52;
	v60 =	vmul.f32 v49, v23  }
0x364: {  	v48 =	vmul.f32 v48, v40;
	v61 =	vmul.f32 v55, v18;
	v58 =	vadd.f32 v59, v58  }
0x365: {  	v59 =	vmul.f32 v2, v30;
	v52 =	vadd.f32 v60, v52;
	v60 =	vmul.f32 v50, v24  }
0x366: {  	v62 =	vmul.f32 v53, v25;
	v2 =	vmul.f32 v2, v39;
	v58 =	vadd.f32 v61, v58  }
0x367: {  	v59 =	vadd.f32 v63, v59;
	v52 =	vadd.f32 v60, v52;
	v60 =	vmul.f32 v49, v32  }
0x368: {  	v2 =	vadd.f32 v48, v2;
	v48 =	vmul.f32 v49, v41;
	v61 =	vmul.f32 v56, v19  }
0x369: {  	v63 =	vmul.f32 v50, v42;
	v59 =	vadd.f32 v60, v59;
	v60 =	vmul.f32 v50, v33  }
0x36a: {  	v49 =	vmul.f32 v54, v26;
	v2 =	vadd.f32 v48, v2;
	v52 =	vadd.f32 v62, v52  }
0x36b: {  	v62 =	vmul.f32 v55, v27;
	v50 =	vadd.f32 v60, v59;
	v60 =	vmul.f32 v53, v34  }
0x36c: {  	v2 =	vadd.f32 v63, v2;
	v63 =	vmul.f32 v53, v43;
	v49 =	vadd.f32 v49, v52  }
0x36d: {  	v53 =	vadd.f32 v61, v58;
	v50 =	vadd.f32 v60, v50;
	v60 =	vmul.f32 v54, v35  }
0x36e: {  	v2 =	vadd.f32 v63, v2;
	v61 =	vmul.f32 v54, v44;
	v63 =	vmul.f32 v55, v36  }
0x36f: {  	v49 =	vadd.f32 v62, v49;
	v62 =	vmul.f32 v56, v28;
	v50 =	vadd.f32 v60, v50  }
0x370: {  	v58 =	vmul.f32 v57, v20;
	v2 =	vadd.f32 v61, v2;
	v60 =	vmul.f32 v55, v45  }
0x371: {  	v61 =	vmul.f32 v56, v37;
	v49 =	vadd.f32 v62, v49;
	v50 =	vadd.f32 v63, v50  }
0x372: {  	v62 =	vmul.f32 v57, v29;
	v2 =	vadd.f32 v60, v2;
	v63 =	vmul.f32 v56, v46  }
0x373: {  	s7 =	sadd.s32 $0x10000, s7;
	v53 =	vadd.f32 v58, v53;
	v56 =	vmul.f32 v57, v38;
	v50 =	vadd.f32 v61, v50  }
0x374: {  	[tilespmem:s7+$0x80] =	vst v51;
	v49 =	vadd.f32 v62, v49;
	v57 =	vmul.f32 v57, v47;
	v2 =	vadd.f32 v63, v2  }
0x375: {  	[tilespmem:s15+$0x10C80] =	vst v53;
	v50 =	vadd.f32 v56, v50  }
0x376: {  	[tilespmem:s15+$0x11880] =	vst v49;
	v2 =	vadd.f32 v57, v2  }
0x377: {  	[tilespmem:s15+$0x12480] =	vst v50  }
0x378: {  	[tilespmem:s15+$0x13080] =	vst v2  }
0x379: {  	v2 =	vld [tilespmem:s3+$0x8900]  }
0x37a: {  	v48 =	vld [tilespmem:s3+$0x8B00];
	_ =	sdelay $0x1  }
0x37b: {  	v49 =	vld [tilespmem:s3+$0xA100];
	_ =	sdelay $0x1  }
0x37c: {  	v50 =	vld [tilespmem:s3+$0xA300]  }
0x37d: {  	v58 =	vmul.f32 v2, v3;
	v59 =	vmul.f32 v48, v4  }
0x37e: {  	v53 =	vld [tilespmem:s3+$0xB900]  }
0x37f: {  	v60 =	vmul.f32 v49, v5;
	v51 =	vadd.f32 v59, v58  }
0x380: {  	v54 =	vld [tilespmem:s3+$0xBB00]  }
0x381: {  	v61 =	vmul.f32 v50, v6;
	v51 =	vadd.f32 v60, v51  }
0x382: {  	v55 =	vld [tilespmem:s3+$0xD100]  }
0x383: {  	v62 =	vmul.f32 v53, v7;
	v51 =	vadd.f32 v61, v51  }
0x384: {  	v56 =	vld [tilespmem:s3+$0xD300];
	v60 =	vmul.f32 v2, v12;
	v61 =	vmul.f32 v48, v13  }
0x385: {  	v57 =	vld [tilespmem:s3+$0xE900];
	v63 =	vmul.f32 v54, v8;
	v51 =	vadd.f32 v62, v51  }
0x386: {  	v59 =	vmul.f32 v49, v14;
	v58 =	vadd.f32 v61, v60  }
0x387: {  	v62 =	vmul.f32 v55, v9;
	v51 =	vadd.f32 v63, v51  }
0x388: {  	v58 =	vadd.f32 v59, v58;
	v59 =	vmul.f32 v50, v15  }
0x389: {  	v52 =	vmul.f32 v56, v10;
	v51 =	vadd.f32 v62, v51  }
0x38a: {  	v60 =	vmul.f32 v57, v11;
	v58 =	vadd.f32 v59, v58;
	v59 =	vmul.f32 v53, v16  }
0x38b: {  	v61 =	vmul.f32 v48, v22;
	v51 =	vadd.f32 v52, v51;
	v52 =	vmul.f32 v2, v21  }
0x38c: {  	v63 =	vmul.f32 v48, v31;
	v58 =	vadd.f32 v59, v58;
	v59 =	vmul.f32 v54, v17  }
0x38d: {  	v51 =	vadd.f32 v60, v51;
	v52 =	vadd.f32 v61, v52;
	v60 =	vmul.f32 v49, v23  }
0x38e: {  	v48 =	vmul.f32 v48, v40;
	v61 =	vmul.f32 v55, v18;
	v58 =	vadd.f32 v59, v58  }
0x38f: {  	v59 =	vmul.f32 v2, v30;
	v52 =	vadd.f32 v60, v52;
	v60 =	vmul.f32 v50, v24  }
0x390: {  	v62 =	vmul.f32 v53, v25;
	v2 =	vmul.f32 v2, v39;
	v58 =	vadd.f32 v61, v58  }
0x391: {  	v59 =	vadd.f32 v63, v59;
	v52 =	vadd.f32 v60, v52;
	v60 =	vmul.f32 v49, v32  }
0x392: {  	v2 =	vadd.f32 v48, v2;
	v48 =	vmul.f32 v49, v41;
	v61 =	vmul.f32 v56, v19  }
0x393: {  	v63 =	vmul.f32 v50, v42;
	v59 =	vadd.f32 v60, v59;
	v60 =	vmul.f32 v50, v33  }
0x394: {  	v49 =	vmul.f32 v54, v26;
	v2 =	vadd.f32 v48, v2;
	v52 =	vadd.f32 v62, v52  }
0x395: {  	v62 =	vmul.f32 v55, v27;
	v50 =	vadd.f32 v60, v59;
	v60 =	vmul.f32 v53, v34  }
0x396: {  	v2 =	vadd.f32 v63, v2;
	v63 =	vmul.f32 v53, v43;
	v49 =	vadd.f32 v49, v52  }
0x397: {  	v53 =	vadd.f32 v61, v58;
	v58 =	vmul.f32 v54, v35;
	v50 =	vadd.f32 v60, v50  }
0x398: {  	v2 =	vadd.f32 v63, v2;
	v61 =	vmul.f32 v56, v28;
	v60 =	vmul.f32 v54, v44  }
0x399: {  	v49 =	vadd.f32 v62, v49;
	v62 =	vmul.f32 v55, v36;
	v50 =	vadd.f32 v58, v50  }
0x39a: {  	v63 =	vmul.f32 v57, v20;
	v59 =	vmul.f32 v55, v45;
	v2 =	vadd.f32 v60, v2  }
0x39b: {  	v49 =	vadd.f32 v61, v49;
	v60 =	vmul.f32 v56, v37;
	v50 =	vadd.f32 v62, v50  }
0x39c: {  	v61 =	vmul.f32 v57, v29;
	v2 =	vadd.f32 v59, v2;
	v62 =	vmul.f32 v56, v46  }
0x39d: {  	v53 =	vadd.f32 v63, v53;
	v63 =	vmul.f32 v57, v38;
	v50 =	vadd.f32 v60, v50  }
0x39e: {  	[tilespmem:s7+$0x100] =	vst v51;
	v49 =	vadd.f32 v61, v49;
	v56 =	vmul.f32 v57, v47;
	v2 =	vadd.f32 v62, v2  }
0x39f: {  	[tilespmem:s15+$0x10D00] =	vst v53;
	v50 =	vadd.f32 v63, v50  }
0x3a0: {  	[tilespmem:s15+$0x11900] =	vst v49;
	v2 =	vadd.f32 v56, v2  }
0x3a1: {  	[tilespmem:s15+$0x12500] =	vst v50  }
0x3a2: {  	[tilespmem:s15+$0x13100] =	vst v2  }
0x3a3: {  	v2 =	vld [tilespmem:s3+$0x8980]  }
0x3a4: {  	v48 =	vld [tilespmem:s3+$0x8B80];
	_ =	sdelay $0x1  }
0x3a5: {  	v49 =	vld [tilespmem:s3+$0xA180];
	_ =	sdelay $0x1  }
0x3a6: {  	v50 =	vld [tilespmem:s3+$0xA380]  }
0x3a7: {  	v53 =	vld [tilespmem:s3+$0xB980];
	v57 =	vmul.f32 v2, v3;
	v58 =	vmul.f32 v48, v4;
	_ =	sdelay $0x1  }
0x3a8: {  	v54 =	vld [tilespmem:s3+$0xBB80];
	v59 =	vmul.f32 v49, v5;
	v51 =	vadd.f32 v58, v57;
	_ =	sdelay $0x1  }
0x3a9: {  	v60 =	vmul.f32 v50, v6;
	v51 =	vadd.f32 v59, v51  }
0x3aa: {  	v55 =	vld [tilespmem:s3+$0xD180];
	v61 =	vmul.f32 v53, v7  }
0x3ab: {  	v63 =	vmul.f32 v2, v12;
	v51 =	vadd.f32 v60, v51;
	v60 =	vmul.f32 v48, v13  }
0x3ac: {  	v56 =	vld [tilespmem:s3+$0xD380];
	v62 =	vmul.f32 v54, v8  }
0x3ad: {  	v58 =	vmul.f32 v49, v14;
	v51 =	vadd.f32 v61, v51;
	v57 =	vadd.f32 v60, v63  }
0x3ae: {  	v52 =	vmul.f32 v2, v21;
	v59 =	vld [tilespmem:s3+$0xE980];
	v60 =	vmul.f32 v48, v22  }
0x3af: {  	v61 =	vmul.f32 v55, v9;
	v51 =	vadd.f32 v62, v51;
	v57 =	vadd.f32 v58, v57  }
0x3b0: {  	v58 =	vmul.f32 v50, v15;
	v52 =	vadd.f32 v60, v52;
	v60 =	vmul.f32 v49, v23  }
0x3b1: {  	v51 =	vadd.f32 v61, v51;
	v61 =	vmul.f32 v56, v10  }
0x3b2: {  	v57 =	vadd.f32 v58, v57;
	v58 =	vmul.f32 v53, v16;
	v52 =	vadd.f32 v60, v52  }
0x3b3: {  	v60 =	vmul.f32 v50, v24;
	v51 =	vadd.f32 v61, v51;
	v61 =	vmul.f32 v59, v11  }
0x3b4: {  	v57 =	vadd.f32 v58, v57;
	v58 =	vmul.f32 v54, v17  }
0x3b5: {  	v52 =	vadd.f32 v60, v52;
	v60 =	vmul.f32 v53, v25;
	v51 =	vadd.f32 v61, v51  }
0x3b6: {  	v57 =	vadd.f32 v58, v57;
	v58 =	vmul.f32 v2, v30;
	v61 =	vmul.f32 v48, v31  }
0x3b7: {  	v52 =	vadd.f32 v60, v52;
	v2 =	vmul.f32 v2, v39;
	v48 =	vmul.f32 v48, v40  }
0x3b8: {  	v60 =	vmul.f32 v55, v18;
	v58 =	vadd.f32 v61, v58;
	v61 =	vmul.f32 v49, v32  }
0x3b9: {  	v2 =	vadd.f32 v48, v2;
	v48 =	vmul.f32 v54, v26;
	v49 =	vmul.f32 v49, v41  }
0x3ba: {  	v57 =	vadd.f32 v60, v57;
	v60 =	vmul.f32 v50, v33;
	v58 =	vadd.f32 v61, v58  }
0x3bb: {  	v63 =	vmul.f32 v56, v19;
	v62 =	vmul.f32 v50, v42;
	v2 =	vadd.f32 v49, v2  }
0x3bc: {  	v48 =	vadd.f32 v48, v52;
	v61 =	vmul.f32 v53, v34;
	v60 =	vadd.f32 v60, v58  }
0x3bd: {  	v53 =	vmul.f32 v53, v43;
	v50 =	vadd.f32 v63, v57;
	v2 =	vadd.f32 v62, v2  }
0x3be: {  	v63 =	vmul.f32 v54, v35;
	v62 =	vmul.f32 v55, v27;
	v52 =	vadd.f32 v61, v60  }
0x3bf: {  	v57 =	vmul.f32 v59, v29;
	v58 =	vmul.f32 v54, v44;
	v2 =	vadd.f32 v53, v2  }
0x3c0: {  	v48 =	vadd.f32 v62, v48;
	v61 =	vmul.f32 v55, v36;
	v52 =	vadd.f32 v63, v52  }
0x3c1: {  	v60 =	vmul.f32 v56, v28;
	v55 =	vmul.f32 v55, v45;
	v2 =	vadd.f32 v58, v2  }
0x3c2: {  	v62 =	vmul.f32 v59, v20;
	v63 =	vmul.f32 v56, v37;
	v52 =	vadd.f32 v61, v52  }
0x3c3: {  	v48 =	vadd.f32 v60, v48;
	v58 =	vmul.f32 v56, v46;
	v2 =	vadd.f32 v55, v2  }
0x3c4: {  	p0 =	sne.s32 s2, $0x2F;
	v49 =	vadd.f32 v62, v50;
	v61 =	vmul.f32 v59, v38;
	v60 =	vadd.f32 v63, v52  }
.Ltmp4:
0x3c5: {  	[tilespmem:s7+$0x180] =	vst v51;
	v62 =	vmul.f32 v59, v47;
	v48 =	vadd.f32 v57, v48;
	v2 =	vadd.f32 v58, v2;
	(pc) =	sbr.rel @p0 .LBB2_10-.Ltmp4, $4  }
0x3c6: {  	[tilespmem:s15+$0x10D80] =	vst v49;
	v63 =	vadd.f32 v61, v60  }
0x3c7: {  	[tilespmem:s15+$0x11980] =	vst v48;
	v2 =	vadd.f32 v62, v2  }
0x3c8: {  	[tilespmem:s15+$0x12580] =	vst v63  }
0x3c9: {  	s29 =	sadd.s32 $0x40, s29;
	s28 =	sadd.s32 $0x10, s28;
	s2 =	sadd.s32 $0x1, s2;
	[tilespmem:s15+$0x13180] =	vst v2  }
0x3ca: {  	s2 =	rddreg [dreg:$0x7]  }
0x3cb: {  	[hbm4b:s2+s24] =	stream.strided.scatter [tilespmem:s26], [sflag:$0x3], $0x3C00, s25, s24, $0x38;
	[tilespmem:$0x15400] =	vst v63  }
0x3cc: {  	_ =	swait.ge [sflag:s14], $0x3C00  }
0x3cd: {  	s3 =	rddreg [dreg:$0x9]  }
0x3ce: {  	s31 =	rddreg [dreg:$0x8];
	s3 =	sadd.s32 $0x1, s3  }
0x3cf: {  	p0 =	sne.s32 s3, s31  }
.Ltmp5:
0x3d0: {  	_ = 	snop;
	(pc) =	sbr.rel @p0 .LBB2_1-.Ltmp5, $3  }
0x3d1: {  	_ =	sdelay $0x1  }
0x3d2: {  	[sflag:s14] =	ssyncset.done $0x0  }
0x3d3: {  	[sflag:s14] =	ssyncadd.s32 $0xFFFFC400  }
0x3d4: {  	_ =	sfence.sel $0x180000  }
0x3d5: {  	[bflag:$0x0] =	sbarrier.arrive $0xFFFF  }
0x3d6: {  	_ =	strace $0x90000047  }
0x3d7: {  	s0 =	stileid.u32;
	[bflag:$0x2] =	sbarrier.arrive $0xFFFF  }
0x3d8: {  	p0 =	sne.s32 s0, $0x0;
	s0 =	rddreg [dreg:$0x4]  }
0x3d9: {  	s0 =	sadd.s32 @!p0 $0x100000, s0  }
0x3da: {  	[sflag:s0] =	ssyncadd.tile.s32 @!p0 $0x1;
	_ =	shalt  }
.Lfunc_end2:
_tile_overlayer_lowered:
.L_overlay_start_2:
0x3db: {  	(tag) =	ssettag $0x2  }
0x3dc: {  	s0 =	rddreg [dreg:$0x0];
	s2 =	stileid.u32  }
0x3dd: {  	s1 =	rddreg [dreg:$0x1];
	p0 =	sne.s32 s2, $0x0  }
0x3de: {  	s3 =	rddreg [dreg:$0x2];
	[bflag:$0x3] =	sbarrier.arrive $0xFFFF;
	s2 =	simm.s32 @!p0 $0x1C03  }
0x3df: {  	[timem:s3], [sflag:s2] =	dma.local @!p0 [hbm:s0], s1  }
0x3e0: {  	s0 =	simm.s32 @!p0 $0x3  }
0x3e1: {  	_ =	swait.ge @!p0 [sflag:s0], s1  }
0x3e2: {  	s1 =	ssub.s32 @!p0 $0x0, s1;
	[sflag:s0] =	ssyncset.done @!p0 $0x0  }
0x3e3: {  	[sflag:s0] =	ssyncadd.s32 @!p0 s1  }
0x3e4: {  	[bflag:$0x3] =	sbarrier.arrive $0xFFFF  }
0x3e5: {  	_ =	shalt  }

</sc_bundles>
